<compile_context>
chip_gen: v7x
topology: tpu7x:2x2x1
jax: 0.10.2.dev20260603
libtpu: 0.0.44.dev20260713+nightly
codegen_flags: <defaults>
</compile_context>

<pallas_src>
import functools
import jax
import jax.numpy as jnp
from jax import lax
from jax.experimental import pallas as pl
from jax.experimental.pallas import tpu as pltpu
from jax.experimental.pallas import tpu_sc as plsc

OUT = 7
N_ROIS = 512
C = 256
_OFFS = (0, 32768, 40960, 43008)
_T1 = float((56.0 * (2.0 ** 1 - 1e-6)) ** 2)
_T2 = float((56.0 * (2.0 ** 2 - 1e-6)) ** 2)
_T3 = float((56.0 * (2.0 ** 3 - 1e-6)) ** 2)

_NC = 2
_NS = 16
_R_PER_TILE = N_ROIS // (_NC * _NS)


def _bcast(v, j):
    return v.at[jnp.full((16,), j, jnp.int32)].get(mode="promise_in_bounds")


def _prologue(roisv, XI, WX, YB, HY):
    b = roisv[0, :]
    x1 = roisv[1, :]
    y1 = roisv[2, :]
    x2 = roisv[3, :]
    y2 = roisv[4, :]
    A = (x2 - x1 + 1.0) * (y2 - y1 + 1.0)
    one = jnp.int32(1)
    zero = jnp.int32(0)
    lvl = (jnp.where(A >= _T1, one, zero) + jnp.where(A >= _T2, one, zero)
           + jnp.where(A >= _T3, one, zero))
    Wl_i = lax.shift_right_logical(jnp.full((16,), 128, jnp.int32), lvl)
    scale = 0.25 / lax.shift_left(jnp.full((16,), 1, jnp.int32),
                                  lvl).astype(jnp.float32)
    off = (jnp.where(lvl >= 1, jnp.int32(_OFFS[1]), 0)
           + jnp.where(lvl >= 2, jnp.int32(_OFFS[2] - _OFFS[1]), 0)
           + jnp.where(lvl >= 3, jnp.int32(_OFFS[3] - _OFFS[2]), 0))
    base = off + b.astype(jnp.int32) * Wl_i * Wl_i
    x1s = x1 * scale
    y1s = y1 * scale
    bw2 = jnp.maximum(x2 * scale - x1s, 1.0) * (1.0 / 14.0)
    bh2 = jnp.maximum(y2 * scale - y1s, 1.0) * (1.0 / 14.0)
    lane = lax.iota(jnp.int32, 16).astype(jnp.float32) + 0.5

    def pro_body(r, _):
        Wr_i = _bcast(Wl_i, r)
        Wr_f = Wr_i.astype(jnp.float32)
        sx = _bcast(x1s, r) + lane * _bcast(bw2, r)
        sy = _bcast(y1s, r) + lane * _bcast(bh2, r)
        x = jnp.clip(sx, 0.0, Wr_f - 1.0)
        y = jnp.clip(sy, 0.0, Wr_f - 1.0)
        x0 = x.astype(jnp.int32)
        lx = x - x0.astype(jnp.float32)
        x1c = jnp.minimum(x0 + 1, Wr_i - 1)
        y0 = y.astype(jnp.int32)
        ly = y - y0.astype(jnp.float32)
        y1c = jnp.minimum(y0 + 1, Wr_i - 1)
        XI[r, 0, :] = x0
        XI[r, 1, :] = x1c - x0
        WX[r, 0, :] = (1.0 - lx) * 0.25
        WX[r, 1, :] = lx * 0.25
        YB[r, 0, :] = _bcast(base, r) + y0 * Wr_i
        YB[r, 1, :] = (y1c - y0) * Wr_i
        HY[r, 0, :] = 1.0 - ly
        HY[r, 1, :] = ly
        return 0

    lax.fori_loop(0, _R_PER_TILE, pro_body, 0)


def _issue(table, XI, WX, YB, HY, idx_ref, w_ref, g_ref, sem, s):
    r = s // 14
    i = s - 14 * r
    yb0 = _bcast(YB[r, 0, :], i)
    yb1 = yb0 + _bcast(YB[r, 1, :], i)
    hy_i = _bcast(HY[r, 0, :], i)
    ly_i = _bcast(HY[r, 1, :], i)
    x0v = XI[r, 0, :]
    dxv = XI[r, 1, :]
    lane = lax.iota(jnp.int32, 16)
    valid = lane < 14
    plsc.store_scatter(idx_ref, [lane], x0v + yb0, mask=valid)
    plsc.store_scatter(idx_ref, [lane + 14], x0v + yb0 + dxv, mask=valid)
    plsc.store_scatter(idx_ref, [lane + 28], x0v + yb1, mask=valid)
    plsc.store_scatter(idx_ref, [lane + 42], x0v + yb1 + dxv, mask=valid)
    hxv = WX[r, 0, :]
    lxv = WX[r, 1, :]
    w_ref[0, :] = hxv * hy_i
    w_ref[1, :] = lxv * hy_i
    w_ref[2, :] = hxv * ly_i
    w_ref[3, :] = lxv * ly_i
    pltpu.async_copy(table.at[idx_ref], g_ref, sem)


def _accum(table, out, acc, idx_ref, w_ref, g, sem, s, out_base):
    pltpu.make_async_copy(table.at[idx_ref], g, sem).wait()
    r = s // 14
    i = s - 14 * r
    oy = i // 2
    even = (i - 2 * oy) == 0
    row0 = oy * 7

    def ox_body(ox, _):
        j0 = 2 * ox
        j1 = j0 + 1
        wa = w_ref[0, :]
        wb = w_ref[1, :]
        wc = w_ref[2, :]
        wd = w_ref[3, :]
        w00a = _bcast(wa, j0)
        w01a = _bcast(wb, j0)
        w10a = _bcast(wc, j0)
        w11a = _bcast(wd, j0)
        w00b = _bcast(wa, j1)
        w01b = _bcast(wb, j1)
        w10b = _bcast(wc, j1)
        w11b = _bcast(wd, j1)

        rows_ws = ((j0, w00a), (14 + j0, w01a), (28 + j0, w10a),
                   (42 + j0, w11a), (j1, w00b), (14 + j1, w01b),
                   (28 + j1, w10b), (42 + j1, w11b))

        def contrib(t):
            va = None
            vb = None
            for row, w in rows_ws:
                xa, xb = plsc.unpack(
                    plsc.bitcast(g[row, pl.ds(t * 16, 16)], jnp.bfloat16),
                    format=plsc.PackFormat.INTERLEAVED)
                va = xa * w if va is None else va + xa * w
                vb = xb * w if vb is None else vb + xb * w
            return va, vb

        @pl.when(even)
        def _():
            for t in range(8):
                va, vb = contrib(t)
                acc[row0 + ox, pl.ds(t * 32, 16)] = va
                acc[row0 + ox, pl.ds(t * 32 + 16, 16)] = vb

        @pl.when(jnp.logical_not(even))
        def _():
            for t in range(8):
                va, vb = contrib(t)
                sla = pl.ds(t * 32, 16)
                slb = pl.ds(t * 32 + 16, 16)
                acc[row0 + ox, sla] = acc[row0 + ox, sla] + va
                acc[row0 + ox, slb] = acc[row0 + ox, slb] + vb
        return 0

    lax.fori_loop(0, 7, ox_body, 0)

    @pl.when(i == 13)
    def _():
        pltpu.sync_copy(acc, out.at[out_base + r])


def _sc_body(table, roisT, out, roisv, XI, WX, YB, HY,
             idx0, idx1, w0, w1, g0, g1, acc, sem0, sem1):
    wid = lax.axis_index("s") * _NC + lax.axis_index("c")
    out_base = wid * _R_PER_TILE
    pltpu.sync_copy(roisT.at[wid], roisv)
    _prologue(roisv, XI, WX, YB, HY)

    n_steps = _R_PER_TILE * 14
    _issue(table, XI, WX, YB, HY, idx0, w0, g0, sem0, 0)

    def d_body(d, _):
        s0 = 2 * d
        s1 = s0 + 1
        _issue(table, XI, WX, YB, HY, idx1, w1, g1, sem1, s1)
        _accum(table, out, acc, idx0, w0, g0, sem0, s0, out_base)

        @pl.when(s0 + 2 < n_steps)
        def _():
            _issue(table, XI, WX, YB, HY, idx0, w0, g0, sem0, s0 + 2)

        _accum(table, out, acc, idx1, w1, g1, sem1, s1, out_base)
        return 0

    lax.fori_loop(0, n_steps // 2, d_body, 0)


@jax.jit
def kernel(feats_0, feats_1, feats_2, feats_3, rois):
    table = jnp.concatenate(
        [jnp.transpose(f, (0, 2, 3, 1)).reshape(-1, C)
         for f in (feats_0, feats_1, feats_2, feats_3)], axis=0)
    table = (table.reshape(-1, 8, 2, 16).swapaxes(2, 3).reshape(-1, C)
             .astype(jnp.bfloat16))
    table = lax.bitcast_convert_type(table.reshape(-1, C // 2, 2), jnp.int32)
    roisT = jnp.transpose(rois, (1, 0)).reshape(5, 32, 16).transpose(1, 0, 2)

    run = functools.partial(
        pl.kernel,
        out_type=jax.ShapeDtypeStruct((N_ROIS, OUT * OUT, C), jnp.float32),
        mesh=plsc.VectorSubcoreMesh(core_axis_name="c", subcore_axis_name="s"),
        compiler_params=pltpu.CompilerParams(needs_layout_passes=False),
        scratch_types=[
            pltpu.VMEM((5, _R_PER_TILE), jnp.float32),
            pltpu.VMEM((_R_PER_TILE, 2, 16), jnp.int32),
            pltpu.VMEM((_R_PER_TILE, 2, 16), jnp.float32),
            pltpu.VMEM((_R_PER_TILE, 2, 16), jnp.int32),
            pltpu.VMEM((_R_PER_TILE, 2, 16), jnp.float32),
            pltpu.VMEM((56,), jnp.int32),
            pltpu.VMEM((56,), jnp.int32),
            pltpu.VMEM((4, 16), jnp.float32),
            pltpu.VMEM((4, 16), jnp.float32),
            pltpu.VMEM((56, C // 2), jnp.int32),
            pltpu.VMEM((56, C // 2), jnp.int32),
            pltpu.VMEM((OUT * OUT, C), jnp.float32),
            pltpu.SemaphoreType.DMA,
            pltpu.SemaphoreType.DMA,
        ],
    )(_sc_body)
    out3 = run(table, roisT)
    return out3.transpose(0, 2, 1).reshape(N_ROIS, C, OUT, OUT)

# --- scband reference (transcript-rebuilt; emitter-appended) ---
"""Pipeline reference for scband-single-ro-iextractor-11029476016431 (READ-ONLY COPY).

The authoritative reference and input builder live on the scoring server;
editing this copy changes nothing except your own understanding.
"""

import jax, jax.numpy as jnp
import numpy as np

OUT_SIZE = 7
SAMPLE_NUM = 2
FEATMAP_STRIDES = [4, 8, 16, 32]
FINEST_SCALE = 56
NUM_ROIS = 512
IMG = 512


def setup_inputs(seed: int = 0) -> dict:
    key = jax.random.key(seed)
    kf0, kf1, kf2, kf3, kb, kx, ky, kw, kh = jax.random.split(key, 9)
    feats_0 = jax.random.normal(kf0, (2, 256, 128, 128), dtype=jnp.float32)
    feats_1 = jax.random.normal(kf1, (2, 256, 64, 64), dtype=jnp.float32)
    feats_2 = jax.random.normal(kf2, (2, 256, 32, 32), dtype=jnp.float32)
    feats_3 = jax.random.normal(kf3, (2, 256, 16, 16), dtype=jnp.float32)
    b = jax.random.randint(kb, (NUM_ROIS,), 0, 2).astype(jnp.float32)
    cx = jax.random.uniform(kx, (NUM_ROIS,)) * IMG
    cy = jax.random.uniform(ky, (NUM_ROIS,)) * IMG
    w = 2.0 ** jax.random.uniform(kw, (NUM_ROIS,), minval=4.0, maxval=9.0)
    h = 2.0 ** jax.random.uniform(kh, (NUM_ROIS,), minval=4.0, maxval=9.0)
    x1 = jnp.clip(cx - w * 0.5, 0.0, IMG - 1.0)
    x2 = jnp.clip(cx + w * 0.5, 0.0, IMG - 1.0)
    y1 = jnp.clip(cy - h * 0.5, 0.0, IMG - 1.0)
    y2 = jnp.clip(cy + h * 0.5, 0.0, IMG - 1.0)
    rois = jnp.stack([b, x1, y1, x2, y2], axis=-1)
    return {"feats_0": feats_0, "feats_1": feats_1, "feats_2": feats_2,
            "feats_3": feats_3, "rois": rois}


def _bilinear_sample(feat, ys, xs):
    # feat: [C, H, W]; ys, xs: [P] -> [C, P]
    C, H, W = feat.shape
    y = jnp.clip(ys, 0.0, H - 1.0)
    x = jnp.clip(xs, 0.0, W - 1.0)
    y0 = jnp.floor(y).astype(jnp.int32)
    x0 = jnp.floor(x).astype(jnp.int32)
    y1 = jnp.minimum(y0 + 1, H - 1)
    x1 = jnp.minimum(x0 + 1, W - 1)
    ly = y - y0.astype(feat.dtype)
    lx = x - x0.astype(feat.dtype)
    hy = 1.0 - ly
    hx = 1.0 - lx
    v00 = feat[:, y0, x0]
    v01 = feat[:, y0, x1]
    v10 = feat[:, y1, x0]
    v11 = feat[:, y1, x1]
    return v00 * (hy * hx) + v01 * (hy * lx) + v10 * (ly * hx) + v11 * (ly * lx)


def _roi_align_one(feat_all, roi, spatial_scale):
    # feat_all: [B, C, H, W]; roi: [5] -> [C, OUT_SIZE, OUT_SIZE]
    b = roi[0].astype(jnp.int32)
    feat = feat_all[b]
    x1 = roi[1] * spatial_scale
    y1 = roi[2] * spatial_scale
    x2 = roi[3] * spatial_scale
    y2 = roi[4] * spatial_scale
    roi_w = jnp.maximum(x2 - x1, 1.0)
    roi_h = jnp.maximum(y2 - y1, 1.0)
    bin_w = roi_w / OUT_SIZE
    bin_h = roi_h / OUT_SIZE
    idx = jnp.arange(OUT_SIZE * SAMPLE_NUM, dtype=jnp.float32)
    sy = y1 + (idx + 0.5) * bin_h / SAMPLE_NUM
    sx = x1 + (idx + 0.5) * bin_w / SAMPLE_NUM
    yy, xx = jnp.meshgrid(sy, sx, indexing='ij')
    vals = _bilinear_sample(feat, yy.reshape(-1), xx.reshape(-1))
    C = feat.shape[0]
    vals = vals.reshape(C, OUT_SIZE, SAMPLE_NUM, OUT_SIZE, SAMPLE_NUM)
    return vals.mean(axis=(2, 4))


def _map_roi_levels(rois, num_levels):
    scale = jnp.sqrt((rois[:, 3] - rois[:, 1] + 1.0) * (rois[:, 4] - rois[:, 2] + 1.0))
    target = jnp.floor(jnp.log2(scale / FINEST_SCALE + 1e-6))
    return jnp.clip(target, 0, num_levels - 1).astype(jnp.int32)


def _forward(feats, rois):
    num_levels = len(feats)
    target_lvls = _map_roi_levels(rois, num_levels)
    N = rois.shape[0]
    C = feats[0].shape[1]
    roi_feats = jnp.zeros((N, C, OUT_SIZE, OUT_SIZE), dtype=feats[0].dtype)
    for i, s in enumerate(FEATMAP_STRIDES):
        align_fn = jax.vmap(lambda roi, f=feats[i], sc=1.0 / s: _roi_align_one(f, roi, sc))
        lvl_feats = align_fn(rois)
        mask = (target_lvls == i)[:, None, None, None]
        roi_feats = roi_feats + jnp.where(mask, lvl_feats, 0.0)
    return roi_feats


def reference(feats_0, feats_1, feats_2, feats_3, rois):
    return _forward([feats_0, feats_1, feats_2, feats_3], rois)

if __name__ == "__main__":
    import jax
    _d = setup_inputs()
    print(jax.jit(kernel)(*tuple(_d.values())))

</pallas_src>

<mosaic_0001>
#map = affine_map<(d0, d1) -> (0, 0)>
#map1 = affine_map<(d0, d1) -> (0, 0, 0)>
module attributes {stable_mosaic.version = 14 : i64} {
  func.func @_sc_body(%arg0: i32, %arg1: i32, %arg2: memref<43520x128xi32, #tpu.memory_space<hbm>>, %arg3: memref<32x5x16xf32, #tpu.memory_space<hbm>>, %arg4: memref<512x49x256xf32, #tpu.memory_space<hbm>>, %arg5: memref<5x16xf32, #tpu.memory_space<vmem>>, %arg6: memref<16x2x16xi32, #tpu.memory_space<vmem>>, %arg7: memref<16x2x16xf32, #tpu.memory_space<vmem>>, %arg8: memref<16x2x16xi32, #tpu.memory_space<vmem>>, %arg9: memref<16x2x16xf32, #tpu.memory_space<vmem>>, %arg10: memref<56xi32, #tpu.memory_space<vmem>>, %arg11: memref<56xi32, #tpu.memory_space<vmem>>, %arg12: memref<4x16xf32, #tpu.memory_space<vmem>>, %arg13: memref<4x16xf32, #tpu.memory_space<vmem>>, %arg14: memref<56x128xi32, #tpu.memory_space<vmem>>, %arg15: memref<56x128xi32, #tpu.memory_space<vmem>>, %arg16: memref<49x256xf32, #tpu.memory_space<vmem>>, %arg17: memref<!tpu.dma_semaphore, #tpu.memory_space<semaphore_mem>>, %arg18: memref<!tpu.dma_semaphore, #tpu.memory_space<semaphore_mem>>) attributes {dimension_semantics = [#tpu.dimension_semantics<core_parallel>, #tpu.dimension_semantics<subcore_parallel>], iteration_bounds = array<i64: 2, 16>, scalar_prefetch = 0 : i64, scratch_operands = 14 : i64, tpu.core_type = #tpu.core_type<sc_vector_subcore>, window_params = [{transform_indices = #map}, {transform_indices = #map1}, {transform_indices = #map1}]} {
    %mul3A = arith.constant 2 : i32
    %mul3A_0 = arith.muli %arg1, %mul3A : i32
    %add3A = arith.addi %mul3A_0, %arg0 : i32
    %mul3A_1 = arith.constant 16 : i32
    %mul3A_2 = arith.muli %add3A, %mul3A_1 : i32
    "tpu.region"() ({
      %run_scoped3A = tpu.sem_alloc : memref<!tpu.dma_semaphore, #tpu.memory_space<semaphore_mem>>
      %dma_start3A_257 = arith.constant 0 : i32
      %dma_start3A_258 = arith.constant 0 : i32
      %dma_start3A_259 = tpu.memref_slice %arg3[%add3A, %dma_start3A_257, %dma_start3A_258] : memref<32x5x16xf32, #tpu.memory_space<hbm>> -> memref<1x5x16xf32, #tpu.memory_space<hbm>>
      %dma_start3A_260 = tpu.memref_squeeze %dma_start3A_259 : memref<1x5x16xf32, #tpu.memory_space<hbm>> -> memref<5x16xf32, #tpu.memory_space<hbm>>
      %dma_start3A_261 = arith.constant 0 : i32
      %dma_start3A_262 = arith.constant 0 : i32
      %dma_start3A_263 = tpu.memref_slice %arg3[%add3A, %dma_start3A_261, %dma_start3A_262] : memref<32x5x16xf32, #tpu.memory_space<hbm>> -> memref<1x5x16xf32, #tpu.memory_space<hbm>>
      %dma_start3A_264 = tpu.memref_squeeze %dma_start3A_263 : memref<1x5x16xf32, #tpu.memory_space<hbm>> -> memref<5x16xf32, #tpu.memory_space<hbm>>
      tpu.enqueue_dma source(%dma_start3A_264 : memref<5x16xf32, #tpu.memory_space<hbm>>) target(%arg5 : memref<5x16xf32, #tpu.memory_space<vmem>>) target_semaphore(%run_scoped3A : memref<!tpu.dma_semaphore, #tpu.memory_space<semaphore_mem>>)
      %dma_wait3A = arith.constant 0 : i32
      %dma_wait3A_265 = arith.constant 0 : i32
      %dma_wait3A_266 = tpu.memref_slice %arg3[%add3A, %dma_wait3A, %dma_wait3A_265] : memref<32x5x16xf32, #tpu.memory_space<hbm>> -> memref<1x5x16xf32, #tpu.memory_space<hbm>>
      %dma_wait3A_267 = tpu.memref_squeeze %dma_wait3A_266 : memref<1x5x16xf32, #tpu.memory_space<hbm>> -> memref<5x16xf32, #tpu.memory_space<hbm>>
      %dma_wait3A_268 = arith.constant 0 : i32
      %dma_wait3A_269 = arith.constant 0 : i32
      %dma_wait3A_270 = tpu.memref_slice %arg3[%add3A, %dma_wait3A_268, %dma_wait3A_269] : memref<32x5x16xf32, #tpu.memory_space<hbm>> -> memref<1x5x16xf32, #tpu.memory_space<hbm>>
      %dma_wait3A_271 = tpu.memref_squeeze %dma_wait3A_270 : memref<1x5x16xf32, #tpu.memory_space<hbm>> -> memref<5x16xf32, #tpu.memory_space<hbm>>
      tpu.wait_dma2 semaphore(%run_scoped3A : memref<!tpu.dma_semaphore, #tpu.memory_space<semaphore_mem>>) src(%dma_wait3A_271 : memref<5x16xf32, #tpu.memory_space<hbm>>) dst(%arg5 : memref<5x16xf32, #tpu.memory_space<vmem>>)
      tpu.yield
    }) : () -> ()
    %get3A = arith.constant 0 : i32
    %get3A_3 = arith.index_cast %get3A : i32 to index
    %get3A_4 = arith.constant 0 : index
    %get3A_5 = tpu.vector_load %arg5[%get3A_3, %get3A_4] {strides = array<i32>} : memref<5x16xf32, #tpu.memory_space<vmem>>, vector<16xf32>,
    %get3A_6 = arith.constant 1 : i32
    %get3A_7 = arith.index_cast %get3A_6 : i32 to index
    %get3A_8 = arith.constant 0 : index
    %get3A_9 = tpu.vector_load %arg5[%get3A_7, %get3A_8] {strides = array<i32>} : memref<5x16xf32, #tpu.memory_space<vmem>>, vector<16xf32>,
    %get3A_10 = arith.constant 2 : i32
    %get3A_11 = arith.index_cast %get3A_10 : i32 to index
    %get3A_12 = arith.constant 0 : index
    %get3A_13 = tpu.vector_load %arg5[%get3A_11, %get3A_12] {strides = array<i32>} : memref<5x16xf32, #tpu.memory_space<vmem>>, vector<16xf32>,
    %get3A_14 = arith.constant 3 : i32
    %get3A_15 = arith.index_cast %get3A_14 : i32 to index
    %get3A_16 = arith.constant 0 : index
    %get3A_17 = tpu.vector_load %arg5[%get3A_15, %get3A_16] {strides = array<i32>} : memref<5x16xf32, #tpu.memory_space<vmem>>, vector<16xf32>,
    %get3A_18 = arith.constant 4 : i32
    %get3A_19 = arith.index_cast %get3A_18 : i32 to index
    %get3A_20 = arith.constant 0 : index
    %get3A_21 = tpu.vector_load %arg5[%get3A_19, %get3A_20] {strides = array<i32>} : memref<5x16xf32, #tpu.memory_space<vmem>>, vector<16xf32>,
    %sub3A = arith.subf %get3A_17, %get3A_9 : vector<16xf32>
    %add3A_22 = arith.constant 1.000000e+00 : f32
    %add3A_23 = vector.broadcast %add3A_22 : f32 to vector<16xf32>
    %add3A_24 = arith.addf %sub3A, %add3A_23 : vector<16xf32>
    %sub3A_25 = arith.subf %get3A_21, %get3A_13 : vector<16xf32>
    %add3A_26 = arith.constant 1.000000e+00 : f32
    %add3A_27 = vector.broadcast %add3A_26 : f32 to vector<16xf32>
    %add3A_28 = arith.addf %sub3A_25, %add3A_27 : vector<16xf32>
    %mul3A_29 = arith.mulf %add3A_24, %add3A_28 : vector<16xf32>
    %ge3A = arith.constant 12543.9873 : f32
    %ge3A_30 = vector.broadcast %ge3A : f32 to vector<16xf32>
    %ge3A_31 = arith.cmpf oge, %mul3A_29, %ge3A_30 : vector<16xf32>
    %jit3A = arith.constant 1 : i32
    %jit3A_32 = arith.constant 0 : i32
    %broadcast_in_dim3A = vector.broadcast %jit3A : i32 to vector<16xi32>
    %broadcast_in_dim3A_33 = vector.broadcast %jit3A_32 : i32 to vector<16xi32>
    %select_n3A = arith.select %ge3A_31, %broadcast_in_dim3A, %broadcast_in_dim3A_33 : vector<16xi1>, vector<16xi32>
    %ge3A_34 = arith.constant 50175.9766 : f32
    %ge3A_35 = vector.broadcast %ge3A_34 : f32 to vector<16xf32>
    %ge3A_36 = arith.cmpf oge, %mul3A_29, %ge3A_35 : vector<16xf32>
    %jit3A_37 = arith.constant 1 : i32
    %jit3A_38 = arith.constant 0 : i32
    %broadcast_in_dim3A_39 = vector.broadcast %jit3A_37 : i32 to vector<16xi32>
    %broadcast_in_dim3A_40 = vector.broadcast %jit3A_38 : i32 to vector<16xi32>
    %select_n3A_41 = arith.select %ge3A_36, %broadcast_in_dim3A_39, %broadcast_in_dim3A_40 : vector<16xi1>, vector<16xi32>
    %add3A_42 = arith.addi %select_n3A, %select_n3A_41 : vector<16xi32>
    %ge3A_43 = arith.constant 200703.953 : f32
    %ge3A_44 = vector.broadcast %ge3A_43 : f32 to vector<16xf32>
    %ge3A_45 = arith.cmpf oge, %mul3A_29, %ge3A_44 : vector<16xf32>
    %jit3A_46 = arith.constant 1 : i32
    %jit3A_47 = arith.constant 0 : i32
    %broadcast_in_dim3A_48 = vector.broadcast %jit3A_46 : i32 to vector<16xi32>
    %broadcast_in_dim3A_49 = vector.broadcast %jit3A_47 : i32 to vector<16xi32>
    %select_n3A_50 = arith.select %ge3A_45, %broadcast_in_dim3A_48, %broadcast_in_dim3A_49 : vector<16xi1>, vector<16xi32>
    %add3A_51 = arith.addi %add3A_42, %select_n3A_50 : vector<16xi32>
    %broadcast_in_dim3A_52 = arith.constant 128 : i32
    %broadcast_in_dim3A_53 = vector.broadcast %broadcast_in_dim3A_52 : i32 to vector<16xi32>
    %shift_right_logical3A = arith.shrui %broadcast_in_dim3A_53, %add3A_51 : vector<16xi32>
    %broadcast_in_dim3A_54 = arith.constant 1 : i32
    %broadcast_in_dim3A_55 = vector.broadcast %broadcast_in_dim3A_54 : i32 to vector<16xi32>
    %shift_left3A = arith.shli %broadcast_in_dim3A_55, %add3A_51 : vector<16xi32>
    %convert_element_type3A = arith.sitofp %shift_left3A : vector<16xi32> to vector<16xf32>
    %div3A = arith.constant 2.500000e-01 : f32
    %div3A_56 = vector.broadcast %div3A : f32 to vector<16xf32>
    %div3A_57 = arith.divf %div3A_56, %convert_element_type3A : vector<16xf32>
    %ge3A_58 = arith.constant 1 : i32
    %ge3A_59 = vector.broadcast %ge3A_58 : i32 to vector<16xi32>
    %ge3A_60 = arith.cmpi sge, %add3A_51, %ge3A_59 : vector<16xi32>
    %jit3A_61 = arith.constant 32768 : i32
    %jit3A_62 = arith.constant 0 : i32
    %broadcast_in_dim3A_63 = vector.broadcast %jit3A_61 : i32 to vector<16xi32>
    %broadcast_in_dim3A_64 = vector.broadcast %jit3A_62 : i32 to vector<16xi32>
    %select_n3A_65 = arith.select %ge3A_60, %broadcast_in_dim3A_63, %broadcast_in_dim3A_64 : vector<16xi1>, vector<16xi32>
    %ge3A_66 = arith.constant 2 : i32
    %ge3A_67 = vector.broadcast %ge3A_66 : i32 to vector<16xi32>
    %ge3A_68 = arith.cmpi sge, %add3A_51, %ge3A_67 : vector<16xi32>
    %jit3A_69 = arith.constant 8192 : i32
    %jit3A_70 = arith.constant 0 : i32
    %broadcast_in_dim3A_71 = vector.broadcast %jit3A_69 : i32 to vector<16xi32>
    %broadcast_in_dim3A_72 = vector.broadcast %jit3A_70 : i32 to vector<16xi32>
    %select_n3A_73 = arith.select %ge3A_68, %broadcast_in_dim3A_71, %broadcast_in_dim3A_72 : vector<16xi1>, vector<16xi32>
    %add3A_74 = arith.addi %select_n3A_65, %select_n3A_73 : vector<16xi32>
    %ge3A_75 = arith.constant 3 : i32
    %ge3A_76 = vector.broadcast %ge3A_75 : i32 to vector<16xi32>
    %ge3A_77 = arith.cmpi sge, %add3A_51, %ge3A_76 : vector<16xi32>
    %jit3A_78 = arith.constant 2048 : i32
    %jit3A_79 = arith.constant 0 : i32
    %broadcast_in_dim3A_80 = vector.broadcast %jit3A_78 : i32 to vector<16xi32>
    %broadcast_in_dim3A_81 = vector.broadcast %jit3A_79 : i32 to vector<16xi32>
    %select_n3A_82 = arith.select %ge3A_77, %broadcast_in_dim3A_80, %broadcast_in_dim3A_81 : vector<16xi1>, vector<16xi32>
    %add3A_83 = arith.addi %add3A_74, %select_n3A_82 : vector<16xi32>
    %convert_element_type3A_84 = arith.fptosi %get3A_5 : vector<16xf32> to vector<16xi32>
    %mul3A_85 = arith.muli %convert_element_type3A_84, %shift_right_logical3A : vector<16xi32>
    %mul3A_86 = arith.muli %mul3A_85, %shift_right_logical3A : vector<16xi32>
    %add3A_87 = arith.addi %add3A_83, %mul3A_86 : vector<16xi32>
    %mul3A_88 = arith.mulf %get3A_9, %div3A_57 : vector<16xf32>
    %mul3A_89 = arith.mulf %get3A_13, %div3A_57 : vector<16xf32>
    %mul3A_90 = arith.mulf %get3A_17, %div3A_57 : vector<16xf32>
    %sub3A_91 = arith.subf %mul3A_90, %mul3A_88 : vector<16xf32>
    %max3A = arith.constant 1.000000e+00 : f32
    %max3A_92 = vector.broadcast %max3A : f32 to vector<16xf32>
    %max3A_93 = arith.maximumf %sub3A_91, %max3A_92 : vector<16xf32>
    %mul3A_94 = arith.constant 0.0714285746 : f32
    %mul3A_95 = vector.broadcast %mul3A_94 : f32 to vector<16xf32>
    %mul3A_96 = arith.mulf %max3A_93, %mul3A_95 : vector<16xf32>
    %mul3A_97 = arith.mulf %get3A_21, %div3A_57 : vector<16xf32>
    %sub3A_98 = arith.subf %mul3A_97, %mul3A_89 : vector<16xf32>
    %max3A_99 = arith.constant 1.000000e+00 : f32
    %max3A_100 = vector.broadcast %max3A_99 : f32 to vector<16xf32>
    %max3A_101 = arith.maximumf %sub3A_98, %max3A_100 : vector<16xf32>
    %mul3A_102 = arith.constant 0.0714285746 : f32
    %mul3A_103 = vector.broadcast %mul3A_102 : f32 to vector<16xf32>
    %mul3A_104 = arith.mulf %max3A_101, %mul3A_103 : vector<16xf32>
    %iota3A = tpu.iota {dimensions = array<i32: 0>} : vector<16xi32>
    %convert_element_type3A_105 = arith.sitofp %iota3A : vector<16xi32> to vector<16xf32>
    %add3A_106 = arith.constant 5.000000e-01 : f32
    %add3A_107 = vector.broadcast %add3A_106 : f32 to vector<16xf32>
    %add3A_108 = arith.addf %convert_element_type3A_105, %add3A_107 : vector<16xf32>
    %scan3A = arith.constant 0 : i32
    %scan3A_109 = arith.constant 0 : i32
    %scan3A_110 = arith.constant 16 : i32
    %scan3A_111 = arith.addi %scan3A_109, %scan3A_110 : i32
    %scan3A_112 = arith.constant 1 : i32
    %scan3A_113 = scf.for %scan3A_257 = %scan3A_109 to %scan3A_111 step %scan3A_112 iter_args(%scan3A_258 = %scan3A) -> (i32)  : i32 {
      %broadcast_in_dim3A_259 = vector.broadcast %scan3A_257 : i32 to vector<16xi32>
      %lt3A_260 = arith.constant 0 : i32
      %lt3A_261 = vector.broadcast %lt3A_260 : i32 to vector<16xi32>
      %lt3A_262 = arith.cmpi slt, %broadcast_in_dim3A_259, %lt3A_261 : vector<16xi32>
      %add3A_263 = arith.constant 16 : i32
      %add3A_264 = vector.broadcast %add3A_263 : i32 to vector<16xi32>
      %add3A_265 = arith.addi %broadcast_in_dim3A_259, %add3A_264 : vector<16xi32>
      %select_n3A_266 = arith.select %lt3A_262, %add3A_265, %broadcast_in_dim3A_259 : vector<16xi1>, vector<16xi32>
      %broadcast_in_dim3A_267 = vector.shape_cast %select_n3A_266 : vector<16xi32> to vector<16x1xi32>
      %gather3A_268 = vector.shape_cast %broadcast_in_dim3A_267 : vector<16x1xi32> to vector<16xi32>
      %gather3A_269 = tpu.dynamic_gather %shift_right_logical3A[%gather3A_268] in [0] : vector<16xi32>, vector<16xi32> -> vector<16xi32>
      %convert_element_type3A_270 = arith.sitofp %gather3A_269 : vector<16xi32> to vector<16xf32>
      %broadcast_in_dim3A_271 = vector.broadcast %scan3A_257 : i32 to vector<16xi32>
      %lt3A_272 = arith.constant 0 : i32
      %lt3A_273 = vector.broadcast %lt3A_272 : i32 to vector<16xi32>
      %lt3A_274 = arith.cmpi slt, %broadcast_in_dim3A_271, %lt3A_273 : vector<16xi32>
      %add3A_275 = arith.constant 16 : i32
      %add3A_276 = vector.broadcast %add3A_275 : i32 to vector<16xi32>
      %add3A_277 = arith.addi %broadcast_in_dim3A_271, %add3A_276 : vector<16xi32>
      %select_n3A_278 = arith.select %lt3A_274, %add3A_277, %broadcast_in_dim3A_271 : vector<16xi1>, vector<16xi32>
      %broadcast_in_dim3A_279 = vector.shape_cast %select_n3A_278 : vector<16xi32> to vector<16x1xi32>
      %gather3A_280 = vector.shape_cast %broadcast_in_dim3A_279 : vector<16x1xi32> to vector<16xi32>
      %gather3A_281 = tpu.dynamic_gather %mul3A_88[%gather3A_280] in [0] : vector<16xf32>, vector<16xi32> -> vector<16xf32>
      %broadcast_in_dim3A_282 = vector.broadcast %scan3A_257 : i32 to vector<16xi32>
      %lt3A_283 = arith.constant 0 : i32
      %lt3A_284 = vector.broadcast %lt3A_283 : i32 to vector<16xi32>
      %lt3A_285 = arith.cmpi slt, %broadcast_in_dim3A_282, %lt3A_284 : vector<16xi32>
      %add3A_286 = arith.constant 16 : i32
      %add3A_287 = vector.broadcast %add3A_286 : i32 to vector<16xi32>
      %add3A_288 = arith.addi %broadcast_in_dim3A_282, %add3A_287 : vector<16xi32>
      %select_n3A_289 = arith.select %lt3A_285, %add3A_288, %broadcast_in_dim3A_282 : vector<16xi1>, vector<16xi32>
      %broadcast_in_dim3A_290 = vector.shape_cast %select_n3A_289 : vector<16xi32> to vector<16x1xi32>
      %gather3A_291 = vector.shape_cast %broadcast_in_dim3A_290 : vector<16x1xi32> to vector<16xi32>
      %gather3A_292 = tpu.dynamic_gather %mul3A_96[%gather3A_291] in [0] : vector<16xf32>, vector<16xi32> -> vector<16xf32>
      %mul3A_293 = arith.mulf %add3A_108, %gather3A_292 : vector<16xf32>
      %add3A_294 = arith.addf %gather3A_281, %mul3A_293 : vector<16xf32>
      %broadcast_in_dim3A_295 = vector.broadcast %scan3A_257 : i32 to vector<16xi32>
      %lt3A_296 = arith.constant 0 : i32
      %lt3A_297 = vector.broadcast %lt3A_296 : i32 to vector<16xi32>
      %lt3A_298 = arith.cmpi slt, %broadcast_in_dim3A_295, %lt3A_297 : vector<16xi32>
      %add3A_299 = arith.constant 16 : i32
      %add3A_300 = vector.broadcast %add3A_299 : i32 to vector<16xi32>
      %add3A_301 = arith.addi %broadcast_in_dim3A_295, %add3A_300 : vector<16xi32>
      %select_n3A_302 = arith.select %lt3A_298, %add3A_301, %broadcast_in_dim3A_295 : vector<16xi1>, vector<16xi32>
      %broadcast_in_dim3A_303 = vector.shape_cast %select_n3A_302 : vector<16xi32> to vector<16x1xi32>
      %gather3A_304 = vector.shape_cast %broadcast_in_dim3A_303 : vector<16x1xi32> to vector<16xi32>
      %gather3A_305 = tpu.dynamic_gather %mul3A_89[%gather3A_304] in [0] : vector<16xf32>, vector<16xi32> -> vector<16xf32>
      %broadcast_in_dim3A_306 = vector.broadcast %scan3A_257 : i32 to vector<16xi32>
      %lt3A_307 = arith.constant 0 : i32
      %lt3A_308 = vector.broadcast %lt3A_307 : i32 to vector<16xi32>
      %lt3A_309 = arith.cmpi slt, %broadcast_in_dim3A_306, %lt3A_308 : vector<16xi32>
      %add3A_310 = arith.constant 16 : i32
      %add3A_311 = vector.broadcast %add3A_310 : i32 to vector<16xi32>
      %add3A_312 = arith.addi %broadcast_in_dim3A_306, %add3A_311 : vector<16xi32>
      %select_n3A_313 = arith.select %lt3A_309, %add3A_312, %broadcast_in_dim3A_306 : vector<16xi1>, vector<16xi32>
      %broadcast_in_dim3A_314 = vector.shape_cast %select_n3A_313 : vector<16xi32> to vector<16x1xi32>
      %gather3A_315 = vector.shape_cast %broadcast_in_dim3A_314 : vector<16x1xi32> to vector<16xi32>
      %gather3A_316 = tpu.dynamic_gather %mul3A_104[%gather3A_315] in [0] : vector<16xf32>, vector<16xi32> -> vector<16xf32>
      %mul3A_317 = arith.mulf %add3A_108, %gather3A_316 : vector<16xf32>
      %add3A_318 = arith.addf %gather3A_305, %mul3A_317 : vector<16xf32>
      %sub3A_319 = arith.constant 1.000000e+00 : f32
      %sub3A_320 = vector.broadcast %sub3A_319 : f32 to vector<16xf32>
      %sub3A_321 = arith.subf %convert_element_type3A_270, %sub3A_320 : vector<16xf32>
      %jit3A_322 = arith.constant 0.000000e+00 : f32
      %max3A_323 = vector.broadcast %jit3A_322 : f32 to vector<16xf32>
      %max3A_324 = arith.maximumf %max3A_323, %add3A_294 : vector<16xf32>
      %min3A = arith.minimumf %sub3A_321, %max3A_324 : vector<16xf32>
      %sub3A_325 = arith.constant 1.000000e+00 : f32
      %sub3A_326 = vector.broadcast %sub3A_325 : f32 to vector<16xf32>
      %sub3A_327 = arith.subf %convert_element_type3A_270, %sub3A_326 : vector<16xf32>
      %jit3A_328 = arith.constant 0.000000e+00 : f32
      %max3A_329 = vector.broadcast %jit3A_328 : f32 to vector<16xf32>
      %max3A_330 = arith.maximumf %max3A_329, %add3A_318 : vector<16xf32>
      %min3A_331 = arith.minimumf %sub3A_327, %max3A_330 : vector<16xf32>
      %convert_element_type3A_332 = arith.fptosi %min3A : vector<16xf32> to vector<16xi32>
      %convert_element_type3A_333 = arith.sitofp %convert_element_type3A_332 : vector<16xi32> to vector<16xf32>
      %sub3A_334 = arith.subf %min3A, %convert_element_type3A_333 : vector<16xf32>
      %add3A_335 = arith.constant 1 : i32
      %add3A_336 = vector.broadcast %add3A_335 : i32 to vector<16xi32>
      %add3A_337 = arith.addi %convert_element_type3A_332, %add3A_336 : vector<16xi32>
      %sub3A_338 = arith.constant 1 : i32
      %sub3A_339 = vector.broadcast %sub3A_338 : i32 to vector<16xi32>
      %sub3A_340 = arith.subi %gather3A_269, %sub3A_339 : vector<16xi32>
      %min3A_341 = arith.minsi %add3A_337, %sub3A_340 : vector<16xi32>
      %convert_element_type3A_342 = arith.fptosi %min3A_331 : vector<16xf32> to vector<16xi32>
      %convert_element_type3A_343 = arith.sitofp %convert_element_type3A_342 : vector<16xi32> to vector<16xf32>
      %sub3A_344 = arith.subf %min3A_331, %convert_element_type3A_343 : vector<16xf32>
      %add3A_345 = arith.constant 1 : i32
      %add3A_346 = vector.broadcast %add3A_345 : i32 to vector<16xi32>
      %add3A_347 = arith.addi %convert_element_type3A_342, %add3A_346 : vector<16xi32>
      %sub3A_348 = arith.constant 1 : i32
      %sub3A_349 = vector.broadcast %sub3A_348 : i32 to vector<16xi32>
      %sub3A_350 = arith.subi %gather3A_269, %sub3A_349 : vector<16xi32>
      %min3A_351 = arith.minsi %add3A_347, %sub3A_350 : vector<16xi32>
      %swap3A_352 = arith.constant 0 : i32
      %swap3A_353 = arith.index_cast %scan3A_257 : i32 to index
      %swap3A_354 = arith.index_cast %swap3A_352 : i32 to index
      %swap3A_355 = arith.constant 0 : index
      %swap3A_356 = tpu.vector_load %arg6[%swap3A_353, %swap3A_354, %swap3A_355] {strides = array<i32>} : memref<16x2x16xi32, #tpu.memory_space<vmem>>, vector<16xi32>,
      tpu.vector_store %arg6[%swap3A_353, %swap3A_354, %swap3A_355], %convert_element_type3A_332 {strides = array<i32>} : memref<16x2x16xi32, #tpu.memory_space<vmem>>, vector<16xi32>,
      %sub3A_357 = arith.subi %min3A_341, %convert_element_type3A_332 : vector<16xi32>
      %swap3A_358 = arith.constant 1 : i32
      %swap3A_359 = arith.index_cast %scan3A_257 : i32 to index
      %swap3A_360 = arith.index_cast %swap3A_358 : i32 to index
      %swap3A_361 = arith.constant 0 : index
      %swap3A_362 = tpu.vector_load %arg6[%swap3A_359, %swap3A_360, %swap3A_361] {strides = array<i32>} : memref<16x2x16xi32, #tpu.memory_space<vmem>>, vector<16xi32>,
      tpu.vector_store %arg6[%swap3A_359, %swap3A_360, %swap3A_361], %sub3A_357 {strides = array<i32>} : memref<16x2x16xi32, #tpu.memory_space<vmem>>, vector<16xi32>,
      %sub3A_363 = arith.constant 1.000000e+00 : f32
      %sub3A_364 = vector.broadcast %sub3A_363 : f32 to vector<16xf32>
      %sub3A_365 = arith.subf %sub3A_364, %sub3A_334 : vector<16xf32>
      %mul3A_366 = arith.constant 2.500000e-01 : f32
      %mul3A_367 = vector.broadcast %mul3A_366 : f32 to vector<16xf32>
      %mul3A_368 = arith.mulf %sub3A_365, %mul3A_367 : vector<16xf32>
      %swap3A_369 = arith.constant 0 : i32
      %swap3A_370 = arith.index_cast %scan3A_257 : i32 to index
      %swap3A_371 = arith.index_cast %swap3A_369 : i32 to index
      %swap3A_372 = arith.constant 0 : index
      %swap3A_373 = tpu.vector_load %arg7[%swap3A_370, %swap3A_371, %swap3A_372] {strides = array<i32>} : memref<16x2x16xf32, #tpu.memory_space<vmem>>, vector<16xf32>,
      tpu.vector_store %arg7[%swap3A_370, %swap3A_371, %swap3A_372], %mul3A_368 {strides = array<i32>} : memref<16x2x16xf32, #tpu.memory_space<vmem>>, vector<16xf32>,
      %mul3A_374 = arith.constant 2.500000e-01 : f32
      %mul3A_375 = vector.broadcast %mul3A_374 : f32 to vector<16xf32>
      %mul3A_376 = arith.mulf %sub3A_334, %mul3A_375 : vector<16xf32>
      %swap3A_377 = arith.constant 1 : i32
      %swap3A_378 = arith.index_cast %scan3A_257 : i32 to index
      %swap3A_379 = arith.index_cast %swap3A_377 : i32 to index
      %swap3A_380 = arith.constant 0 : index
      %swap3A_381 = tpu.vector_load %arg7[%swap3A_378, %swap3A_379, %swap3A_380] {strides = array<i32>} : memref<16x2x16xf32, #tpu.memory_space<vmem>>, vector<16xf32>,
      tpu.vector_store %arg7[%swap3A_378, %swap3A_379, %swap3A_380], %mul3A_376 {strides = array<i32>} : memref<16x2x16xf32, #tpu.memory_space<vmem>>, vector<16xf32>,
      %broadcast_in_dim3A_382 = vector.broadcast %scan3A_257 : i32 to vector<16xi32>
      %lt3A_383 = arith.constant 0 : i32
      %lt3A_384 = vector.broadcast %lt3A_383 : i32 to vector<16xi32>
      %lt3A_385 = arith.cmpi slt, %broadcast_in_dim3A_382, %lt3A_384 : vector<16xi32>
      %add3A_386 = arith.constant 16 : i32
      %add3A_387 = vector.broadcast %add3A_386 : i32 to vector<16xi32>
      %add3A_388 = arith.addi %broadcast_in_dim3A_382, %add3A_387 : vector<16xi32>
      %select_n3A_389 = arith.select %lt3A_385, %add3A_388, %broadcast_in_dim3A_382 : vector<16xi1>, vector<16xi32>
      %broadcast_in_dim3A_390 = vector.shape_cast %select_n3A_389 : vector<16xi32> to vector<16x1xi32>
      %gather3A_391 = vector.shape_cast %broadcast_in_dim3A_390 : vector<16x1xi32> to vector<16xi32>
      %gather3A_392 = tpu.dynamic_gather %add3A_87[%gather3A_391] in [0] : vector<16xi32>, vector<16xi32> -> vector<16xi32>
      %mul3A_393 = arith.muli %convert_element_type3A_342, %gather3A_269 : vector<16xi32>
      %add3A_394 = arith.addi %gather3A_392, %mul3A_393 : vector<16xi32>
      %swap3A_395 = arith.constant 0 : i32
      %swap3A_396 = arith.index_cast %scan3A_257 : i32 to index
      %swap3A_397 = arith.index_cast %swap3A_395 : i32 to index
      %swap3A_398 = arith.constant 0 : index
      %swap3A_399 = tpu.vector_load %arg8[%swap3A_396, %swap3A_397, %swap3A_398] {strides = array<i32>} : memref<16x2x16xi32, #tpu.memory_space<vmem>>, vector<16xi32>,
      tpu.vector_store %arg8[%swap3A_396, %swap3A_397, %swap3A_398], %add3A_394 {strides = array<i32>} : memref<16x2x16xi32, #tpu.memory_space<vmem>>, vector<16xi32>,
      %sub3A_400 = arith.subi %min3A_351, %convert_element_type3A_342 : vector<16xi32>
      %mul3A_401 = arith.muli %sub3A_400, %gather3A_269 : vector<16xi32>
      %swap3A_402 = arith.constant 1 : i32
      %swap3A_403 = arith.index_cast %scan3A_257 : i32 to index
      %swap3A_404 = arith.index_cast %swap3A_402 : i32 to index
      %swap3A_405 = arith.constant 0 : index
      %swap3A_406 = tpu.vector_load %arg8[%swap3A_403, %swap3A_404, %swap3A_405] {strides = array<i32>} : memref<16x2x16xi32, #tpu.memory_space<vmem>>, vector<16xi32>,
      tpu.vector_store %arg8[%swap3A_403, %swap3A_404, %swap3A_405], %mul3A_401 {strides = array<i32>} : memref<16x2x16xi32, #tpu.memory_space<vmem>>, vector<16xi32>,
      %sub3A_407 = arith.constant 1.000000e+00 : f32
      %sub3A_408 = vector.broadcast %sub3A_407 : f32 to vector<16xf32>
      %sub3A_409 = arith.subf %sub3A_408, %sub3A_344 : vector<16xf32>
      %swap3A_410 = arith.constant 0 : i32
      %swap3A_411 = arith.index_cast %scan3A_257 : i32 to index
      %swap3A_412 = arith.index_cast %swap3A_410 : i32 to index
      %swap3A_413 = arith.constant 0 : index
      %swap3A_414 = tpu.vector_load %arg9[%swap3A_411, %swap3A_412, %swap3A_413] {strides = array<i32>} : memref<16x2x16xf32, #tpu.memory_space<vmem>>, vector<16xf32>,
      tpu.vector_store %arg9[%swap3A_411, %swap3A_412, %swap3A_413], %sub3A_409 {strides = array<i32>} : memref<16x2x16xf32, #tpu.memory_space<vmem>>, vector<16xf32>,
      %swap3A_415 = arith.constant 1 : i32
      %swap3A_416 = arith.index_cast %scan3A_257 : i32 to index
      %swap3A_417 = arith.index_cast %swap3A_415 : i32 to index
      %swap3A_418 = arith.constant 0 : index
      %swap3A_419 = tpu.vector_load %arg9[%swap3A_416, %swap3A_417, %swap3A_418] {strides = array<i32>} : memref<16x2x16xf32, #tpu.memory_space<vmem>>, vector<16xf32>,
      tpu.vector_store %arg9[%swap3A_416, %swap3A_417, %swap3A_418], %sub3A_344 {strides = array<i32>} : memref<16x2x16xf32, #tpu.memory_space<vmem>>, vector<16xf32>,
      %scan3A_420 = arith.constant 0 : i32
      scf.yield %scan3A_420 : i32
    }
    %scan3A_114 = arith.constant 16 : i32
    %get3A_115 = arith.constant 0 : i32
    %get3A_116 = arith.constant 0 : i32
    %get3A_117 = arith.index_cast %get3A_115 : i32 to index
    %get3A_118 = arith.index_cast %get3A_116 : i32 to index
    %get3A_119 = arith.constant 0 : index
    %get3A_120 = tpu.vector_load %arg8[%get3A_117, %get3A_118, %get3A_119] {strides = array<i32>} : memref<16x2x16xi32, #tpu.memory_space<vmem>>, vector<16xi32>,
    %broadcast_in_dim3A_121 = arith.constant 0 : i32
    %broadcast_in_dim3A_122 = vector.broadcast %broadcast_in_dim3A_121 : i32 to vector<16xi32>
    %lt3A = arith.constant 0 : i32
    %lt3A_123 = vector.broadcast %lt3A : i32 to vector<16xi32>
    %lt3A_124 = arith.cmpi slt, %broadcast_in_dim3A_122, %lt3A_123 : vector<16xi32>
    %add3A_125 = arith.constant 16 : i32
    %add3A_126 = vector.broadcast %add3A_125 : i32 to vector<16xi32>
    %add3A_127 = arith.addi %broadcast_in_dim3A_122, %add3A_126 : vector<16xi32>
    %select_n3A_128 = arith.select %lt3A_124, %add3A_127, %broadcast_in_dim3A_122 : vector<16xi1>, vector<16xi32>
    %broadcast_in_dim3A_129 = vector.shape_cast %select_n3A_128 : vector<16xi32> to vector<16x1xi32>
    %gather3A = vector.shape_cast %broadcast_in_dim3A_129 : vector<16x1xi32> to vector<16xi32>
    %gather3A_130 = tpu.dynamic_gather %get3A_120[%gather3A] in [0] : vector<16xi32>, vector<16xi32> -> vector<16xi32>
    %get3A_131 = arith.constant 0 : i32
    %get3A_132 = arith.constant 1 : i32
    %get3A_133 = arith.index_cast %get3A_131 : i32 to index
    %get3A_134 = arith.index_cast %get3A_132 : i32 to index
    %get3A_135 = arith.constant 0 : index
    %get3A_136 = tpu.vector_load %arg8[%get3A_133, %get3A_134, %get3A_135] {strides = array<i32>} : memref<16x2x16xi32, #tpu.memory_space<vmem>>, vector<16xi32>,
    %broadcast_in_dim3A_137 = arith.constant 0 : i32
    %broadcast_in_dim3A_138 = vector.broadcast %broadcast_in_dim3A_137 : i32 to vector<16xi32>
    %lt3A_139 = arith.constant 0 : i32
    %lt3A_140 = vector.broadcast %lt3A_139 : i32 to vector<16xi32>
    %lt3A_141 = arith.cmpi slt, %broadcast_in_dim3A_138, %lt3A_140 : vector<16xi32>
    %add3A_142 = arith.constant 16 : i32
    %add3A_143 = vector.broadcast %add3A_142 : i32 to vector<16xi32>
    %add3A_144 = arith.addi %broadcast_in_dim3A_138, %add3A_143 : vector<16xi32>
    %select_n3A_145 = arith.select %lt3A_141, %add3A_144, %broadcast_in_dim3A_138 : vector<16xi1>, vector<16xi32>
    %broadcast_in_dim3A_146 = vector.shape_cast %select_n3A_145 : vector<16xi32> to vector<16x1xi32>
    %gather3A_147 = vector.shape_cast %broadcast_in_dim3A_146 : vector<16x1xi32> to vector<16xi32>
    %gather3A_148 = tpu.dynamic_gather %get3A_136[%gather3A_147] in [0] : vector<16xi32>, vector<16xi32> -> vector<16xi32>
    %add3A_149 = arith.addi %gather3A_130, %gather3A_148 : vector<16xi32>
    %get3A_150 = arith.constant 0 : i32
    %get3A_151 = arith.constant 0 : i32
    %get3A_152 = arith.index_cast %get3A_150 : i32 to index
    %get3A_153 = arith.index_cast %get3A_151 : i32 to index
    %get3A_154 = arith.constant 0 : index
    %get3A_155 = tpu.vector_load %arg9[%get3A_152, %get3A_153, %get3A_154] {strides = array<i32>} : memref<16x2x16xf32, #tpu.memory_space<vmem>>, vector<16xf32>,
    %broadcast_in_dim3A_156 = arith.constant 0 : i32
    %broadcast_in_dim3A_157 = vector.broadcast %broadcast_in_dim3A_156 : i32 to vector<16xi32>
    %lt3A_158 = arith.constant 0 : i32
    %lt3A_159 = vector.broadcast %lt3A_158 : i32 to vector<16xi32>
    %lt3A_160 = arith.cmpi slt, %broadcast_in_dim3A_157, %lt3A_159 : vector<16xi32>
    %add3A_161 = arith.constant 16 : i32
    %add3A_162 = vector.broadcast %add3A_161 : i32 to vector<16xi32>
    %add3A_163 = arith.addi %broadcast_in_dim3A_157, %add3A_162 : vector<16xi32>
    %select_n3A_164 = arith.select %lt3A_160, %add3A_163, %broadcast_in_dim3A_157 : vector<16xi1>, vector<16xi32>
    %broadcast_in_dim3A_165 = vector.shape_cast %select_n3A_164 : vector<16xi32> to vector<16x1xi32>
    %gather3A_166 = vector.shape_cast %broadcast_in_dim3A_165 : vector<16x1xi32> to vector<16xi32>
    %gather3A_167 = tpu.dynamic_gather %get3A_155[%gather3A_166] in [0] : vector<16xf32>, vector<16xi32> -> vector<16xf32>
    %get3A_168 = arith.constant 0 : i32
    %get3A_169 = arith.constant 1 : i32
    %get3A_170 = arith.index_cast %get3A_168 : i32 to index
    %get3A_171 = arith.index_cast %get3A_169 : i32 to index
    %get3A_172 = arith.constant 0 : index
    %get3A_173 = tpu.vector_load %arg9[%get3A_170, %get3A_171, %get3A_172] {strides = array<i32>} : memref<16x2x16xf32, #tpu.memory_space<vmem>>, vector<16xf32>,
    %broadcast_in_dim3A_174 = arith.constant 0 : i32
    %broadcast_in_dim3A_175 = vector.broadcast %broadcast_in_dim3A_174 : i32 to vector<16xi32>
    %lt3A_176 = arith.constant 0 : i32
    %lt3A_177 = vector.broadcast %lt3A_176 : i32 to vector<16xi32>
    %lt3A_178 = arith.cmpi slt, %broadcast_in_dim3A_175, %lt3A_177 : vector<16xi32>
    %add3A_179 = arith.constant 16 : i32
    %add3A_180 = vector.broadcast %add3A_179 : i32 to vector<16xi32>
    %add3A_181 = arith.addi %broadcast_in_dim3A_175, %add3A_180 : vector<16xi32>
    %select_n3A_182 = arith.select %lt3A_178, %add3A_181, %broadcast_in_dim3A_175 : vector<16xi1>, vector<16xi32>
    %broadcast_in_dim3A_183 = vector.shape_cast %select_n3A_182 : vector<16xi32> to vector<16x1xi32>
    %gather3A_184 = vector.shape_cast %broadcast_in_dim3A_183 : vector<16x1xi32> to vector<16xi32>
    %gather3A_185 = tpu.dynamic_gather %get3A_173[%gather3A_184] in [0] : vector<16xf32>, vector<16xi32> -> vector<16xf32>
    %get3A_186 = arith.constant 0 : i32
    %get3A_187 = arith.constant 0 : i32
    %get3A_188 = arith.index_cast %get3A_186 : i32 to index
    %get3A_189 = arith.index_cast %get3A_187 : i32 to index
    %get3A_190 = arith.constant 0 : index
    %get3A_191 = tpu.vector_load %arg6[%get3A_188, %get3A_189, %get3A_190] {strides = array<i32>} : memref<16x2x16xi32, #tpu.memory_space<vmem>>, vector<16xi32>,
    %get3A_192 = arith.constant 0 : i32
    %get3A_193 = arith.constant 1 : i32
    %get3A_194 = arith.index_cast %get3A_192 : i32 to index
    %get3A_195 = arith.index_cast %get3A_193 : i32 to index
    %get3A_196 = arith.constant 0 : index
    %get3A_197 = tpu.vector_load %arg6[%get3A_194, %get3A_195, %get3A_196] {strides = array<i32>} : memref<16x2x16xi32, #tpu.memory_space<vmem>>, vector<16xi32>,
    %iota3A_198 = tpu.iota {dimensions = array<i32: 0>} : vector<16xi32>
    %lt3A_199 = arith.constant 14 : i32
    %lt3A_200 = vector.broadcast %lt3A_199 : i32 to vector<16xi32>
    %lt3A_201 = arith.cmpi slt, %iota3A_198, %lt3A_200 : vector<16xi32>
    %add3A_202 = arith.addi %get3A_191, %gather3A_130 : vector<16xi32>
    tpu.vector_store_idx %arg10[%iota3A_198], %add3A_202 masked %lt3A_201 : memref<56xi32, #tpu.memory_space<vmem>>[vector<16xi32>], vector<16xi32>, vector<16xi1>
    %add3A_203 = arith.constant 14 : i32
    %add3A_204 = vector.broadcast %add3A_203 : i32 to vector<16xi32>
    %add3A_205 = arith.addi %iota3A_198, %add3A_204 : vector<16xi32>
    %add3A_206 = arith.addi %get3A_191, %gather3A_130 : vector<16xi32>
    %add3A_207 = arith.addi %add3A_206, %get3A_197 : vector<16xi32>
    tpu.vector_store_idx %arg10[%add3A_205], %add3A_207 masked %lt3A_201 : memref<56xi32, #tpu.memory_space<vmem>>[vector<16xi32>], vector<16xi32>, vector<16xi1>
    %add3A_208 = arith.constant 28 : i32
    %add3A_209 = vector.broadcast %add3A_208 : i32 to vector<16xi32>
    %add3A_210 = arith.addi %iota3A_198, %add3A_209 : vector<16xi32>
    %add3A_211 = arith.addi %get3A_191, %add3A_149 : vector<16xi32>
    tpu.vector_store_idx %arg10[%add3A_210], %add3A_211 masked %lt3A_201 : memref<56xi32, #tpu.memory_space<vmem>>[vector<16xi32>], vector<16xi32>, vector<16xi1>
    %add3A_212 = arith.constant 42 : i32
    %add3A_213 = vector.broadcast %add3A_212 : i32 to vector<16xi32>
    %add3A_214 = arith.addi %iota3A_198, %add3A_213 : vector<16xi32>
    %add3A_215 = arith.addi %get3A_191, %add3A_149 : vector<16xi32>
    %add3A_216 = arith.addi %add3A_215, %get3A_197 : vector<16xi32>
    tpu.vector_store_idx %arg10[%add3A_214], %add3A_216 masked %lt3A_201 : memref<56xi32, #tpu.memory_space<vmem>>[vector<16xi32>], vector<16xi32>, vector<16xi1>
    %get3A_217 = arith.constant 0 : i32
    %get3A_218 = arith.constant 0 : i32
    %get3A_219 = arith.index_cast %get3A_217 : i32 to index
    %get3A_220 = arith.index_cast %get3A_218 : i32 to index
    %get3A_221 = arith.constant 0 : index
    %get3A_222 = tpu.vector_load %arg7[%get3A_219, %get3A_220, %get3A_221] {strides = array<i32>} : memref<16x2x16xf32, #tpu.memory_space<vmem>>, vector<16xf32>,
    %get3A_223 = arith.constant 0 : i32
    %get3A_224 = arith.constant 1 : i32
    %get3A_225 = arith.index_cast %get3A_223 : i32 to index
    %get3A_226 = arith.index_cast %get3A_224 : i32 to index
    %get3A_227 = arith.constant 0 : index
    %get3A_228 = tpu.vector_load %arg7[%get3A_225, %get3A_226, %get3A_227] {strides = array<i32>} : memref<16x2x16xf32, #tpu.memory_space<vmem>>, vector<16xf32>,
    %mul3A_229 = arith.mulf %get3A_222, %gather3A_167 : vector<16xf32>
    %swap3A = arith.constant 0 : i32
    %swap3A_230 = arith.index_cast %swap3A : i32 to index
    %swap3A_231 = arith.constant 0 : index
    %swap3A_232 = tpu.vector_load %arg12[%swap3A_230, %swap3A_231] {strides = array<i32>} : memref<4x16xf32, #tpu.memory_space<vmem>>, vector<16xf32>,
    tpu.vector_store %arg12[%swap3A_230, %swap3A_231], %mul3A_229 {strides = array<i32>} : memref<4x16xf32, #tpu.memory_space<vmem>>, vector<16xf32>,
    %mul3A_233 = arith.mulf %get3A_228, %gather3A_167 : vector<16xf32>
    %swap3A_234 = arith.constant 1 : i32
    %swap3A_235 = arith.index_cast %swap3A_234 : i32 to index
    %swap3A_236 = arith.constant 0 : index
    %swap3A_237 = tpu.vector_load %arg12[%swap3A_235, %swap3A_236] {strides = array<i32>} : memref<4x16xf32, #tpu.memory_space<vmem>>, vector<16xf32>,
    tpu.vector_store %arg12[%swap3A_235, %swap3A_236], %mul3A_233 {strides = array<i32>} : memref<4x16xf32, #tpu.memory_space<vmem>>, vector<16xf32>,
    %mul3A_238 = arith.mulf %get3A_222, %gather3A_185 : vector<16xf32>
    %swap3A_239 = arith.constant 2 : i32
    %swap3A_240 = arith.index_cast %swap3A_239 : i32 to index
    %swap3A_241 = arith.constant 0 : index
    %swap3A_242 = tpu.vector_load %arg12[%swap3A_240, %swap3A_241] {strides = array<i32>} : memref<4x16xf32, #tpu.memory_space<vmem>>, vector<16xf32>,
    tpu.vector_store %arg12[%swap3A_240, %swap3A_241], %mul3A_238 {strides = array<i32>} : memref<4x16xf32, #tpu.memory_space<vmem>>, vector<16xf32>,
    %mul3A_243 = arith.mulf %get3A_228, %gather3A_185 : vector<16xf32>
    %swap3A_244 = arith.constant 3 : i32
    %swap3A_245 = arith.index_cast %swap3A_244 : i32 to index
    %swap3A_246 = arith.constant 0 : index
    %swap3A_247 = tpu.vector_load %arg12[%swap3A_245, %swap3A_246] {strides = array<i32>} : memref<4x16xf32, #tpu.memory_space<vmem>>, vector<16xf32>,
    tpu.vector_store %arg12[%swap3A_245, %swap3A_246], %mul3A_243 {strides = array<i32>} : memref<4x16xf32, #tpu.memory_space<vmem>>, vector<16xf32>,
    %dma_start3A = arith.constant 0 : i32
    %dma_start3A_248 = arith.constant 0 : i32
    %dma_start3A_249 = tpu.memref_slice %arg2[%dma_start3A, %dma_start3A_248] : memref<43520x128xi32, #tpu.memory_space<hbm>> -> memref<43520x128xi32, #tpu.memory_space<hbm>>
    tpu.enqueue_indirect_dma source(%dma_start3A_249 : memref<43520x128xi32, #tpu.memory_space<hbm>>) target(%arg14 : memref<56x128xi32, #tpu.memory_space<vmem>>) offsets(%arg10 : memref<56xi32, #tpu.memory_space<vmem>>) semaphore(%arg17 : memref<!tpu.dma_semaphore, #tpu.memory_space<semaphore_mem>>)
    %scan3A_250 = arith.constant 0 : i32
    %scan3A_251 = arith.constant 0 : i32
    %scan3A_252 = arith.constant 112 : i32
    %scan3A_253 = arith.addi %scan3A_251, %scan3A_252 : i32
    %scan3A_254 = arith.constant 1 : i32
    %scan3A_255 = scf.for %scan3A_257 = %scan3A_251 to %scan3A_253 step %scan3A_254 iter_args(%scan3A_258 = %scan3A_250) -> (i32)  : i32 {
      %mul3A_259 = arith.constant 2 : i32
      %mul3A_260 = arith.muli %mul3A_259, %scan3A_257 : i32
      %add3A_261 = arith.constant 1 : i32
      %add3A_262 = arith.addi %mul3A_260, %add3A_261 : i32
      %jit3A_263 = arith.constant 14 : i32
      %div3A_264 = arith.divsi %add3A_262, %jit3A_263 : i32
      %sign3A = arith.constant 0 : i32
      %sign3A_265 = arith.cmpi sgt, %add3A_262, %sign3A : i32
      %sign3A_266 = arith.extui %sign3A_265 : i1 to i32
      %sign3A_267 = arith.constant 0 : i32
      %sign3A_268 = arith.cmpi slt, %add3A_262, %sign3A_267 : i32
      %sign3A_269 = arith.extui %sign3A_268 : i1 to i32
      %sign3A_270 = arith.subi %sign3A_266, %sign3A_269 : i32
      %sign3A_271 = arith.constant 0 : i32
      %sign3A_272 = arith.cmpi sgt, %jit3A_263, %sign3A_271 : i32
      %sign3A_273 = arith.extui %sign3A_272 : i1 to i32
      %sign3A_274 = arith.constant 0 : i32
      %sign3A_275 = arith.cmpi slt, %jit3A_263, %sign3A_274 : i32
      %sign3A_276 = arith.extui %sign3A_275 : i1 to i32
      %sign3A_277 = arith.subi %sign3A_273, %sign3A_276 : i32
      %ne3A = arith.cmpi ne, %sign3A_270, %sign3A_277 : i32
      %rem3A = arith.remsi %add3A_262, %jit3A_263 : i32
      %ne3A_278 = arith.constant 0 : i32
      %ne3A_279 = arith.cmpi ne, %rem3A, %ne3A_278 : i32
      %and3A = arith.andi %ne3A, %ne3A_279 : i1
      %sub3A_280 = arith.constant 1 : i32
      %sub3A_281 = arith.subi %div3A_264, %sub3A_280 : i32
      %select_n3A_282 = arith.select %and3A, %sub3A_281, %div3A_264 : i32
      %mul3A_283 = arith.constant 14 : i32
      %mul3A_284 = arith.muli %mul3A_283, %select_n3A_282 : i32
      %sub3A_285 = arith.subi %add3A_262, %mul3A_284 : i32
      %get3A_286 = arith.constant 0 : i32
      %get3A_287 = arith.index_cast %select_n3A_282 : i32 to index
      %get3A_288 = arith.index_cast %get3A_286 : i32 to index
      %get3A_289 = arith.constant 0 : index
      %get3A_290 = tpu.vector_load %arg8[%get3A_287, %get3A_288, %get3A_289] {strides = array<i32>} : memref<16x2x16xi32, #tpu.memory_space<vmem>>, vector<16xi32>,
      %broadcast_in_dim3A_291 = vector.broadcast %sub3A_285 : i32 to vector<16xi32>
      %lt3A_292 = arith.constant 0 : i32
      %lt3A_293 = vector.broadcast %lt3A_292 : i32 to vector<16xi32>
      %lt3A_294 = arith.cmpi slt, %broadcast_in_dim3A_291, %lt3A_293 : vector<16xi32>
      %add3A_295 = arith.constant 16 : i32
      %add3A_296 = vector.broadcast %add3A_295 : i32 to vector<16xi32>
      %add3A_297 = arith.addi %broadcast_in_dim3A_291, %add3A_296 : vector<16xi32>
      %select_n3A_298 = arith.select %lt3A_294, %add3A_297, %broadcast_in_dim3A_291 : vector<16xi1>, vector<16xi32>
      %broadcast_in_dim3A_299 = vector.shape_cast %select_n3A_298 : vector<16xi32> to vector<16x1xi32>
      %gather3A_300 = vector.shape_cast %broadcast_in_dim3A_299 : vector<16x1xi32> to vector<16xi32>
      %gather3A_301 = tpu.dynamic_gather %get3A_290[%gather3A_300] in [0] : vector<16xi32>, vector<16xi32> -> vector<16xi32>
      %get3A_302 = arith.constant 1 : i32
      %get3A_303 = arith.index_cast %select_n3A_282 : i32 to index
      %get3A_304 = arith.index_cast %get3A_302 : i32 to index
      %get3A_305 = arith.constant 0 : index
      %get3A_306 = tpu.vector_load %arg8[%get3A_303, %get3A_304, %get3A_305] {strides = array<i32>} : memref<16x2x16xi32, #tpu.memory_space<vmem>>, vector<16xi32>,
      %broadcast_in_dim3A_307 = vector.broadcast %sub3A_285 : i32 to vector<16xi32>
      %lt3A_308 = arith.constant 0 : i32
      %lt3A_309 = vector.broadcast %lt3A_308 : i32 to vector<16xi32>
      %lt3A_310 = arith.cmpi slt, %broadcast_in_dim3A_307, %lt3A_309 : vector<16xi32>
      %add3A_311 = arith.constant 16 : i32
      %add3A_312 = vector.broadcast %add3A_311 : i32 to vector<16xi32>
      %add3A_313 = arith.addi %broadcast_in_dim3A_307, %add3A_312 : vector<16xi32>
      %select_n3A_314 = arith.select %lt3A_310, %add3A_313, %broadcast_in_dim3A_307 : vector<16xi1>, vector<16xi32>
      %broadcast_in_dim3A_315 = vector.shape_cast %select_n3A_314 : vector<16xi32> to vector<16x1xi32>
      %gather3A_316 = vector.shape_cast %broadcast_in_dim3A_315 : vector<16x1xi32> to vector<16xi32>
      %gather3A_317 = tpu.dynamic_gather %get3A_306[%gather3A_316] in [0] : vector<16xi32>, vector<16xi32> -> vector<16xi32>
      %add3A_318 = arith.addi %gather3A_301, %gather3A_317 : vector<16xi32>
      %get3A_319 = arith.constant 0 : i32
      %get3A_320 = arith.index_cast %select_n3A_282 : i32 to index
      %get3A_321 = arith.index_cast %get3A_319 : i32 to index
      %get3A_322 = arith.constant 0 : index
      %get3A_323 = tpu.vector_load %arg9[%get3A_320, %get3A_321, %get3A_322] {strides = array<i32>} : memref<16x2x16xf32, #tpu.memory_space<vmem>>, vector<16xf32>,
      %broadcast_in_dim3A_324 = vector.broadcast %sub3A_285 : i32 to vector<16xi32>
      %lt3A_325 = arith.constant 0 : i32
      %lt3A_326 = vector.broadcast %lt3A_325 : i32 to vector<16xi32>
      %lt3A_327 = arith.cmpi slt, %broadcast_in_dim3A_324, %lt3A_326 : vector<16xi32>
      %add3A_328 = arith.constant 16 : i32
      %add3A_329 = vector.broadcast %add3A_328 : i32 to vector<16xi32>
      %add3A_330 = arith.addi %broadcast_in_dim3A_324, %add3A_329 : vector<16xi32>
      %select_n3A_331 = arith.select %lt3A_327, %add3A_330, %broadcast_in_dim3A_324 : vector<16xi1>, vector<16xi32>
      %broadcast_in_dim3A_332 = vector.shape_cast %select_n3A_331 : vector<16xi32> to vector<16x1xi32>
      %gather3A_333 = vector.shape_cast %broadcast_in_dim3A_332 : vector<16x1xi32> to vector<16xi32>
      %gather3A_334 = tpu.dynamic_gather %get3A_323[%gather3A_333] in [0] : vector<16xf32>, vector<16xi32> -> vector<16xf32>
      %get3A_335 = arith.constant 1 : i32
      %get3A_336 = arith.index_cast %select_n3A_282 : i32 to index
      %get3A_337 = arith.index_cast %get3A_335 : i32 to index
      %get3A_338 = arith.constant 0 : index
      %get3A_339 = tpu.vector_load %arg9[%get3A_336, %get3A_337, %get3A_338] {strides = array<i32>} : memref<16x2x16xf32, #tpu.memory_space<vmem>>, vector<16xf32>,
      %broadcast_in_dim3A_340 = vector.broadcast %sub3A_285 : i32 to vector<16xi32>
      %lt3A_341 = arith.constant 0 : i32
      %lt3A_342 = vector.broadcast %lt3A_341 : i32 to vector<16xi32>
      %lt3A_343 = arith.cmpi slt, %broadcast_in_dim3A_340, %lt3A_342 : vector<16xi32>
      %add3A_344 = arith.constant 16 : i32
      %add3A_345 = vector.broadcast %add3A_344 : i32 to vector<16xi32>
      %add3A_346 = arith.addi %broadcast_in_dim3A_340, %add3A_345 : vector<16xi32>
      %select_n3A_347 = arith.select %lt3A_343, %add3A_346, %broadcast_in_dim3A_340 : vector<16xi1>, vector<16xi32>
      %broadcast_in_dim3A_348 = vector.shape_cast %select_n3A_347 : vector<16xi32> to vector<16x1xi32>
      %gather3A_349 = vector.shape_cast %broadcast_in_dim3A_348 : vector<16x1xi32> to vector<16xi32>
      %gather3A_350 = tpu.dynamic_gather %get3A_339[%gather3A_349] in [0] : vector<16xf32>, vector<16xi32> -> vector<16xf32>
      %get3A_351 = arith.constant 0 : i32
      %get3A_352 = arith.index_cast %select_n3A_282 : i32 to index
      %get3A_353 = arith.index_cast %get3A_351 : i32 to index
      %get3A_354 = arith.constant 0 : index
      %get3A_355 = tpu.vector_load %arg6[%get3A_352, %get3A_353, %get3A_354] {strides = array<i32>} : memref<16x2x16xi32, #tpu.memory_space<vmem>>, vector<16xi32>,
      %get3A_356 = arith.constant 1 : i32
      %get3A_357 = arith.index_cast %select_n3A_282 : i32 to index
      %get3A_358 = arith.index_cast %get3A_356 : i32 to index
      %get3A_359 = arith.constant 0 : index
      %get3A_360 = tpu.vector_load %arg6[%get3A_357, %get3A_358, %get3A_359] {strides = array<i32>} : memref<16x2x16xi32, #tpu.memory_space<vmem>>, vector<16xi32>,
      %iota3A_361 = tpu.iota {dimensions = array<i32: 0>} : vector<16xi32>
      %lt3A_362 = arith.constant 14 : i32
      %lt3A_363 = vector.broadcast %lt3A_362 : i32 to vector<16xi32>
      %lt3A_364 = arith.cmpi slt, %iota3A_361, %lt3A_363 : vector<16xi32>
      %add3A_365 = arith.addi %get3A_355, %gather3A_301 : vector<16xi32>
      tpu.vector_store_idx %arg11[%iota3A_361], %add3A_365 masked %lt3A_364 : memref<56xi32, #tpu.memory_space<vmem>>[vector<16xi32>], vector<16xi32>, vector<16xi1>
      %add3A_366 = arith.constant 14 : i32
      %add3A_367 = vector.broadcast %add3A_366 : i32 to vector<16xi32>
      %add3A_368 = arith.addi %iota3A_361, %add3A_367 : vector<16xi32>
      %add3A_369 = arith.addi %get3A_355, %gather3A_301 : vector<16xi32>
      %add3A_370 = arith.addi %add3A_369, %get3A_360 : vector<16xi32>
      tpu.vector_store_idx %arg11[%add3A_368], %add3A_370 masked %lt3A_364 : memref<56xi32, #tpu.memory_space<vmem>>[vector<16xi32>], vector<16xi32>, vector<16xi1>
      %add3A_371 = arith.constant 28 : i32
      %add3A_372 = vector.broadcast %add3A_371 : i32 to vector<16xi32>
      %add3A_373 = arith.addi %iota3A_361, %add3A_372 : vector<16xi32>
      %add3A_374 = arith.addi %get3A_355, %add3A_318 : vector<16xi32>
      tpu.vector_store_idx %arg11[%add3A_373], %add3A_374 masked %lt3A_364 : memref<56xi32, #tpu.memory_space<vmem>>[vector<16xi32>], vector<16xi32>, vector<16xi1>
      %add3A_375 = arith.constant 42 : i32
      %add3A_376 = vector.broadcast %add3A_375 : i32 to vector<16xi32>
      %add3A_377 = arith.addi %iota3A_361, %add3A_376 : vector<16xi32>
      %add3A_378 = arith.addi %get3A_355, %add3A_318 : vector<16xi32>
      %add3A_379 = arith.addi %add3A_378, %get3A_360 : vector<16xi32>
      tpu.vector_store_idx %arg11[%add3A_377], %add3A_379 masked %lt3A_364 : memref<56xi32, #tpu.memory_space<vmem>>[vector<16xi32>], vector<16xi32>, vector<16xi1>
      %get3A_380 = arith.constant 0 : i32
      %get3A_381 = arith.index_cast %select_n3A_282 : i32 to index
      %get3A_382 = arith.index_cast %get3A_380 : i32 to index
      %get3A_383 = arith.constant 0 : index
      %get3A_384 = tpu.vector_load %arg7[%get3A_381, %get3A_382, %get3A_383] {strides = array<i32>} : memref<16x2x16xf32, #tpu.memory_space<vmem>>, vector<16xf32>,
      %get3A_385 = arith.constant 1 : i32
      %get3A_386 = arith.index_cast %select_n3A_282 : i32 to index
      %get3A_387 = arith.index_cast %get3A_385 : i32 to index
      %get3A_388 = arith.constant 0 : index
      %get3A_389 = tpu.vector_load %arg7[%get3A_386, %get3A_387, %get3A_388] {strides = array<i32>} : memref<16x2x16xf32, #tpu.memory_space<vmem>>, vector<16xf32>,
      %mul3A_390 = arith.mulf %get3A_384, %gather3A_334 : vector<16xf32>
      %swap3A_391 = arith.constant 0 : i32
      %swap3A_392 = arith.index_cast %swap3A_391 : i32 to index
      %swap3A_393 = arith.constant 0 : index
      %swap3A_394 = tpu.vector_load %arg13[%swap3A_392, %swap3A_393] {strides = array<i32>} : memref<4x16xf32, #tpu.memory_space<vmem>>, vector<16xf32>,
      tpu.vector_store %arg13[%swap3A_392, %swap3A_393], %mul3A_390 {strides = array<i32>} : memref<4x16xf32, #tpu.memory_space<vmem>>, vector<16xf32>,
      %mul3A_395 = arith.mulf %get3A_389, %gather3A_334 : vector<16xf32>
      %swap3A_396 = arith.constant 1 : i32
      %swap3A_397 = arith.index_cast %swap3A_396 : i32 to index
      %swap3A_398 = arith.constant 0 : index
      %swap3A_399 = tpu.vector_load %arg13[%swap3A_397, %swap3A_398] {strides = array<i32>} : memref<4x16xf32, #tpu.memory_space<vmem>>, vector<16xf32>,
      tpu.vector_store %arg13[%swap3A_397, %swap3A_398], %mul3A_395 {strides = array<i32>} : memref<4x16xf32, #tpu.memory_space<vmem>>, vector<16xf32>,
      %mul3A_400 = arith.mulf %get3A_384, %gather3A_350 : vector<16xf32>
      %swap3A_401 = arith.constant 2 : i32
      %swap3A_402 = arith.index_cast %swap3A_401 : i32 to index
      %swap3A_403 = arith.constant 0 : index
      %swap3A_404 = tpu.vector_load %arg13[%swap3A_402, %swap3A_403] {strides = array<i32>} : memref<4x16xf32, #tpu.memory_space<vmem>>, vector<16xf32>,
      tpu.vector_store %arg13[%swap3A_402, %swap3A_403], %mul3A_400 {strides = array<i32>} : memref<4x16xf32, #tpu.memory_space<vmem>>, vector<16xf32>,
      %mul3A_405 = arith.mulf %get3A_389, %gather3A_350 : vector<16xf32>
      %swap3A_406 = arith.constant 3 : i32
      %swap3A_407 = arith.index_cast %swap3A_406 : i32 to index
      %swap3A_408 = arith.constant 0 : index
      %swap3A_409 = tpu.vector_load %arg13[%swap3A_407, %swap3A_408] {strides = array<i32>} : memref<4x16xf32, #tpu.memory_space<vmem>>, vector<16xf32>,
      tpu.vector_store %arg13[%swap3A_407, %swap3A_408], %mul3A_405 {strides = array<i32>} : memref<4x16xf32, #tpu.memory_space<vmem>>, vector<16xf32>,
      %dma_start3A_410 = arith.constant 0 : i32
      %dma_start3A_411 = arith.constant 0 : i32
      %dma_start3A_412 = tpu.memref_slice %arg2[%dma_start3A_410, %dma_start3A_411] : memref<43520x128xi32, #tpu.memory_space<hbm>> -> memref<43520x128xi32, #tpu.memory_space<hbm>>
      tpu.enqueue_indirect_dma source(%dma_start3A_412 : memref<43520x128xi32, #tpu.memory_space<hbm>>) target(%arg15 : memref<56x128xi32, #tpu.memory_space<vmem>>) offsets(%arg11 : memref<56xi32, #tpu.memory_space<vmem>>) semaphore(%arg18 : memref<!tpu.dma_semaphore, #tpu.memory_space<semaphore_mem>>)
      %dma_wait3A = arith.constant 0 : i32
      %dma_wait3A_413 = arith.constant 0 : i32
      %dma_wait3A_414 = tpu.memref_slice %arg2[%dma_wait3A, %dma_wait3A_413] : memref<43520x128xi32, #tpu.memory_space<hbm>> -> memref<43520x128xi32, #tpu.memory_space<hbm>>
      tpu.wait_indirect_dma semaphore(%arg17 : memref<!tpu.dma_semaphore, #tpu.memory_space<semaphore_mem>>) src(%dma_wait3A_414 : memref<43520x128xi32, #tpu.memory_space<hbm>>) dst(%arg14 : memref<56x128xi32, #tpu.memory_space<vmem>>)
      %jit3A_415 = arith.constant 14 : i32
      %div3A_416 = arith.divsi %mul3A_260, %jit3A_415 : i32
      %sign3A_417 = arith.constant 0 : i32
      %sign3A_418 = arith.cmpi sgt, %mul3A_260, %sign3A_417 : i32
      %sign3A_419 = arith.extui %sign3A_418 : i1 to i32
      %sign3A_420 = arith.constant 0 : i32
      %sign3A_421 = arith.cmpi slt, %mul3A_260, %sign3A_420 : i32
      %sign3A_422 = arith.extui %sign3A_421 : i1 to i32
      %sign3A_423 = arith.subi %sign3A_419, %sign3A_422 : i32
      %sign3A_424 = arith.constant 0 : i32
      %sign3A_425 = arith.cmpi sgt, %jit3A_415, %sign3A_424 : i32
      %sign3A_426 = arith.extui %sign3A_425 : i1 to i32
      %sign3A_427 = arith.constant 0 : i32
      %sign3A_428 = arith.cmpi slt, %jit3A_415, %sign3A_427 : i32
      %sign3A_429 = arith.extui %sign3A_428 : i1 to i32
      %sign3A_430 = arith.subi %sign3A_426, %sign3A_429 : i32
      %ne3A_431 = arith.cmpi ne, %sign3A_423, %sign3A_430 : i32
      %rem3A_432 = arith.remsi %mul3A_260, %jit3A_415 : i32
      %ne3A_433 = arith.constant 0 : i32
      %ne3A_434 = arith.cmpi ne, %rem3A_432, %ne3A_433 : i32
      %and3A_435 = arith.andi %ne3A_431, %ne3A_434 : i1
      %sub3A_436 = arith.constant 1 : i32
      %sub3A_437 = arith.subi %div3A_416, %sub3A_436 : i32
      %select_n3A_438 = arith.select %and3A_435, %sub3A_437, %div3A_416 : i32
      %mul3A_439 = arith.constant 14 : i32
      %mul3A_440 = arith.muli %mul3A_439, %select_n3A_438 : i32
      %sub3A_441 = arith.subi %mul3A_260, %mul3A_440 : i32
      %jit3A_442 = arith.constant 2 : i32
      %div3A_443 = arith.divsi %sub3A_441, %jit3A_442 : i32
      %sign3A_444 = arith.constant 0 : i32
      %sign3A_445 = arith.cmpi sgt, %sub3A_441, %sign3A_444 : i32
      %sign3A_446 = arith.extui %sign3A_445 : i1 to i32
      %sign3A_447 = arith.constant 0 : i32
      %sign3A_448 = arith.cmpi slt, %sub3A_441, %sign3A_447 : i32
      %sign3A_449 = arith.extui %sign3A_448 : i1 to i32
      %sign3A_450 = arith.subi %sign3A_446, %sign3A_449 : i32
      %sign3A_451 = arith.constant 0 : i32
      %sign3A_452 = arith.cmpi sgt, %jit3A_442, %sign3A_451 : i32
      %sign3A_453 = arith.extui %sign3A_452 : i1 to i32
      %sign3A_454 = arith.constant 0 : i32
      %sign3A_455 = arith.cmpi slt, %jit3A_442, %sign3A_454 : i32
      %sign3A_456 = arith.extui %sign3A_455 : i1 to i32
      %sign3A_457 = arith.subi %sign3A_453, %sign3A_456 : i32
      %ne3A_458 = arith.cmpi ne, %sign3A_450, %sign3A_457 : i32
      %rem3A_459 = arith.remsi %sub3A_441, %jit3A_442 : i32
      %ne3A_460 = arith.constant 0 : i32
      %ne3A_461 = arith.cmpi ne, %rem3A_459, %ne3A_460 : i32
      %and3A_462 = arith.andi %ne3A_458, %ne3A_461 : i1
      %sub3A_463 = arith.constant 1 : i32
      %sub3A_464 = arith.subi %div3A_443, %sub3A_463 : i32
      %select_n3A_465 = arith.select %and3A_462, %sub3A_464, %div3A_443 : i32
      %mul3A_466 = arith.constant 2 : i32
      %mul3A_467 = arith.muli %mul3A_466, %select_n3A_465 : i32
      %sub3A_468 = arith.subi %sub3A_441, %mul3A_467 : i32
      %eq3A = arith.constant 0 : i32
      %eq3A_469 = arith.cmpi eq, %sub3A_468, %eq3A : i32
      %mul3A_470 = arith.constant 7 : i32
      %mul3A_471 = arith.muli %select_n3A_465, %mul3A_470 : i32
      %scan3A_472 = arith.constant 0 : i32
      %scan3A_473 = arith.constant 0 : i32
      %scan3A_474 = arith.constant 7 : i32
      %scan3A_475 = arith.addi %scan3A_473, %scan3A_474 : i32
      %scan3A_476 = arith.constant 1 : i32
      %scan3A_477 = scf.for %scan3A_564 = %scan3A_473 to %scan3A_475 step %scan3A_476 iter_args(%scan3A_565 = %scan3A_472) -> (i32)  : i32 {
        %mul3A_566 = arith.constant 2 : i32
        %mul3A_567 = arith.muli %mul3A_566, %scan3A_564 : i32
        %add3A_568 = arith.constant 1 : i32
        %add3A_569 = arith.addi %mul3A_567, %add3A_568 : i32
        %get3A_570 = arith.constant 0 : i32
        %get3A_571 = arith.index_cast %get3A_570 : i32 to index
        %get3A_572 = arith.constant 0 : index
        %get3A_573 = tpu.vector_load %arg12[%get3A_571, %get3A_572] {strides = array<i32>} : memref<4x16xf32, #tpu.memory_space<vmem>>, vector<16xf32>,
        %get3A_574 = arith.constant 1 : i32
        %get3A_575 = arith.index_cast %get3A_574 : i32 to index
        %get3A_576 = arith.constant 0 : index
        %get3A_577 = tpu.vector_load %arg12[%get3A_575, %get3A_576] {strides = array<i32>} : memref<4x16xf32, #tpu.memory_space<vmem>>, vector<16xf32>,
        %get3A_578 = arith.constant 2 : i32
        %get3A_579 = arith.index_cast %get3A_578 : i32 to index
        %get3A_580 = arith.constant 0 : index
        %get3A_581 = tpu.vector_load %arg12[%get3A_579, %get3A_580] {strides = array<i32>} : memref<4x16xf32, #tpu.memory_space<vmem>>, vector<16xf32>,
        %get3A_582 = arith.constant 3 : i32
        %get3A_583 = arith.index_cast %get3A_582 : i32 to index
        %get3A_584 = arith.constant 0 : index
        %get3A_585 = tpu.vector_load %arg12[%get3A_583, %get3A_584] {strides = array<i32>} : memref<4x16xf32, #tpu.memory_space<vmem>>, vector<16xf32>,
        %broadcast_in_dim3A_586 = vector.broadcast %mul3A_567 : i32 to vector<16xi32>
        %lt3A_587 = arith.constant 0 : i32
        %lt3A_588 = vector.broadcast %lt3A_587 : i32 to vector<16xi32>
        %lt3A_589 = arith.cmpi slt, %broadcast_in_dim3A_586, %lt3A_588 : vector<16xi32>
        %add3A_590 = arith.constant 16 : i32
        %add3A_591 = vector.broadcast %add3A_590 : i32 to vector<16xi32>
        %add3A_592 = arith.addi %broadcast_in_dim3A_586, %add3A_591 : vector<16xi32>
        %select_n3A_593 = arith.select %lt3A_589, %add3A_592, %broadcast_in_dim3A_586 : vector<16xi1>, vector<16xi32>
        %broadcast_in_dim3A_594 = vector.shape_cast %select_n3A_593 : vector<16xi32> to vector<16x1xi32>
        %gather3A_595 = vector.shape_cast %broadcast_in_dim3A_594 : vector<16x1xi32> to vector<16xi32>
        %gather3A_596 = tpu.dynamic_gather %get3A_573[%gather3A_595] in [0] : vector<16xf32>, vector<16xi32> -> vector<16xf32>
        %broadcast_in_dim3A_597 = vector.broadcast %mul3A_567 : i32 to vector<16xi32>
        %lt3A_598 = arith.constant 0 : i32
        %lt3A_599 = vector.broadcast %lt3A_598 : i32 to vector<16xi32>
        %lt3A_600 = arith.cmpi slt, %broadcast_in_dim3A_597, %lt3A_599 : vector<16xi32>
        %add3A_601 = arith.constant 16 : i32
        %add3A_602 = vector.broadcast %add3A_601 : i32 to vector<16xi32>
        %add3A_603 = arith.addi %broadcast_in_dim3A_597, %add3A_602 : vector<16xi32>
        %select_n3A_604 = arith.select %lt3A_600, %add3A_603, %broadcast_in_dim3A_597 : vector<16xi1>, vector<16xi32>
        %broadcast_in_dim3A_605 = vector.shape_cast %select_n3A_604 : vector<16xi32> to vector<16x1xi32>
        %gather3A_606 = vector.shape_cast %broadcast_in_dim3A_605 : vector<16x1xi32> to vector<16xi32>
        %gather3A_607 = tpu.dynamic_gather %get3A_577[%gather3A_606] in [0] : vector<16xf32>, vector<16xi32> -> vector<16xf32>
        %broadcast_in_dim3A_608 = vector.broadcast %mul3A_567 : i32 to vector<16xi32>
        %lt3A_609 = arith.constant 0 : i32
        %lt3A_610 = vector.broadcast %lt3A_609 : i32 to vector<16xi32>
        %lt3A_611 = arith.cmpi slt, %broadcast_in_dim3A_608, %lt3A_610 : vector<16xi32>
        %add3A_612 = arith.constant 16 : i32
        %add3A_613 = vector.broadcast %add3A_612 : i32 to vector<16xi32>
        %add3A_614 = arith.addi %broadcast_in_dim3A_608, %add3A_613 : vector<16xi32>
        %select_n3A_615 = arith.select %lt3A_611, %add3A_614, %broadcast_in_dim3A_608 : vector<16xi1>, vector<16xi32>
        %broadcast_in_dim3A_616 = vector.shape_cast %select_n3A_615 : vector<16xi32> to vector<16x1xi32>
        %gather3A_617 = vector.shape_cast %broadcast_in_dim3A_616 : vector<16x1xi32> to vector<16xi32>
        %gather3A_618 = tpu.dynamic_gather %get3A_581[%gather3A_617] in [0] : vector<16xf32>, vector<16xi32> -> vector<16xf32>
        %broadcast_in_dim3A_619 = vector.broadcast %mul3A_567 : i32 to vector<16xi32>
        %lt3A_620 = arith.constant 0 : i32
        %lt3A_621 = vector.broadcast %lt3A_620 : i32 to vector<16xi32>
        %lt3A_622 = arith.cmpi slt, %broadcast_in_dim3A_619, %lt3A_621 : vector<16xi32>
        %add3A_623 = arith.constant 16 : i32
        %add3A_624 = vector.broadcast %add3A_623 : i32 to vector<16xi32>
        %add3A_625 = arith.addi %broadcast_in_dim3A_619, %add3A_624 : vector<16xi32>
        %select_n3A_626 = arith.select %lt3A_622, %add3A_625, %broadcast_in_dim3A_619 : vector<16xi1>, vector<16xi32>
        %broadcast_in_dim3A_627 = vector.shape_cast %select_n3A_626 : vector<16xi32> to vector<16x1xi32>
        %gather3A_628 = vector.shape_cast %broadcast_in_dim3A_627 : vector<16x1xi32> to vector<16xi32>
        %gather3A_629 = tpu.dynamic_gather %get3A_585[%gather3A_628] in [0] : vector<16xf32>, vector<16xi32> -> vector<16xf32>
        %broadcast_in_dim3A_630 = vector.broadcast %add3A_569 : i32 to vector<16xi32>
        %lt3A_631 = arith.constant 0 : i32
        %lt3A_632 = vector.broadcast %lt3A_631 : i32 to vector<16xi32>
        %lt3A_633 = arith.cmpi slt, %broadcast_in_dim3A_630, %lt3A_632 : vector<16xi32>
        %add3A_634 = arith.constant 16 : i32
        %add3A_635 = vector.broadcast %add3A_634 : i32 to vector<16xi32>
        %add3A_636 = arith.addi %broadcast_in_dim3A_630, %add3A_635 : vector<16xi32>
        %select_n3A_637 = arith.select %lt3A_633, %add3A_636, %broadcast_in_dim3A_630 : vector<16xi1>, vector<16xi32>
        %broadcast_in_dim3A_638 = vector.shape_cast %select_n3A_637 : vector<16xi32> to vector<16x1xi32>
        %gather3A_639 = vector.shape_cast %broadcast_in_dim3A_638 : vector<16x1xi32> to vector<16xi32>
        %gather3A_640 = tpu.dynamic_gather %get3A_573[%gather3A_639] in [0] : vector<16xf32>, vector<16xi32> -> vector<16xf32>
        %broadcast_in_dim3A_641 = vector.broadcast %add3A_569 : i32 to vector<16xi32>
        %lt3A_642 = arith.constant 0 : i32
        %lt3A_643 = vector.broadcast %lt3A_642 : i32 to vector<16xi32>
        %lt3A_644 = arith.cmpi slt, %broadcast_in_dim3A_641, %lt3A_643 : vector<16xi32>
        %add3A_645 = arith.constant 16 : i32
        %add3A_646 = vector.broadcast %add3A_645 : i32 to vector<16xi32>
        %add3A_647 = arith.addi %broadcast_in_dim3A_641, %add3A_646 : vector<16xi32>
        %select_n3A_648 = arith.select %lt3A_644, %add3A_647, %broadcast_in_dim3A_641 : vector<16xi1>, vector<16xi32>
        %broadcast_in_dim3A_649 = vector.shape_cast %select_n3A_648 : vector<16xi32> to vector<16x1xi32>
        %gather3A_650 = vector.shape_cast %broadcast_in_dim3A_649 : vector<16x1xi32> to vector<16xi32>
        %gather3A_651 = tpu.dynamic_gather %get3A_577[%gather3A_650] in [0] : vector<16xf32>, vector<16xi32> -> vector<16xf32>
        %broadcast_in_dim3A_652 = vector.broadcast %add3A_569 : i32 to vector<16xi32>
        %lt3A_653 = arith.constant 0 : i32
        %lt3A_654 = vector.broadcast %lt3A_653 : i32 to vector<16xi32>
        %lt3A_655 = arith.cmpi slt, %broadcast_in_dim3A_652, %lt3A_654 : vector<16xi32>
        %add3A_656 = arith.constant 16 : i32
        %add3A_657 = vector.broadcast %add3A_656 : i32 to vector<16xi32>
        %add3A_658 = arith.addi %broadcast_in_dim3A_652, %add3A_657 : vector<16xi32>
        %select_n3A_659 = arith.select %lt3A_655, %add3A_658, %broadcast_in_dim3A_652 : vector<16xi1>, vector<16xi32>
        %broadcast_in_dim3A_660 = vector.shape_cast %select_n3A_659 : vector<16xi32> to vector<16x1xi32>
        %gather3A_661 = vector.shape_cast %broadcast_in_dim3A_660 : vector<16x1xi32> to vector<16xi32>
        %gather3A_662 = tpu.dynamic_gather %get3A_581[%gather3A_661] in [0] : vector<16xf32>, vector<16xi32> -> vector<16xf32>
        %broadcast_in_dim3A_663 = vector.broadcast %add3A_569 : i32 to vector<16xi32>
        %lt3A_664 = arith.constant 0 : i32
        %lt3A_665 = vector.broadcast %lt3A_664 : i32 to vector<16xi32>
        %lt3A_666 = arith.cmpi slt, %broadcast_in_dim3A_663, %lt3A_665 : vector<16xi32>
        %add3A_667 = arith.constant 16 : i32
        %add3A_668 = vector.broadcast %add3A_667 : i32 to vector<16xi32>
        %add3A_669 = arith.addi %broadcast_in_dim3A_663, %add3A_668 : vector<16xi32>
        %select_n3A_670 = arith.select %lt3A_666, %add3A_669, %broadcast_in_dim3A_663 : vector<16xi1>, vector<16xi32>
        %broadcast_in_dim3A_671 = vector.shape_cast %select_n3A_670 : vector<16xi32> to vector<16x1xi32>
        %gather3A_672 = vector.shape_cast %broadcast_in_dim3A_671 : vector<16x1xi32> to vector<16xi32>
        %gather3A_673 = tpu.dynamic_gather %get3A_585[%gather3A_672] in [0] : vector<16xf32>, vector<16xi32> -> vector<16xf32>
        %add3A_674 = arith.constant 14 : i32
        %add3A_675 = arith.addi %add3A_674, %mul3A_567 : i32
        %add3A_676 = arith.constant 28 : i32
        %add3A_677 = arith.addi %add3A_676, %mul3A_567 : i32
        %add3A_678 = arith.constant 42 : i32
        %add3A_679 = arith.addi %add3A_678, %mul3A_567 : i32
        %add3A_680 = arith.constant 14 : i32
        %add3A_681 = arith.addi %add3A_680, %add3A_569 : i32
        %add3A_682 = arith.constant 28 : i32
        %add3A_683 = arith.addi %add3A_682, %add3A_569 : i32
        %add3A_684 = arith.constant 42 : i32
        %add3A_685 = arith.addi %add3A_684, %add3A_569 : i32
        %convert_element_type3A_686 = arith.extui %eq3A_469 : i1 to i32
        %cond3A_687 = arith.constant 0 : i32
        %cond3A_688 = arith.cmpi ne, %convert_element_type3A_686, %cond3A_687 : i32
        scf.if %cond3A_688 {
          %get3A_694 = arith.index_cast %mul3A_567 : i32 to index
          %get3A_695 = arith.constant 0 : index
          %get3A_696 = tpu.vector_load %arg14[%get3A_694, %get3A_695] {strides = array<i32>} : memref<56x128xi32, #tpu.memory_space<vmem>>, vector<16xi32>,
          %bitcast3A = vector.bitcast %get3A_696 : vector<16xi32> to vector<32xbf16>
          %unpack3A = tpu.unpack_subelements %bitcast3A, 0 {pack_format = #tpu.pack_format<interleaved>} : vector<32xbf16> -> vector<16xf32>
          %unpack3A_697 = tpu.unpack_subelements %bitcast3A, 1 {pack_format = #tpu.pack_format<interleaved>} : vector<32xbf16> -> vector<16xf32>
          %mul3A_698 = arith.mulf %unpack3A, %gather3A_596 : vector<16xf32>
          %mul3A_699 = arith.mulf %unpack3A_697, %gather3A_596 : vector<16xf32>
          %get3A_700 = arith.index_cast %add3A_675 : i32 to index
          %get3A_701 = arith.constant 0 : index
          %get3A_702 = tpu.vector_load %arg14[%get3A_700, %get3A_701] {strides = array<i32>} : memref<56x128xi32, #tpu.memory_space<vmem>>, vector<16xi32>,
          %bitcast3A_703 = vector.bitcast %get3A_702 : vector<16xi32> to vector<32xbf16>
          %unpack3A_704 = tpu.unpack_subelements %bitcast3A_703, 0 {pack_format = #tpu.pack_format<interleaved>} : vector<32xbf16> -> vector<16xf32>
          %unpack3A_705 = tpu.unpack_subelements %bitcast3A_703, 1 {pack_format = #tpu.pack_format<interleaved>} : vector<32xbf16> -> vector<16xf32>
          %mul3A_706 = arith.mulf %unpack3A_704, %gather3A_607 : vector<16xf32>
          %add3A_707 = arith.addf %mul3A_698, %mul3A_706 : vector<16xf32>
          %mul3A_708 = arith.mulf %unpack3A_705, %gather3A_607 : vector<16xf32>
          %add3A_709 = arith.addf %mul3A_699, %mul3A_708 : vector<16xf32>
          %get3A_710 = arith.index_cast %add3A_677 : i32 to index
          %get3A_711 = arith.constant 0 : index
          %get3A_712 = tpu.vector_load %arg14[%get3A_710, %get3A_711] {strides = array<i32>} : memref<56x128xi32, #tpu.memory_space<vmem>>, vector<16xi32>,
          %bitcast3A_713 = vector.bitcast %get3A_712 : vector<16xi32> to vector<32xbf16>
          %unpack3A_714 = tpu.unpack_subelements %bitcast3A_713, 0 {pack_format = #tpu.pack_format<interleaved>} : vector<32xbf16> -> vector<16xf32>
          %unpack3A_715 = tpu.unpack_subelements %bitcast3A_713, 1 {pack_format = #tpu.pack_format<interleaved>} : vector<32xbf16> -> vector<16xf32>
          %mul3A_716 = arith.mulf %unpack3A_714, %gather3A_618 : vector<16xf32>
          %add3A_717 = arith.addf %add3A_707, %mul3A_716 : vector<16xf32>
          %mul3A_718 = arith.mulf %unpack3A_715, %gather3A_618 : vector<16xf32>
          %add3A_719 = arith.addf %add3A_709, %mul3A_718 : vector<16xf32>
          %get3A_720 = arith.index_cast %add3A_679 : i32 to index
          %get3A_721 = arith.constant 0 : index
          %get3A_722 = tpu.vector_load %arg14[%get3A_720, %get3A_721] {strides = array<i32>} : memref<56x128xi32, #tpu.memory_space<vmem>>, vector<16xi32>,
          %bitcast3A_723 = vector.bitcast %get3A_722 : vector<16xi32> to vector<32xbf16>
          %unpack3A_724 = tpu.unpack_subelements %bitcast3A_723, 0 {pack_format = #tpu.pack_format<interleaved>} : vector<32xbf16> -> vector<16xf32>
          %unpack3A_725 = tpu.unpack_subelements %bitcast3A_723, 1 {pack_format = #tpu.pack_format<interleaved>} : vector<32xbf16> -> vector<16xf32>
          %mul3A_726 = arith.mulf %unpack3A_724, %gather3A_629 : vector<16xf32>
          %add3A_727 = arith.addf %add3A_717, %mul3A_726 : vector<16xf32>
          %mul3A_728 = arith.mulf %unpack3A_725, %gather3A_629 : vector<16xf32>
          %add3A_729 = arith.addf %add3A_719, %mul3A_728 : vector<16xf32>
          %get3A_730 = arith.index_cast %add3A_569 : i32 to index
          %get3A_731 = arith.constant 0 : index
          %get3A_732 = tpu.vector_load %arg14[%get3A_730, %get3A_731] {strides = array<i32>} : memref<56x128xi32, #tpu.memory_space<vmem>>, vector<16xi32>,
          %bitcast3A_733 = vector.bitcast %get3A_732 : vector<16xi32> to vector<32xbf16>
          %unpack3A_734 = tpu.unpack_subelements %bitcast3A_733, 0 {pack_format = #tpu.pack_format<interleaved>} : vector<32xbf16> -> vector<16xf32>
          %unpack3A_735 = tpu.unpack_subelements %bitcast3A_733, 1 {pack_format = #tpu.pack_format<interleaved>} : vector<32xbf16> -> vector<16xf32>
          %mul3A_736 = arith.mulf %unpack3A_734, %gather3A_640 : vector<16xf32>
          %add3A_737 = arith.addf %add3A_727, %mul3A_736 : vector<16xf32>
          %mul3A_738 = arith.mulf %unpack3A_735, %gather3A_640 : vector<16xf32>
          %add3A_739 = arith.addf %add3A_729, %mul3A_738 : vector<16xf32>
          %get3A_740 = arith.index_cast %add3A_681 : i32 to index
          %get3A_741 = arith.constant 0 : index
          %get3A_742 = tpu.vector_load %arg14[%get3A_740, %get3A_741] {strides = array<i32>} : memref<56x128xi32, #tpu.memory_space<vmem>>, vector<16xi32>,
          %bitcast3A_743 = vector.bitcast %get3A_742 : vector<16xi32> to vector<32xbf16>
          %unpack3A_744 = tpu.unpack_subelements %bitcast3A_743, 0 {pack_format = #tpu.pack_format<interleaved>} : vector<32xbf16> -> vector<16xf32>
          %unpack3A_745 = tpu.unpack_subelements %bitcast3A_743, 1 {pack_format = #tpu.pack_format<interleaved>} : vector<32xbf16> -> vector<16xf32>
          %mul3A_746 = arith.mulf %unpack3A_744, %gather3A_651 : vector<16xf32>
          %add3A_747 = arith.addf %add3A_737, %mul3A_746 : vector<16xf32>
          %mul3A_748 = arith.mulf %unpack3A_745, %gather3A_651 : vector<16xf32>
          %add3A_749 = arith.addf %add3A_739, %mul3A_748 : vector<16xf32>
          %get3A_750 = arith.index_cast %add3A_683 : i32 to index
          %get3A_751 = arith.constant 0 : index
          %get3A_752 = tpu.vector_load %arg14[%get3A_750, %get3A_751] {strides = array<i32>} : memref<56x128xi32, #tpu.memory_space<vmem>>, vector<16xi32>,
          %bitcast3A_753 = vector.bitcast %get3A_752 : vector<16xi32> to vector<32xbf16>
          %unpack3A_754 = tpu.unpack_subelements %bitcast3A_753, 0 {pack_format = #tpu.pack_format<interleaved>} : vector<32xbf16> -> vector<16xf32>
          %unpack3A_755 = tpu.unpack_subelements %bitcast3A_753, 1 {pack_format = #tpu.pack_format<interleaved>} : vector<32xbf16> -> vector<16xf32>
          %mul3A_756 = arith.mulf %unpack3A_754, %gather3A_662 : vector<16xf32>
          %add3A_757 = arith.addf %add3A_747, %mul3A_756 : vector<16xf32>
          %mul3A_758 = arith.mulf %unpack3A_755, %gather3A_662 : vector<16xf32>
          %add3A_759 = arith.addf %add3A_749, %mul3A_758 : vector<16xf32>
          %get3A_760 = arith.index_cast %add3A_685 : i32 to index
          %get3A_761 = arith.constant 0 : index
          %get3A_762 = tpu.vector_load %arg14[%get3A_760, %get3A_761] {strides = array<i32>} : memref<56x128xi32, #tpu.memory_space<vmem>>, vector<16xi32>,
          %bitcast3A_763 = vector.bitcast %get3A_762 : vector<16xi32> to vector<32xbf16>
          %unpack3A_764 = tpu.unpack_subelements %bitcast3A_763, 0 {pack_format = #tpu.pack_format<interleaved>} : vector<32xbf16> -> vector<16xf32>
          %unpack3A_765 = tpu.unpack_subelements %bitcast3A_763, 1 {pack_format = #tpu.pack_format<interleaved>} : vector<32xbf16> -> vector<16xf32>
          %mul3A_766 = arith.mulf %unpack3A_764, %gather3A_673 : vector<16xf32>
          %add3A_767 = arith.addf %add3A_757, %mul3A_766 : vector<16xf32>
          %mul3A_768 = arith.mulf %unpack3A_765, %gather3A_673 : vector<16xf32>
          %add3A_769 = arith.addf %add3A_759, %mul3A_768 : vector<16xf32>
          %add3A_770 = arith.addi %mul3A_471, %scan3A_564 : i32
          %swap3A_771 = arith.index_cast %add3A_770 : i32 to index
          %swap3A_772 = arith.constant 0 : index
          %swap3A_773 = tpu.vector_load %arg16[%swap3A_771, %swap3A_772] {strides = array<i32>} : memref<49x256xf32, #tpu.memory_space<vmem>>, vector<16xf32>,
          tpu.vector_store %arg16[%swap3A_771, %swap3A_772], %add3A_767 {strides = array<i32>} : memref<49x256xf32, #tpu.memory_space<vmem>>, vector<16xf32>,
          %add3A_774 = arith.addi %mul3A_471, %scan3A_564 : i32
          %swap3A_775 = arith.index_cast %add3A_774 : i32 to index
          %swap3A_776 = arith.constant 16 : index
          %swap3A_777 = tpu.vector_load %arg16[%swap3A_775, %swap3A_776] {strides = array<i32>} : memref<49x256xf32, #tpu.memory_space<vmem>>, vector<16xf32>,
          tpu.vector_store %arg16[%swap3A_775, %swap3A_776], %add3A_769 {strides = array<i32>} : memref<49x256xf32, #tpu.memory_space<vmem>>, vector<16xf32>,
          %get3A_778 = arith.index_cast %mul3A_567 : i32 to index
          %get3A_779 = arith.constant 16 : index
          %get3A_780 = tpu.vector_load %arg14[%get3A_778, %get3A_779] {strides = array<i32>} : memref<56x128xi32, #tpu.memory_space<vmem>>, vector<16xi32>,
          %bitcast3A_781 = vector.bitcast %get3A_780 : vector<16xi32> to vector<32xbf16>
          %unpack3A_782 = tpu.unpack_subelements %bitcast3A_781, 0 {pack_format = #tpu.pack_format<interleaved>} : vector<32xbf16> -> vector<16xf32>
          %unpack3A_783 = tpu.unpack_subelements %bitcast3A_781, 1 {pack_format = #tpu.pack_format<interleaved>} : vector<32xbf16> -> vector<16xf32>
          %mul3A_784 = arith.mulf %unpack3A_782, %gather3A_596 : vector<16xf32>
          %mul3A_785 = arith.mulf %unpack3A_783, %gather3A_596 : vector<16xf32>
          %get3A_786 = arith.index_cast %add3A_675 : i32 to index
          %get3A_787 = arith.constant 16 : index
          %get3A_788 = tpu.vector_load %arg14[%get3A_786, %get3A_787] {strides = array<i32>} : memref<56x128xi32, #tpu.memory_space<vmem>>, vector<16xi32>,
          %bitcast3A_789 = vector.bitcast %get3A_788 : vector<16xi32> to vector<32xbf16>
          %unpack3A_790 = tpu.unpack_subelements %bitcast3A_789, 0 {pack_format = #tpu.pack_format<interleaved>} : vector<32xbf16> -> vector<16xf32>
          %unpack3A_791 = tpu.unpack_subelements %bitcast3A_789, 1 {pack_format = #tpu.pack_format<interleaved>} : vector<32xbf16> -> vector<16xf32>
          %mul3A_792 = arith.mulf %unpack3A_790, %gather3A_607 : vector<16xf32>
          %add3A_793 = arith.addf %mul3A_784, %mul3A_792 : vector<16xf32>
          %mul3A_794 = arith.mulf %unpack3A_791, %gather3A_607 : vector<16xf32>
          %add3A_795 = arith.addf %mul3A_785, %mul3A_794 : vector<16xf32>
          %get3A_796 = arith.index_cast %add3A_677 : i32 to index
          %get3A_797 = arith.constant 16 : index
          %get3A_798 = tpu.vector_load %arg14[%get3A_796, %get3A_797] {strides = array<i32>} : memref<56x128xi32, #tpu.memory_space<vmem>>, vector<16xi32>,
          %bitcast3A_799 = vector.bitcast %get3A_798 : vector<16xi32> to vector<32xbf16>
          %unpack3A_800 = tpu.unpack_subelements %bitcast3A_799, 0 {pack_format = #tpu.pack_format<interleaved>} : vector<32xbf16> -> vector<16xf32>
          %unpack3A_801 = tpu.unpack_subelements %bitcast3A_799, 1 {pack_format = #tpu.pack_format<interleaved>} : vector<32xbf16> -> vector<16xf32>
          %mul3A_802 = arith.mulf %unpack3A_800, %gather3A_618 : vector<16xf32>
          %add3A_803 = arith.addf %add3A_793, %mul3A_802 : vector<16xf32>
          %mul3A_804 = arith.mulf %unpack3A_801, %gather3A_618 : vector<16xf32>
          %add3A_805 = arith.addf %add3A_795, %mul3A_804 : vector<16xf32>
          %get3A_806 = arith.index_cast %add3A_679 : i32 to index
          %get3A_807 = arith.constant 16 : index
          %get3A_808 = tpu.vector_load %arg14[%get3A_806, %get3A_807] {strides = array<i32>} : memref<56x128xi32, #tpu.memory_space<vmem>>, vector<16xi32>,
          %bitcast3A_809 = vector.bitcast %get3A_808 : vector<16xi32> to vector<32xbf16>
          %unpack3A_810 = tpu.unpack_subelements %bitcast3A_809, 0 {pack_format = #tpu.pack_format<interleaved>} : vector<32xbf16> -> vector<16xf32>
          %unpack3A_811 = tpu.unpack_subelements %bitcast3A_809, 1 {pack_format = #tpu.pack_format<interleaved>} : vector<32xbf16> -> vector<16xf32>
          %mul3A_812 = arith.mulf %unpack3A_810, %gather3A_629 : vector<16xf32>
          %add3A_813 = arith.addf %add3A_803, %mul3A_812 : vector<16xf32>
          %mul3A_814 = arith.mulf %unpack3A_811, %gather3A_629 : vector<16xf32>
          %add3A_815 = arith.addf %add3A_805, %mul3A_814 : vector<16xf32>
          %get3A_816 = arith.index_cast %add3A_569 : i32 to index
          %get3A_817 = arith.constant 16 : index
          %get3A_818 = tpu.vector_load %arg14[%get3A_816, %get3A_817] {strides = array<i32>} : memref<56x128xi32, #tpu.memory_space<vmem>>, vector<16xi32>,
          %bitcast3A_819 = vector.bitcast %get3A_818 : vector<16xi32> to vector<32xbf16>
          %unpack3A_820 = tpu.unpack_subelements %bitcast3A_819, 0 {pack_format = #tpu.pack_format<interleaved>} : vector<32xbf16> -> vector<16xf32>
          %unpack3A_821 = tpu.unpack_subelements %bitcast3A_819, 1 {pack_format = #tpu.pack_format<interleaved>} : vector<32xbf16> -> vector<16xf32>
          %mul3A_822 = arith.mulf %unpack3A_820, %gather3A_640 : vector<16xf32>
          %add3A_823 = arith.addf %add3A_813, %mul3A_822 : vector<16xf32>
          %mul3A_824 = arith.mulf %unpack3A_821, %gather3A_640 : vector<16xf32>
          %add3A_825 = arith.addf %add3A_815, %mul3A_824 : vector<16xf32>
          %get3A_826 = arith.index_cast %add3A_681 : i32 to index
          %get3A_827 = arith.constant 16 : index
          %get3A_828 = tpu.vector_load %arg14[%get3A_826, %get3A_827] {strides = array<i32>} : memref<56x128xi32, #tpu.memory_space<vmem>>, vector<16xi32>,
          %bitcast3A_829 = vector.bitcast %get3A_828 : vector<16xi32> to vector<32xbf16>
          %unpack3A_830 = tpu.unpack_subelements %bitcast3A_829, 0 {pack_format = #tpu.pack_format<interleaved>} : vector<32xbf16> -> vector<16xf32>
          %unpack3A_831 = tpu.unpack_subelements %bitcast3A_829, 1 {pack_format = #tpu.pack_format<interleaved>} : vector<32xbf16> -> vector<16xf32>
          %mul3A_832 = arith.mulf %unpack3A_830, %gather3A_651 : vector<16xf32>
          %add3A_833 = arith.addf %add3A_823, %mul3A_832 : vector<16xf32>
          %mul3A_834 = arith.mulf %unpack3A_831, %gather3A_651 : vector<16xf32>
          %add3A_835 = arith.addf %add3A_825, %mul3A_834 : vector<16xf32>
          %get3A_836 = arith.index_cast %add3A_683 : i32 to index
          %get3A_837 = arith.constant 16 : index
          %get3A_838 = tpu.vector_load %arg14[%get3A_836, %get3A_837] {strides = array<i32>} : memref<56x128xi32, #tpu.memory_space<vmem>>, vector<16xi32>,
          %bitcast3A_839 = vector.bitcast %get3A_838 : vector<16xi32> to vector<32xbf16>
          %unpack3A_840 = tpu.unpack_subelements %bitcast3A_839, 0 {pack_format = #tpu.pack_format<interleaved>} : vector<32xbf16> -> vector<16xf32>
          %unpack3A_841 = tpu.unpack_subelements %bitcast3A_839, 1 {pack_format = #tpu.pack_format<interleaved>} : vector<32xbf16> -> vector<16xf32>
          %mul3A_842 = arith.mulf %unpack3A_840, %gather3A_662 : vector<16xf32>
          %add3A_843 = arith.addf %add3A_833, %mul3A_842 : vector<16xf32>
          %mul3A_844 = arith.mulf %unpack3A_841, %gather3A_662 : vector<16xf32>
          %add3A_845 = arith.addf %add3A_835, %mul3A_844 : vector<16xf32>
          %get3A_846 = arith.index_cast %add3A_685 : i32 to index
          %get3A_847 = arith.constant 16 : index
          %get3A_848 = tpu.vector_load %arg14[%get3A_846, %get3A_847] {strides = array<i32>} : memref<56x128xi32, #tpu.memory_space<vmem>>, vector<16xi32>,
          %bitcast3A_849 = vector.bitcast %get3A_848 : vector<16xi32> to vector<32xbf16>
          %unpack3A_850 = tpu.unpack_subelements %bitcast3A_849, 0 {pack_format = #tpu.pack_format<interleaved>} : vector<32xbf16> -> vector<16xf32>
          %unpack3A_851 = tpu.unpack_subelements %bitcast3A_849, 1 {pack_format = #tpu.pack_format<interleaved>} : vector<32xbf16> -> vector<16xf32>
          %mul3A_852 = arith.mulf %unpack3A_850, %gather3A_673 : vector<16xf32>
          %add3A_853 = arith.addf %add3A_843, %mul3A_852 : vector<16xf32>
          %mul3A_854 = arith.mulf %unpack3A_851, %gather3A_673 : vector<16xf32>
          %add3A_855 = arith.addf %add3A_845, %mul3A_854 : vector<16xf32>
          %add3A_856 = arith.addi %mul3A_471, %scan3A_564 : i32
          %swap3A_857 = arith.index_cast %add3A_856 : i32 to index
          %swap3A_858 = arith.constant 32 : index
          %swap3A_859 = tpu.vector_load %arg16[%swap3A_857, %swap3A_858] {strides = array<i32>} : memref<49x256xf32, #tpu.memory_space<vmem>>, vector<16xf32>,
          tpu.vector_store %arg16[%swap3A_857, %swap3A_858], %add3A_853 {strides = array<i32>} : memref<49x256xf32, #tpu.memory_space<vmem>>, vector<16xf32>,
          %add3A_860 = arith.addi %mul3A_471, %scan3A_564 : i32
          %swap3A_861 = arith.index_cast %add3A_860 : i32 to index
          %swap3A_862 = arith.constant 48 : index
          %swap3A_863 = tpu.vector_load %arg16[%swap3A_861, %swap3A_862] {strides = array<i32>} : memref<49x256xf32, #tpu.memory_space<vmem>>, vector<16xf32>,
          tpu.vector_store %arg16[%swap3A_861, %swap3A_862], %add3A_855 {strides = array<i32>} : memref<49x256xf32, #tpu.memory_space<vmem>>, vector<16xf32>,
          %get3A_864 = arith.index_cast %mul3A_567 : i32 to index
          %get3A_865 = arith.constant 32 : index
          %get3A_866 = tpu.vector_load %arg14[%get3A_864, %get3A_865] {strides = array<i32>} : memref<56x128xi32, #tpu.memory_space<vmem>>, vector<16xi32>,
          %bitcast3A_867 = vector.bitcast %get3A_866 : vector<16xi32> to vector<32xbf16>
          %unpack3A_868 = tpu.unpack_subelements %bitcast3A_867, 0 {pack_format = #tpu.pack_format<interleaved>} : vector<32xbf16> -> vector<16xf32>
          %unpack3A_869 = tpu.unpack_subelements %bitcast3A_867, 1 {pack_format = #tpu.pack_format<interleaved>} : vector<32xbf16> -> vector<16xf32>
          %mul3A_870 = arith.mulf %unpack3A_868, %gather3A_596 : vector<16xf32>
          %mul3A_871 = arith.mulf %unpack3A_869, %gather3A_596 : vector<16xf32>
          %get3A_872 = arith.index_cast %add3A_675 : i32 to index
          %get3A_873 = arith.constant 32 : index
          %get3A_874 = tpu.vector_load %arg14[%get3A_872, %get3A_873] {strides = array<i32>} : memref<56x128xi32, #tpu.memory_space<vmem>>, vector<16xi32>,
          %bitcast3A_875 = vector.bitcast %get3A_874 : vector<16xi32> to vector<32xbf16>
          %unpack3A_876 = tpu.unpack_subelements %bitcast3A_875, 0 {pack_format = #tpu.pack_format<interleaved>} : vector<32xbf16> -> vector<16xf32>
          %unpack3A_877 = tpu.unpack_subelements %bitcast3A_875, 1 {pack_format = #tpu.pack_format<interleaved>} : vector<32xbf16> -> vector<16xf32>
          %mul3A_878 = arith.mulf %unpack3A_876, %gather3A_607 : vector<16xf32>
          %add3A_879 = arith.addf %mul3A_870, %mul3A_878 : vector<16xf32>
          %mul3A_880 = arith.mulf %unpack3A_877, %gather3A_607 : vector<16xf32>
          %add3A_881 = arith.addf %mul3A_871, %mul3A_880 : vector<16xf32>
          %get3A_882 = arith.index_cast %add3A_677 : i32 to index
          %get3A_883 = arith.constant 32 : index
          %get3A_884 = tpu.vector_load %arg14[%get3A_882, %get3A_883] {strides = array<i32>} : memref<56x128xi32, #tpu.memory_space<vmem>>, vector<16xi32>,
          %bitcast3A_885 = vector.bitcast %get3A_884 : vector<16xi32> to vector<32xbf16>
          %unpack3A_886 = tpu.unpack_subelements %bitcast3A_885, 0 {pack_format = #tpu.pack_format<interleaved>} : vector<32xbf16> -> vector<16xf32>
          %unpack3A_887 = tpu.unpack_subelements %bitcast3A_885, 1 {pack_format = #tpu.pack_format<interleaved>} : vector<32xbf16> -> vector<16xf32>
          %mul3A_888 = arith.mulf %unpack3A_886, %gather3A_618 : vector<16xf32>
          %add3A_889 = arith.addf %add3A_879, %mul3A_888 : vector<16xf32>
          %mul3A_890 = arith.mulf %unpack3A_887, %gather3A_618 : vector<16xf32>
          %add3A_891 = arith.addf %add3A_881, %mul3A_890 : vector<16xf32>
          %get3A_892 = arith.index_cast %add3A_679 : i32 to index
          %get3A_893 = arith.constant 32 : index
          %get3A_894 = tpu.vector_load %arg14[%get3A_892, %get3A_893] {strides = array<i32>} : memref<56x128xi32, #tpu.memory_space<vmem>>, vector<16xi32>,
          %bitcast3A_895 = vector.bitcast %get3A_894 : vector<16xi32> to vector<32xbf16>
          %unpack3A_896 = tpu.unpack_subelements %bitcast3A_895, 0 {pack_format = #tpu.pack_format<interleaved>} : vector<32xbf16> -> vector<16xf32>
          %unpack3A_897 = tpu.unpack_subelements %bitcast3A_895, 1 {pack_format = #tpu.pack_format<interleaved>} : vector<32xbf16> -> vector<16xf32>
          %mul3A_898 = arith.mulf %unpack3A_896, %gather3A_629 : vector<16xf32>
          %add3A_899 = arith.addf %add3A_889, %mul3A_898 : vector<16xf32>
          %mul3A_900 = arith.mulf %unpack3A_897, %gather3A_629 : vector<16xf32>
          %add3A_901 = arith.addf %add3A_891, %mul3A_900 : vector<16xf32>
          %get3A_902 = arith.index_cast %add3A_569 : i32 to index
          %get3A_903 = arith.constant 32 : index
          %get3A_904 = tpu.vector_load %arg14[%get3A_902, %get3A_903] {strides = array<i32>} : memref<56x128xi32, #tpu.memory_space<vmem>>, vector<16xi32>,
          %bitcast3A_905 = vector.bitcast %get3A_904 : vector<16xi32> to vector<32xbf16>
          %unpack3A_906 = tpu.unpack_subelements %bitcast3A_905, 0 {pack_format = #tpu.pack_format<interleaved>} : vector<32xbf16> -> vector<16xf32>
          %unpack3A_907 = tpu.unpack_subelements %bitcast3A_905, 1 {pack_format = #tpu.pack_format<interleaved>} : vector<32xbf16> -> vector<16xf32>
          %mul3A_908 = arith.mulf %unpack3A_906, %gather3A_640 : vector<16xf32>
          %add3A_909 = arith.addf %add3A_899, %mul3A_908 : vector<16xf32>
          %mul3A_910 = arith.mulf %unpack3A_907, %gather3A_640 : vector<16xf32>
          %add3A_911 = arith.addf %add3A_901, %mul3A_910 : vector<16xf32>
          %get3A_912 = arith.index_cast %add3A_681 : i32 to index
          %get3A_913 = arith.constant 32 : index
          %get3A_914 = tpu.vector_load %arg14[%get3A_912, %get3A_913] {strides = array<i32>} : memref<56x128xi32, #tpu.memory_space<vmem>>, vector<16xi32>,
          %bitcast3A_915 = vector.bitcast %get3A_914 : vector<16xi32> to vector<32xbf16>
          %unpack3A_916 = tpu.unpack_subelements %bitcast3A_915, 0 {pack_format = #tpu.pack_format<interleaved>} : vector<32xbf16> -> vector<16xf32>
          %unpack3A_917 = tpu.unpack_subelements %bitcast3A_915, 1 {pack_format = #tpu.pack_format<interleaved>} : vector<32xbf16> -> vector<16xf32>
          %mul3A_918 = arith.mulf %unpack3A_916, %gather3A_651 : vector<16xf32>
          %add3A_919 = arith.addf %add3A_909, %mul3A_918 : vector<16xf32>
          %mul3A_920 = arith.mulf %unpack3A_917, %gather3A_651 : vector<16xf32>
          %add3A_921 = arith.addf %add3A_911, %mul3A_920 : vector<16xf32>
          %get3A_922 = arith.index_cast %add3A_683 : i32 to index
          %get3A_923 = arith.constant 32 : index
          %get3A_924 = tpu.vector_load %arg14[%get3A_922, %get3A_923] {strides = array<i32>} : memref<56x128xi32, #tpu.memory_space<vmem>>, vector<16xi32>,
          %bitcast3A_925 = vector.bitcast %get3A_924 : vector<16xi32> to vector<32xbf16>
          %unpack3A_926 = tpu.unpack_subelements %bitcast3A_925, 0 {pack_format = #tpu.pack_format<interleaved>} : vector<32xbf16> -> vector<16xf32>
          %unpack3A_927 = tpu.unpack_subelements %bitcast3A_925, 1 {pack_format = #tpu.pack_format<interleaved>} : vector<32xbf16> -> vector<16xf32>
          %mul3A_928 = arith.mulf %unpack3A_926, %gather3A_662 : vector<16xf32>
          %add3A_929 = arith.addf %add3A_919, %mul3A_928 : vector<16xf32>
          %mul3A_930 = arith.mulf %unpack3A_927, %gather3A_662 : vector<16xf32>
          %add3A_931 = arith.addf %add3A_921, %mul3A_930 : vector<16xf32>
          %get3A_932 = arith.index_cast %add3A_685 : i32 to index
          %get3A_933 = arith.constant 32 : index
          %get3A_934 = tpu.vector_load %arg14[%get3A_932, %get3A_933] {strides = array<i32>} : memref<56x128xi32, #tpu.memory_space<vmem>>, vector<16xi32>,
          %bitcast3A_935 = vector.bitcast %get3A_934 : vector<16xi32> to vector<32xbf16>
          %unpack3A_936 = tpu.unpack_subelements %bitcast3A_935, 0 {pack_format = #tpu.pack_format<interleaved>} : vector<32xbf16> -> vector<16xf32>
          %unpack3A_937 = tpu.unpack_subelements %bitcast3A_935, 1 {pack_format = #tpu.pack_format<interleaved>} : vector<32xbf16> -> vector<16xf32>
          %mul3A_938 = arith.mulf %unpack3A_936, %gather3A_673 : vector<16xf32>
          %add3A_939 = arith.addf %add3A_929, %mul3A_938 : vector<16xf32>
          %mul3A_940 = arith.mulf %unpack3A_937, %gather3A_673 : vector<16xf32>
          %add3A_941 = arith.addf %add3A_931, %mul3A_940 : vector<16xf32>
          %add3A_942 = arith.addi %mul3A_471, %scan3A_564 : i32
          %swap3A_943 = arith.index_cast %add3A_942 : i32 to index
          %swap3A_944 = arith.constant 64 : index
          %swap3A_945 = tpu.vector_load %arg16[%swap3A_943, %swap3A_944] {strides = array<i32>} : memref<49x256xf32, #tpu.memory_space<vmem>>, vector<16xf32>,
          tpu.vector_store %arg16[%swap3A_943, %swap3A_944], %add3A_939 {strides = array<i32>} : memref<49x256xf32, #tpu.memory_space<vmem>>, vector<16xf32>,
          %add3A_946 = arith.addi %mul3A_471, %scan3A_564 : i32
          %swap3A_947 = arith.index_cast %add3A_946 : i32 to index
          %swap3A_948 = arith.constant 80 : index
          %swap3A_949 = tpu.vector_load %arg16[%swap3A_947, %swap3A_948] {strides = array<i32>} : memref<49x256xf32, #tpu.memory_space<vmem>>, vector<16xf32>,
          tpu.vector_store %arg16[%swap3A_947, %swap3A_948], %add3A_941 {strides = array<i32>} : memref<49x256xf32, #tpu.memory_space<vmem>>, vector<16xf32>,
          %get3A_950 = arith.index_cast %mul3A_567 : i32 to index
          %get3A_951 = arith.constant 48 : index
          %get3A_952 = tpu.vector_load %arg14[%get3A_950, %get3A_951] {strides = array<i32>} : memref<56x128xi32, #tpu.memory_space<vmem>>, vector<16xi32>,
          %bitcast3A_953 = vector.bitcast %get3A_952 : vector<16xi32> to vector<32xbf16>
          %unpack3A_954 = tpu.unpack_subelements %bitcast3A_953, 0 {pack_format = #tpu.pack_format<interleaved>} : vector<32xbf16> -> vector<16xf32>
          %unpack3A_955 = tpu.unpack_subelements %bitcast3A_953, 1 {pack_format = #tpu.pack_format<interleaved>} : vector<32xbf16> -> vector<16xf32>
          %mul3A_956 = arith.mulf %unpack3A_954, %gather3A_596 : vector<16xf32>
          %mul3A_957 = arith.mulf %unpack3A_955, %gather3A_596 : vector<16xf32>
          %get3A_958 = arith.index_cast %add3A_675 : i32 to index
          %get3A_959 = arith.constant 48 : index
          %get3A_960 = tpu.vector_load %arg14[%get3A_958, %get3A_959] {strides = array<i32>} : memref<56x128xi32, #tpu.memory_space<vmem>>, vector<16xi32>,
          %bitcast3A_961 = vector.bitcast %get3A_960 : vector<16xi32> to vector<32xbf16>
          %unpack3A_962 = tpu.unpack_subelements %bitcast3A_961, 0 {pack_format = #tpu.pack_format<interleaved>} : vector<32xbf16> -> vector<16xf32>
          %unpack3A_963 = tpu.unpack_subelements %bitcast3A_961, 1 {pack_format = #tpu.pack_format<interleaved>} : vector<32xbf16> -> vector<16xf32>
          %mul3A_964 = arith.mulf %unpack3A_962, %gather3A_607 : vector<16xf32>
          %add3A_965 = arith.addf %mul3A_956, %mul3A_964 : vector<16xf32>
          %mul3A_966 = arith.mulf %unpack3A_963, %gather3A_607 : vector<16xf32>
          %add3A_967 = arith.addf %mul3A_957, %mul3A_966 : vector<16xf32>
          %get3A_968 = arith.index_cast %add3A_677 : i32 to index
          %get3A_969 = arith.constant 48 : index
          %get3A_970 = tpu.vector_load %arg14[%get3A_968, %get3A_969] {strides = array<i32>} : memref<56x128xi32, #tpu.memory_space<vmem>>, vector<16xi32>,
          %bitcast3A_971 = vector.bitcast %get3A_970 : vector<16xi32> to vector<32xbf16>
          %unpack3A_972 = tpu.unpack_subelements %bitcast3A_971, 0 {pack_format = #tpu.pack_format<interleaved>} : vector<32xbf16> -> vector<16xf32>
          %unpack3A_973 = tpu.unpack_subelements %bitcast3A_971, 1 {pack_format = #tpu.pack_format<interleaved>} : vector<32xbf16> -> vector<16xf32>
          %mul3A_974 = arith.mulf %unpack3A_972, %gather3A_618 : vector<16xf32>
          %add3A_975 = arith.addf %add3A_965, %mul3A_974 : vector<16xf32>
          %mul3A_976 = arith.mulf %unpack3A_973, %gather3A_618 : vector<16xf32>
          %add3A_977 = arith.addf %add3A_967, %mul3A_976 : vector<16xf32>
          %get3A_978 = arith.index_cast %add3A_679 : i32 to index
          %get3A_979 = arith.constant 48 : index
          %get3A_980 = tpu.vector_load %arg14[%get3A_978, %get3A_979] {strides = array<i32>} : memref<56x128xi32, #tpu.memory_space<vmem>>, vector<16xi32>,
          %bitcast3A_981 = vector.bitcast %get3A_980 : vector<16xi32> to vector<32xbf16>
          %unpack3A_982 = tpu.unpack_subelements %bitcast3A_981, 0 {pack_format = #tpu.pack_format<interleaved>} : vector<32xbf16> -> vector<16xf32>
          %unpack3A_983 = tpu.unpack_subelements %bitcast3A_981, 1 {pack_format = #tpu.pack_format<interleaved>} : vector<32xbf16> -> vector<16xf32>
          %mul3A_984 = arith.mulf %unpack3A_982, %gather3A_629 : vector<16xf32>
          %add3A_985 = arith.addf %add3A_975, %mul3A_984 : vector<16xf32>
          %mul3A_986 = arith.mulf %unpack3A_983, %gather3A_629 : vector<16xf32>
          %add3A_987 = arith.addf %add3A_977, %mul3A_986 : vector<16xf32>
          %get3A_988 = arith.index_cast %add3A_569 : i32 to index
          %get3A_989 = arith.constant 48 : index
          %get3A_990 = tpu.vector_load %arg14[%get3A_988, %get3A_989] {strides = array<i32>} : memref<56x128xi32, #tpu.memory_space<vmem>>, vector<16xi32>,
          %bitcast3A_991 = vector.bitcast %get3A_990 : vector<16xi32> to vector<32xbf16>
          %unpack3A_992 = tpu.unpack_subelements %bitcast3A_991, 0 {pack_format = #tpu.pack_format<interleaved>} : vector<32xbf16> -> vector<16xf32>
          %unpack3A_993 = tpu.unpack_subelements %bitcast3A_991, 1 {pack_format = #tpu.pack_format<interleaved>} : vector<32xbf16> -> vector<16xf32>
          %mul3A_994 = arith.mulf %unpack3A_992, %gather3A_640 : vector<16xf32>
          %add3A_995 = arith.addf %add3A_985, %mul3A_994 : vector<16xf32>
          %mul3A_996 = arith.mulf %unpack3A_993, %gather3A_640 : vector<16xf32>
          %add3A_997 = arith.addf %add3A_987, %mul3A_996 : vector<16xf32>
          %get3A_998 = arith.index_cast %add3A_681 : i32 to index
          %get3A_999 = arith.constant 48 : index
          %get3A_1000 = tpu.vector_load %arg14[%get3A_998, %get3A_999] {strides = array<i32>} : memref<56x128xi32, #tpu.memory_space<vmem>>, vector<16xi32>,
          %bitcast3A_1001 = vector.bitcast %get3A_1000 : vector<16xi32> to vector<32xbf16>
          %unpack3A_1002 = tpu.unpack_subelements %bitcast3A_1001, 0 {pack_format = #tpu.pack_format<interleaved>} : vector<32xbf16> -> vector<16xf32>
          %unpack3A_1003 = tpu.unpack_subelements %bitcast3A_1001, 1 {pack_format = #tpu.pack_format<interleaved>} : vector<32xbf16> -> vector<16xf32>
          %mul3A_1004 = arith.mulf %unpack3A_1002, %gather3A_651 : vector<16xf32>
          %add3A_1005 = arith.addf %add3A_995, %mul3A_1004 : vector<16xf32>
          %mul3A_1006 = arith.mulf %unpack3A_1003, %gather3A_651 : vector<16xf32>
          %add3A_1007 = arith.addf %add3A_997, %mul3A_1006 : vector<16xf32>
          %get3A_1008 = arith.index_cast %add3A_683 : i32 to index
          %get3A_1009 = arith.constant 48 : index
          %get3A_1010 = tpu.vector_load %arg14[%get3A_1008, %get3A_1009] {strides = array<i32>} : memref<56x128xi32, #tpu.memory_space<vmem>>, vector<16xi32>,
          %bitcast3A_1011 = vector.bitcast %get3A_1010 : vector<16xi32> to vector<32xbf16>
          %unpack3A_1012 = tpu.unpack_subelements %bitcast3A_1011, 0 {pack_format = #tpu.pack_format<interleaved>} : vector<32xbf16> -> vector<16xf32>
          %unpack3A_1013 = tpu.unpack_subelements %bitcast3A_1011, 1 {pack_format = #tpu.pack_format<interleaved>} : vector<32xbf16> -> vector<16xf32>
          %mul3A_1014 = arith.mulf %unpack3A_1012, %gather3A_662 : vector<16xf32>
          %add3A_1015 = arith.addf %add3A_1005, %mul3A_1014 : vector<16xf32>
          %mul3A_1016 = arith.mulf %unpack3A_1013, %gather3A_662 : vector<16xf32>
          %add3A_1017 = arith.addf %add3A_1007, %mul3A_1016 : vector<16xf32>
          %get3A_1018 = arith.index_cast %add3A_685 : i32 to index
          %get3A_1019 = arith.constant 48 : index
          %get3A_1020 = tpu.vector_load %arg14[%get3A_1018, %get3A_1019] {strides = array<i32>} : memref<56x128xi32, #tpu.memory_space<vmem>>, vector<16xi32>,
          %bitcast3A_1021 = vector.bitcast %get3A_1020 : vector<16xi32> to vector<32xbf16>
          %unpack3A_1022 = tpu.unpack_subelements %bitcast3A_1021, 0 {pack_format = #tpu.pack_format<interleaved>} : vector<32xbf16> -> vector<16xf32>
          %unpack3A_1023 = tpu.unpack_subelements %bitcast3A_1021, 1 {pack_format = #tpu.pack_format<interleaved>} : vector<32xbf16> -> vector<16xf32>
          %mul3A_1024 = arith.mulf %unpack3A_1022, %gather3A_673 : vector<16xf32>
          %add3A_1025 = arith.addf %add3A_1015, %mul3A_1024 : vector<16xf32>
          %mul3A_1026 = arith.mulf %unpack3A_1023, %gather3A_673 : vector<16xf32>
          %add3A_1027 = arith.addf %add3A_1017, %mul3A_1026 : vector<16xf32>
          %add3A_1028 = arith.addi %mul3A_471, %scan3A_564 : i32
          %swap3A_1029 = arith.index_cast %add3A_1028 : i32 to index
          %swap3A_1030 = arith.constant 96 : index
          %swap3A_1031 = tpu.vector_load %arg16[%swap3A_1029, %swap3A_1030] {strides = array<i32>} : memref<49x256xf32, #tpu.memory_space<vmem>>, vector<16xf32>,
          tpu.vector_store %arg16[%swap3A_1029, %swap3A_1030], %add3A_1025 {strides = array<i32>} : memref<49x256xf32, #tpu.memory_space<vmem>>, vector<16xf32>,
          %add3A_1032 = arith.addi %mul3A_471, %scan3A_564 : i32
          %swap3A_1033 = arith.index_cast %add3A_1032 : i32 to index
          %swap3A_1034 = arith.constant 112 : index
          %swap3A_1035 = tpu.vector_load %arg16[%swap3A_1033, %swap3A_1034] {strides = array<i32>} : memref<49x256xf32, #tpu.memory_space<vmem>>, vector<16xf32>,
          tpu.vector_store %arg16[%swap3A_1033, %swap3A_1034], %add3A_1027 {strides = array<i32>} : memref<49x256xf32, #tpu.memory_space<vmem>>, vector<16xf32>,
          %get3A_1036 = arith.index_cast %mul3A_567 : i32 to index
          %get3A_1037 = arith.constant 64 : index
          %get3A_1038 = tpu.vector_load %arg14[%get3A_1036, %get3A_1037] {strides = array<i32>} : memref<56x128xi32, #tpu.memory_space<vmem>>, vector<16xi32>,
          %bitcast3A_1039 = vector.bitcast %get3A_1038 : vector<16xi32> to vector<32xbf16>
          %unpack3A_1040 = tpu.unpack_subelements %bitcast3A_1039, 0 {pack_format = #tpu.pack_format<interleaved>} : vector<32xbf16> -> vector<16xf32>
          %unpack3A_1041 = tpu.unpack_subelements %bitcast3A_1039, 1 {pack_format = #tpu.pack_format<interleaved>} : vector<32xbf16> -> vector<16xf32>
          %mul3A_1042 = arith.mulf %unpack3A_1040, %gather3A_596 : vector<16xf32>
          %mul3A_1043 = arith.mulf %unpack3A_1041, %gather3A_596 : vector<16xf32>
          %get3A_1044 = arith.index_cast %add3A_675 : i32 to index
          %get3A_1045 = arith.constant 64 : index
          %get3A_1046 = tpu.vector_load %arg14[%get3A_1044, %get3A_1045] {strides = array<i32>} : memref<56x128xi32, #tpu.memory_space<vmem>>, vector<16xi32>,
          %bitcast3A_1047 = vector.bitcast %get3A_1046 : vector<16xi32> to vector<32xbf16>
          %unpack3A_1048 = tpu.unpack_subelements %bitcast3A_1047, 0 {pack_format = #tpu.pack_format<interleaved>} : vector<32xbf16> -> vector<16xf32>
          %unpack3A_1049 = tpu.unpack_subelements %bitcast3A_1047, 1 {pack_format = #tpu.pack_format<interleaved>} : vector<32xbf16> -> vector<16xf32>
          %mul3A_1050 = arith.mulf %unpack3A_1048, %gather3A_607 : vector<16xf32>
          %add3A_1051 = arith.addf %mul3A_1042, %mul3A_1050 : vector<16xf32>
          %mul3A_1052 = arith.mulf %unpack3A_1049, %gather3A_607 : vector<16xf32>
          %add3A_1053 = arith.addf %mul3A_1043, %mul3A_1052 : vector<16xf32>
          %get3A_1054 = arith.index_cast %add3A_677 : i32 to index
          %get3A_1055 = arith.constant 64 : index
          %get3A_1056 = tpu.vector_load %arg14[%get3A_1054, %get3A_1055] {strides = array<i32>} : memref<56x128xi32, #tpu.memory_space<vmem>>, vector<16xi32>,
          %bitcast3A_1057 = vector.bitcast %get3A_1056 : vector<16xi32> to vector<32xbf16>
          %unpack3A_1058 = tpu.unpack_subelements %bitcast3A_1057, 0 {pack_format = #tpu.pack_format<interleaved>} : vector<32xbf16> -> vector<16xf32>
          %unpack3A_1059 = tpu.unpack_subelements %bitcast3A_1057, 1 {pack_format = #tpu.pack_format<interleaved>} : vector<32xbf16> -> vector<16xf32>
          %mul3A_1060 = arith.mulf %unpack3A_1058, %gather3A_618 : vector<16xf32>
          %add3A_1061 = arith.addf %add3A_1051, %mul3A_1060 : vector<16xf32>
          %mul3A_1062 = arith.mulf %unpack3A_1059, %gather3A_618 : vector<16xf32>
          %add3A_1063 = arith.addf %add3A_1053, %mul3A_1062 : vector<16xf32>
          %get3A_1064 = arith.index_cast %add3A_679 : i32 to index
          %get3A_1065 = arith.constant 64 : index
          %get3A_1066 = tpu.vector_load %arg14[%get3A_1064, %get3A_1065] {strides = array<i32>} : memref<56x128xi32, #tpu.memory_space<vmem>>, vector<16xi32>,
          %bitcast3A_1067 = vector.bitcast %get3A_1066 : vector<16xi32> to vector<32xbf16>
          %unpack3A_1068 = tpu.unpack_subelements %bitcast3A_1067, 0 {pack_format = #tpu.pack_format<interleaved>} : vector<32xbf16> -> vector<16xf32>
          %unpack3A_1069 = tpu.unpack_subelements %bitcast3A_1067, 1 {pack_format = #tpu.pack_format<interleaved>} : vector<32xbf16> -> vector<16xf32>
          %mul3A_1070 = arith.mulf %unpack3A_1068, %gather3A_629 : vector<16xf32>
          %add3A_1071 = arith.addf %add3A_1061, %mul3A_1070 : vector<16xf32>
          %mul3A_1072 = arith.mulf %unpack3A_1069, %gather3A_629 : vector<16xf32>
          %add3A_1073 = arith.addf %add3A_1063, %mul3A_1072 : vector<16xf32>
          %get3A_1074 = arith.index_cast %add3A_569 : i32 to index
          %get3A_1075 = arith.constant 64 : index
          %get3A_1076 = tpu.vector_load %arg14[%get3A_1074, %get3A_1075] {strides = array<i32>} : memref<56x128xi32, #tpu.memory_space<vmem>>, vector<16xi32>,
          %bitcast3A_1077 = vector.bitcast %get3A_1076 : vector<16xi32> to vector<32xbf16>
          %unpack3A_1078 = tpu.unpack_subelements %bitcast3A_1077, 0 {pack_format = #tpu.pack_format<interleaved>} : vector<32xbf16> -> vector<16xf32>
          %unpack3A_1079 = tpu.unpack_subelements %bitcast3A_1077, 1 {pack_format = #tpu.pack_format<interleaved>} : vector<32xbf16> -> vector<16xf32>
          %mul3A_1080 = arith.mulf %unpack3A_1078, %gather3A_640 : vector<16xf32>
          %add3A_1081 = arith.addf %add3A_1071, %mul3A_1080 : vector<16xf32>
          %mul3A_1082 = arith.mulf %unpack3A_1079, %gather3A_640 : vector<16xf32>
          %add3A_1083 = arith.addf %add3A_1073, %mul3A_1082 : vector<16xf32>
          %get3A_1084 = arith.index_cast %add3A_681 : i32 to index
          %get3A_1085 = arith.constant 64 : index
          %get3A_1086 = tpu.vector_load %arg14[%get3A_1084, %get3A_1085] {strides = array<i32>} : memref<56x128xi32, #tpu.memory_space<vmem>>, vector<16xi32>,
          %bitcast3A_1087 = vector.bitcast %get3A_1086 : vector<16xi32> to vector<32xbf16>
          %unpack3A_1088 = tpu.unpack_subelements %bitcast3A_1087, 0 {pack_format = #tpu.pack_format<interleaved>} : vector<32xbf16> -> vector<16xf32>
          %unpack3A_1089 = tpu.unpack_subelements %bitcast3A_1087, 1 {pack_format = #tpu.pack_format<interleaved>} : vector<32xbf16> -> vector<16xf32>
          %mul3A_1090 = arith.mulf %unpack3A_1088, %gather3A_651 : vector<16xf32>
          %add3A_1091 = arith.addf %add3A_1081, %mul3A_1090 : vector<16xf32>
          %mul3A_1092 = arith.mulf %unpack3A_1089, %gather3A_651 : vector<16xf32>
          %add3A_1093 = arith.addf %add3A_1083, %mul3A_1092 : vector<16xf32>
          %get3A_1094 = arith.index_cast %add3A_683 : i32 to index
          %get3A_1095 = arith.constant 64 : index
          %get3A_1096 = tpu.vector_load %arg14[%get3A_1094, %get3A_1095] {strides = array<i32>} : memref<56x128xi32, #tpu.memory_space<vmem>>, vector<16xi32>,
          %bitcast3A_1097 = vector.bitcast %get3A_1096 : vector<16xi32> to vector<32xbf16>
          %unpack3A_1098 = tpu.unpack_subelements %bitcast3A_1097, 0 {pack_format = #tpu.pack_format<interleaved>} : vector<32xbf16> -> vector<16xf32>
          %unpack3A_1099 = tpu.unpack_subelements %bitcast3A_1097, 1 {pack_format = #tpu.pack_format<interleaved>} : vector<32xbf16> -> vector<16xf32>
          %mul3A_1100 = arith.mulf %unpack3A_1098, %gather3A_662 : vector<16xf32>
          %add3A_1101 = arith.addf %add3A_1091, %mul3A_1100 : vector<16xf32>
          %mul3A_1102 = arith.mulf %unpack3A_1099, %gather3A_662 : vector<16xf32>
          %add3A_1103 = arith.addf %add3A_1093, %mul3A_1102 : vector<16xf32>
          %get3A_1104 = arith.index_cast %add3A_685 : i32 to index
          %get3A_1105 = arith.constant 64 : index
          %get3A_1106 = tpu.vector_load %arg14[%get3A_1104, %get3A_1105] {strides = array<i32>} : memref<56x128xi32, #tpu.memory_space<vmem>>, vector<16xi32>,
          %bitcast3A_1107 = vector.bitcast %get3A_1106 : vector<16xi32> to vector<32xbf16>
          %unpack3A_1108 = tpu.unpack_subelements %bitcast3A_1107, 0 {pack_format = #tpu.pack_format<interleaved>} : vector<32xbf16> -> vector<16xf32>
          %unpack3A_1109 = tpu.unpack_subelements %bitcast3A_1107, 1 {pack_format = #tpu.pack_format<interleaved>} : vector<32xbf16> -> vector<16xf32>
          %mul3A_1110 = arith.mulf %unpack3A_1108, %gather3A_673 : vector<16xf32>
          %add3A_1111 = arith.addf %add3A_1101, %mul3A_1110 : vector<16xf32>
          %mul3A_1112 = arith.mulf %unpack3A_1109, %gather3A_673 : vector<16xf32>
          %add3A_1113 = arith.addf %add3A_1103, %mul3A_1112 : vector<16xf32>
          %add3A_1114 = arith.addi %mul3A_471, %scan3A_564 : i32
          %swap3A_1115 = arith.index_cast %add3A_1114 : i32 to index
          %swap3A_1116 = arith.constant 128 : index
          %swap3A_1117 = tpu.vector_load %arg16[%swap3A_1115, %swap3A_1116] {strides = array<i32>} : memref<49x256xf32, #tpu.memory_space<vmem>>, vector<16xf32>,
          tpu.vector_store %arg16[%swap3A_1115, %swap3A_1116], %add3A_1111 {strides = array<i32>} : memref<49x256xf32, #tpu.memory_space<vmem>>, vector<16xf32>,
          %add3A_1118 = arith.addi %mul3A_471, %scan3A_564 : i32
          %swap3A_1119 = arith.index_cast %add3A_1118 : i32 to index
          %swap3A_1120 = arith.constant 144 : index
          %swap3A_1121 = tpu.vector_load %arg16[%swap3A_1119, %swap3A_1120] {strides = array<i32>} : memref<49x256xf32, #tpu.memory_space<vmem>>, vector<16xf32>,
          tpu.vector_store %arg16[%swap3A_1119, %swap3A_1120], %add3A_1113 {strides = array<i32>} : memref<49x256xf32, #tpu.memory_space<vmem>>, vector<16xf32>,
          %get3A_1122 = arith.index_cast %mul3A_567 : i32 to index
          %get3A_1123 = arith.constant 80 : index
          %get3A_1124 = tpu.vector_load %arg14[%get3A_1122, %get3A_1123] {strides = array<i32>} : memref<56x128xi32, #tpu.memory_space<vmem>>, vector<16xi32>,
          %bitcast3A_1125 = vector.bitcast %get3A_1124 : vector<16xi32> to vector<32xbf16>
          %unpack3A_1126 = tpu.unpack_subelements %bitcast3A_1125, 0 {pack_format = #tpu.pack_format<interleaved>} : vector<32xbf16> -> vector<16xf32>
          %unpack3A_1127 = tpu.unpack_subelements %bitcast3A_1125, 1 {pack_format = #tpu.pack_format<interleaved>} : vector<32xbf16> -> vector<16xf32>
          %mul3A_1128 = arith.mulf %unpack3A_1126, %gather3A_596 : vector<16xf32>
          %mul3A_1129 = arith.mulf %unpack3A_1127, %gather3A_596 : vector<16xf32>
          %get3A_1130 = arith.index_cast %add3A_675 : i32 to index
          %get3A_1131 = arith.constant 80 : index
          %get3A_1132 = tpu.vector_load %arg14[%get3A_1130, %get3A_1131] {strides = array<i32>} : memref<56x128xi32, #tpu.memory_space<vmem>>, vector<16xi32>,
          %bitcast3A_1133 = vector.bitcast %get3A_1132 : vector<16xi32> to vector<32xbf16>
          %unpack3A_1134 = tpu.unpack_subelements %bitcast3A_1133, 0 {pack_format = #tpu.pack_format<interleaved>} : vector<32xbf16> -> vector<16xf32>
          %unpack3A_1135 = tpu.unpack_subelements %bitcast3A_1133, 1 {pack_format = #tpu.pack_format<interleaved>} : vector<32xbf16> -> vector<16xf32>
          %mul3A_1136 = arith.mulf %unpack3A_1134, %gather3A_607 : vector<16xf32>
          %add3A_1137 = arith.addf %mul3A_1128, %mul3A_1136 : vector<16xf32>
          %mul3A_1138 = arith.mulf %unpack3A_1135, %gather3A_607 : vector<16xf32>
          %add3A_1139 = arith.addf %mul3A_1129, %mul3A_1138 : vector<16xf32>
          %get3A_1140 = arith.index_cast %add3A_677 : i32 to index
          %get3A_1141 = arith.constant 80 : index
          %get3A_1142 = tpu.vector_load %arg14[%get3A_1140, %get3A_1141] {strides = array<i32>} : memref<56x128xi32, #tpu.memory_space<vmem>>, vector<16xi32>,
          %bitcast3A_1143 = vector.bitcast %get3A_1142 : vector<16xi32> to vector<32xbf16>
          %unpack3A_1144 = tpu.unpack_subelements %bitcast3A_1143, 0 {pack_format = #tpu.pack_format<interleaved>} : vector<32xbf16> -> vector<16xf32>
          %unpack3A_1145 = tpu.unpack_subelements %bitcast3A_1143, 1 {pack_format = #tpu.pack_format<interleaved>} : vector<32xbf16> -> vector<16xf32>
          %mul3A_1146 = arith.mulf %unpack3A_1144, %gather3A_618 : vector<16xf32>
          %add3A_1147 = arith.addf %add3A_1137, %mul3A_1146 : vector<16xf32>
          %mul3A_1148 = arith.mulf %unpack3A_1145, %gather3A_618 : vector<16xf32>
          %add3A_1149 = arith.addf %add3A_1139, %mul3A_1148 : vector<16xf32>
          %get3A_1150 = arith.index_cast %add3A_679 : i32 to index
          %get3A_1151 = arith.constant 80 : index
          %get3A_1152 = tpu.vector_load %arg14[%get3A_1150, %get3A_1151] {strides = array<i32>} : memref<56x128xi32, #tpu.memory_space<vmem>>, vector<16xi32>,
          %bitcast3A_1153 = vector.bitcast %get3A_1152 : vector<16xi32> to vector<32xbf16>
          %unpack3A_1154 = tpu.unpack_subelements %bitcast3A_1153, 0 {pack_format = #tpu.pack_format<interleaved>} : vector<32xbf16> -> vector<16xf32>
          %unpack3A_1155 = tpu.unpack_subelements %bitcast3A_1153, 1 {pack_format = #tpu.pack_format<interleaved>} : vector<32xbf16> -> vector<16xf32>
          %mul3A_1156 = arith.mulf %unpack3A_1154, %gather3A_629 : vector<16xf32>
          %add3A_1157 = arith.addf %add3A_1147, %mul3A_1156 : vector<16xf32>
          %mul3A_1158 = arith.mulf %unpack3A_1155, %gather3A_629 : vector<16xf32>
          %add3A_1159 = arith.addf %add3A_1149, %mul3A_1158 : vector<16xf32>
          %get3A_1160 = arith.index_cast %add3A_569 : i32 to index
          %get3A_1161 = arith.constant 80 : index
          %get3A_1162 = tpu.vector_load %arg14[%get3A_1160, %get3A_1161] {strides = array<i32>} : memref<56x128xi32, #tpu.memory_space<vmem>>, vector<16xi32>,
          %bitcast3A_1163 = vector.bitcast %get3A_1162 : vector<16xi32> to vector<32xbf16>
          %unpack3A_1164 = tpu.unpack_subelements %bitcast3A_1163, 0 {pack_format = #tpu.pack_format<interleaved>} : vector<32xbf16> -> vector<16xf32>
          %unpack3A_1165 = tpu.unpack_subelements %bitcast3A_1163, 1 {pack_format = #tpu.pack_format<interleaved>} : vector<32xbf16> -> vector<16xf32>
          %mul3A_1166 = arith.mulf %unpack3A_1164, %gather3A_640 : vector<16xf32>
          %add3A_1167 = arith.addf %add3A_1157, %mul3A_1166 : vector<16xf32>
          %mul3A_1168 = arith.mulf %unpack3A_1165, %gather3A_640 : vector<16xf32>
          %add3A_1169 = arith.addf %add3A_1159, %mul3A_1168 : vector<16xf32>
          %get3A_1170 = arith.index_cast %add3A_681 : i32 to index
          %get3A_1171 = arith.constant 80 : index
          %get3A_1172 = tpu.vector_load %arg14[%get3A_1170, %get3A_1171] {strides = array<i32>} : memref<56x128xi32, #tpu.memory_space<vmem>>, vector<16xi32>,
          %bitcast3A_1173 = vector.bitcast %get3A_1172 : vector<16xi32> to vector<32xbf16>
          %unpack3A_1174 = tpu.unpack_subelements %bitcast3A_1173, 0 {pack_format = #tpu.pack_format<interleaved>} : vector<32xbf16> -> vector<16xf32>
          %unpack3A_1175 = tpu.unpack_subelements %bitcast3A_1173, 1 {pack_format = #tpu.pack_format<interleaved>} : vector<32xbf16> -> vector<16xf32>
          %mul3A_1176 = arith.mulf %unpack3A_1174, %gather3A_651 : vector<16xf32>
          %add3A_1177 = arith.addf %add3A_1167, %mul3A_1176 : vector<16xf32>
          %mul3A_1178 = arith.mulf %unpack3A_1175, %gather3A_651 : vector<16xf32>
          %add3A_1179 = arith.addf %add3A_1169, %mul3A_1178 : vector<16xf32>
          %get3A_1180 = arith.index_cast %add3A_683 : i32 to index
          %get3A_1181 = arith.constant 80 : index
          %get3A_1182 = tpu.vector_load %arg14[%get3A_1180, %get3A_1181] {strides = array<i32>} : memref<56x128xi32, #tpu.memory_space<vmem>>, vector<16xi32>,
          %bitcast3A_1183 = vector.bitcast %get3A_1182 : vector<16xi32> to vector<32xbf16>
          %unpack3A_1184 = tpu.unpack_subelements %bitcast3A_1183, 0 {pack_format = #tpu.pack_format<interleaved>} : vector<32xbf16> -> vector<16xf32>
          %unpack3A_1185 = tpu.unpack_subelements %bitcast3A_1183, 1 {pack_format = #tpu.pack_format<interleaved>} : vector<32xbf16> -> vector<16xf32>
          %mul3A_1186 = arith.mulf %unpack3A_1184, %gather3A_662 : vector<16xf32>
          %add3A_1187 = arith.addf %add3A_1177, %mul3A_1186 : vector<16xf32>
          %mul3A_1188 = arith.mulf %unpack3A_1185, %gather3A_662 : vector<16xf32>
          %add3A_1189 = arith.addf %add3A_1179, %mul3A_1188 : vector<16xf32>
          %get3A_1190 = arith.index_cast %add3A_685 : i32 to index
          %get3A_1191 = arith.constant 80 : index
          %get3A_1192 = tpu.vector_load %arg14[%get3A_1190, %get3A_1191] {strides = array<i32>} : memref<56x128xi32, #tpu.memory_space<vmem>>, vector<16xi32>,
          %bitcast3A_1193 = vector.bitcast %get3A_1192 : vector<16xi32> to vector<32xbf16>
          %unpack3A_1194 = tpu.unpack_subelements %bitcast3A_1193, 0 {pack_format = #tpu.pack_format<interleaved>} : vector<32xbf16> -> vector<16xf32>
          %unpack3A_1195 = tpu.unpack_subelements %bitcast3A_1193, 1 {pack_format = #tpu.pack_format<interleaved>} : vector<32xbf16> -> vector<16xf32>
          %mul3A_1196 = arith.mulf %unpack3A_1194, %gather3A_673 : vector<16xf32>
          %add3A_1197 = arith.addf %add3A_1187, %mul3A_1196 : vector<16xf32>
          %mul3A_1198 = arith.mulf %unpack3A_1195, %gather3A_673 : vector<16xf32>
          %add3A_1199 = arith.addf %add3A_1189, %mul3A_1198 : vector<16xf32>
          %add3A_1200 = arith.addi %mul3A_471, %scan3A_564 : i32
          %swap3A_1201 = arith.index_cast %add3A_1200 : i32 to index
          %swap3A_1202 = arith.constant 160 : index
          %swap3A_1203 = tpu.vector_load %arg16[%swap3A_1201, %swap3A_1202] {strides = array<i32>} : memref<49x256xf32, #tpu.memory_space<vmem>>, vector<16xf32>,
          tpu.vector_store %arg16[%swap3A_1201, %swap3A_1202], %add3A_1197 {strides = array<i32>} : memref<49x256xf32, #tpu.memory_space<vmem>>, vector<16xf32>,
          %add3A_1204 = arith.addi %mul3A_471, %scan3A_564 : i32
          %swap3A_1205 = arith.index_cast %add3A_1204 : i32 to index
          %swap3A_1206 = arith.constant 176 : index
          %swap3A_1207 = tpu.vector_load %arg16[%swap3A_1205, %swap3A_1206] {strides = array<i32>} : memref<49x256xf32, #tpu.memory_space<vmem>>, vector<16xf32>,
          tpu.vector_store %arg16[%swap3A_1205, %swap3A_1206], %add3A_1199 {strides = array<i32>} : memref<49x256xf32, #tpu.memory_space<vmem>>, vector<16xf32>,
          %get3A_1208 = arith.index_cast %mul3A_567 : i32 to index
          %get3A_1209 = arith.constant 96 : index
          %get3A_1210 = tpu.vector_load %arg14[%get3A_1208, %get3A_1209] {strides = array<i32>} : memref<56x128xi32, #tpu.memory_space<vmem>>, vector<16xi32>,
          %bitcast3A_1211 = vector.bitcast %get3A_1210 : vector<16xi32> to vector<32xbf16>
          %unpack3A_1212 = tpu.unpack_subelements %bitcast3A_1211, 0 {pack_format = #tpu.pack_format<interleaved>} : vector<32xbf16> -> vector<16xf32>
          %unpack3A_1213 = tpu.unpack_subelements %bitcast3A_1211, 1 {pack_format = #tpu.pack_format<interleaved>} : vector<32xbf16> -> vector<16xf32>
          %mul3A_1214 = arith.mulf %unpack3A_1212, %gather3A_596 : vector<16xf32>
          %mul3A_1215 = arith.mulf %unpack3A_1213, %gather3A_596 : vector<16xf32>
          %get3A_1216 = arith.index_cast %add3A_675 : i32 to index
          %get3A_1217 = arith.constant 96 : index
          %get3A_1218 = tpu.vector_load %arg14[%get3A_1216, %get3A_1217] {strides = array<i32>} : memref<56x128xi32, #tpu.memory_space<vmem>>, vector<16xi32>,
          %bitcast3A_1219 = vector.bitcast %get3A_1218 : vector<16xi32> to vector<32xbf16>
          %unpack3A_1220 = tpu.unpack_subelements %bitcast3A_1219, 0 {pack_format = #tpu.pack_format<interleaved>} : vector<32xbf16> -> vector<16xf32>
          %unpack3A_1221 = tpu.unpack_subelements %bitcast3A_1219, 1 {pack_format = #tpu.pack_format<interleaved>} : vector<32xbf16> -> vector<16xf32>
          %mul3A_1222 = arith.mulf %unpack3A_1220, %gather3A_607 : vector<16xf32>
          %add3A_1223 = arith.addf %mul3A_1214, %mul3A_1222 : vector<16xf32>
          %mul3A_1224 = arith.mulf %unpack3A_1221, %gather3A_607 : vector<16xf32>
          %add3A_1225 = arith.addf %mul3A_1215, %mul3A_1224 : vector<16xf32>
          %get3A_1226 = arith.index_cast %add3A_677 : i32 to index
          %get3A_1227 = arith.constant 96 : index
          %get3A_1228 = tpu.vector_load %arg14[%get3A_1226, %get3A_1227] {strides = array<i32>} : memref<56x128xi32, #tpu.memory_space<vmem>>, vector<16xi32>,
          %bitcast3A_1229 = vector.bitcast %get3A_1228 : vector<16xi32> to vector<32xbf16>
          %unpack3A_1230 = tpu.unpack_subelements %bitcast3A_1229, 0 {pack_format = #tpu.pack_format<interleaved>} : vector<32xbf16> -> vector<16xf32>
          %unpack3A_1231 = tpu.unpack_subelements %bitcast3A_1229, 1 {pack_format = #tpu.pack_format<interleaved>} : vector<32xbf16> -> vector<16xf32>
          %mul3A_1232 = arith.mulf %unpack3A_1230, %gather3A_618 : vector<16xf32>
          %add3A_1233 = arith.addf %add3A_1223, %mul3A_1232 : vector<16xf32>
          %mul3A_1234 = arith.mulf %unpack3A_1231, %gather3A_618 : vector<16xf32>
          %add3A_1235 = arith.addf %add3A_1225, %mul3A_1234 : vector<16xf32>
          %get3A_1236 = arith.index_cast %add3A_679 : i32 to index
          %get3A_1237 = arith.constant 96 : index
          %get3A_1238 = tpu.vector_load %arg14[%get3A_1236, %get3A_1237] {strides = array<i32>} : memref<56x128xi32, #tpu.memory_space<vmem>>, vector<16xi32>,
          %bitcast3A_1239 = vector.bitcast %get3A_1238 : vector<16xi32> to vector<32xbf16>
          %unpack3A_1240 = tpu.unpack_subelements %bitcast3A_1239, 0 {pack_format = #tpu.pack_format<interleaved>} : vector<32xbf16> -> vector<16xf32>
          %unpack3A_1241 = tpu.unpack_subelements %bitcast3A_1239, 1 {pack_format = #tpu.pack_format<interleaved>} : vector<32xbf16> -> vector<16xf32>
          %mul3A_1242 = arith.mulf %unpack3A_1240, %gather3A_629 : vector<16xf32>
          %add3A_1243 = arith.addf %add3A_1233, %mul3A_1242 : vector<16xf32>
          %mul3A_1244 = arith.mulf %unpack3A_1241, %gather3A_629 : vector<16xf32>
          %add3A_1245 = arith.addf %add3A_1235, %mul3A_1244 : vector<16xf32>
          %get3A_1246 = arith.index_cast %add3A_569 : i32 to index
          %get3A_1247 = arith.constant 96 : index
          %get3A_1248 = tpu.vector_load %arg14[%get3A_1246, %get3A_1247] {strides = array<i32>} : memref<56x128xi32, #tpu.memory_space<vmem>>, vector<16xi32>,
          %bitcast3A_1249 = vector.bitcast %get3A_1248 : vector<16xi32> to vector<32xbf16>
          %unpack3A_1250 = tpu.unpack_subelements %bitcast3A_1249, 0 {pack_format = #tpu.pack_format<interleaved>} : vector<32xbf16> -> vector<16xf32>
          %unpack3A_1251 = tpu.unpack_subelements %bitcast3A_1249, 1 {pack_format = #tpu.pack_format<interleaved>} : vector<32xbf16> -> vector<16xf32>
          %mul3A_1252 = arith.mulf %unpack3A_1250, %gather3A_640 : vector<16xf32>
          %add3A_1253 = arith.addf %add3A_1243, %mul3A_1252 : vector<16xf32>
          %mul3A_1254 = arith.mulf %unpack3A_1251, %gather3A_640 : vector<16xf32>
          %add3A_1255 = arith.addf %add3A_1245, %mul3A_1254 : vector<16xf32>
          %get3A_1256 = arith.index_cast %add3A_681 : i32 to index
          %get3A_1257 = arith.constant 96 : index
          %get3A_1258 = tpu.vector_load %arg14[%get3A_1256, %get3A_1257] {strides = array<i32>} : memref<56x128xi32, #tpu.memory_space<vmem>>, vector<16xi32>,
          %bitcast3A_1259 = vector.bitcast %get3A_1258 : vector<16xi32> to vector<32xbf16>
          %unpack3A_1260 = tpu.unpack_subelements %bitcast3A_1259, 0 {pack_format = #tpu.pack_format<interleaved>} : vector<32xbf16> -> vector<16xf32>
          %unpack3A_1261 = tpu.unpack_subelements %bitcast3A_1259, 1 {pack_format = #tpu.pack_format<interleaved>} : vector<32xbf16> -> vector<16xf32>
          %mul3A_1262 = arith.mulf %unpack3A_1260, %gather3A_651 : vector<16xf32>
          %add3A_1263 = arith.addf %add3A_1253, %mul3A_1262 : vector<16xf32>
          %mul3A_1264 = arith.mulf %unpack3A_1261, %gather3A_651 : vector<16xf32>
          %add3A_1265 = arith.addf %add3A_1255, %mul3A_1264 : vector<16xf32>
          %get3A_1266 = arith.index_cast %add3A_683 : i32 to index
          %get3A_1267 = arith.constant 96 : index
          %get3A_1268 = tpu.vector_load %arg14[%get3A_1266, %get3A_1267] {strides = array<i32>} : memref<56x128xi32, #tpu.memory_space<vmem>>, vector<16xi32>,
          %bitcast3A_1269 = vector.bitcast %get3A_1268 : vector<16xi32> to vector<32xbf16>
          %unpack3A_1270 = tpu.unpack_subelements %bitcast3A_1269, 0 {pack_format = #tpu.pack_format<interleaved>} : vector<32xbf16> -> vector<16xf32>
          %unpack3A_1271 = tpu.unpack_subelements %bitcast3A_1269, 1 {pack_format = #tpu.pack_format<interleaved>} : vector<32xbf16> -> vector<16xf32>
          %mul3A_1272 = arith.mulf %unpack3A_1270, %gather3A_662 : vector<16xf32>
          %add3A_1273 = arith.addf %add3A_1263, %mul3A_1272 : vector<16xf32>
          %mul3A_1274 = arith.mulf %unpack3A_1271, %gather3A_662 : vector<16xf32>
          %add3A_1275 = arith.addf %add3A_1265, %mul3A_1274 : vector<16xf32>
          %get3A_1276 = arith.index_cast %add3A_685 : i32 to index
          %get3A_1277 = arith.constant 96 : index
          %get3A_1278 = tpu.vector_load %arg14[%get3A_1276, %get3A_1277] {strides = array<i32>} : memref<56x128xi32, #tpu.memory_space<vmem>>, vector<16xi32>,
          %bitcast3A_1279 = vector.bitcast %get3A_1278 : vector<16xi32> to vector<32xbf16>
          %unpack3A_1280 = tpu.unpack_subelements %bitcast3A_1279, 0 {pack_format = #tpu.pack_format<interleaved>} : vector<32xbf16> -> vector<16xf32>
          %unpack3A_1281 = tpu.unpack_subelements %bitcast3A_1279, 1 {pack_format = #tpu.pack_format<interleaved>} : vector<32xbf16> -> vector<16xf32>
          %mul3A_1282 = arith.mulf %unpack3A_1280, %gather3A_673 : vector<16xf32>
          %add3A_1283 = arith.addf %add3A_1273, %mul3A_1282 : vector<16xf32>
          %mul3A_1284 = arith.mulf %unpack3A_1281, %gather3A_673 : vector<16xf32>
          %add3A_1285 = arith.addf %add3A_1275, %mul3A_1284 : vector<16xf32>
          %add3A_1286 = arith.addi %mul3A_471, %scan3A_564 : i32
          %swap3A_1287 = arith.index_cast %add3A_1286 : i32 to index
          %swap3A_1288 = arith.constant 192 : index
          %swap3A_1289 = tpu.vector_load %arg16[%swap3A_1287, %swap3A_1288] {strides = array<i32>} : memref<49x256xf32, #tpu.memory_space<vmem>>, vector<16xf32>,
          tpu.vector_store %arg16[%swap3A_1287, %swap3A_1288], %add3A_1283 {strides = array<i32>} : memref<49x256xf32, #tpu.memory_space<vmem>>, vector<16xf32>,
          %add3A_1290 = arith.addi %mul3A_471, %scan3A_564 : i32
          %swap3A_1291 = arith.index_cast %add3A_1290 : i32 to index
          %swap3A_1292 = arith.constant 208 : index
          %swap3A_1293 = tpu.vector_load %arg16[%swap3A_1291, %swap3A_1292] {strides = array<i32>} : memref<49x256xf32, #tpu.memory_space<vmem>>, vector<16xf32>,
          tpu.vector_store %arg16[%swap3A_1291, %swap3A_1292], %add3A_1285 {strides = array<i32>} : memref<49x256xf32, #tpu.memory_space<vmem>>, vector<16xf32>,
          %get3A_1294 = arith.index_cast %mul3A_567 : i32 to index
          %get3A_1295 = arith.constant 112 : index
          %get3A_1296 = tpu.vector_load %arg14[%get3A_1294, %get3A_1295] {strides = array<i32>} : memref<56x128xi32, #tpu.memory_space<vmem>>, vector<16xi32>,
          %bitcast3A_1297 = vector.bitcast %get3A_1296 : vector<16xi32> to vector<32xbf16>
          %unpack3A_1298 = tpu.unpack_subelements %bitcast3A_1297, 0 {pack_format = #tpu.pack_format<interleaved>} : vector<32xbf16> -> vector<16xf32>
          %unpack3A_1299 = tpu.unpack_subelements %bitcast3A_1297, 1 {pack_format = #tpu.pack_format<interleaved>} : vector<32xbf16> -> vector<16xf32>
          %mul3A_1300 = arith.mulf %unpack3A_1298, %gather3A_596 : vector<16xf32>
          %mul3A_1301 = arith.mulf %unpack3A_1299, %gather3A_596 : vector<16xf32>
          %get3A_1302 = arith.index_cast %add3A_675 : i32 to index
          %get3A_1303 = arith.constant 112 : index
          %get3A_1304 = tpu.vector_load %arg14[%get3A_1302, %get3A_1303] {strides = array<i32>} : memref<56x128xi32, #tpu.memory_space<vmem>>, vector<16xi32>,
          %bitcast3A_1305 = vector.bitcast %get3A_1304 : vector<16xi32> to vector<32xbf16>
          %unpack3A_1306 = tpu.unpack_subelements %bitcast3A_1305, 0 {pack_format = #tpu.pack_format<interleaved>} : vector<32xbf16> -> vector<16xf32>
          %unpack3A_1307 = tpu.unpack_subelements %bitcast3A_1305, 1 {pack_format = #tpu.pack_format<interleaved>} : vector<32xbf16> -> vector<16xf32>
          %mul3A_1308 = arith.mulf %unpack3A_1306, %gather3A_607 : vector<16xf32>
          %add3A_1309 = arith.addf %mul3A_1300, %mul3A_1308 : vector<16xf32>
          %mul3A_1310 = arith.mulf %unpack3A_1307, %gather3A_607 : vector<16xf32>
          %add3A_1311 = arith.addf %mul3A_1301, %mul3A_1310 : vector<16xf32>
          %get3A_1312 = arith.index_cast %add3A_677 : i32 to index
          %get3A_1313 = arith.constant 112 : index
          %get3A_1314 = tpu.vector_load %arg14[%get3A_1312, %get3A_1313] {strides = array<i32>} : memref<56x128xi32, #tpu.memory_space<vmem>>, vector<16xi32>,
          %bitcast3A_1315 = vector.bitcast %get3A_1314 : vector<16xi32> to vector<32xbf16>
          %unpack3A_1316 = tpu.unpack_subelements %bitcast3A_1315, 0 {pack_format = #tpu.pack_format<interleaved>} : vector<32xbf16> -> vector<16xf32>
          %unpack3A_1317 = tpu.unpack_subelements %bitcast3A_1315, 1 {pack_format = #tpu.pack_format<interleaved>} : vector<32xbf16> -> vector<16xf32>
          %mul3A_1318 = arith.mulf %unpack3A_1316, %gather3A_618 : vector<16xf32>
          %add3A_1319 = arith.addf %add3A_1309, %mul3A_1318 : vector<16xf32>
          %mul3A_1320 = arith.mulf %unpack3A_1317, %gather3A_618 : vector<16xf32>
          %add3A_1321 = arith.addf %add3A_1311, %mul3A_1320 : vector<16xf32>
          %get3A_1322 = arith.index_cast %add3A_679 : i32 to index
          %get3A_1323 = arith.constant 112 : index
          %get3A_1324 = tpu.vector_load %arg14[%get3A_1322, %get3A_1323] {strides = array<i32>} : memref<56x128xi32, #tpu.memory_space<vmem>>, vector<16xi32>,
          %bitcast3A_1325 = vector.bitcast %get3A_1324 : vector<16xi32> to vector<32xbf16>
          %unpack3A_1326 = tpu.unpack_subelements %bitcast3A_1325, 0 {pack_format = #tpu.pack_format<interleaved>} : vector<32xbf16> -> vector<16xf32>
          %unpack3A_1327 = tpu.unpack_subelements %bitcast3A_1325, 1 {pack_format = #tpu.pack_format<interleaved>} : vector<32xbf16> -> vector<16xf32>
          %mul3A_1328 = arith.mulf %unpack3A_1326, %gather3A_629 : vector<16xf32>
          %add3A_1329 = arith.addf %add3A_1319, %mul3A_1328 : vector<16xf32>
          %mul3A_1330 = arith.mulf %unpack3A_1327, %gather3A_629 : vector<16xf32>
          %add3A_1331 = arith.addf %add3A_1321, %mul3A_1330 : vector<16xf32>
          %get3A_1332 = arith.index_cast %add3A_569 : i32 to index
          %get3A_1333 = arith.constant 112 : index
          %get3A_1334 = tpu.vector_load %arg14[%get3A_1332, %get3A_1333] {strides = array<i32>} : memref<56x128xi32, #tpu.memory_space<vmem>>, vector<16xi32>,
          %bitcast3A_1335 = vector.bitcast %get3A_1334 : vector<16xi32> to vector<32xbf16>
          %unpack3A_1336 = tpu.unpack_subelements %bitcast3A_1335, 0 {pack_format = #tpu.pack_format<interleaved>} : vector<32xbf16> -> vector<16xf32>
          %unpack3A_1337 = tpu.unpack_subelements %bitcast3A_1335, 1 {pack_format = #tpu.pack_format<interleaved>} : vector<32xbf16> -> vector<16xf32>
          %mul3A_1338 = arith.mulf %unpack3A_1336, %gather3A_640 : vector<16xf32>
          %add3A_1339 = arith.addf %add3A_1329, %mul3A_1338 : vector<16xf32>
          %mul3A_1340 = arith.mulf %unpack3A_1337, %gather3A_640 : vector<16xf32>
          %add3A_1341 = arith.addf %add3A_1331, %mul3A_1340 : vector<16xf32>
          %get3A_1342 = arith.index_cast %add3A_681 : i32 to index
          %get3A_1343 = arith.constant 112 : index
          %get3A_1344 = tpu.vector_load %arg14[%get3A_1342, %get3A_1343] {strides = array<i32>} : memref<56x128xi32, #tpu.memory_space<vmem>>, vector<16xi32>,
          %bitcast3A_1345 = vector.bitcast %get3A_1344 : vector<16xi32> to vector<32xbf16>
          %unpack3A_1346 = tpu.unpack_subelements %bitcast3A_1345, 0 {pack_format = #tpu.pack_format<interleaved>} : vector<32xbf16> -> vector<16xf32>
          %unpack3A_1347 = tpu.unpack_subelements %bitcast3A_1345, 1 {pack_format = #tpu.pack_format<interleaved>} : vector<32xbf16> -> vector<16xf32>
          %mul3A_1348 = arith.mulf %unpack3A_1346, %gather3A_651 : vector<16xf32>
          %add3A_1349 = arith.addf %add3A_1339, %mul3A_1348 : vector<16xf32>
          %mul3A_1350 = arith.mulf %unpack3A_1347, %gather3A_651 : vector<16xf32>
          %add3A_1351 = arith.addf %add3A_1341, %mul3A_1350 : vector<16xf32>
          %get3A_1352 = arith.index_cast %add3A_683 : i32 to index
          %get3A_1353 = arith.constant 112 : index
          %get3A_1354 = tpu.vector_load %arg14[%get3A_1352, %get3A_1353] {strides = array<i32>} : memref<56x128xi32, #tpu.memory_space<vmem>>, vector<16xi32>,
          %bitcast3A_1355 = vector.bitcast %get3A_1354 : vector<16xi32> to vector<32xbf16>
          %unpack3A_1356 = tpu.unpack_subelements %bitcast3A_1355, 0 {pack_format = #tpu.pack_format<interleaved>} : vector<32xbf16> -> vector<16xf32>
          %unpack3A_1357 = tpu.unpack_subelements %bitcast3A_1355, 1 {pack_format = #tpu.pack_format<interleaved>} : vector<32xbf16> -> vector<16xf32>
          %mul3A_1358 = arith.mulf %unpack3A_1356, %gather3A_662 : vector<16xf32>
          %add3A_1359 = arith.addf %add3A_1349, %mul3A_1358 : vector<16xf32>
          %mul3A_1360 = arith.mulf %unpack3A_1357, %gather3A_662 : vector<16xf32>
          %add3A_1361 = arith.addf %add3A_1351, %mul3A_1360 : vector<16xf32>
          %get3A_1362 = arith.index_cast %add3A_685 : i32 to index
          %get3A_1363 = arith.constant 112 : index
          %get3A_1364 = tpu.vector_load %arg14[%get3A_1362, %get3A_1363] {strides = array<i32>} : memref<56x128xi32, #tpu.memory_space<vmem>>, vector<16xi32>,
          %bitcast3A_1365 = vector.bitcast %get3A_1364 : vector<16xi32> to vector<32xbf16>
          %unpack3A_1366 = tpu.unpack_subelements %bitcast3A_1365, 0 {pack_format = #tpu.pack_format<interleaved>} : vector<32xbf16> -> vector<16xf32>
          %unpack3A_1367 = tpu.unpack_subelements %bitcast3A_1365, 1 {pack_format = #tpu.pack_format<interleaved>} : vector<32xbf16> -> vector<16xf32>
          %mul3A_1368 = arith.mulf %unpack3A_1366, %gather3A_673 : vector<16xf32>
          %add3A_1369 = arith.addf %add3A_1359, %mul3A_1368 : vector<16xf32>
          %mul3A_1370 = arith.mulf %unpack3A_1367, %gather3A_673 : vector<16xf32>
          %add3A_1371 = arith.addf %add3A_1361, %mul3A_1370 : vector<16xf32>
          %add3A_1372 = arith.addi %mul3A_471, %scan3A_564 : i32
          %swap3A_1373 = arith.index_cast %add3A_1372 : i32 to index
          %swap3A_1374 = arith.constant 224 : index
          %swap3A_1375 = tpu.vector_load %arg16[%swap3A_1373, %swap3A_1374] {strides = array<i32>} : memref<49x256xf32, #tpu.memory_space<vmem>>, vector<16xf32>,
          tpu.vector_store %arg16[%swap3A_1373, %swap3A_1374], %add3A_1369 {strides = array<i32>} : memref<49x256xf32, #tpu.memory_space<vmem>>, vector<16xf32>,
          %add3A_1376 = arith.addi %mul3A_471, %scan3A_564 : i32
          %swap3A_1377 = arith.index_cast %add3A_1376 : i32 to index
          %swap3A_1378 = arith.constant 240 : index
          %swap3A_1379 = tpu.vector_load %arg16[%swap3A_1377, %swap3A_1378] {strides = array<i32>} : memref<49x256xf32, #tpu.memory_space<vmem>>, vector<16xf32>,
          tpu.vector_store %arg16[%swap3A_1377, %swap3A_1378], %add3A_1371 {strides = array<i32>} : memref<49x256xf32, #tpu.memory_space<vmem>>, vector<16xf32>,
        } else {
        }
        %not3A = arith.constant true
        %not3A_689 = arith.xori %eq3A_469, %not3A : i1
        %convert_element_type3A_690 = arith.extui %not3A_689 : i1 to i32
        %cond3A_691 = arith.constant 0 : i32
        %cond3A_692 = arith.cmpi ne, %convert_element_type3A_690, %cond3A_691 : i32
        scf.if %cond3A_692 {
          %get3A_694 = arith.index_cast %mul3A_567 : i32 to index
          %get3A_695 = arith.constant 0 : index
          %get3A_696 = tpu.vector_load %arg14[%get3A_694, %get3A_695] {strides = array<i32>} : memref<56x128xi32, #tpu.memory_space<vmem>>, vector<16xi32>,
          %bitcast3A = vector.bitcast %get3A_696 : vector<16xi32> to vector<32xbf16>
          %unpack3A = tpu.unpack_subelements %bitcast3A, 0 {pack_format = #tpu.pack_format<interleaved>} : vector<32xbf16> -> vector<16xf32>
          %unpack3A_697 = tpu.unpack_subelements %bitcast3A, 1 {pack_format = #tpu.pack_format<interleaved>} : vector<32xbf16> -> vector<16xf32>
          %mul3A_698 = arith.mulf %unpack3A, %gather3A_596 : vector<16xf32>
          %mul3A_699 = arith.mulf %unpack3A_697, %gather3A_596 : vector<16xf32>
          %get3A_700 = arith.index_cast %add3A_675 : i32 to index
          %get3A_701 = arith.constant 0 : index
          %get3A_702 = tpu.vector_load %arg14[%get3A_700, %get3A_701] {strides = array<i32>} : memref<56x128xi32, #tpu.memory_space<vmem>>, vector<16xi32>,
          %bitcast3A_703 = vector.bitcast %get3A_702 : vector<16xi32> to vector<32xbf16>
          %unpack3A_704 = tpu.unpack_subelements %bitcast3A_703, 0 {pack_format = #tpu.pack_format<interleaved>} : vector<32xbf16> -> vector<16xf32>
          %unpack3A_705 = tpu.unpack_subelements %bitcast3A_703, 1 {pack_format = #tpu.pack_format<interleaved>} : vector<32xbf16> -> vector<16xf32>
          %mul3A_706 = arith.mulf %unpack3A_704, %gather3A_607 : vector<16xf32>
          %add3A_707 = arith.addf %mul3A_698, %mul3A_706 : vector<16xf32>
          %mul3A_708 = arith.mulf %unpack3A_705, %gather3A_607 : vector<16xf32>
          %add3A_709 = arith.addf %mul3A_699, %mul3A_708 : vector<16xf32>
          %get3A_710 = arith.index_cast %add3A_677 : i32 to index
          %get3A_711 = arith.constant 0 : index
          %get3A_712 = tpu.vector_load %arg14[%get3A_710, %get3A_711] {strides = array<i32>} : memref<56x128xi32, #tpu.memory_space<vmem>>, vector<16xi32>,
          %bitcast3A_713 = vector.bitcast %get3A_712 : vector<16xi32> to vector<32xbf16>
          %unpack3A_714 = tpu.unpack_subelements %bitcast3A_713, 0 {pack_format = #tpu.pack_format<interleaved>} : vector<32xbf16> -> vector<16xf32>
          %unpack3A_715 = tpu.unpack_subelements %bitcast3A_713, 1 {pack_format = #tpu.pack_format<interleaved>} : vector<32xbf16> -> vector<16xf32>
          %mul3A_716 = arith.mulf %unpack3A_714, %gather3A_618 : vector<16xf32>
          %add3A_717 = arith.addf %add3A_707, %mul3A_716 : vector<16xf32>
          %mul3A_718 = arith.mulf %unpack3A_715, %gather3A_618 : vector<16xf32>
          %add3A_719 = arith.addf %add3A_709, %mul3A_718 : vector<16xf32>
          %get3A_720 = arith.index_cast %add3A_679 : i32 to index
          %get3A_721 = arith.constant 0 : index
          %get3A_722 = tpu.vector_load %arg14[%get3A_720, %get3A_721] {strides = array<i32>} : memref<56x128xi32, #tpu.memory_space<vmem>>, vector<16xi32>,
          %bitcast3A_723 = vector.bitcast %get3A_722 : vector<16xi32> to vector<32xbf16>
          %unpack3A_724 = tpu.unpack_subelements %bitcast3A_723, 0 {pack_format = #tpu.pack_format<interleaved>} : vector<32xbf16> -> vector<16xf32>
          %unpack3A_725 = tpu.unpack_subelements %bitcast3A_723, 1 {pack_format = #tpu.pack_format<interleaved>} : vector<32xbf16> -> vector<16xf32>
          %mul3A_726 = arith.mulf %unpack3A_724, %gather3A_629 : vector<16xf32>
          %add3A_727 = arith.addf %add3A_717, %mul3A_726 : vector<16xf32>
          %mul3A_728 = arith.mulf %unpack3A_725, %gather3A_629 : vector<16xf32>
          %add3A_729 = arith.addf %add3A_719, %mul3A_728 : vector<16xf32>
          %get3A_730 = arith.index_cast %add3A_569 : i32 to index
          %get3A_731 = arith.constant 0 : index
          %get3A_732 = tpu.vector_load %arg14[%get3A_730, %get3A_731] {strides = array<i32>} : memref<56x128xi32, #tpu.memory_space<vmem>>, vector<16xi32>,
          %bitcast3A_733 = vector.bitcast %get3A_732 : vector<16xi32> to vector<32xbf16>
          %unpack3A_734 = tpu.unpack_subelements %bitcast3A_733, 0 {pack_format = #tpu.pack_format<interleaved>} : vector<32xbf16> -> vector<16xf32>
          %unpack3A_735 = tpu.unpack_subelements %bitcast3A_733, 1 {pack_format = #tpu.pack_format<interleaved>} : vector<32xbf16> -> vector<16xf32>
          %mul3A_736 = arith.mulf %unpack3A_734, %gather3A_640 : vector<16xf32>
          %add3A_737 = arith.addf %add3A_727, %mul3A_736 : vector<16xf32>
          %mul3A_738 = arith.mulf %unpack3A_735, %gather3A_640 : vector<16xf32>
          %add3A_739 = arith.addf %add3A_729, %mul3A_738 : vector<16xf32>
          %get3A_740 = arith.index_cast %add3A_681 : i32 to index
          %get3A_741 = arith.constant 0 : index
          %get3A_742 = tpu.vector_load %arg14[%get3A_740, %get3A_741] {strides = array<i32>} : memref<56x128xi32, #tpu.memory_space<vmem>>, vector<16xi32>,
          %bitcast3A_743 = vector.bitcast %get3A_742 : vector<16xi32> to vector<32xbf16>
          %unpack3A_744 = tpu.unpack_subelements %bitcast3A_743, 0 {pack_format = #tpu.pack_format<interleaved>} : vector<32xbf16> -> vector<16xf32>
          %unpack3A_745 = tpu.unpack_subelements %bitcast3A_743, 1 {pack_format = #tpu.pack_format<interleaved>} : vector<32xbf16> -> vector<16xf32>
          %mul3A_746 = arith.mulf %unpack3A_744, %gather3A_651 : vector<16xf32>
          %add3A_747 = arith.addf %add3A_737, %mul3A_746 : vector<16xf32>
          %mul3A_748 = arith.mulf %unpack3A_745, %gather3A_651 : vector<16xf32>
          %add3A_749 = arith.addf %add3A_739, %mul3A_748 : vector<16xf32>
          %get3A_750 = arith.index_cast %add3A_683 : i32 to index
          %get3A_751 = arith.constant 0 : index
          %get3A_752 = tpu.vector_load %arg14[%get3A_750, %get3A_751] {strides = array<i32>} : memref<56x128xi32, #tpu.memory_space<vmem>>, vector<16xi32>,
          %bitcast3A_753 = vector.bitcast %get3A_752 : vector<16xi32> to vector<32xbf16>
          %unpack3A_754 = tpu.unpack_subelements %bitcast3A_753, 0 {pack_format = #tpu.pack_format<interleaved>} : vector<32xbf16> -> vector<16xf32>
          %unpack3A_755 = tpu.unpack_subelements %bitcast3A_753, 1 {pack_format = #tpu.pack_format<interleaved>} : vector<32xbf16> -> vector<16xf32>
          %mul3A_756 = arith.mulf %unpack3A_754, %gather3A_662 : vector<16xf32>
          %add3A_757 = arith.addf %add3A_747, %mul3A_756 : vector<16xf32>
          %mul3A_758 = arith.mulf %unpack3A_755, %gather3A_662 : vector<16xf32>
          %add3A_759 = arith.addf %add3A_749, %mul3A_758 : vector<16xf32>
          %get3A_760 = arith.index_cast %add3A_685 : i32 to index
          %get3A_761 = arith.constant 0 : index
          %get3A_762 = tpu.vector_load %arg14[%get3A_760, %get3A_761] {strides = array<i32>} : memref<56x128xi32, #tpu.memory_space<vmem>>, vector<16xi32>,
          %bitcast3A_763 = vector.bitcast %get3A_762 : vector<16xi32> to vector<32xbf16>
          %unpack3A_764 = tpu.unpack_subelements %bitcast3A_763, 0 {pack_format = #tpu.pack_format<interleaved>} : vector<32xbf16> -> vector<16xf32>
          %unpack3A_765 = tpu.unpack_subelements %bitcast3A_763, 1 {pack_format = #tpu.pack_format<interleaved>} : vector<32xbf16> -> vector<16xf32>
          %mul3A_766 = arith.mulf %unpack3A_764, %gather3A_673 : vector<16xf32>
          %add3A_767 = arith.addf %add3A_757, %mul3A_766 : vector<16xf32>
          %mul3A_768 = arith.mulf %unpack3A_765, %gather3A_673 : vector<16xf32>
          %add3A_769 = arith.addf %add3A_759, %mul3A_768 : vector<16xf32>
          %add3A_770 = arith.addi %mul3A_471, %scan3A_564 : i32
          %get3A_771 = arith.index_cast %add3A_770 : i32 to index
          %get3A_772 = arith.constant 0 : index
          %get3A_773 = tpu.vector_load %arg16[%get3A_771, %get3A_772] {strides = array<i32>} : memref<49x256xf32, #tpu.memory_space<vmem>>, vector<16xf32>,
          %add3A_774 = arith.addf %get3A_773, %add3A_767 : vector<16xf32>
          %add3A_775 = arith.addi %mul3A_471, %scan3A_564 : i32
          %swap3A_776 = arith.index_cast %add3A_775 : i32 to index
          %swap3A_777 = arith.constant 0 : index
          %swap3A_778 = tpu.vector_load %arg16[%swap3A_776, %swap3A_777] {strides = array<i32>} : memref<49x256xf32, #tpu.memory_space<vmem>>, vector<16xf32>,
          tpu.vector_store %arg16[%swap3A_776, %swap3A_777], %add3A_774 {strides = array<i32>} : memref<49x256xf32, #tpu.memory_space<vmem>>, vector<16xf32>,
          %add3A_779 = arith.addi %mul3A_471, %scan3A_564 : i32
          %get3A_780 = arith.index_cast %add3A_779 : i32 to index
          %get3A_781 = arith.constant 16 : index
          %get3A_782 = tpu.vector_load %arg16[%get3A_780, %get3A_781] {strides = array<i32>} : memref<49x256xf32, #tpu.memory_space<vmem>>, vector<16xf32>,
          %add3A_783 = arith.addf %get3A_782, %add3A_769 : vector<16xf32>
          %add3A_784 = arith.addi %mul3A_471, %scan3A_564 : i32
          %swap3A_785 = arith.index_cast %add3A_784 : i32 to index
          %swap3A_786 = arith.constant 16 : index
          %swap3A_787 = tpu.vector_load %arg16[%swap3A_785, %swap3A_786] {strides = array<i32>} : memref<49x256xf32, #tpu.memory_space<vmem>>, vector<16xf32>,
          tpu.vector_store %arg16[%swap3A_785, %swap3A_786], %add3A_783 {strides = array<i32>} : memref<49x256xf32, #tpu.memory_space<vmem>>, vector<16xf32>,
          %get3A_788 = arith.index_cast %mul3A_567 : i32 to index
          %get3A_789 = arith.constant 16 : index
          %get3A_790 = tpu.vector_load %arg14[%get3A_788, %get3A_789] {strides = array<i32>} : memref<56x128xi32, #tpu.memory_space<vmem>>, vector<16xi32>,
          %bitcast3A_791 = vector.bitcast %get3A_790 : vector<16xi32> to vector<32xbf16>
          %unpack3A_792 = tpu.unpack_subelements %bitcast3A_791, 0 {pack_format = #tpu.pack_format<interleaved>} : vector<32xbf16> -> vector<16xf32>
          %unpack3A_793 = tpu.unpack_subelements %bitcast3A_791, 1 {pack_format = #tpu.pack_format<interleaved>} : vector<32xbf16> -> vector<16xf32>
          %mul3A_794 = arith.mulf %unpack3A_792, %gather3A_596 : vector<16xf32>
          %mul3A_795 = arith.mulf %unpack3A_793, %gather3A_596 : vector<16xf32>
          %get3A_796 = arith.index_cast %add3A_675 : i32 to index
          %get3A_797 = arith.constant 16 : index
          %get3A_798 = tpu.vector_load %arg14[%get3A_796, %get3A_797] {strides = array<i32>} : memref<56x128xi32, #tpu.memory_space<vmem>>, vector<16xi32>,
          %bitcast3A_799 = vector.bitcast %get3A_798 : vector<16xi32> to vector<32xbf16>
          %unpack3A_800 = tpu.unpack_subelements %bitcast3A_799, 0 {pack_format = #tpu.pack_format<interleaved>} : vector<32xbf16> -> vector<16xf32>
          %unpack3A_801 = tpu.unpack_subelements %bitcast3A_799, 1 {pack_format = #tpu.pack_format<interleaved>} : vector<32xbf16> -> vector<16xf32>
          %mul3A_802 = arith.mulf %unpack3A_800, %gather3A_607 : vector<16xf32>
          %add3A_803 = arith.addf %mul3A_794, %mul3A_802 : vector<16xf32>
          %mul3A_804 = arith.mulf %unpack3A_801, %gather3A_607 : vector<16xf32>
          %add3A_805 = arith.addf %mul3A_795, %mul3A_804 : vector<16xf32>
          %get3A_806 = arith.index_cast %add3A_677 : i32 to index
          %get3A_807 = arith.constant 16 : index
          %get3A_808 = tpu.vector_load %arg14[%get3A_806, %get3A_807] {strides = array<i32>} : memref<56x128xi32, #tpu.memory_space<vmem>>, vector<16xi32>,
          %bitcast3A_809 = vector.bitcast %get3A_808 : vector<16xi32> to vector<32xbf16>
          %unpack3A_810 = tpu.unpack_subelements %bitcast3A_809, 0 {pack_format = #tpu.pack_format<interleaved>} : vector<32xbf16> -> vector<16xf32>
          %unpack3A_811 = tpu.unpack_subelements %bitcast3A_809, 1 {pack_format = #tpu.pack_format<interleaved>} : vector<32xbf16> -> vector<16xf32>
          %mul3A_812 = arith.mulf %unpack3A_810, %gather3A_618 : vector<16xf32>
          %add3A_813 = arith.addf %add3A_803, %mul3A_812 : vector<16xf32>
          %mul3A_814 = arith.mulf %unpack3A_811, %gather3A_618 : vector<16xf32>
          %add3A_815 = arith.addf %add3A_805, %mul3A_814 : vector<16xf32>
          %get3A_816 = arith.index_cast %add3A_679 : i32 to index
          %get3A_817 = arith.constant 16 : index
          %get3A_818 = tpu.vector_load %arg14[%get3A_816, %get3A_817] {strides = array<i32>} : memref<56x128xi32, #tpu.memory_space<vmem>>, vector<16xi32>,
          %bitcast3A_819 = vector.bitcast %get3A_818 : vector<16xi32> to vector<32xbf16>
          %unpack3A_820 = tpu.unpack_subelements %bitcast3A_819, 0 {pack_format = #tpu.pack_format<interleaved>} : vector<32xbf16> -> vector<16xf32>
          %unpack3A_821 = tpu.unpack_subelements %bitcast3A_819, 1 {pack_format = #tpu.pack_format<interleaved>} : vector<32xbf16> -> vector<16xf32>
          %mul3A_822 = arith.mulf %unpack3A_820, %gather3A_629 : vector<16xf32>
          %add3A_823 = arith.addf %add3A_813, %mul3A_822 : vector<16xf32>
          %mul3A_824 = arith.mulf %unpack3A_821, %gather3A_629 : vector<16xf32>
          %add3A_825 = arith.addf %add3A_815, %mul3A_824 : vector<16xf32>
          %get3A_826 = arith.index_cast %add3A_569 : i32 to index
          %get3A_827 = arith.constant 16 : index
          %get3A_828 = tpu.vector_load %arg14[%get3A_826, %get3A_827] {strides = array<i32>} : memref<56x128xi32, #tpu.memory_space<vmem>>, vector<16xi32>,
          %bitcast3A_829 = vector.bitcast %get3A_828 : vector<16xi32> to vector<32xbf16>
          %unpack3A_830 = tpu.unpack_subelements %bitcast3A_829, 0 {pack_format = #tpu.pack_format<interleaved>} : vector<32xbf16> -> vector<16xf32>
          %unpack3A_831 = tpu.unpack_subelements %bitcast3A_829, 1 {pack_format = #tpu.pack_format<interleaved>} : vector<32xbf16> -> vector<16xf32>
          %mul3A_832 = arith.mulf %unpack3A_830, %gather3A_640 : vector<16xf32>
          %add3A_833 = arith.addf %add3A_823, %mul3A_832 : vector<16xf32>
          %mul3A_834 = arith.mulf %unpack3A_831, %gather3A_640 : vector<16xf32>
          %add3A_835 = arith.addf %add3A_825, %mul3A_834 : vector<16xf32>
          %get3A_836 = arith.index_cast %add3A_681 : i32 to index
          %get3A_837 = arith.constant 16 : index
          %get3A_838 = tpu.vector_load %arg14[%get3A_836, %get3A_837] {strides = array<i32>} : memref<56x128xi32, #tpu.memory_space<vmem>>, vector<16xi32>,
          %bitcast3A_839 = vector.bitcast %get3A_838 : vector<16xi32> to vector<32xbf16>
          %unpack3A_840 = tpu.unpack_subelements %bitcast3A_839, 0 {pack_format = #tpu.pack_format<interleaved>} : vector<32xbf16> -> vector<16xf32>
          %unpack3A_841 = tpu.unpack_subelements %bitcast3A_839, 1 {pack_format = #tpu.pack_format<interleaved>} : vector<32xbf16> -> vector<16xf32>
          %mul3A_842 = arith.mulf %unpack3A_840, %gather3A_651 : vector<16xf32>
          %add3A_843 = arith.addf %add3A_833, %mul3A_842 : vector<16xf32>
          %mul3A_844 = arith.mulf %unpack3A_841, %gather3A_651 : vector<16xf32>
          %add3A_845 = arith.addf %add3A_835, %mul3A_844 : vector<16xf32>
          %get3A_846 = arith.index_cast %add3A_683 : i32 to index
          %get3A_847 = arith.constant 16 : index
          %get3A_848 = tpu.vector_load %arg14[%get3A_846, %get3A_847] {strides = array<i32>} : memref<56x128xi32, #tpu.memory_space<vmem>>, vector<16xi32>,
          %bitcast3A_849 = vector.bitcast %get3A_848 : vector<16xi32> to vector<32xbf16>
          %unpack3A_850 = tpu.unpack_subelements %bitcast3A_849, 0 {pack_format = #tpu.pack_format<interleaved>} : vector<32xbf16> -> vector<16xf32>
          %unpack3A_851 = tpu.unpack_subelements %bitcast3A_849, 1 {pack_format = #tpu.pack_format<interleaved>} : vector<32xbf16> -> vector<16xf32>
          %mul3A_852 = arith.mulf %unpack3A_850, %gather3A_662 : vector<16xf32>
          %add3A_853 = arith.addf %add3A_843, %mul3A_852 : vector<16xf32>
          %mul3A_854 = arith.mulf %unpack3A_851, %gather3A_662 : vector<16xf32>
          %add3A_855 = arith.addf %add3A_845, %mul3A_854 : vector<16xf32>
          %get3A_856 = arith.index_cast %add3A_685 : i32 to index
          %get3A_857 = arith.constant 16 : index
          %get3A_858 = tpu.vector_load %arg14[%get3A_856, %get3A_857] {strides = array<i32>} : memref<56x128xi32, #tpu.memory_space<vmem>>, vector<16xi32>,
          %bitcast3A_859 = vector.bitcast %get3A_858 : vector<16xi32> to vector<32xbf16>
          %unpack3A_860 = tpu.unpack_subelements %bitcast3A_859, 0 {pack_format = #tpu.pack_format<interleaved>} : vector<32xbf16> -> vector<16xf32>
          %unpack3A_861 = tpu.unpack_subelements %bitcast3A_859, 1 {pack_format = #tpu.pack_format<interleaved>} : vector<32xbf16> -> vector<16xf32>
          %mul3A_862 = arith.mulf %unpack3A_860, %gather3A_673 : vector<16xf32>
          %add3A_863 = arith.addf %add3A_853, %mul3A_862 : vector<16xf32>
          %mul3A_864 = arith.mulf %unpack3A_861, %gather3A_673 : vector<16xf32>
          %add3A_865 = arith.addf %add3A_855, %mul3A_864 : vector<16xf32>
          %add3A_866 = arith.addi %mul3A_471, %scan3A_564 : i32
          %get3A_867 = arith.index_cast %add3A_866 : i32 to index
          %get3A_868 = arith.constant 32 : index
          %get3A_869 = tpu.vector_load %arg16[%get3A_867, %get3A_868] {strides = array<i32>} : memref<49x256xf32, #tpu.memory_space<vmem>>, vector<16xf32>,
          %add3A_870 = arith.addf %get3A_869, %add3A_863 : vector<16xf32>
          %add3A_871 = arith.addi %mul3A_471, %scan3A_564 : i32
          %swap3A_872 = arith.index_cast %add3A_871 : i32 to index
          %swap3A_873 = arith.constant 32 : index
          %swap3A_874 = tpu.vector_load %arg16[%swap3A_872, %swap3A_873] {strides = array<i32>} : memref<49x256xf32, #tpu.memory_space<vmem>>, vector<16xf32>,
          tpu.vector_store %arg16[%swap3A_872, %swap3A_873], %add3A_870 {strides = array<i32>} : memref<49x256xf32, #tpu.memory_space<vmem>>, vector<16xf32>,
          %add3A_875 = arith.addi %mul3A_471, %scan3A_564 : i32
          %get3A_876 = arith.index_cast %add3A_875 : i32 to index
          %get3A_877 = arith.constant 48 : index
          %get3A_878 = tpu.vector_load %arg16[%get3A_876, %get3A_877] {strides = array<i32>} : memref<49x256xf32, #tpu.memory_space<vmem>>, vector<16xf32>,
          %add3A_879 = arith.addf %get3A_878, %add3A_865 : vector<16xf32>
          %add3A_880 = arith.addi %mul3A_471, %scan3A_564 : i32
          %swap3A_881 = arith.index_cast %add3A_880 : i32 to index
          %swap3A_882 = arith.constant 48 : index
          %swap3A_883 = tpu.vector_load %arg16[%swap3A_881, %swap3A_882] {strides = array<i32>} : memref<49x256xf32, #tpu.memory_space<vmem>>, vector<16xf32>,
          tpu.vector_store %arg16[%swap3A_881, %swap3A_882], %add3A_879 {strides = array<i32>} : memref<49x256xf32, #tpu.memory_space<vmem>>, vector<16xf32>,
          %get3A_884 = arith.index_cast %mul3A_567 : i32 to index
          %get3A_885 = arith.constant 32 : index
          %get3A_886 = tpu.vector_load %arg14[%get3A_884, %get3A_885] {strides = array<i32>} : memref<56x128xi32, #tpu.memory_space<vmem>>, vector<16xi32>,
          %bitcast3A_887 = vector.bitcast %get3A_886 : vector<16xi32> to vector<32xbf16>
          %unpack3A_888 = tpu.unpack_subelements %bitcast3A_887, 0 {pack_format = #tpu.pack_format<interleaved>} : vector<32xbf16> -> vector<16xf32>
          %unpack3A_889 = tpu.unpack_subelements %bitcast3A_887, 1 {pack_format = #tpu.pack_format<interleaved>} : vector<32xbf16> -> vector<16xf32>
          %mul3A_890 = arith.mulf %unpack3A_888, %gather3A_596 : vector<16xf32>
          %mul3A_891 = arith.mulf %unpack3A_889, %gather3A_596 : vector<16xf32>
          %get3A_892 = arith.index_cast %add3A_675 : i32 to index
          %get3A_893 = arith.constant 32 : index
          %get3A_894 = tpu.vector_load %arg14[%get3A_892, %get3A_893] {strides = array<i32>} : memref<56x128xi32, #tpu.memory_space<vmem>>, vector<16xi32>,
          %bitcast3A_895 = vector.bitcast %get3A_894 : vector<16xi32> to vector<32xbf16>
          %unpack3A_896 = tpu.unpack_subelements %bitcast3A_895, 0 {pack_format = #tpu.pack_format<interleaved>} : vector<32xbf16> -> vector<16xf32>
          %unpack3A_897 = tpu.unpack_subelements %bitcast3A_895, 1 {pack_format = #tpu.pack_format<interleaved>} : vector<32xbf16> -> vector<16xf32>
          %mul3A_898 = arith.mulf %unpack3A_896, %gather3A_607 : vector<16xf32>
          %add3A_899 = arith.addf %mul3A_890, %mul3A_898 : vector<16xf32>
          %mul3A_900 = arith.mulf %unpack3A_897, %gather3A_607 : vector<16xf32>
          %add3A_901 = arith.addf %mul3A_891, %mul3A_900 : vector<16xf32>
          %get3A_902 = arith.index_cast %add3A_677 : i32 to index
          %get3A_903 = arith.constant 32 : index
          %get3A_904 = tpu.vector_load %arg14[%get3A_902, %get3A_903] {strides = array<i32>} : memref<56x128xi32, #tpu.memory_space<vmem>>, vector<16xi32>,
          %bitcast3A_905 = vector.bitcast %get3A_904 : vector<16xi32> to vector<32xbf16>
          %unpack3A_906 = tpu.unpack_subelements %bitcast3A_905, 0 {pack_format = #tpu.pack_format<interleaved>} : vector<32xbf16> -> vector<16xf32>
          %unpack3A_907 = tpu.unpack_subelements %bitcast3A_905, 1 {pack_format = #tpu.pack_format<interleaved>} : vector<32xbf16> -> vector<16xf32>
          %mul3A_908 = arith.mulf %unpack3A_906, %gather3A_618 : vector<16xf32>
          %add3A_909 = arith.addf %add3A_899, %mul3A_908 : vector<16xf32>
          %mul3A_910 = arith.mulf %unpack3A_907, %gather3A_618 : vector<16xf32>
          %add3A_911 = arith.addf %add3A_901, %mul3A_910 : vector<16xf32>
          %get3A_912 = arith.index_cast %add3A_679 : i32 to index
          %get3A_913 = arith.constant 32 : index
          %get3A_914 = tpu.vector_load %arg14[%get3A_912, %get3A_913] {strides = array<i32>} : memref<56x128xi32, #tpu.memory_space<vmem>>, vector<16xi32>,
          %bitcast3A_915 = vector.bitcast %get3A_914 : vector<16xi32> to vector<32xbf16>
          %unpack3A_916 = tpu.unpack_subelements %bitcast3A_915, 0 {pack_format = #tpu.pack_format<interleaved>} : vector<32xbf16> -> vector<16xf32>
          %unpack3A_917 = tpu.unpack_subelements %bitcast3A_915, 1 {pack_format = #tpu.pack_format<interleaved>} : vector<32xbf16> -> vector<16xf32>
          %mul3A_918 = arith.mulf %unpack3A_916, %gather3A_629 : vector<16xf32>
          %add3A_919 = arith.addf %add3A_909, %mul3A_918 : vector<16xf32>
          %mul3A_920 = arith.mulf %unpack3A_917, %gather3A_629 : vector<16xf32>
          %add3A_921 = arith.addf %add3A_911, %mul3A_920 : vector<16xf32>
          %get3A_922 = arith.index_cast %add3A_569 : i32 to index
          %get3A_923 = arith.constant 32 : index
          %get3A_924 = tpu.vector_load %arg14[%get3A_922, %get3A_923] {strides = array<i32>} : memref<56x128xi32, #tpu.memory_space<vmem>>, vector<16xi32>,
          %bitcast3A_925 = vector.bitcast %get3A_924 : vector<16xi32> to vector<32xbf16>
          %unpack3A_926 = tpu.unpack_subelements %bitcast3A_925, 0 {pack_format = #tpu.pack_format<interleaved>} : vector<32xbf16> -> vector<16xf32>
          %unpack3A_927 = tpu.unpack_subelements %bitcast3A_925, 1 {pack_format = #tpu.pack_format<interleaved>} : vector<32xbf16> -> vector<16xf32>
          %mul3A_928 = arith.mulf %unpack3A_926, %gather3A_640 : vector<16xf32>
          %add3A_929 = arith.addf %add3A_919, %mul3A_928 : vector<16xf32>
          %mul3A_930 = arith.mulf %unpack3A_927, %gather3A_640 : vector<16xf32>
          %add3A_931 = arith.addf %add3A_921, %mul3A_930 : vector<16xf32>
          %get3A_932 = arith.index_cast %add3A_681 : i32 to index
          %get3A_933 = arith.constant 32 : index
          %get3A_934 = tpu.vector_load %arg14[%get3A_932, %get3A_933] {strides = array<i32>} : memref<56x128xi32, #tpu.memory_space<vmem>>, vector<16xi32>,
          %bitcast3A_935 = vector.bitcast %get3A_934 : vector<16xi32> to vector<32xbf16>
          %unpack3A_936 = tpu.unpack_subelements %bitcast3A_935, 0 {pack_format = #tpu.pack_format<interleaved>} : vector<32xbf16> -> vector<16xf32>
          %unpack3A_937 = tpu.unpack_subelements %bitcast3A_935, 1 {pack_format = #tpu.pack_format<interleaved>} : vector<32xbf16> -> vector<16xf32>
          %mul3A_938 = arith.mulf %unpack3A_936, %gather3A_651 : vector<16xf32>
          %add3A_939 = arith.addf %add3A_929, %mul3A_938 : vector<16xf32>
          %mul3A_940 = arith.mulf %unpack3A_937, %gather3A_651 : vector<16xf32>
          %add3A_941 = arith.addf %add3A_931, %mul3A_940 : vector<16xf32>
          %get3A_942 = arith.index_cast %add3A_683 : i32 to index
          %get3A_943 = arith.constant 32 : index
          %get3A_944 = tpu.vector_load %arg14[%get3A_942, %get3A_943] {strides = array<i32>} : memref<56x128xi32, #tpu.memory_space<vmem>>, vector<16xi32>,
          %bitcast3A_945 = vector.bitcast %get3A_944 : vector<16xi32> to vector<32xbf16>
          %unpack3A_946 = tpu.unpack_subelements %bitcast3A_945, 0 {pack_format = #tpu.pack_format<interleaved>} : vector<32xbf16> -> vector<16xf32>
          %unpack3A_947 = tpu.unpack_subelements %bitcast3A_945, 1 {pack_format = #tpu.pack_format<interleaved>} : vector<32xbf16> -> vector<16xf32>
          %mul3A_948 = arith.mulf %unpack3A_946, %gather3A_662 : vector<16xf32>
          %add3A_949 = arith.addf %add3A_939, %mul3A_948 : vector<16xf32>
          %mul3A_950 = arith.mulf %unpack3A_947, %gather3A_662 : vector<16xf32>
          %add3A_951 = arith.addf %add3A_941, %mul3A_950 : vector<16xf32>
          %get3A_952 = arith.index_cast %add3A_685 : i32 to index
          %get3A_953 = arith.constant 32 : index
          %get3A_954 = tpu.vector_load %arg14[%get3A_952, %get3A_953] {strides = array<i32>} : memref<56x128xi32, #tpu.memory_space<vmem>>, vector<16xi32>,
          %bitcast3A_955 = vector.bitcast %get3A_954 : vector<16xi32> to vector<32xbf16>
          %unpack3A_956 = tpu.unpack_subelements %bitcast3A_955, 0 {pack_format = #tpu.pack_format<interleaved>} : vector<32xbf16> -> vector<16xf32>
          %unpack3A_957 = tpu.unpack_subelements %bitcast3A_955, 1 {pack_format = #tpu.pack_format<interleaved>} : vector<32xbf16> -> vector<16xf32>
          %mul3A_958 = arith.mulf %unpack3A_956, %gather3A_673 : vector<16xf32>
          %add3A_959 = arith.addf %add3A_949, %mul3A_958 : vector<16xf32>
          %mul3A_960 = arith.mulf %unpack3A_957, %gather3A_673 : vector<16xf32>
          %add3A_961 = arith.addf %add3A_951, %mul3A_960 : vector<16xf32>
          %add3A_962 = arith.addi %mul3A_471, %scan3A_564 : i32
          %get3A_963 = arith.index_cast %add3A_962 : i32 to index
          %get3A_964 = arith.constant 64 : index
          %get3A_965 = tpu.vector_load %arg16[%get3A_963, %get3A_964] {strides = array<i32>} : memref<49x256xf32, #tpu.memory_space<vmem>>, vector<16xf32>,
          %add3A_966 = arith.addf %get3A_965, %add3A_959 : vector<16xf32>
          %add3A_967 = arith.addi %mul3A_471, %scan3A_564 : i32
          %swap3A_968 = arith.index_cast %add3A_967 : i32 to index
          %swap3A_969 = arith.constant 64 : index
          %swap3A_970 = tpu.vector_load %arg16[%swap3A_968, %swap3A_969] {strides = array<i32>} : memref<49x256xf32, #tpu.memory_space<vmem>>, vector<16xf32>,
          tpu.vector_store %arg16[%swap3A_968, %swap3A_969], %add3A_966 {strides = array<i32>} : memref<49x256xf32, #tpu.memory_space<vmem>>, vector<16xf32>,
          %add3A_971 = arith.addi %mul3A_471, %scan3A_564 : i32
          %get3A_972 = arith.index_cast %add3A_971 : i32 to index
          %get3A_973 = arith.constant 80 : index
          %get3A_974 = tpu.vector_load %arg16[%get3A_972, %get3A_973] {strides = array<i32>} : memref<49x256xf32, #tpu.memory_space<vmem>>, vector<16xf32>,
          %add3A_975 = arith.addf %get3A_974, %add3A_961 : vector<16xf32>
          %add3A_976 = arith.addi %mul3A_471, %scan3A_564 : i32
          %swap3A_977 = arith.index_cast %add3A_976 : i32 to index
          %swap3A_978 = arith.constant 80 : index
          %swap3A_979 = tpu.vector_load %arg16[%swap3A_977, %swap3A_978] {strides = array<i32>} : memref<49x256xf32, #tpu.memory_space<vmem>>, vector<16xf32>,
          tpu.vector_store %arg16[%swap3A_977, %swap3A_978], %add3A_975 {strides = array<i32>} : memref<49x256xf32, #tpu.memory_space<vmem>>, vector<16xf32>,
          %get3A_980 = arith.index_cast %mul3A_567 : i32 to index
          %get3A_981 = arith.constant 48 : index
          %get3A_982 = tpu.vector_load %arg14[%get3A_980, %get3A_981] {strides = array<i32>} : memref<56x128xi32, #tpu.memory_space<vmem>>, vector<16xi32>,
          %bitcast3A_983 = vector.bitcast %get3A_982 : vector<16xi32> to vector<32xbf16>
          %unpack3A_984 = tpu.unpack_subelements %bitcast3A_983, 0 {pack_format = #tpu.pack_format<interleaved>} : vector<32xbf16> -> vector<16xf32>
          %unpack3A_985 = tpu.unpack_subelements %bitcast3A_983, 1 {pack_format = #tpu.pack_format<interleaved>} : vector<32xbf16> -> vector<16xf32>
          %mul3A_986 = arith.mulf %unpack3A_984, %gather3A_596 : vector<16xf32>
          %mul3A_987 = arith.mulf %unpack3A_985, %gather3A_596 : vector<16xf32>
          %get3A_988 = arith.index_cast %add3A_675 : i32 to index
          %get3A_989 = arith.constant 48 : index
          %get3A_990 = tpu.vector_load %arg14[%get3A_988, %get3A_989] {strides = array<i32>} : memref<56x128xi32, #tpu.memory_space<vmem>>, vector<16xi32>,
          %bitcast3A_991 = vector.bitcast %get3A_990 : vector<16xi32> to vector<32xbf16>
          %unpack3A_992 = tpu.unpack_subelements %bitcast3A_991, 0 {pack_format = #tpu.pack_format<interleaved>} : vector<32xbf16> -> vector<16xf32>
          %unpack3A_993 = tpu.unpack_subelements %bitcast3A_991, 1 {pack_format = #tpu.pack_format<interleaved>} : vector<32xbf16> -> vector<16xf32>
          %mul3A_994 = arith.mulf %unpack3A_992, %gather3A_607 : vector<16xf32>
          %add3A_995 = arith.addf %mul3A_986, %mul3A_994 : vector<16xf32>
          %mul3A_996 = arith.mulf %unpack3A_993, %gather3A_607 : vector<16xf32>
          %add3A_997 = arith.addf %mul3A_987, %mul3A_996 : vector<16xf32>
          %get3A_998 = arith.index_cast %add3A_677 : i32 to index
          %get3A_999 = arith.constant 48 : index
          %get3A_1000 = tpu.vector_load %arg14[%get3A_998, %get3A_999] {strides = array<i32>} : memref<56x128xi32, #tpu.memory_space<vmem>>, vector<16xi32>,
          %bitcast3A_1001 = vector.bitcast %get3A_1000 : vector<16xi32> to vector<32xbf16>
          %unpack3A_1002 = tpu.unpack_subelements %bitcast3A_1001, 0 {pack_format = #tpu.pack_format<interleaved>} : vector<32xbf16> -> vector<16xf32>
          %unpack3A_1003 = tpu.unpack_subelements %bitcast3A_1001, 1 {pack_format = #tpu.pack_format<interleaved>} : vector<32xbf16> -> vector<16xf32>
          %mul3A_1004 = arith.mulf %unpack3A_1002, %gather3A_618 : vector<16xf32>
          %add3A_1005 = arith.addf %add3A_995, %mul3A_1004 : vector<16xf32>
          %mul3A_1006 = arith.mulf %unpack3A_1003, %gather3A_618 : vector<16xf32>
          %add3A_1007 = arith.addf %add3A_997, %mul3A_1006 : vector<16xf32>
          %get3A_1008 = arith.index_cast %add3A_679 : i32 to index
          %get3A_1009 = arith.constant 48 : index
          %get3A_1010 = tpu.vector_load %arg14[%get3A_1008, %get3A_1009] {strides = array<i32>} : memref<56x128xi32, #tpu.memory_space<vmem>>, vector<16xi32>,
          %bitcast3A_1011 = vector.bitcast %get3A_1010 : vector<16xi32> to vector<32xbf16>
          %unpack3A_1012 = tpu.unpack_subelements %bitcast3A_1011, 0 {pack_format = #tpu.pack_format<interleaved>} : vector<32xbf16> -> vector<16xf32>
          %unpack3A_1013 = tpu.unpack_subelements %bitcast3A_1011, 1 {pack_format = #tpu.pack_format<interleaved>} : vector<32xbf16> -> vector<16xf32>
          %mul3A_1014 = arith.mulf %unpack3A_1012, %gather3A_629 : vector<16xf32>
          %add3A_1015 = arith.addf %add3A_1005, %mul3A_1014 : vector<16xf32>
          %mul3A_1016 = arith.mulf %unpack3A_1013, %gather3A_629 : vector<16xf32>
          %add3A_1017 = arith.addf %add3A_1007, %mul3A_1016 : vector<16xf32>
          %get3A_1018 = arith.index_cast %add3A_569 : i32 to index
          %get3A_1019 = arith.constant 48 : index
          %get3A_1020 = tpu.vector_load %arg14[%get3A_1018, %get3A_1019] {strides = array<i32>} : memref<56x128xi32, #tpu.memory_space<vmem>>, vector<16xi32>,
          %bitcast3A_1021 = vector.bitcast %get3A_1020 : vector<16xi32> to vector<32xbf16>
          %unpack3A_1022 = tpu.unpack_subelements %bitcast3A_1021, 0 {pack_format = #tpu.pack_format<interleaved>} : vector<32xbf16> -> vector<16xf32>
          %unpack3A_1023 = tpu.unpack_subelements %bitcast3A_1021, 1 {pack_format = #tpu.pack_format<interleaved>} : vector<32xbf16> -> vector<16xf32>
          %mul3A_1024 = arith.mulf %unpack3A_1022, %gather3A_640 : vector<16xf32>
          %add3A_1025 = arith.addf %add3A_1015, %mul3A_1024 : vector<16xf32>
          %mul3A_1026 = arith.mulf %unpack3A_1023, %gather3A_640 : vector<16xf32>
          %add3A_1027 = arith.addf %add3A_1017, %mul3A_1026 : vector<16xf32>
          %get3A_1028 = arith.index_cast %add3A_681 : i32 to index
          %get3A_1029 = arith.constant 48 : index
          %get3A_1030 = tpu.vector_load %arg14[%get3A_1028, %get3A_1029] {strides = array<i32>} : memref<56x128xi32, #tpu.memory_space<vmem>>, vector<16xi32>,
          %bitcast3A_1031 = vector.bitcast %get3A_1030 : vector<16xi32> to vector<32xbf16>
          %unpack3A_1032 = tpu.unpack_subelements %bitcast3A_1031, 0 {pack_format = #tpu.pack_format<interleaved>} : vector<32xbf16> -> vector<16xf32>
          %unpack3A_1033 = tpu.unpack_subelements %bitcast3A_1031, 1 {pack_format = #tpu.pack_format<interleaved>} : vector<32xbf16> -> vector<16xf32>
          %mul3A_1034 = arith.mulf %unpack3A_1032, %gather3A_651 : vector<16xf32>
          %add3A_1035 = arith.addf %add3A_1025, %mul3A_1034 : vector<16xf32>
          %mul3A_1036 = arith.mulf %unpack3A_1033, %gather3A_651 : vector<16xf32>
          %add3A_1037 = arith.addf %add3A_1027, %mul3A_1036 : vector<16xf32>
          %get3A_1038 = arith.index_cast %add3A_683 : i32 to index
          %get3A_1039 = arith.constant 48 : index
          %get3A_1040 = tpu.vector_load %arg14[%get3A_1038, %get3A_1039] {strides = array<i32>} : memref<56x128xi32, #tpu.memory_space<vmem>>, vector<16xi32>,
          %bitcast3A_1041 = vector.bitcast %get3A_1040 : vector<16xi32> to vector<32xbf16>
          %unpack3A_1042 = tpu.unpack_subelements %bitcast3A_1041, 0 {pack_format = #tpu.pack_format<interleaved>} : vector<32xbf16> -> vector<16xf32>
          %unpack3A_1043 = tpu.unpack_subelements %bitcast3A_1041, 1 {pack_format = #tpu.pack_format<interleaved>} : vector<32xbf16> -> vector<16xf32>
          %mul3A_1044 = arith.mulf %unpack3A_1042, %gather3A_662 : vector<16xf32>
          %add3A_1045 = arith.addf %add3A_1035, %mul3A_1044 : vector<16xf32>
          %mul3A_1046 = arith.mulf %unpack3A_1043, %gather3A_662 : vector<16xf32>
          %add3A_1047 = arith.addf %add3A_1037, %mul3A_1046 : vector<16xf32>
          %get3A_1048 = arith.index_cast %add3A_685 : i32 to index
          %get3A_1049 = arith.constant 48 : index
          %get3A_1050 = tpu.vector_load %arg14[%get3A_1048, %get3A_1049] {strides = array<i32>} : memref<56x128xi32, #tpu.memory_space<vmem>>, vector<16xi32>,
          %bitcast3A_1051 = vector.bitcast %get3A_1050 : vector<16xi32> to vector<32xbf16>
          %unpack3A_1052 = tpu.unpack_subelements %bitcast3A_1051, 0 {pack_format = #tpu.pack_format<interleaved>} : vector<32xbf16> -> vector<16xf32>
          %unpack3A_1053 = tpu.unpack_subelements %bitcast3A_1051, 1 {pack_format = #tpu.pack_format<interleaved>} : vector<32xbf16> -> vector<16xf32>
          %mul3A_1054 = arith.mulf %unpack3A_1052, %gather3A_673 : vector<16xf32>
          %add3A_1055 = arith.addf %add3A_1045, %mul3A_1054 : vector<16xf32>
          %mul3A_1056 = arith.mulf %unpack3A_1053, %gather3A_673 : vector<16xf32>
          %add3A_1057 = arith.addf %add3A_1047, %mul3A_1056 : vector<16xf32>
          %add3A_1058 = arith.addi %mul3A_471, %scan3A_564 : i32
          %get3A_1059 = arith.index_cast %add3A_1058 : i32 to index
          %get3A_1060 = arith.constant 96 : index
          %get3A_1061 = tpu.vector_load %arg16[%get3A_1059, %get3A_1060] {strides = array<i32>} : memref<49x256xf32, #tpu.memory_space<vmem>>, vector<16xf32>,
          %add3A_1062 = arith.addf %get3A_1061, %add3A_1055 : vector<16xf32>
          %add3A_1063 = arith.addi %mul3A_471, %scan3A_564 : i32
          %swap3A_1064 = arith.index_cast %add3A_1063 : i32 to index
          %swap3A_1065 = arith.constant 96 : index
          %swap3A_1066 = tpu.vector_load %arg16[%swap3A_1064, %swap3A_1065] {strides = array<i32>} : memref<49x256xf32, #tpu.memory_space<vmem>>, vector<16xf32>,
          tpu.vector_store %arg16[%swap3A_1064, %swap3A_1065], %add3A_1062 {strides = array<i32>} : memref<49x256xf32, #tpu.memory_space<vmem>>, vector<16xf32>,
          %add3A_1067 = arith.addi %mul3A_471, %scan3A_564 : i32
          %get3A_1068 = arith.index_cast %add3A_1067 : i32 to index
          %get3A_1069 = arith.constant 112 : index
          %get3A_1070 = tpu.vector_load %arg16[%get3A_1068, %get3A_1069] {strides = array<i32>} : memref<49x256xf32, #tpu.memory_space<vmem>>, vector<16xf32>,
          %add3A_1071 = arith.addf %get3A_1070, %add3A_1057 : vector<16xf32>
          %add3A_1072 = arith.addi %mul3A_471, %scan3A_564 : i32
          %swap3A_1073 = arith.index_cast %add3A_1072 : i32 to index
          %swap3A_1074 = arith.constant 112 : index
          %swap3A_1075 = tpu.vector_load %arg16[%swap3A_1073, %swap3A_1074] {strides = array<i32>} : memref<49x256xf32, #tpu.memory_space<vmem>>, vector<16xf32>,
          tpu.vector_store %arg16[%swap3A_1073, %swap3A_1074], %add3A_1071 {strides = array<i32>} : memref<49x256xf32, #tpu.memory_space<vmem>>, vector<16xf32>,
          %get3A_1076 = arith.index_cast %mul3A_567 : i32 to index
          %get3A_1077 = arith.constant 64 : index
          %get3A_1078 = tpu.vector_load %arg14[%get3A_1076, %get3A_1077] {strides = array<i32>} : memref<56x128xi32, #tpu.memory_space<vmem>>, vector<16xi32>,
          %bitcast3A_1079 = vector.bitcast %get3A_1078 : vector<16xi32> to vector<32xbf16>
          %unpack3A_1080 = tpu.unpack_subelements %bitcast3A_1079, 0 {pack_format = #tpu.pack_format<interleaved>} : vector<32xbf16> -> vector<16xf32>
          %unpack3A_1081 = tpu.unpack_subelements %bitcast3A_1079, 1 {pack_format = #tpu.pack_format<interleaved>} : vector<32xbf16> -> vector<16xf32>
          %mul3A_1082 = arith.mulf %unpack3A_1080, %gather3A_596 : vector<16xf32>
          %mul3A_1083 = arith.mulf %unpack3A_1081, %gather3A_596 : vector<16xf32>
          %get3A_1084 = arith.index_cast %add3A_675 : i32 to index
          %get3A_1085 = arith.constant 64 : index
          %get3A_1086 = tpu.vector_load %arg14[%get3A_1084, %get3A_1085] {strides = array<i32>} : memref<56x128xi32, #tpu.memory_space<vmem>>, vector<16xi32>,
          %bitcast3A_1087 = vector.bitcast %get3A_1086 : vector<16xi32> to vector<32xbf16>
          %unpack3A_1088 = tpu.unpack_subelements %bitcast3A_1087, 0 {pack_format = #tpu.pack_format<interleaved>} : vector<32xbf16> -> vector<16xf32>
          %unpack3A_1089 = tpu.unpack_subelements %bitcast3A_1087, 1 {pack_format = #tpu.pack_format<interleaved>} : vector<32xbf16> -> vector<16xf32>
          %mul3A_1090 = arith.mulf %unpack3A_1088, %gather3A_607 : vector<16xf32>
          %add3A_1091 = arith.addf %mul3A_1082, %mul3A_1090 : vector<16xf32>
          %mul3A_1092 = arith.mulf %unpack3A_1089, %gather3A_607 : vector<16xf32>
          %add3A_1093 = arith.addf %mul3A_1083, %mul3A_1092 : vector<16xf32>
          %get3A_1094 = arith.index_cast %add3A_677 : i32 to index
          %get3A_1095 = arith.constant 64 : index
          %get3A_1096 = tpu.vector_load %arg14[%get3A_1094, %get3A_1095] {strides = array<i32>} : memref<56x128xi32, #tpu.memory_space<vmem>>, vector<16xi32>,
          %bitcast3A_1097 = vector.bitcast %get3A_1096 : vector<16xi32> to vector<32xbf16>
          %unpack3A_1098 = tpu.unpack_subelements %bitcast3A_1097, 0 {pack_format = #tpu.pack_format<interleaved>} : vector<32xbf16> -> vector<16xf32>
          %unpack3A_1099 = tpu.unpack_subelements %bitcast3A_1097, 1 {pack_format = #tpu.pack_format<interleaved>} : vector<32xbf16> -> vector<16xf32>
          %mul3A_1100 = arith.mulf %unpack3A_1098, %gather3A_618 : vector<16xf32>
          %add3A_1101 = arith.addf %add3A_1091, %mul3A_1100 : vector<16xf32>
          %mul3A_1102 = arith.mulf %unpack3A_1099, %gather3A_618 : vector<16xf32>
          %add3A_1103 = arith.addf %add3A_1093, %mul3A_1102 : vector<16xf32>
          %get3A_1104 = arith.index_cast %add3A_679 : i32 to index
          %get3A_1105 = arith.constant 64 : index
          %get3A_1106 = tpu.vector_load %arg14[%get3A_1104, %get3A_1105] {strides = array<i32>} : memref<56x128xi32, #tpu.memory_space<vmem>>, vector<16xi32>,
          %bitcast3A_1107 = vector.bitcast %get3A_1106 : vector<16xi32> to vector<32xbf16>
          %unpack3A_1108 = tpu.unpack_subelements %bitcast3A_1107, 0 {pack_format = #tpu.pack_format<interleaved>} : vector<32xbf16> -> vector<16xf32>
          %unpack3A_1109 = tpu.unpack_subelements %bitcast3A_1107, 1 {pack_format = #tpu.pack_format<interleaved>} : vector<32xbf16> -> vector<16xf32>
          %mul3A_1110 = arith.mulf %unpack3A_1108, %gather3A_629 : vector<16xf32>
          %add3A_1111 = arith.addf %add3A_1101, %mul3A_1110 : vector<16xf32>
          %mul3A_1112 = arith.mulf %unpack3A_1109, %gather3A_629 : vector<16xf32>
          %add3A_1113 = arith.addf %add3A_1103, %mul3A_1112 : vector<16xf32>
          %get3A_1114 = arith.index_cast %add3A_569 : i32 to index
          %get3A_1115 = arith.constant 64 : index
          %get3A_1116 = tpu.vector_load %arg14[%get3A_1114, %get3A_1115] {strides = array<i32>} : memref<56x128xi32, #tpu.memory_space<vmem>>, vector<16xi32>,
          %bitcast3A_1117 = vector.bitcast %get3A_1116 : vector<16xi32> to vector<32xbf16>
          %unpack3A_1118 = tpu.unpack_subelements %bitcast3A_1117, 0 {pack_format = #tpu.pack_format<interleaved>} : vector<32xbf16> -> vector<16xf32>
          %unpack3A_1119 = tpu.unpack_subelements %bitcast3A_1117, 1 {pack_format = #tpu.pack_format<interleaved>} : vector<32xbf16> -> vector<16xf32>
          %mul3A_1120 = arith.mulf %unpack3A_1118, %gather3A_640 : vector<16xf32>
          %add3A_1121 = arith.addf %add3A_1111, %mul3A_1120 : vector<16xf32>
          %mul3A_1122 = arith.mulf %unpack3A_1119, %gather3A_640 : vector<16xf32>
          %add3A_1123 = arith.addf %add3A_1113, %mul3A_1122 : vector<16xf32>
          %get3A_1124 = arith.index_cast %add3A_681 : i32 to index
          %get3A_1125 = arith.constant 64 : index
          %get3A_1126 = tpu.vector_load %arg14[%get3A_1124, %get3A_1125] {strides = array<i32>} : memref<56x128xi32, #tpu.memory_space<vmem>>, vector<16xi32>,
          %bitcast3A_1127 = vector.bitcast %get3A_1126 : vector<16xi32> to vector<32xbf16>
          %unpack3A_1128 = tpu.unpack_subelements %bitcast3A_1127, 0 {pack_format = #tpu.pack_format<interleaved>} : vector<32xbf16> -> vector<16xf32>
          %unpack3A_1129 = tpu.unpack_subelements %bitcast3A_1127, 1 {pack_format = #tpu.pack_format<interleaved>} : vector<32xbf16> -> vector<16xf32>
          %mul3A_1130 = arith.mulf %unpack3A_1128, %gather3A_651 : vector<16xf32>
          %add3A_1131 = arith.addf %add3A_1121, %mul3A_1130 : vector<16xf32>
          %mul3A_1132 = arith.mulf %unpack3A_1129, %gather3A_651 : vector<16xf32>
          %add3A_1133 = arith.addf %add3A_1123, %mul3A_1132 : vector<16xf32>
          %get3A_1134 = arith.index_cast %add3A_683 : i32 to index
          %get3A_1135 = arith.constant 64 : index
          %get3A_1136 = tpu.vector_load %arg14[%get3A_1134, %get3A_1135] {strides = array<i32>} : memref<56x128xi32, #tpu.memory_space<vmem>>, vector<16xi32>,
          %bitcast3A_1137 = vector.bitcast %get3A_1136 : vector<16xi32> to vector<32xbf16>
          %unpack3A_1138 = tpu.unpack_subelements %bitcast3A_1137, 0 {pack_format = #tpu.pack_format<interleaved>} : vector<32xbf16> -> vector<16xf32>
          %unpack3A_1139 = tpu.unpack_subelements %bitcast3A_1137, 1 {pack_format = #tpu.pack_format<interleaved>} : vector<32xbf16> -> vector<16xf32>
          %mul3A_1140 = arith.mulf %unpack3A_1138, %gather3A_662 : vector<16xf32>
          %add3A_1141 = arith.addf %add3A_1131, %mul3A_1140 : vector<16xf32>
          %mul3A_1142 = arith.mulf %unpack3A_1139, %gather3A_662 : vector<16xf32>
          %add3A_1143 = arith.addf %add3A_1133, %mul3A_1142 : vector<16xf32>
          %get3A_1144 = arith.index_cast %add3A_685 : i32 to index
          %get3A_1145 = arith.constant 64 : index
          %get3A_1146 = tpu.vector_load %arg14[%get3A_1144, %get3A_1145] {strides = array<i32>} : memref<56x128xi32, #tpu.memory_space<vmem>>, vector<16xi32>,
          %bitcast3A_1147 = vector.bitcast %get3A_1146 : vector<16xi32> to vector<32xbf16>
          %unpack3A_1148 = tpu.unpack_subelements %bitcast3A_1147, 0 {pack_format = #tpu.pack_format<interleaved>} : vector<32xbf16> -> vector<16xf32>
          %unpack3A_1149 = tpu.unpack_subelements %bitcast3A_1147, 1 {pack_format = #tpu.pack_format<interleaved>} : vector<32xbf16> -> vector<16xf32>
          %mul3A_1150 = arith.mulf %unpack3A_1148, %gather3A_673 : vector<16xf32>
          %add3A_1151 = arith.addf %add3A_1141, %mul3A_1150 : vector<16xf32>
          %mul3A_1152 = arith.mulf %unpack3A_1149, %gather3A_673 : vector<16xf32>
          %add3A_1153 = arith.addf %add3A_1143, %mul3A_1152 : vector<16xf32>
          %add3A_1154 = arith.addi %mul3A_471, %scan3A_564 : i32
          %get3A_1155 = arith.index_cast %add3A_1154 : i32 to index
          %get3A_1156 = arith.constant 128 : index
          %get3A_1157 = tpu.vector_load %arg16[%get3A_1155, %get3A_1156] {strides = array<i32>} : memref<49x256xf32, #tpu.memory_space<vmem>>, vector<16xf32>,
          %add3A_1158 = arith.addf %get3A_1157, %add3A_1151 : vector<16xf32>
          %add3A_1159 = arith.addi %mul3A_471, %scan3A_564 : i32
          %swap3A_1160 = arith.index_cast %add3A_1159 : i32 to index
          %swap3A_1161 = arith.constant 128 : index
          %swap3A_1162 = tpu.vector_load %arg16[%swap3A_1160, %swap3A_1161] {strides = array<i32>} : memref<49x256xf32, #tpu.memory_space<vmem>>, vector<16xf32>,
          tpu.vector_store %arg16[%swap3A_1160, %swap3A_1161], %add3A_1158 {strides = array<i32>} : memref<49x256xf32, #tpu.memory_space<vmem>>, vector<16xf32>,
          %add3A_1163 = arith.addi %mul3A_471, %scan3A_564 : i32
          %get3A_1164 = arith.index_cast %add3A_1163 : i32 to index
          %get3A_1165 = arith.constant 144 : index
          %get3A_1166 = tpu.vector_load %arg16[%get3A_1164, %get3A_1165] {strides = array<i32>} : memref<49x256xf32, #tpu.memory_space<vmem>>, vector<16xf32>,
          %add3A_1167 = arith.addf %get3A_1166, %add3A_1153 : vector<16xf32>
          %add3A_1168 = arith.addi %mul3A_471, %scan3A_564 : i32
          %swap3A_1169 = arith.index_cast %add3A_1168 : i32 to index
          %swap3A_1170 = arith.constant 144 : index
          %swap3A_1171 = tpu.vector_load %arg16[%swap3A_1169, %swap3A_1170] {strides = array<i32>} : memref<49x256xf32, #tpu.memory_space<vmem>>, vector<16xf32>,
          tpu.vector_store %arg16[%swap3A_1169, %swap3A_1170], %add3A_1167 {strides = array<i32>} : memref<49x256xf32, #tpu.memory_space<vmem>>, vector<16xf32>,
          %get3A_1172 = arith.index_cast %mul3A_567 : i32 to index
          %get3A_1173 = arith.constant 80 : index
          %get3A_1174 = tpu.vector_load %arg14[%get3A_1172, %get3A_1173] {strides = array<i32>} : memref<56x128xi32, #tpu.memory_space<vmem>>, vector<16xi32>,
          %bitcast3A_1175 = vector.bitcast %get3A_1174 : vector<16xi32> to vector<32xbf16>
          %unpack3A_1176 = tpu.unpack_subelements %bitcast3A_1175, 0 {pack_format = #tpu.pack_format<interleaved>} : vector<32xbf16> -> vector<16xf32>
          %unpack3A_1177 = tpu.unpack_subelements %bitcast3A_1175, 1 {pack_format = #tpu.pack_format<interleaved>} : vector<32xbf16> -> vector<16xf32>
          %mul3A_1178 = arith.mulf %unpack3A_1176, %gather3A_596 : vector<16xf32>
          %mul3A_1179 = arith.mulf %unpack3A_1177, %gather3A_596 : vector<16xf32>
          %get3A_1180 = arith.index_cast %add3A_675 : i32 to index
          %get3A_1181 = arith.constant 80 : index
          %get3A_1182 = tpu.vector_load %arg14[%get3A_1180, %get3A_1181] {strides = array<i32>} : memref<56x128xi32, #tpu.memory_space<vmem>>, vector<16xi32>,
          %bitcast3A_1183 = vector.bitcast %get3A_1182 : vector<16xi32> to vector<32xbf16>
          %unpack3A_1184 = tpu.unpack_subelements %bitcast3A_1183, 0 {pack_format = #tpu.pack_format<interleaved>} : vector<32xbf16> -> vector<16xf32>
          %unpack3A_1185 = tpu.unpack_subelements %bitcast3A_1183, 1 {pack_format = #tpu.pack_format<interleaved>} : vector<32xbf16> -> vector<16xf32>
          %mul3A_1186 = arith.mulf %unpack3A_1184, %gather3A_607 : vector<16xf32>
          %add3A_1187 = arith.addf %mul3A_1178, %mul3A_1186 : vector<16xf32>
          %mul3A_1188 = arith.mulf %unpack3A_1185, %gather3A_607 : vector<16xf32>
          %add3A_1189 = arith.addf %mul3A_1179, %mul3A_1188 : vector<16xf32>
          %get3A_1190 = arith.index_cast %add3A_677 : i32 to index
          %get3A_1191 = arith.constant 80 : index
          %get3A_1192 = tpu.vector_load %arg14[%get3A_1190, %get3A_1191] {strides = array<i32>} : memref<56x128xi32, #tpu.memory_space<vmem>>, vector<16xi32>,
          %bitcast3A_1193 = vector.bitcast %get3A_1192 : vector<16xi32> to vector<32xbf16>
          %unpack3A_1194 = tpu.unpack_subelements %bitcast3A_1193, 0 {pack_format = #tpu.pack_format<interleaved>} : vector<32xbf16> -> vector<16xf32>
          %unpack3A_1195 = tpu.unpack_subelements %bitcast3A_1193, 1 {pack_format = #tpu.pack_format<interleaved>} : vector<32xbf16> -> vector<16xf32>
          %mul3A_1196 = arith.mulf %unpack3A_1194, %gather3A_618 : vector<16xf32>
          %add3A_1197 = arith.addf %add3A_1187, %mul3A_1196 : vector<16xf32>
          %mul3A_1198 = arith.mulf %unpack3A_1195, %gather3A_618 : vector<16xf32>
          %add3A_1199 = arith.addf %add3A_1189, %mul3A_1198 : vector<16xf32>
          %get3A_1200 = arith.index_cast %add3A_679 : i32 to index
          %get3A_1201 = arith.constant 80 : index
          %get3A_1202 = tpu.vector_load %arg14[%get3A_1200, %get3A_1201] {strides = array<i32>} : memref<56x128xi32, #tpu.memory_space<vmem>>, vector<16xi32>,
          %bitcast3A_1203 = vector.bitcast %get3A_1202 : vector<16xi32> to vector<32xbf16>
          %unpack3A_1204 = tpu.unpack_subelements %bitcast3A_1203, 0 {pack_format = #tpu.pack_format<interleaved>} : vector<32xbf16> -> vector<16xf32>
          %unpack3A_1205 = tpu.unpack_subelements %bitcast3A_1203, 1 {pack_format = #tpu.pack_format<interleaved>} : vector<32xbf16> -> vector<16xf32>
          %mul3A_1206 = arith.mulf %unpack3A_1204, %gather3A_629 : vector<16xf32>
          %add3A_1207 = arith.addf %add3A_1197, %mul3A_1206 : vector<16xf32>
          %mul3A_1208 = arith.mulf %unpack3A_1205, %gather3A_629 : vector<16xf32>
          %add3A_1209 = arith.addf %add3A_1199, %mul3A_1208 : vector<16xf32>
          %get3A_1210 = arith.index_cast %add3A_569 : i32 to index
          %get3A_1211 = arith.constant 80 : index
          %get3A_1212 = tpu.vector_load %arg14[%get3A_1210, %get3A_1211] {strides = array<i32>} : memref<56x128xi32, #tpu.memory_space<vmem>>, vector<16xi32>,
          %bitcast3A_1213 = vector.bitcast %get3A_1212 : vector<16xi32> to vector<32xbf16>
          %unpack3A_1214 = tpu.unpack_subelements %bitcast3A_1213, 0 {pack_format = #tpu.pack_format<interleaved>} : vector<32xbf16> -> vector<16xf32>
          %unpack3A_1215 = tpu.unpack_subelements %bitcast3A_1213, 1 {pack_format = #tpu.pack_format<interleaved>} : vector<32xbf16> -> vector<16xf32>
          %mul3A_1216 = arith.mulf %unpack3A_1214, %gather3A_640 : vector<16xf32>
          %add3A_1217 = arith.addf %add3A_1207, %mul3A_1216 : vector<16xf32>
          %mul3A_1218 = arith.mulf %unpack3A_1215, %gather3A_640 : vector<16xf32>
          %add3A_1219 = arith.addf %add3A_1209, %mul3A_1218 : vector<16xf32>
          %get3A_1220 = arith.index_cast %add3A_681 : i32 to index
          %get3A_1221 = arith.constant 80 : index
          %get3A_1222 = tpu.vector_load %arg14[%get3A_1220, %get3A_1221] {strides = array<i32>} : memref<56x128xi32, #tpu.memory_space<vmem>>, vector<16xi32>,
          %bitcast3A_1223 = vector.bitcast %get3A_1222 : vector<16xi32> to vector<32xbf16>
          %unpack3A_1224 = tpu.unpack_subelements %bitcast3A_1223, 0 {pack_format = #tpu.pack_format<interleaved>} : vector<32xbf16> -> vector<16xf32>
          %unpack3A_1225 = tpu.unpack_subelements %bitcast3A_1223, 1 {pack_format = #tpu.pack_format<interleaved>} : vector<32xbf16> -> vector<16xf32>
          %mul3A_1226 = arith.mulf %unpack3A_1224, %gather3A_651 : vector<16xf32>
          %add3A_1227 = arith.addf %add3A_1217, %mul3A_1226 : vector<16xf32>
          %mul3A_1228 = arith.mulf %unpack3A_1225, %gather3A_651 : vector<16xf32>
          %add3A_1229 = arith.addf %add3A_1219, %mul3A_1228 : vector<16xf32>
          %get3A_1230 = arith.index_cast %add3A_683 : i32 to index
          %get3A_1231 = arith.constant 80 : index
          %get3A_1232 = tpu.vector_load %arg14[%get3A_1230, %get3A_1231] {strides = array<i32>} : memref<56x128xi32, #tpu.memory_space<vmem>>, vector<16xi32>,
          %bitcast3A_1233 = vector.bitcast %get3A_1232 : vector<16xi32> to vector<32xbf16>
          %unpack3A_1234 = tpu.unpack_subelements %bitcast3A_1233, 0 {pack_format = #tpu.pack_format<interleaved>} : vector<32xbf16> -> vector<16xf32>
          %unpack3A_1235 = tpu.unpack_subelements %bitcast3A_1233, 1 {pack_format = #tpu.pack_format<interleaved>} : vector<32xbf16> -> vector<16xf32>
          %mul3A_1236 = arith.mulf %unpack3A_1234, %gather3A_662 : vector<16xf32>
          %add3A_1237 = arith.addf %add3A_1227, %mul3A_1236 : vector<16xf32>
          %mul3A_1238 = arith.mulf %unpack3A_1235, %gather3A_662 : vector<16xf32>
          %add3A_1239 = arith.addf %add3A_1229, %mul3A_1238 : vector<16xf32>
          %get3A_1240 = arith.index_cast %add3A_685 : i32 to index
          %get3A_1241 = arith.constant 80 : index
          %get3A_1242 = tpu.vector_load %arg14[%get3A_1240, %get3A_1241] {strides = array<i32>} : memref<56x128xi32, #tpu.memory_space<vmem>>, vector<16xi32>,
          %bitcast3A_1243 = vector.bitcast %get3A_1242 : vector<16xi32> to vector<32xbf16>
          %unpack3A_1244 = tpu.unpack_subelements %bitcast3A_1243, 0 {pack_format = #tpu.pack_format<interleaved>} : vector<32xbf16> -> vector<16xf32>
          %unpack3A_1245 = tpu.unpack_subelements %bitcast3A_1243, 1 {pack_format = #tpu.pack_format<interleaved>} : vector<32xbf16> -> vector<16xf32>
          %mul3A_1246 = arith.mulf %unpack3A_1244, %gather3A_673 : vector<16xf32>
          %add3A_1247 = arith.addf %add3A_1237, %mul3A_1246 : vector<16xf32>
          %mul3A_1248 = arith.mulf %unpack3A_1245, %gather3A_673 : vector<16xf32>
          %add3A_1249 = arith.addf %add3A_1239, %mul3A_1248 : vector<16xf32>
          %add3A_1250 = arith.addi %mul3A_471, %scan3A_564 : i32
          %get3A_1251 = arith.index_cast %add3A_1250 : i32 to index
          %get3A_1252 = arith.constant 160 : index
          %get3A_1253 = tpu.vector_load %arg16[%get3A_1251, %get3A_1252] {strides = array<i32>} : memref<49x256xf32, #tpu.memory_space<vmem>>, vector<16xf32>,
          %add3A_1254 = arith.addf %get3A_1253, %add3A_1247 : vector<16xf32>
          %add3A_1255 = arith.addi %mul3A_471, %scan3A_564 : i32
          %swap3A_1256 = arith.index_cast %add3A_1255 : i32 to index
          %swap3A_1257 = arith.constant 160 : index
          %swap3A_1258 = tpu.vector_load %arg16[%swap3A_1256, %swap3A_1257] {strides = array<i32>} : memref<49x256xf32, #tpu.memory_space<vmem>>, vector<16xf32>,
          tpu.vector_store %arg16[%swap3A_1256, %swap3A_1257], %add3A_1254 {strides = array<i32>} : memref<49x256xf32, #tpu.memory_space<vmem>>, vector<16xf32>,
          %add3A_1259 = arith.addi %mul3A_471, %scan3A_564 : i32
          %get3A_1260 = arith.index_cast %add3A_1259 : i32 to index
          %get3A_1261 = arith.constant 176 : index
          %get3A_1262 = tpu.vector_load %arg16[%get3A_1260, %get3A_1261] {strides = array<i32>} : memref<49x256xf32, #tpu.memory_space<vmem>>, vector<16xf32>,
          %add3A_1263 = arith.addf %get3A_1262, %add3A_1249 : vector<16xf32>
          %add3A_1264 = arith.addi %mul3A_471, %scan3A_564 : i32
          %swap3A_1265 = arith.index_cast %add3A_1264 : i32 to index
          %swap3A_1266 = arith.constant 176 : index
          %swap3A_1267 = tpu.vector_load %arg16[%swap3A_1265, %swap3A_1266] {strides = array<i32>} : memref<49x256xf32, #tpu.memory_space<vmem>>, vector<16xf32>,
          tpu.vector_store %arg16[%swap3A_1265, %swap3A_1266], %add3A_1263 {strides = array<i32>} : memref<49x256xf32, #tpu.memory_space<vmem>>, vector<16xf32>,
          %get3A_1268 = arith.index_cast %mul3A_567 : i32 to index
          %get3A_1269 = arith.constant 96 : index
          %get3A_1270 = tpu.vector_load %arg14[%get3A_1268, %get3A_1269] {strides = array<i32>} : memref<56x128xi32, #tpu.memory_space<vmem>>, vector<16xi32>,
          %bitcast3A_1271 = vector.bitcast %get3A_1270 : vector<16xi32> to vector<32xbf16>
          %unpack3A_1272 = tpu.unpack_subelements %bitcast3A_1271, 0 {pack_format = #tpu.pack_format<interleaved>} : vector<32xbf16> -> vector<16xf32>
          %unpack3A_1273 = tpu.unpack_subelements %bitcast3A_1271, 1 {pack_format = #tpu.pack_format<interleaved>} : vector<32xbf16> -> vector<16xf32>
          %mul3A_1274 = arith.mulf %unpack3A_1272, %gather3A_596 : vector<16xf32>
          %mul3A_1275 = arith.mulf %unpack3A_1273, %gather3A_596 : vector<16xf32>
          %get3A_1276 = arith.index_cast %add3A_675 : i32 to index
          %get3A_1277 = arith.constant 96 : index
          %get3A_1278 = tpu.vector_load %arg14[%get3A_1276, %get3A_1277] {strides = array<i32>} : memref<56x128xi32, #tpu.memory_space<vmem>>, vector<16xi32>,
          %bitcast3A_1279 = vector.bitcast %get3A_1278 : vector<16xi32> to vector<32xbf16>
          %unpack3A_1280 = tpu.unpack_subelements %bitcast3A_1279, 0 {pack_format = #tpu.pack_format<interleaved>} : vector<32xbf16> -> vector<16xf32>
          %unpack3A_1281 = tpu.unpack_subelements %bitcast3A_1279, 1 {pack_format = #tpu.pack_format<interleaved>} : vector<32xbf16> -> vector<16xf32>
          %mul3A_1282 = arith.mulf %unpack3A_1280, %gather3A_607 : vector<16xf32>
          %add3A_1283 = arith.addf %mul3A_1274, %mul3A_1282 : vector<16xf32>
          %mul3A_1284 = arith.mulf %unpack3A_1281, %gather3A_607 : vector<16xf32>
          %add3A_1285 = arith.addf %mul3A_1275, %mul3A_1284 : vector<16xf32>
          %get3A_1286 = arith.index_cast %add3A_677 : i32 to index
          %get3A_1287 = arith.constant 96 : index
          %get3A_1288 = tpu.vector_load %arg14[%get3A_1286, %get3A_1287] {strides = array<i32>} : memref<56x128xi32, #tpu.memory_space<vmem>>, vector<16xi32>,
          %bitcast3A_1289 = vector.bitcast %get3A_1288 : vector<16xi32> to vector<32xbf16>
          %unpack3A_1290 = tpu.unpack_subelements %bitcast3A_1289, 0 {pack_format = #tpu.pack_format<interleaved>} : vector<32xbf16> -> vector<16xf32>
          %unpack3A_1291 = tpu.unpack_subelements %bitcast3A_1289, 1 {pack_format = #tpu.pack_format<interleaved>} : vector<32xbf16> -> vector<16xf32>
          %mul3A_1292 = arith.mulf %unpack3A_1290, %gather3A_618 : vector<16xf32>
          %add3A_1293 = arith.addf %add3A_1283, %mul3A_1292 : vector<16xf32>
          %mul3A_1294 = arith.mulf %unpack3A_1291, %gather3A_618 : vector<16xf32>
          %add3A_1295 = arith.addf %add3A_1285, %mul3A_1294 : vector<16xf32>
          %get3A_1296 = arith.index_cast %add3A_679 : i32 to index
          %get3A_1297 = arith.constant 96 : index
          %get3A_1298 = tpu.vector_load %arg14[%get3A_1296, %get3A_1297] {strides = array<i32>} : memref<56x128xi32, #tpu.memory_space<vmem>>, vector<16xi32>,
          %bitcast3A_1299 = vector.bitcast %get3A_1298 : vector<16xi32> to vector<32xbf16>
          %unpack3A_1300 = tpu.unpack_subelements %bitcast3A_1299, 0 {pack_format = #tpu.pack_format<interleaved>} : vector<32xbf16> -> vector<16xf32>
          %unpack3A_1301 = tpu.unpack_subelements %bitcast3A_1299, 1 {pack_format = #tpu.pack_format<interleaved>} : vector<32xbf16> -> vector<16xf32>
          %mul3A_1302 = arith.mulf %unpack3A_1300, %gather3A_629 : vector<16xf32>
          %add3A_1303 = arith.addf %add3A_1293, %mul3A_1302 : vector<16xf32>
          %mul3A_1304 = arith.mulf %unpack3A_1301, %gather3A_629 : vector<16xf32>
          %add3A_1305 = arith.addf %add3A_1295, %mul3A_1304 : vector<16xf32>
          %get3A_1306 = arith.index_cast %add3A_569 : i32 to index
          %get3A_1307 = arith.constant 96 : index
          %get3A_1308 = tpu.vector_load %arg14[%get3A_1306, %get3A_1307] {strides = array<i32>} : memref<56x128xi32, #tpu.memory_space<vmem>>, vector<16xi32>,
          %bitcast3A_1309 = vector.bitcast %get3A_1308 : vector<16xi32> to vector<32xbf16>
          %unpack3A_1310 = tpu.unpack_subelements %bitcast3A_1309, 0 {pack_format = #tpu.pack_format<interleaved>} : vector<32xbf16> -> vector<16xf32>
          %unpack3A_1311 = tpu.unpack_subelements %bitcast3A_1309, 1 {pack_format = #tpu.pack_format<interleaved>} : vector<32xbf16> -> vector<16xf32>
          %mul3A_1312 = arith.mulf %unpack3A_1310, %gather3A_640 : vector<16xf32>
          %add3A_1313 = arith.addf %add3A_1303, %mul3A_1312 : vector<16xf32>
          %mul3A_1314 = arith.mulf %unpack3A_1311, %gather3A_640 : vector<16xf32>
          %add3A_1315 = arith.addf %add3A_1305, %mul3A_1314 : vector<16xf32>
          %get3A_1316 = arith.index_cast %add3A_681 : i32 to index
          %get3A_1317 = arith.constant 96 : index
          %get3A_1318 = tpu.vector_load %arg14[%get3A_1316, %get3A_1317] {strides = array<i32>} : memref<56x128xi32, #tpu.memory_space<vmem>>, vector<16xi32>,
          %bitcast3A_1319 = vector.bitcast %get3A_1318 : vector<16xi32> to vector<32xbf16>
          %unpack3A_1320 = tpu.unpack_subelements %bitcast3A_1319, 0 {pack_format = #tpu.pack_format<interleaved>} : vector<32xbf16> -> vector<16xf32>
          %unpack3A_1321 = tpu.unpack_subelements %bitcast3A_1319, 1 {pack_format = #tpu.pack_format<interleaved>} : vector<32xbf16> -> vector<16xf32>
          %mul3A_1322 = arith.mulf %unpack3A_1320, %gather3A_651 : vector<16xf32>
          %add3A_1323 = arith.addf %add3A_1313, %mul3A_1322 : vector<16xf32>
          %mul3A_1324 = arith.mulf %unpack3A_1321, %gather3A_651 : vector<16xf32>
          %add3A_1325 = arith.addf %add3A_1315, %mul3A_1324 : vector<16xf32>
          %get3A_1326 = arith.index_cast %add3A_683 : i32 to index
          %get3A_1327 = arith.constant 96 : index
          %get3A_1328 = tpu.vector_load %arg14[%get3A_1326, %get3A_1327] {strides = array<i32>} : memref<56x128xi32, #tpu.memory_space<vmem>>, vector<16xi32>,
          %bitcast3A_1329 = vector.bitcast %get3A_1328 : vector<16xi32> to vector<32xbf16>
          %unpack3A_1330 = tpu.unpack_subelements %bitcast3A_1329, 0 {pack_format = #tpu.pack_format<interleaved>} : vector<32xbf16> -> vector<16xf32>
          %unpack3A_1331 = tpu.unpack_subelements %bitcast3A_1329, 1 {pack_format = #tpu.pack_format<interleaved>} : vector<32xbf16> -> vector<16xf32>
          %mul3A_1332 = arith.mulf %unpack3A_1330, %gather3A_662 : vector<16xf32>
          %add3A_1333 = arith.addf %add3A_1323, %mul3A_1332 : vector<16xf32>
          %mul3A_1334 = arith.mulf %unpack3A_1331, %gather3A_662 : vector<16xf32>
          %add3A_1335 = arith.addf %add3A_1325, %mul3A_1334 : vector<16xf32>
          %get3A_1336 = arith.index_cast %add3A_685 : i32 to index
          %get3A_1337 = arith.constant 96 : index
          %get3A_1338 = tpu.vector_load %arg14[%get3A_1336, %get3A_1337] {strides = array<i32>} : memref<56x128xi32, #tpu.memory_space<vmem>>, vector<16xi32>,
          %bitcast3A_1339 = vector.bitcast %get3A_1338 : vector<16xi32> to vector<32xbf16>
          %unpack3A_1340 = tpu.unpack_subelements %bitcast3A_1339, 0 {pack_format = #tpu.pack_format<interleaved>} : vector<32xbf16> -> vector<16xf32>
          %unpack3A_1341 = tpu.unpack_subelements %bitcast3A_1339, 1 {pack_format = #tpu.pack_format<interleaved>} : vector<32xbf16> -> vector<16xf32>
          %mul3A_1342 = arith.mulf %unpack3A_1340, %gather3A_673 : vector<16xf32>
          %add3A_1343 = arith.addf %add3A_1333, %mul3A_1342 : vector<16xf32>
          %mul3A_1344 = arith.mulf %unpack3A_1341, %gather3A_673 : vector<16xf32>
          %add3A_1345 = arith.addf %add3A_1335, %mul3A_1344 : vector<16xf32>
          %add3A_1346 = arith.addi %mul3A_471, %scan3A_564 : i32
          %get3A_1347 = arith.index_cast %add3A_1346 : i32 to index
          %get3A_1348 = arith.constant 192 : index
          %get3A_1349 = tpu.vector_load %arg16[%get3A_1347, %get3A_1348] {strides = array<i32>} : memref<49x256xf32, #tpu.memory_space<vmem>>, vector<16xf32>,
          %add3A_1350 = arith.addf %get3A_1349, %add3A_1343 : vector<16xf32>
          %add3A_1351 = arith.addi %mul3A_471, %scan3A_564 : i32
          %swap3A_1352 = arith.index_cast %add3A_1351 : i32 to index
          %swap3A_1353 = arith.constant 192 : index
          %swap3A_1354 = tpu.vector_load %arg16[%swap3A_1352, %swap3A_1353] {strides = array<i32>} : memref<49x256xf32, #tpu.memory_space<vmem>>, vector<16xf32>,
          tpu.vector_store %arg16[%swap3A_1352, %swap3A_1353], %add3A_1350 {strides = array<i32>} : memref<49x256xf32, #tpu.memory_space<vmem>>, vector<16xf32>,
          %add3A_1355 = arith.addi %mul3A_471, %scan3A_564 : i32
          %get3A_1356 = arith.index_cast %add3A_1355 : i32 to index
          %get3A_1357 = arith.constant 208 : index
          %get3A_1358 = tpu.vector_load %arg16[%get3A_1356, %get3A_1357] {strides = array<i32>} : memref<49x256xf32, #tpu.memory_space<vmem>>, vector<16xf32>,
          %add3A_1359 = arith.addf %get3A_1358, %add3A_1345 : vector<16xf32>
          %add3A_1360 = arith.addi %mul3A_471, %scan3A_564 : i32
          %swap3A_1361 = arith.index_cast %add3A_1360 : i32 to index
          %swap3A_1362 = arith.constant 208 : index
          %swap3A_1363 = tpu.vector_load %arg16[%swap3A_1361, %swap3A_1362] {strides = array<i32>} : memref<49x256xf32, #tpu.memory_space<vmem>>, vector<16xf32>,
          tpu.vector_store %arg16[%swap3A_1361, %swap3A_1362], %add3A_1359 {strides = array<i32>} : memref<49x256xf32, #tpu.memory_space<vmem>>, vector<16xf32>,
          %get3A_1364 = arith.index_cast %mul3A_567 : i32 to index
          %get3A_1365 = arith.constant 112 : index
          %get3A_1366 = tpu.vector_load %arg14[%get3A_1364, %get3A_1365] {strides = array<i32>} : memref<56x128xi32, #tpu.memory_space<vmem>>, vector<16xi32>,
          %bitcast3A_1367 = vector.bitcast %get3A_1366 : vector<16xi32> to vector<32xbf16>
          %unpack3A_1368 = tpu.unpack_subelements %bitcast3A_1367, 0 {pack_format = #tpu.pack_format<interleaved>} : vector<32xbf16> -> vector<16xf32>
          %unpack3A_1369 = tpu.unpack_subelements %bitcast3A_1367, 1 {pack_format = #tpu.pack_format<interleaved>} : vector<32xbf16> -> vector<16xf32>
          %mul3A_1370 = arith.mulf %unpack3A_1368, %gather3A_596 : vector<16xf32>
          %mul3A_1371 = arith.mulf %unpack3A_1369, %gather3A_596 : vector<16xf32>
          %get3A_1372 = arith.index_cast %add3A_675 : i32 to index
          %get3A_1373 = arith.constant 112 : index
          %get3A_1374 = tpu.vector_load %arg14[%get3A_1372, %get3A_1373] {strides = array<i32>} : memref<56x128xi32, #tpu.memory_space<vmem>>, vector<16xi32>,
          %bitcast3A_1375 = vector.bitcast %get3A_1374 : vector<16xi32> to vector<32xbf16>
          %unpack3A_1376 = tpu.unpack_subelements %bitcast3A_1375, 0 {pack_format = #tpu.pack_format<interleaved>} : vector<32xbf16> -> vector<16xf32>
          %unpack3A_1377 = tpu.unpack_subelements %bitcast3A_1375, 1 {pack_format = #tpu.pack_format<interleaved>} : vector<32xbf16> -> vector<16xf32>
          %mul3A_1378 = arith.mulf %unpack3A_1376, %gather3A_607 : vector<16xf32>
          %add3A_1379 = arith.addf %mul3A_1370, %mul3A_1378 : vector<16xf32>
          %mul3A_1380 = arith.mulf %unpack3A_1377, %gather3A_607 : vector<16xf32>
          %add3A_1381 = arith.addf %mul3A_1371, %mul3A_1380 : vector<16xf32>
          %get3A_1382 = arith.index_cast %add3A_677 : i32 to index
          %get3A_1383 = arith.constant 112 : index
          %get3A_1384 = tpu.vector_load %arg14[%get3A_1382, %get3A_1383] {strides = array<i32>} : memref<56x128xi32, #tpu.memory_space<vmem>>, vector<16xi32>,
          %bitcast3A_1385 = vector.bitcast %get3A_1384 : vector<16xi32> to vector<32xbf16>
          %unpack3A_1386 = tpu.unpack_subelements %bitcast3A_1385, 0 {pack_format = #tpu.pack_format<interleaved>} : vector<32xbf16> -> vector<16xf32>
          %unpack3A_1387 = tpu.unpack_subelements %bitcast3A_1385, 1 {pack_format = #tpu.pack_format<interleaved>} : vector<32xbf16> -> vector<16xf32>
          %mul3A_1388 = arith.mulf %unpack3A_1386, %gather3A_618 : vector<16xf32>
          %add3A_1389 = arith.addf %add3A_1379, %mul3A_1388 : vector<16xf32>
          %mul3A_1390 = arith.mulf %unpack3A_1387, %gather3A_618 : vector<16xf32>
          %add3A_1391 = arith.addf %add3A_1381, %mul3A_1390 : vector<16xf32>
          %get3A_1392 = arith.index_cast %add3A_679 : i32 to index
          %get3A_1393 = arith.constant 112 : index
          %get3A_1394 = tpu.vector_load %arg14[%get3A_1392, %get3A_1393] {strides = array<i32>} : memref<56x128xi32, #tpu.memory_space<vmem>>, vector<16xi32>,
          %bitcast3A_1395 = vector.bitcast %get3A_1394 : vector<16xi32> to vector<32xbf16>
          %unpack3A_1396 = tpu.unpack_subelements %bitcast3A_1395, 0 {pack_format = #tpu.pack_format<interleaved>} : vector<32xbf16> -> vector<16xf32>
          %unpack3A_1397 = tpu.unpack_subelements %bitcast3A_1395, 1 {pack_format = #tpu.pack_format<interleaved>} : vector<32xbf16> -> vector<16xf32>
          %mul3A_1398 = arith.mulf %unpack3A_1396, %gather3A_629 : vector<16xf32>
          %add3A_1399 = arith.addf %add3A_1389, %mul3A_1398 : vector<16xf32>
          %mul3A_1400 = arith.mulf %unpack3A_1397, %gather3A_629 : vector<16xf32>
          %add3A_1401 = arith.addf %add3A_1391, %mul3A_1400 : vector<16xf32>
          %get3A_1402 = arith.index_cast %add3A_569 : i32 to index
          %get3A_1403 = arith.constant 112 : index
          %get3A_1404 = tpu.vector_load %arg14[%get3A_1402, %get3A_1403] {strides = array<i32>} : memref<56x128xi32, #tpu.memory_space<vmem>>, vector<16xi32>,
          %bitcast3A_1405 = vector.bitcast %get3A_1404 : vector<16xi32> to vector<32xbf16>
          %unpack3A_1406 = tpu.unpack_subelements %bitcast3A_1405, 0 {pack_format = #tpu.pack_format<interleaved>} : vector<32xbf16> -> vector<16xf32>
          %unpack3A_1407 = tpu.unpack_subelements %bitcast3A_1405, 1 {pack_format = #tpu.pack_format<interleaved>} : vector<32xbf16> -> vector<16xf32>
          %mul3A_1408 = arith.mulf %unpack3A_1406, %gather3A_640 : vector<16xf32>
          %add3A_1409 = arith.addf %add3A_1399, %mul3A_1408 : vector<16xf32>
          %mul3A_1410 = arith.mulf %unpack3A_1407, %gather3A_640 : vector<16xf32>
          %add3A_1411 = arith.addf %add3A_1401, %mul3A_1410 : vector<16xf32>
          %get3A_1412 = arith.index_cast %add3A_681 : i32 to index
          %get3A_1413 = arith.constant 112 : index
          %get3A_1414 = tpu.vector_load %arg14[%get3A_1412, %get3A_1413] {strides = array<i32>} : memref<56x128xi32, #tpu.memory_space<vmem>>, vector<16xi32>,
          %bitcast3A_1415 = vector.bitcast %get3A_1414 : vector<16xi32> to vector<32xbf16>
          %unpack3A_1416 = tpu.unpack_subelements %bitcast3A_1415, 0 {pack_format = #tpu.pack_format<interleaved>} : vector<32xbf16> -> vector<16xf32>
          %unpack3A_1417 = tpu.unpack_subelements %bitcast3A_1415, 1 {pack_format = #tpu.pack_format<interleaved>} : vector<32xbf16> -> vector<16xf32>
          %mul3A_1418 = arith.mulf %unpack3A_1416, %gather3A_651 : vector<16xf32>
          %add3A_1419 = arith.addf %add3A_1409, %mul3A_1418 : vector<16xf32>
          %mul3A_1420 = arith.mulf %unpack3A_1417, %gather3A_651 : vector<16xf32>
          %add3A_1421 = arith.addf %add3A_1411, %mul3A_1420 : vector<16xf32>
          %get3A_1422 = arith.index_cast %add3A_683 : i32 to index
          %get3A_1423 = arith.constant 112 : index
          %get3A_1424 = tpu.vector_load %arg14[%get3A_1422, %get3A_1423] {strides = array<i32>} : memref<56x128xi32, #tpu.memory_space<vmem>>, vector<16xi32>,
          %bitcast3A_1425 = vector.bitcast %get3A_1424 : vector<16xi32> to vector<32xbf16>
          %unpack3A_1426 = tpu.unpack_subelements %bitcast3A_1425, 0 {pack_format = #tpu.pack_format<interleaved>} : vector<32xbf16> -> vector<16xf32>
          %unpack3A_1427 = tpu.unpack_subelements %bitcast3A_1425, 1 {pack_format = #tpu.pack_format<interleaved>} : vector<32xbf16> -> vector<16xf32>
          %mul3A_1428 = arith.mulf %unpack3A_1426, %gather3A_662 : vector<16xf32>
          %add3A_1429 = arith.addf %add3A_1419, %mul3A_1428 : vector<16xf32>
          %mul3A_1430 = arith.mulf %unpack3A_1427, %gather3A_662 : vector<16xf32>
          %add3A_1431 = arith.addf %add3A_1421, %mul3A_1430 : vector<16xf32>
          %get3A_1432 = arith.index_cast %add3A_685 : i32 to index
          %get3A_1433 = arith.constant 112 : index
          %get3A_1434 = tpu.vector_load %arg14[%get3A_1432, %get3A_1433] {strides = array<i32>} : memref<56x128xi32, #tpu.memory_space<vmem>>, vector<16xi32>,
          %bitcast3A_1435 = vector.bitcast %get3A_1434 : vector<16xi32> to vector<32xbf16>
          %unpack3A_1436 = tpu.unpack_subelements %bitcast3A_1435, 0 {pack_format = #tpu.pack_format<interleaved>} : vector<32xbf16> -> vector<16xf32>
          %unpack3A_1437 = tpu.unpack_subelements %bitcast3A_1435, 1 {pack_format = #tpu.pack_format<interleaved>} : vector<32xbf16> -> vector<16xf32>
          %mul3A_1438 = arith.mulf %unpack3A_1436, %gather3A_673 : vector<16xf32>
          %add3A_1439 = arith.addf %add3A_1429, %mul3A_1438 : vector<16xf32>
          %mul3A_1440 = arith.mulf %unpack3A_1437, %gather3A_673 : vector<16xf32>
          %add3A_1441 = arith.addf %add3A_1431, %mul3A_1440 : vector<16xf32>
          %add3A_1442 = arith.addi %mul3A_471, %scan3A_564 : i32
          %get3A_1443 = arith.index_cast %add3A_1442 : i32 to index
          %get3A_1444 = arith.constant 224 : index
          %get3A_1445 = tpu.vector_load %arg16[%get3A_1443, %get3A_1444] {strides = array<i32>} : memref<49x256xf32, #tpu.memory_space<vmem>>, vector<16xf32>,
          %add3A_1446 = arith.addf %get3A_1445, %add3A_1439 : vector<16xf32>
          %add3A_1447 = arith.addi %mul3A_471, %scan3A_564 : i32
          %swap3A_1448 = arith.index_cast %add3A_1447 : i32 to index
          %swap3A_1449 = arith.constant 224 : index
          %swap3A_1450 = tpu.vector_load %arg16[%swap3A_1448, %swap3A_1449] {strides = array<i32>} : memref<49x256xf32, #tpu.memory_space<vmem>>, vector<16xf32>,
          tpu.vector_store %arg16[%swap3A_1448, %swap3A_1449], %add3A_1446 {strides = array<i32>} : memref<49x256xf32, #tpu.memory_space<vmem>>, vector<16xf32>,
          %add3A_1451 = arith.addi %mul3A_471, %scan3A_564 : i32
          %get3A_1452 = arith.index_cast %add3A_1451 : i32 to index
          %get3A_1453 = arith.constant 240 : index
          %get3A_1454 = tpu.vector_load %arg16[%get3A_1452, %get3A_1453] {strides = array<i32>} : memref<49x256xf32, #tpu.memory_space<vmem>>, vector<16xf32>,
          %add3A_1455 = arith.addf %get3A_1454, %add3A_1441 : vector<16xf32>
          %add3A_1456 = arith.addi %mul3A_471, %scan3A_564 : i32
          %swap3A_1457 = arith.index_cast %add3A_1456 : i32 to index
          %swap3A_1458 = arith.constant 240 : index
          %swap3A_1459 = tpu.vector_load %arg16[%swap3A_1457, %swap3A_1458] {strides = array<i32>} : memref<49x256xf32, #tpu.memory_space<vmem>>, vector<16xf32>,
          tpu.vector_store %arg16[%swap3A_1457, %swap3A_1458], %add3A_1455 {strides = array<i32>} : memref<49x256xf32, #tpu.memory_space<vmem>>, vector<16xf32>,
        } else {
        }
        %scan3A_693 = arith.constant 0 : i32
        scf.yield %scan3A_693 : i32
      }
      %scan3A_478 = arith.constant 7 : i32
      %eq3A_479 = arith.constant 13 : i32
      %eq3A_480 = arith.cmpi eq, %sub3A_441, %eq3A_479 : i32
      %convert_element_type3A_481 = arith.extui %eq3A_480 : i1 to i32
      %cond3A = arith.constant 0 : i32
      %cond3A_482 = arith.cmpi ne, %convert_element_type3A_481, %cond3A : i32
      scf.if %cond3A_482 {
        %add3A_564 = arith.addi %mul3A_2, %select_n3A_438 : i32
        "tpu.region"() ({
          %run_scoped3A = tpu.sem_alloc : memref<!tpu.dma_semaphore, #tpu.memory_space<semaphore_mem>>
          %dma_start3A_565 = arith.constant 0 : i32
          %dma_start3A_566 = arith.constant 0 : i32
          %dma_start3A_567 = tpu.memref_slice %arg4[%add3A_564, %dma_start3A_565, %dma_start3A_566] : memref<512x49x256xf32, #tpu.memory_space<hbm>> -> memref<1x49x256xf32, #tpu.memory_space<hbm>>
          %dma_start3A_568 = tpu.memref_squeeze %dma_start3A_567 : memref<1x49x256xf32, #tpu.memory_space<hbm>> -> memref<49x256xf32, #tpu.memory_space<hbm>>
          %dma_start3A_569 = arith.constant 0 : i32
          %dma_start3A_570 = arith.constant 0 : i32
          %dma_start3A_571 = tpu.memref_slice %arg4[%add3A_564, %dma_start3A_569, %dma_start3A_570] : memref<512x49x256xf32, #tpu.memory_space<hbm>> -> memref<1x49x256xf32, #tpu.memory_space<hbm>>
          %dma_start3A_572 = tpu.memref_squeeze %dma_start3A_571 : memref<1x49x256xf32, #tpu.memory_space<hbm>> -> memref<49x256xf32, #tpu.memory_space<hbm>>
          tpu.enqueue_dma source(%arg16 : memref<49x256xf32, #tpu.memory_space<vmem>>) target(%dma_start3A_572 : memref<49x256xf32, #tpu.memory_space<hbm>>) target_semaphore(%run_scoped3A : memref<!tpu.dma_semaphore, #tpu.memory_space<semaphore_mem>>)
          %dma_wait3A_573 = arith.constant 0 : i32
          %dma_wait3A_574 = arith.constant 0 : i32
          %dma_wait3A_575 = tpu.memref_slice %arg4[%add3A_564, %dma_wait3A_573, %dma_wait3A_574] : memref<512x49x256xf32, #tpu.memory_space<hbm>> -> memref<1x49x256xf32, #tpu.memory_space<hbm>>
          %dma_wait3A_576 = tpu.memref_squeeze %dma_wait3A_575 : memref<1x49x256xf32, #tpu.memory_space<hbm>> -> memref<49x256xf32, #tpu.memory_space<hbm>>
          %dma_wait3A_577 = arith.constant 0 : i32
          %dma_wait3A_578 = arith.constant 0 : i32
          %dma_wait3A_579 = tpu.memref_slice %arg4[%add3A_564, %dma_wait3A_577, %dma_wait3A_578] : memref<512x49x256xf32, #tpu.memory_space<hbm>> -> memref<1x49x256xf32, #tpu.memory_space<hbm>>
          %dma_wait3A_580 = tpu.memref_squeeze %dma_wait3A_579 : memref<1x49x256xf32, #tpu.memory_space<hbm>> -> memref<49x256xf32, #tpu.memory_space<hbm>>
          tpu.wait_dma2 semaphore(%run_scoped3A : memref<!tpu.dma_semaphore, #tpu.memory_space<semaphore_mem>>) src(%arg16 : memref<49x256xf32, #tpu.memory_space<vmem>>) dst(%dma_wait3A_580 : memref<49x256xf32, #tpu.memory_space<hbm>>)
          tpu.yield
        }) : () -> ()
      } else {
      }
      %add3A_483 = arith.constant 2 : i32
      %add3A_484 = arith.addi %mul3A_260, %add3A_483 : i32
      %lt3A_485 = arith.constant 224 : i32
      %lt3A_486 = arith.cmpi slt, %add3A_484, %lt3A_485 : i32
      %convert_element_type3A_487 = arith.extui %lt3A_486 : i1 to i32
      %cond3A_488 = arith.constant 0 : i32
      %cond3A_489 = arith.cmpi ne, %convert_element_type3A_487, %cond3A_488 : i32
      scf.if %cond3A_489 {
        %add3A_564 = arith.constant 2 : i32
        %add3A_565 = arith.addi %mul3A_260, %add3A_564 : i32
        %jit3A_566 = arith.constant 14 : i32
        %div3A_567 = arith.divsi %add3A_565, %jit3A_566 : i32
        %sign3A_568 = arith.constant 0 : i32
        %sign3A_569 = arith.cmpi sgt, %add3A_565, %sign3A_568 : i32
        %sign3A_570 = arith.extui %sign3A_569 : i1 to i32
        %sign3A_571 = arith.constant 0 : i32
        %sign3A_572 = arith.cmpi slt, %add3A_565, %sign3A_571 : i32
        %sign3A_573 = arith.extui %sign3A_572 : i1 to i32
        %sign3A_574 = arith.subi %sign3A_570, %sign3A_573 : i32
        %sign3A_575 = arith.constant 0 : i32
        %sign3A_576 = arith.cmpi sgt, %jit3A_566, %sign3A_575 : i32
        %sign3A_577 = arith.extui %sign3A_576 : i1 to i32
        %sign3A_578 = arith.constant 0 : i32
        %sign3A_579 = arith.cmpi slt, %jit3A_566, %sign3A_578 : i32
        %sign3A_580 = arith.extui %sign3A_579 : i1 to i32
        %sign3A_581 = arith.subi %sign3A_577, %sign3A_580 : i32
        %ne3A_582 = arith.cmpi ne, %sign3A_574, %sign3A_581 : i32
        %rem3A_583 = arith.remsi %add3A_565, %jit3A_566 : i32
        %ne3A_584 = arith.constant 0 : i32
        %ne3A_585 = arith.cmpi ne, %rem3A_583, %ne3A_584 : i32
        %and3A_586 = arith.andi %ne3A_582, %ne3A_585 : i1
        %sub3A_587 = arith.constant 1 : i32
        %sub3A_588 = arith.subi %div3A_567, %sub3A_587 : i32
        %select_n3A_589 = arith.select %and3A_586, %sub3A_588, %div3A_567 : i32
        %mul3A_590 = arith.constant 14 : i32
        %mul3A_591 = arith.muli %mul3A_590, %select_n3A_589 : i32
        %sub3A_592 = arith.subi %add3A_565, %mul3A_591 : i32
        %get3A_593 = arith.constant 0 : i32
        %get3A_594 = arith.index_cast %select_n3A_589 : i32 to index
        %get3A_595 = arith.index_cast %get3A_593 : i32 to index
        %get3A_596 = arith.constant 0 : index
        %get3A_597 = tpu.vector_load %arg8[%get3A_594, %get3A_595, %get3A_596] {strides = array<i32>} : memref<16x2x16xi32, #tpu.memory_space<vmem>>, vector<16xi32>,
        %broadcast_in_dim3A_598 = vector.broadcast %sub3A_592 : i32 to vector<16xi32>
        %lt3A_599 = arith.constant 0 : i32
        %lt3A_600 = vector.broadcast %lt3A_599 : i32 to vector<16xi32>
        %lt3A_601 = arith.cmpi slt, %broadcast_in_dim3A_598, %lt3A_600 : vector<16xi32>
        %add3A_602 = arith.constant 16 : i32
        %add3A_603 = vector.broadcast %add3A_602 : i32 to vector<16xi32>
        %add3A_604 = arith.addi %broadcast_in_dim3A_598, %add3A_603 : vector<16xi32>
        %select_n3A_605 = arith.select %lt3A_601, %add3A_604, %broadcast_in_dim3A_598 : vector<16xi1>, vector<16xi32>
        %broadcast_in_dim3A_606 = vector.shape_cast %select_n3A_605 : vector<16xi32> to vector<16x1xi32>
        %gather3A_607 = vector.shape_cast %broadcast_in_dim3A_606 : vector<16x1xi32> to vector<16xi32>
        %gather3A_608 = tpu.dynamic_gather %get3A_597[%gather3A_607] in [0] : vector<16xi32>, vector<16xi32> -> vector<16xi32>
        %get3A_609 = arith.constant 1 : i32
        %get3A_610 = arith.index_cast %select_n3A_589 : i32 to index
        %get3A_611 = arith.index_cast %get3A_609 : i32 to index
        %get3A_612 = arith.constant 0 : index
        %get3A_613 = tpu.vector_load %arg8[%get3A_610, %get3A_611, %get3A_612] {strides = array<i32>} : memref<16x2x16xi32, #tpu.memory_space<vmem>>, vector<16xi32>,
        %broadcast_in_dim3A_614 = vector.broadcast %sub3A_592 : i32 to vector<16xi32>
        %lt3A_615 = arith.constant 0 : i32
        %lt3A_616 = vector.broadcast %lt3A_615 : i32 to vector<16xi32>
        %lt3A_617 = arith.cmpi slt, %broadcast_in_dim3A_614, %lt3A_616 : vector<16xi32>
        %add3A_618 = arith.constant 16 : i32
        %add3A_619 = vector.broadcast %add3A_618 : i32 to vector<16xi32>
        %add3A_620 = arith.addi %broadcast_in_dim3A_614, %add3A_619 : vector<16xi32>
        %select_n3A_621 = arith.select %lt3A_617, %add3A_620, %broadcast_in_dim3A_614 : vector<16xi1>, vector<16xi32>
        %broadcast_in_dim3A_622 = vector.shape_cast %select_n3A_621 : vector<16xi32> to vector<16x1xi32>
        %gather3A_623 = vector.shape_cast %broadcast_in_dim3A_622 : vector<16x1xi32> to vector<16xi32>
        %gather3A_624 = tpu.dynamic_gather %get3A_613[%gather3A_623] in [0] : vector<16xi32>, vector<16xi32> -> vector<16xi32>
        %add3A_625 = arith.addi %gather3A_608, %gather3A_624 : vector<16xi32>
        %get3A_626 = arith.constant 0 : i32
        %get3A_627 = arith.index_cast %select_n3A_589 : i32 to index
        %get3A_628 = arith.index_cast %get3A_626 : i32 to index
        %get3A_629 = arith.constant 0 : index
        %get3A_630 = tpu.vector_load %arg9[%get3A_627, %get3A_628, %get3A_629] {strides = array<i32>} : memref<16x2x16xf32, #tpu.memory_space<vmem>>, vector<16xf32>,
        %broadcast_in_dim3A_631 = vector.broadcast %sub3A_592 : i32 to vector<16xi32>
        %lt3A_632 = arith.constant 0 : i32
        %lt3A_633 = vector.broadcast %lt3A_632 : i32 to vector<16xi32>
        %lt3A_634 = arith.cmpi slt, %broadcast_in_dim3A_631, %lt3A_633 : vector<16xi32>
        %add3A_635 = arith.constant 16 : i32
        %add3A_636 = vector.broadcast %add3A_635 : i32 to vector<16xi32>
        %add3A_637 = arith.addi %broadcast_in_dim3A_631, %add3A_636 : vector<16xi32>
        %select_n3A_638 = arith.select %lt3A_634, %add3A_637, %broadcast_in_dim3A_631 : vector<16xi1>, vector<16xi32>
        %broadcast_in_dim3A_639 = vector.shape_cast %select_n3A_638 : vector<16xi32> to vector<16x1xi32>
        %gather3A_640 = vector.shape_cast %broadcast_in_dim3A_639 : vector<16x1xi32> to vector<16xi32>
        %gather3A_641 = tpu.dynamic_gather %get3A_630[%gather3A_640] in [0] : vector<16xf32>, vector<16xi32> -> vector<16xf32>
        %get3A_642 = arith.constant 1 : i32
        %get3A_643 = arith.index_cast %select_n3A_589 : i32 to index
        %get3A_644 = arith.index_cast %get3A_642 : i32 to index
        %get3A_645 = arith.constant 0 : index
        %get3A_646 = tpu.vector_load %arg9[%get3A_643, %get3A_644, %get3A_645] {strides = array<i32>} : memref<16x2x16xf32, #tpu.memory_space<vmem>>, vector<16xf32>,
        %broadcast_in_dim3A_647 = vector.broadcast %sub3A_592 : i32 to vector<16xi32>
        %lt3A_648 = arith.constant 0 : i32
        %lt3A_649 = vector.broadcast %lt3A_648 : i32 to vector<16xi32>
        %lt3A_650 = arith.cmpi slt, %broadcast_in_dim3A_647, %lt3A_649 : vector<16xi32>
        %add3A_651 = arith.constant 16 : i32
        %add3A_652 = vector.broadcast %add3A_651 : i32 to vector<16xi32>
        %add3A_653 = arith.addi %broadcast_in_dim3A_647, %add3A_652 : vector<16xi32>
        %select_n3A_654 = arith.select %lt3A_650, %add3A_653, %broadcast_in_dim3A_647 : vector<16xi1>, vector<16xi32>
        %broadcast_in_dim3A_655 = vector.shape_cast %select_n3A_654 : vector<16xi32> to vector<16x1xi32>
        %gather3A_656 = vector.shape_cast %broadcast_in_dim3A_655 : vector<16x1xi32> to vector<16xi32>
        %gather3A_657 = tpu.dynamic_gather %get3A_646[%gather3A_656] in [0] : vector<16xf32>, vector<16xi32> -> vector<16xf32>
        %get3A_658 = arith.constant 0 : i32
        %get3A_659 = arith.index_cast %select_n3A_589 : i32 to index
        %get3A_660 = arith.index_cast %get3A_658 : i32 to index
        %get3A_661 = arith.constant 0 : index
        %get3A_662 = tpu.vector_load %arg6[%get3A_659, %get3A_660, %get3A_661] {strides = array<i32>} : memref<16x2x16xi32, #tpu.memory_space<vmem>>, vector<16xi32>,
        %get3A_663 = arith.constant 1 : i32
        %get3A_664 = arith.index_cast %select_n3A_589 : i32 to index
        %get3A_665 = arith.index_cast %get3A_663 : i32 to index
        %get3A_666 = arith.constant 0 : index
        %get3A_667 = tpu.vector_load %arg6[%get3A_664, %get3A_665, %get3A_666] {strides = array<i32>} : memref<16x2x16xi32, #tpu.memory_space<vmem>>, vector<16xi32>,
        %iota3A_668 = tpu.iota {dimensions = array<i32: 0>} : vector<16xi32>
        %lt3A_669 = arith.constant 14 : i32
        %lt3A_670 = vector.broadcast %lt3A_669 : i32 to vector<16xi32>
        %lt3A_671 = arith.cmpi slt, %iota3A_668, %lt3A_670 : vector<16xi32>
        %add3A_672 = arith.addi %get3A_662, %gather3A_608 : vector<16xi32>
        tpu.vector_store_idx %arg10[%iota3A_668], %add3A_672 masked %lt3A_671 : memref<56xi32, #tpu.memory_space<vmem>>[vector<16xi32>], vector<16xi32>, vector<16xi1>
        %add3A_673 = arith.constant 14 : i32
        %add3A_674 = vector.broadcast %add3A_673 : i32 to vector<16xi32>
        %add3A_675 = arith.addi %iota3A_668, %add3A_674 : vector<16xi32>
        %add3A_676 = arith.addi %get3A_662, %gather3A_608 : vector<16xi32>
        %add3A_677 = arith.addi %add3A_676, %get3A_667 : vector<16xi32>
        tpu.vector_store_idx %arg10[%add3A_675], %add3A_677 masked %lt3A_671 : memref<56xi32, #tpu.memory_space<vmem>>[vector<16xi32>], vector<16xi32>, vector<16xi1>
        %add3A_678 = arith.constant 28 : i32
        %add3A_679 = vector.broadcast %add3A_678 : i32 to vector<16xi32>
        %add3A_680 = arith.addi %iota3A_668, %add3A_679 : vector<16xi32>
        %add3A_681 = arith.addi %get3A_662, %add3A_625 : vector<16xi32>
        tpu.vector_store_idx %arg10[%add3A_680], %add3A_681 masked %lt3A_671 : memref<56xi32, #tpu.memory_space<vmem>>[vector<16xi32>], vector<16xi32>, vector<16xi1>
        %add3A_682 = arith.constant 42 : i32
        %add3A_683 = vector.broadcast %add3A_682 : i32 to vector<16xi32>
        %add3A_684 = arith.addi %iota3A_668, %add3A_683 : vector<16xi32>
        %add3A_685 = arith.addi %get3A_662, %add3A_625 : vector<16xi32>
        %add3A_686 = arith.addi %add3A_685, %get3A_667 : vector<16xi32>
        tpu.vector_store_idx %arg10[%add3A_684], %add3A_686 masked %lt3A_671 : memref<56xi32, #tpu.memory_space<vmem>>[vector<16xi32>], vector<16xi32>, vector<16xi1>
        %get3A_687 = arith.constant 0 : i32
        %get3A_688 = arith.index_cast %select_n3A_589 : i32 to index
        %get3A_689 = arith.index_cast %get3A_687 : i32 to index
        %get3A_690 = arith.constant 0 : index
        %get3A_691 = tpu.vector_load %arg7[%get3A_688, %get3A_689, %get3A_690] {strides = array<i32>} : memref<16x2x16xf32, #tpu.memory_space<vmem>>, vector<16xf32>,
        %get3A_692 = arith.constant 1 : i32
        %get3A_693 = arith.index_cast %select_n3A_589 : i32 to index
        %get3A_694 = arith.index_cast %get3A_692 : i32 to index
        %get3A_695 = arith.constant 0 : index
        %get3A_696 = tpu.vector_load %arg7[%get3A_693, %get3A_694, %get3A_695] {strides = array<i32>} : memref<16x2x16xf32, #tpu.memory_space<vmem>>, vector<16xf32>,
        %mul3A_697 = arith.mulf %get3A_691, %gather3A_641 : vector<16xf32>
        %swap3A_698 = arith.constant 0 : i32
        %swap3A_699 = arith.index_cast %swap3A_698 : i32 to index
        %swap3A_700 = arith.constant 0 : index
        %swap3A_701 = tpu.vector_load %arg12[%swap3A_699, %swap3A_700] {strides = array<i32>} : memref<4x16xf32, #tpu.memory_space<vmem>>, vector<16xf32>,
        tpu.vector_store %arg12[%swap3A_699, %swap3A_700], %mul3A_697 {strides = array<i32>} : memref<4x16xf32, #tpu.memory_space<vmem>>, vector<16xf32>,
        %mul3A_702 = arith.mulf %get3A_696, %gather3A_641 : vector<16xf32>
        %swap3A_703 = arith.constant 1 : i32
        %swap3A_704 = arith.index_cast %swap3A_703 : i32 to index
        %swap3A_705 = arith.constant 0 : index
        %swap3A_706 = tpu.vector_load %arg12[%swap3A_704, %swap3A_705] {strides = array<i32>} : memref<4x16xf32, #tpu.memory_space<vmem>>, vector<16xf32>,
        tpu.vector_store %arg12[%swap3A_704, %swap3A_705], %mul3A_702 {strides = array<i32>} : memref<4x16xf32, #tpu.memory_space<vmem>>, vector<16xf32>,
        %mul3A_707 = arith.mulf %get3A_691, %gather3A_657 : vector<16xf32>
        %swap3A_708 = arith.constant 2 : i32
        %swap3A_709 = arith.index_cast %swap3A_708 : i32 to index
        %swap3A_710 = arith.constant 0 : index
        %swap3A_711 = tpu.vector_load %arg12[%swap3A_709, %swap3A_710] {strides = array<i32>} : memref<4x16xf32, #tpu.memory_space<vmem>>, vector<16xf32>,
        tpu.vector_store %arg12[%swap3A_709, %swap3A_710], %mul3A_707 {strides = array<i32>} : memref<4x16xf32, #tpu.memory_space<vmem>>, vector<16xf32>,
        %mul3A_712 = arith.mulf %get3A_696, %gather3A_657 : vector<16xf32>
        %swap3A_713 = arith.constant 3 : i32
        %swap3A_714 = arith.index_cast %swap3A_713 : i32 to index
        %swap3A_715 = arith.constant 0 : index
        %swap3A_716 = tpu.vector_load %arg12[%swap3A_714, %swap3A_715] {strides = array<i32>} : memref<4x16xf32, #tpu.memory_space<vmem>>, vector<16xf32>,
        tpu.vector_store %arg12[%swap3A_714, %swap3A_715], %mul3A_712 {strides = array<i32>} : memref<4x16xf32, #tpu.memory_space<vmem>>, vector<16xf32>,
        %dma_start3A_717 = arith.constant 0 : i32
        %dma_start3A_718 = arith.constant 0 : i32
        %dma_start3A_719 = tpu.memref_slice %arg2[%dma_start3A_717, %dma_start3A_718] : memref<43520x128xi32, #tpu.memory_space<hbm>> -> memref<43520x128xi32, #tpu.memory_space<hbm>>
        tpu.enqueue_indirect_dma source(%dma_start3A_719 : memref<43520x128xi32, #tpu.memory_space<hbm>>) target(%arg14 : memref<56x128xi32, #tpu.memory_space<vmem>>) offsets(%arg10 : memref<56xi32, #tpu.memory_space<vmem>>) semaphore(%arg17 : memref<!tpu.dma_semaphore, #tpu.memory_space<semaphore_mem>>)
      } else {
      }
      %dma_wait3A_490 = arith.constant 0 : i32
      %dma_wait3A_491 = arith.constant 0 : i32
      %dma_wait3A_492 = tpu.memref_slice %arg2[%dma_wait3A_490, %dma_wait3A_491] : memref<43520x128xi32, #tpu.memory_space<hbm>> -> memref<43520x128xi32, #tpu.memory_space<hbm>>
      tpu.wait_indirect_dma semaphore(%arg18 : memref<!tpu.dma_semaphore, #tpu.memory_space<semaphore_mem>>) src(%dma_wait3A_492 : memref<43520x128xi32, #tpu.memory_space<hbm>>) dst(%arg15 : memref<56x128xi32, #tpu.memory_space<vmem>>)
      %jit3A_493 = arith.constant 14 : i32
      %div3A_494 = arith.divsi %add3A_262, %jit3A_493 : i32
      %sign3A_495 = arith.constant 0 : i32
      %sign3A_496 = arith.cmpi sgt, %add3A_262, %sign3A_495 : i32
      %sign3A_497 = arith.extui %sign3A_496 : i1 to i32
      %sign3A_498 = arith.constant 0 : i32
      %sign3A_499 = arith.cmpi slt, %add3A_262, %sign3A_498 : i32
      %sign3A_500 = arith.extui %sign3A_499 : i1 to i32
      %sign3A_501 = arith.subi %sign3A_497, %sign3A_500 : i32
      %sign3A_502 = arith.constant 0 : i32
      %sign3A_503 = arith.cmpi sgt, %jit3A_493, %sign3A_502 : i32
      %sign3A_504 = arith.extui %sign3A_503 : i1 to i32
      %sign3A_505 = arith.constant 0 : i32
      %sign3A_506 = arith.cmpi slt, %jit3A_493, %sign3A_505 : i32
      %sign3A_507 = arith.extui %sign3A_506 : i1 to i32
      %sign3A_508 = arith.subi %sign3A_504, %sign3A_507 : i32
      %ne3A_509 = arith.cmpi ne, %sign3A_501, %sign3A_508 : i32
      %rem3A_510 = arith.remsi %add3A_262, %jit3A_493 : i32
      %ne3A_511 = arith.constant 0 : i32
      %ne3A_512 = arith.cmpi ne, %rem3A_510, %ne3A_511 : i32
      %and3A_513 = arith.andi %ne3A_509, %ne3A_512 : i1
      %sub3A_514 = arith.constant 1 : i32
      %sub3A_515 = arith.subi %div3A_494, %sub3A_514 : i32
      %select_n3A_516 = arith.select %and3A_513, %sub3A_515, %div3A_494 : i32
      %mul3A_517 = arith.constant 14 : i32
      %mul3A_518 = arith.muli %mul3A_517, %select_n3A_516 : i32
      %sub3A_519 = arith.subi %add3A_262, %mul3A_518 : i32
      %jit3A_520 = arith.constant 2 : i32
      %div3A_521 = arith.divsi %sub3A_519, %jit3A_520 : i32
      %sign3A_522 = arith.constant 0 : i32
      %sign3A_523 = arith.cmpi sgt, %sub3A_519, %sign3A_522 : i32
      %sign3A_524 = arith.extui %sign3A_523 : i1 to i32
      %sign3A_525 = arith.constant 0 : i32
      %sign3A_526 = arith.cmpi slt, %sub3A_519, %sign3A_525 : i32
      %sign3A_527 = arith.extui %sign3A_526 : i1 to i32
      %sign3A_528 = arith.subi %sign3A_524, %sign3A_527 : i32
      %sign3A_529 = arith.constant 0 : i32
      %sign3A_530 = arith.cmpi sgt, %jit3A_520, %sign3A_529 : i32
      %sign3A_531 = arith.extui %sign3A_530 : i1 to i32
      %sign3A_532 = arith.constant 0 : i32
      %sign3A_533 = arith.cmpi slt, %jit3A_520, %sign3A_532 : i32
      %sign3A_534 = arith.extui %sign3A_533 : i1 to i32
      %sign3A_535 = arith.subi %sign3A_531, %sign3A_534 : i32
      %ne3A_536 = arith.cmpi ne, %sign3A_528, %sign3A_535 : i32
      %rem3A_537 = arith.remsi %sub3A_519, %jit3A_520 : i32
      %ne3A_538 = arith.constant 0 : i32
      %ne3A_539 = arith.cmpi ne, %rem3A_537, %ne3A_538 : i32
      %and3A_540 = arith.andi %ne3A_536, %ne3A_539 : i1
      %sub3A_541 = arith.constant 1 : i32
      %sub3A_542 = arith.subi %div3A_521, %sub3A_541 : i32
      %select_n3A_543 = arith.select %and3A_540, %sub3A_542, %div3A_521 : i32
      %mul3A_544 = arith.constant 2 : i32
      %mul3A_545 = arith.muli %mul3A_544, %select_n3A_543 : i32
      %sub3A_546 = arith.subi %sub3A_519, %mul3A_545 : i32
      %eq3A_547 = arith.constant 0 : i32
      %eq3A_548 = arith.cmpi eq, %sub3A_546, %eq3A_547 : i32
      %mul3A_549 = arith.constant 7 : i32
      %mul3A_550 = arith.muli %select_n3A_543, %mul3A_549 : i32
      %scan3A_551 = arith.constant 0 : i32
      %scan3A_552 = arith.constant 0 : i32
      %scan3A_553 = arith.constant 7 : i32
      %scan3A_554 = arith.addi %scan3A_552, %scan3A_553 : i32
      %scan3A_555 = arith.constant 1 : i32
      %scan3A_556 = scf.for %scan3A_564 = %scan3A_552 to %scan3A_554 step %scan3A_555 iter_args(%scan3A_565 = %scan3A_551) -> (i32)  : i32 {
        %mul3A_566 = arith.constant 2 : i32
        %mul3A_567 = arith.muli %mul3A_566, %scan3A_564 : i32
        %add3A_568 = arith.constant 1 : i32
        %add3A_569 = arith.addi %mul3A_567, %add3A_568 : i32
        %get3A_570 = arith.constant 0 : i32
        %get3A_571 = arith.index_cast %get3A_570 : i32 to index
        %get3A_572 = arith.constant 0 : index
        %get3A_573 = tpu.vector_load %arg13[%get3A_571, %get3A_572] {strides = array<i32>} : memref<4x16xf32, #tpu.memory_space<vmem>>, vector<16xf32>,
        %get3A_574 = arith.constant 1 : i32
        %get3A_575 = arith.index_cast %get3A_574 : i32 to index
        %get3A_576 = arith.constant 0 : index
        %get3A_577 = tpu.vector_load %arg13[%get3A_575, %get3A_576] {strides = array<i32>} : memref<4x16xf32, #tpu.memory_space<vmem>>, vector<16xf32>,
        %get3A_578 = arith.constant 2 : i32
        %get3A_579 = arith.index_cast %get3A_578 : i32 to index
        %get3A_580 = arith.constant 0 : index
        %get3A_581 = tpu.vector_load %arg13[%get3A_579, %get3A_580] {strides = array<i32>} : memref<4x16xf32, #tpu.memory_space<vmem>>, vector<16xf32>,
        %get3A_582 = arith.constant 3 : i32
        %get3A_583 = arith.index_cast %get3A_582 : i32 to index
        %get3A_584 = arith.constant 0 : index
        %get3A_585 = tpu.vector_load %arg13[%get3A_583, %get3A_584] {strides = array<i32>} : memref<4x16xf32, #tpu.memory_space<vmem>>, vector<16xf32>,
        %broadcast_in_dim3A_586 = vector.broadcast %mul3A_567 : i32 to vector<16xi32>
        %lt3A_587 = arith.constant 0 : i32
        %lt3A_588 = vector.broadcast %lt3A_587 : i32 to vector<16xi32>
        %lt3A_589 = arith.cmpi slt, %broadcast_in_dim3A_586, %lt3A_588 : vector<16xi32>
        %add3A_590 = arith.constant 16 : i32
        %add3A_591 = vector.broadcast %add3A_590 : i32 to vector<16xi32>
        %add3A_592 = arith.addi %broadcast_in_dim3A_586, %add3A_591 : vector<16xi32>
        %select_n3A_593 = arith.select %lt3A_589, %add3A_592, %broadcast_in_dim3A_586 : vector<16xi1>, vector<16xi32>
        %broadcast_in_dim3A_594 = vector.shape_cast %select_n3A_593 : vector<16xi32> to vector<16x1xi32>
        %gather3A_595 = vector.shape_cast %broadcast_in_dim3A_594 : vector<16x1xi32> to vector<16xi32>
        %gather3A_596 = tpu.dynamic_gather %get3A_573[%gather3A_595] in [0] : vector<16xf32>, vector<16xi32> -> vector<16xf32>
        %broadcast_in_dim3A_597 = vector.broadcast %mul3A_567 : i32 to vector<16xi32>
        %lt3A_598 = arith.constant 0 : i32
        %lt3A_599 = vector.broadcast %lt3A_598 : i32 to vector<16xi32>
        %lt3A_600 = arith.cmpi slt, %broadcast_in_dim3A_597, %lt3A_599 : vector<16xi32>
        %add3A_601 = arith.constant 16 : i32
        %add3A_602 = vector.broadcast %add3A_601 : i32 to vector<16xi32>
        %add3A_603 = arith.addi %broadcast_in_dim3A_597, %add3A_602 : vector<16xi32>
        %select_n3A_604 = arith.select %lt3A_600, %add3A_603, %broadcast_in_dim3A_597 : vector<16xi1>, vector<16xi32>
        %broadcast_in_dim3A_605 = vector.shape_cast %select_n3A_604 : vector<16xi32> to vector<16x1xi32>
        %gather3A_606 = vector.shape_cast %broadcast_in_dim3A_605 : vector<16x1xi32> to vector<16xi32>
        %gather3A_607 = tpu.dynamic_gather %get3A_577[%gather3A_606] in [0] : vector<16xf32>, vector<16xi32> -> vector<16xf32>
        %broadcast_in_dim3A_608 = vector.broadcast %mul3A_567 : i32 to vector<16xi32>
        %lt3A_609 = arith.constant 0 : i32
        %lt3A_610 = vector.broadcast %lt3A_609 : i32 to vector<16xi32>
        %lt3A_611 = arith.cmpi slt, %broadcast_in_dim3A_608, %lt3A_610 : vector<16xi32>
        %add3A_612 = arith.constant 16 : i32
        %add3A_613 = vector.broadcast %add3A_612 : i32 to vector<16xi32>
        %add3A_614 = arith.addi %broadcast_in_dim3A_608, %add3A_613 : vector<16xi32>
        %select_n3A_615 = arith.select %lt3A_611, %add3A_614, %broadcast_in_dim3A_608 : vector<16xi1>, vector<16xi32>
        %broadcast_in_dim3A_616 = vector.shape_cast %select_n3A_615 : vector<16xi32> to vector<16x1xi32>
        %gather3A_617 = vector.shape_cast %broadcast_in_dim3A_616 : vector<16x1xi32> to vector<16xi32>
        %gather3A_618 = tpu.dynamic_gather %get3A_581[%gather3A_617] in [0] : vector<16xf32>, vector<16xi32> -> vector<16xf32>
        %broadcast_in_dim3A_619 = vector.broadcast %mul3A_567 : i32 to vector<16xi32>
        %lt3A_620 = arith.constant 0 : i32
        %lt3A_621 = vector.broadcast %lt3A_620 : i32 to vector<16xi32>
        %lt3A_622 = arith.cmpi slt, %broadcast_in_dim3A_619, %lt3A_621 : vector<16xi32>
        %add3A_623 = arith.constant 16 : i32
        %add3A_624 = vector.broadcast %add3A_623 : i32 to vector<16xi32>
        %add3A_625 = arith.addi %broadcast_in_dim3A_619, %add3A_624 : vector<16xi32>
        %select_n3A_626 = arith.select %lt3A_622, %add3A_625, %broadcast_in_dim3A_619 : vector<16xi1>, vector<16xi32>
        %broadcast_in_dim3A_627 = vector.shape_cast %select_n3A_626 : vector<16xi32> to vector<16x1xi32>
        %gather3A_628 = vector.shape_cast %broadcast_in_dim3A_627 : vector<16x1xi32> to vector<16xi32>
        %gather3A_629 = tpu.dynamic_gather %get3A_585[%gather3A_628] in [0] : vector<16xf32>, vector<16xi32> -> vector<16xf32>
        %broadcast_in_dim3A_630 = vector.broadcast %add3A_569 : i32 to vector<16xi32>
        %lt3A_631 = arith.constant 0 : i32
        %lt3A_632 = vector.broadcast %lt3A_631 : i32 to vector<16xi32>
        %lt3A_633 = arith.cmpi slt, %broadcast_in_dim3A_630, %lt3A_632 : vector<16xi32>
        %add3A_634 = arith.constant 16 : i32
        %add3A_635 = vector.broadcast %add3A_634 : i32 to vector<16xi32>
        %add3A_636 = arith.addi %broadcast_in_dim3A_630, %add3A_635 : vector<16xi32>
        %select_n3A_637 = arith.select %lt3A_633, %add3A_636, %broadcast_in_dim3A_630 : vector<16xi1>, vector<16xi32>
        %broadcast_in_dim3A_638 = vector.shape_cast %select_n3A_637 : vector<16xi32> to vector<16x1xi32>
        %gather3A_639 = vector.shape_cast %broadcast_in_dim3A_638 : vector<16x1xi32> to vector<16xi32>
        %gather3A_640 = tpu.dynamic_gather %get3A_573[%gather3A_639] in [0] : vector<16xf32>, vector<16xi32> -> vector<16xf32>
        %broadcast_in_dim3A_641 = vector.broadcast %add3A_569 : i32 to vector<16xi32>
        %lt3A_642 = arith.constant 0 : i32
        %lt3A_643 = vector.broadcast %lt3A_642 : i32 to vector<16xi32>
        %lt3A_644 = arith.cmpi slt, %broadcast_in_dim3A_641, %lt3A_643 : vector<16xi32>
        %add3A_645 = arith.constant 16 : i32
        %add3A_646 = vector.broadcast %add3A_645 : i32 to vector<16xi32>
        %add3A_647 = arith.addi %broadcast_in_dim3A_641, %add3A_646 : vector<16xi32>
        %select_n3A_648 = arith.select %lt3A_644, %add3A_647, %broadcast_in_dim3A_641 : vector<16xi1>, vector<16xi32>
        %broadcast_in_dim3A_649 = vector.shape_cast %select_n3A_648 : vector<16xi32> to vector<16x1xi32>
        %gather3A_650 = vector.shape_cast %broadcast_in_dim3A_649 : vector<16x1xi32> to vector<16xi32>
        %gather3A_651 = tpu.dynamic_gather %get3A_577[%gather3A_650] in [0] : vector<16xf32>, vector<16xi32> -> vector<16xf32>
        %broadcast_in_dim3A_652 = vector.broadcast %add3A_569 : i32 to vector<16xi32>
        %lt3A_653 = arith.constant 0 : i32
        %lt3A_654 = vector.broadcast %lt3A_653 : i32 to vector<16xi32>
        %lt3A_655 = arith.cmpi slt, %broadcast_in_dim3A_652, %lt3A_654 : vector<16xi32>
        %add3A_656 = arith.constant 16 : i32
        %add3A_657 = vector.broadcast %add3A_656 : i32 to vector<16xi32>
        %add3A_658 = arith.addi %broadcast_in_dim3A_652, %add3A_657 : vector<16xi32>
        %select_n3A_659 = arith.select %lt3A_655, %add3A_658, %broadcast_in_dim3A_652 : vector<16xi1>, vector<16xi32>
        %broadcast_in_dim3A_660 = vector.shape_cast %select_n3A_659 : vector<16xi32> to vector<16x1xi32>
        %gather3A_661 = vector.shape_cast %broadcast_in_dim3A_660 : vector<16x1xi32> to vector<16xi32>
        %gather3A_662 = tpu.dynamic_gather %get3A_581[%gather3A_661] in [0] : vector<16xf32>, vector<16xi32> -> vector<16xf32>
        %broadcast_in_dim3A_663 = vector.broadcast %add3A_569 : i32 to vector<16xi32>
        %lt3A_664 = arith.constant 0 : i32
        %lt3A_665 = vector.broadcast %lt3A_664 : i32 to vector<16xi32>
        %lt3A_666 = arith.cmpi slt, %broadcast_in_dim3A_663, %lt3A_665 : vector<16xi32>
        %add3A_667 = arith.constant 16 : i32
        %add3A_668 = vector.broadcast %add3A_667 : i32 to vector<16xi32>
        %add3A_669 = arith.addi %broadcast_in_dim3A_663, %add3A_668 : vector<16xi32>
        %select_n3A_670 = arith.select %lt3A_666, %add3A_669, %broadcast_in_dim3A_663 : vector<16xi1>, vector<16xi32>
        %broadcast_in_dim3A_671 = vector.shape_cast %select_n3A_670 : vector<16xi32> to vector<16x1xi32>
        %gather3A_672 = vector.shape_cast %broadcast_in_dim3A_671 : vector<16x1xi32> to vector<16xi32>
        %gather3A_673 = tpu.dynamic_gather %get3A_585[%gather3A_672] in [0] : vector<16xf32>, vector<16xi32> -> vector<16xf32>
        %add3A_674 = arith.constant 14 : i32
        %add3A_675 = arith.addi %add3A_674, %mul3A_567 : i32
        %add3A_676 = arith.constant 28 : i32
        %add3A_677 = arith.addi %add3A_676, %mul3A_567 : i32
        %add3A_678 = arith.constant 42 : i32
        %add3A_679 = arith.addi %add3A_678, %mul3A_567 : i32
        %add3A_680 = arith.constant 14 : i32
        %add3A_681 = arith.addi %add3A_680, %add3A_569 : i32
        %add3A_682 = arith.constant 28 : i32
        %add3A_683 = arith.addi %add3A_682, %add3A_569 : i32
        %add3A_684 = arith.constant 42 : i32
        %add3A_685 = arith.addi %add3A_684, %add3A_569 : i32
        %convert_element_type3A_686 = arith.extui %eq3A_548 : i1 to i32
        %cond3A_687 = arith.constant 0 : i32
        %cond3A_688 = arith.cmpi ne, %convert_element_type3A_686, %cond3A_687 : i32
        scf.if %cond3A_688 {
          %get3A_694 = arith.index_cast %mul3A_567 : i32 to index
          %get3A_695 = arith.constant 0 : index
          %get3A_696 = tpu.vector_load %arg15[%get3A_694, %get3A_695] {strides = array<i32>} : memref<56x128xi32, #tpu.memory_space<vmem>>, vector<16xi32>,
          %bitcast3A = vector.bitcast %get3A_696 : vector<16xi32> to vector<32xbf16>
          %unpack3A = tpu.unpack_subelements %bitcast3A, 0 {pack_format = #tpu.pack_format<interleaved>} : vector<32xbf16> -> vector<16xf32>
          %unpack3A_697 = tpu.unpack_subelements %bitcast3A, 1 {pack_format = #tpu.pack_format<interleaved>} : vector<32xbf16> -> vector<16xf32>
          %mul3A_698 = arith.mulf %unpack3A, %gather3A_596 : vector<16xf32>
          %mul3A_699 = arith.mulf %unpack3A_697, %gather3A_596 : vector<16xf32>
          %get3A_700 = arith.index_cast %add3A_675 : i32 to index
          %get3A_701 = arith.constant 0 : index
          %get3A_702 = tpu.vector_load %arg15[%get3A_700, %get3A_701] {strides = array<i32>} : memref<56x128xi32, #tpu.memory_space<vmem>>, vector<16xi32>,
          %bitcast3A_703 = vector.bitcast %get3A_702 : vector<16xi32> to vector<32xbf16>
          %unpack3A_704 = tpu.unpack_subelements %bitcast3A_703, 0 {pack_format = #tpu.pack_format<interleaved>} : vector<32xbf16> -> vector<16xf32>
          %unpack3A_705 = tpu.unpack_subelements %bitcast3A_703, 1 {pack_format = #tpu.pack_format<interleaved>} : vector<32xbf16> -> vector<16xf32>
          %mul3A_706 = arith.mulf %unpack3A_704, %gather3A_607 : vector<16xf32>
          %add3A_707 = arith.addf %mul3A_698, %mul3A_706 : vector<16xf32>
          %mul3A_708 = arith.mulf %unpack3A_705, %gather3A_607 : vector<16xf32>
          %add3A_709 = arith.addf %mul3A_699, %mul3A_708 : vector<16xf32>
          %get3A_710 = arith.index_cast %add3A_677 : i32 to index
          %get3A_711 = arith.constant 0 : index
          %get3A_712 = tpu.vector_load %arg15[%get3A_710, %get3A_711] {strides = array<i32>} : memref<56x128xi32, #tpu.memory_space<vmem>>, vector<16xi32>,
          %bitcast3A_713 = vector.bitcast %get3A_712 : vector<16xi32> to vector<32xbf16>
          %unpack3A_714 = tpu.unpack_subelements %bitcast3A_713, 0 {pack_format = #tpu.pack_format<interleaved>} : vector<32xbf16> -> vector<16xf32>
          %unpack3A_715 = tpu.unpack_subelements %bitcast3A_713, 1 {pack_format = #tpu.pack_format<interleaved>} : vector<32xbf16> -> vector<16xf32>
          %mul3A_716 = arith.mulf %unpack3A_714, %gather3A_618 : vector<16xf32>
          %add3A_717 = arith.addf %add3A_707, %mul3A_716 : vector<16xf32>
          %mul3A_718 = arith.mulf %unpack3A_715, %gather3A_618 : vector<16xf32>
          %add3A_719 = arith.addf %add3A_709, %mul3A_718 : vector<16xf32>
          %get3A_720 = arith.index_cast %add3A_679 : i32 to index
          %get3A_721 = arith.constant 0 : index
          %get3A_722 = tpu.vector_load %arg15[%get3A_720, %get3A_721] {strides = array<i32>} : memref<56x128xi32, #tpu.memory_space<vmem>>, vector<16xi32>,
          %bitcast3A_723 = vector.bitcast %get3A_722 : vector<16xi32> to vector<32xbf16>
          %unpack3A_724 = tpu.unpack_subelements %bitcast3A_723, 0 {pack_format = #tpu.pack_format<interleaved>} : vector<32xbf16> -> vector<16xf32>
          %unpack3A_725 = tpu.unpack_subelements %bitcast3A_723, 1 {pack_format = #tpu.pack_format<interleaved>} : vector<32xbf16> -> vector<16xf32>
          %mul3A_726 = arith.mulf %unpack3A_724, %gather3A_629 : vector<16xf32>
          %add3A_727 = arith.addf %add3A_717, %mul3A_726 : vector<16xf32>
          %mul3A_728 = arith.mulf %unpack3A_725, %gather3A_629 : vector<16xf32>
          %add3A_729 = arith.addf %add3A_719, %mul3A_728 : vector<16xf32>
          %get3A_730 = arith.index_cast %add3A_569 : i32 to index
          %get3A_731 = arith.constant 0 : index
          %get3A_732 = tpu.vector_load %arg15[%get3A_730, %get3A_731] {strides = array<i32>} : memref<56x128xi32, #tpu.memory_space<vmem>>, vector<16xi32>,
          %bitcast3A_733 = vector.bitcast %get3A_732 : vector<16xi32> to vector<32xbf16>
          %unpack3A_734 = tpu.unpack_subelements %bitcast3A_733, 0 {pack_format = #tpu.pack_format<interleaved>} : vector<32xbf16> -> vector<16xf32>
          %unpack3A_735 = tpu.unpack_subelements %bitcast3A_733, 1 {pack_format = #tpu.pack_format<interleaved>} : vector<32xbf16> -> vector<16xf32>
          %mul3A_736 = arith.mulf %unpack3A_734, %gather3A_640 : vector<16xf32>
          %add3A_737 = arith.addf %add3A_727, %mul3A_736 : vector<16xf32>
          %mul3A_738 = arith.mulf %unpack3A_735, %gather3A_640 : vector<16xf32>
          %add3A_739 = arith.addf %add3A_729, %mul3A_738 : vector<16xf32>
          %get3A_740 = arith.index_cast %add3A_681 : i32 to index
          %get3A_741 = arith.constant 0 : index
          %get3A_742 = tpu.vector_load %arg15[%get3A_740, %get3A_741] {strides = array<i32>} : memref<56x128xi32, #tpu.memory_space<vmem>>, vector<16xi32>,
          %bitcast3A_743 = vector.bitcast %get3A_742 : vector<16xi32> to vector<32xbf16>
          %unpack3A_744 = tpu.unpack_subelements %bitcast3A_743, 0 {pack_format = #tpu.pack_format<interleaved>} : vector<32xbf16> -> vector<16xf32>
          %unpack3A_745 = tpu.unpack_subelements %bitcast3A_743, 1 {pack_format = #tpu.pack_format<interleaved>} : vector<32xbf16> -> vector<16xf32>
          %mul3A_746 = arith.mulf %unpack3A_744, %gather3A_651 : vector<16xf32>
          %add3A_747 = arith.addf %add3A_737, %mul3A_746 : vector<16xf32>
          %mul3A_748 = arith.mulf %unpack3A_745, %gather3A_651 : vector<16xf32>
          %add3A_749 = arith.addf %add3A_739, %mul3A_748 : vector<16xf32>
          %get3A_750 = arith.index_cast %add3A_683 : i32 to index
          %get3A_751 = arith.constant 0 : index
          %get3A_752 = tpu.vector_load %arg15[%get3A_750, %get3A_751] {strides = array<i32>} : memref<56x128xi32, #tpu.memory_space<vmem>>, vector<16xi32>,
          %bitcast3A_753 = vector.bitcast %get3A_752 : vector<16xi32> to vector<32xbf16>
          %unpack3A_754 = tpu.unpack_subelements %bitcast3A_753, 0 {pack_format = #tpu.pack_format<interleaved>} : vector<32xbf16> -> vector<16xf32>
          %unpack3A_755 = tpu.unpack_subelements %bitcast3A_753, 1 {pack_format = #tpu.pack_format<interleaved>} : vector<32xbf16> -> vector<16xf32>
          %mul3A_756 = arith.mulf %unpack3A_754, %gather3A_662 : vector<16xf32>
          %add3A_757 = arith.addf %add3A_747, %mul3A_756 : vector<16xf32>
          %mul3A_758 = arith.mulf %unpack3A_755, %gather3A_662 : vector<16xf32>
          %add3A_759 = arith.addf %add3A_749, %mul3A_758 : vector<16xf32>
          %get3A_760 = arith.index_cast %add3A_685 : i32 to index
          %get3A_761 = arith.constant 0 : index
          %get3A_762 = tpu.vector_load %arg15[%get3A_760, %get3A_761] {strides = array<i32>} : memref<56x128xi32, #tpu.memory_space<vmem>>, vector<16xi32>,
          %bitcast3A_763 = vector.bitcast %get3A_762 : vector<16xi32> to vector<32xbf16>
          %unpack3A_764 = tpu.unpack_subelements %bitcast3A_763, 0 {pack_format = #tpu.pack_format<interleaved>} : vector<32xbf16> -> vector<16xf32>
          %unpack3A_765 = tpu.unpack_subelements %bitcast3A_763, 1 {pack_format = #tpu.pack_format<interleaved>} : vector<32xbf16> -> vector<16xf32>
          %mul3A_766 = arith.mulf %unpack3A_764, %gather3A_673 : vector<16xf32>
          %add3A_767 = arith.addf %add3A_757, %mul3A_766 : vector<16xf32>
          %mul3A_768 = arith.mulf %unpack3A_765, %gather3A_673 : vector<16xf32>
          %add3A_769 = arith.addf %add3A_759, %mul3A_768 : vector<16xf32>
          %add3A_770 = arith.addi %mul3A_550, %scan3A_564 : i32
          %swap3A_771 = arith.index_cast %add3A_770 : i32 to index
          %swap3A_772 = arith.constant 0 : index
          %swap3A_773 = tpu.vector_load %arg16[%swap3A_771, %swap3A_772] {strides = array<i32>} : memref<49x256xf32, #tpu.memory_space<vmem>>, vector<16xf32>,
          tpu.vector_store %arg16[%swap3A_771, %swap3A_772], %add3A_767 {strides = array<i32>} : memref<49x256xf32, #tpu.memory_space<vmem>>, vector<16xf32>,
          %add3A_774 = arith.addi %mul3A_550, %scan3A_564 : i32
          %swap3A_775 = arith.index_cast %add3A_774 : i32 to index
          %swap3A_776 = arith.constant 16 : index
          %swap3A_777 = tpu.vector_load %arg16[%swap3A_775, %swap3A_776] {strides = array<i32>} : memref<49x256xf32, #tpu.memory_space<vmem>>, vector<16xf32>,
          tpu.vector_store %arg16[%swap3A_775, %swap3A_776], %add3A_769 {strides = array<i32>} : memref<49x256xf32, #tpu.memory_space<vmem>>, vector<16xf32>,
          %get3A_778 = arith.index_cast %mul3A_567 : i32 to index
          %get3A_779 = arith.constant 16 : index
          %get3A_780 = tpu.vector_load %arg15[%get3A_778, %get3A_779] {strides = array<i32>} : memref<56x128xi32, #tpu.memory_space<vmem>>, vector<16xi32>,
          %bitcast3A_781 = vector.bitcast %get3A_780 : vector<16xi32> to vector<32xbf16>
          %unpack3A_782 = tpu.unpack_subelements %bitcast3A_781, 0 {pack_format = #tpu.pack_format<interleaved>} : vector<32xbf16> -> vector<16xf32>
          %unpack3A_783 = tpu.unpack_subelements %bitcast3A_781, 1 {pack_format = #tpu.pack_format<interleaved>} : vector<32xbf16> -> vector<16xf32>
          %mul3A_784 = arith.mulf %unpack3A_782, %gather3A_596 : vector<16xf32>
          %mul3A_785 = arith.mulf %unpack3A_783, %gather3A_596 : vector<16xf32>
          %get3A_786 = arith.index_cast %add3A_675 : i32 to index
          %get3A_787 = arith.constant 16 : index
          %get3A_788 = tpu.vector_load %arg15[%get3A_786, %get3A_787] {strides = array<i32>} : memref<56x128xi32, #tpu.memory_space<vmem>>, vector<16xi32>,
          %bitcast3A_789 = vector.bitcast %get3A_788 : vector<16xi32> to vector<32xbf16>
          %unpack3A_790 = tpu.unpack_subelements %bitcast3A_789, 0 {pack_format = #tpu.pack_format<interleaved>} : vector<32xbf16> -> vector<16xf32>
          %unpack3A_791 = tpu.unpack_subelements %bitcast3A_789, 1 {pack_format = #tpu.pack_format<interleaved>} : vector<32xbf16> -> vector<16xf32>
          %mul3A_792 = arith.mulf %unpack3A_790, %gather3A_607 : vector<16xf32>
          %add3A_793 = arith.addf %mul3A_784, %mul3A_792 : vector<16xf32>
          %mul3A_794 = arith.mulf %unpack3A_791, %gather3A_607 : vector<16xf32>
          %add3A_795 = arith.addf %mul3A_785, %mul3A_794 : vector<16xf32>
          %get3A_796 = arith.index_cast %add3A_677 : i32 to index
          %get3A_797 = arith.constant 16 : index
          %get3A_798 = tpu.vector_load %arg15[%get3A_796, %get3A_797] {strides = array<i32>} : memref<56x128xi32, #tpu.memory_space<vmem>>, vector<16xi32>,
          %bitcast3A_799 = vector.bitcast %get3A_798 : vector<16xi32> to vector<32xbf16>
          %unpack3A_800 = tpu.unpack_subelements %bitcast3A_799, 0 {pack_format = #tpu.pack_format<interleaved>} : vector<32xbf16> -> vector<16xf32>
          %unpack3A_801 = tpu.unpack_subelements %bitcast3A_799, 1 {pack_format = #tpu.pack_format<interleaved>} : vector<32xbf16> -> vector<16xf32>
          %mul3A_802 = arith.mulf %unpack3A_800, %gather3A_618 : vector<16xf32>
          %add3A_803 = arith.addf %add3A_793, %mul3A_802 : vector<16xf32>
          %mul3A_804 = arith.mulf %unpack3A_801, %gather3A_618 : vector<16xf32>
          %add3A_805 = arith.addf %add3A_795, %mul3A_804 : vector<16xf32>
          %get3A_806 = arith.index_cast %add3A_679 : i32 to index
          %get3A_807 = arith.constant 16 : index
          %get3A_808 = tpu.vector_load %arg15[%get3A_806, %get3A_807] {strides = array<i32>} : memref<56x128xi32, #tpu.memory_space<vmem>>, vector<16xi32>,
          %bitcast3A_809 = vector.bitcast %get3A_808 : vector<16xi32> to vector<32xbf16>
          %unpack3A_810 = tpu.unpack_subelements %bitcast3A_809, 0 {pack_format = #tpu.pack_format<interleaved>} : vector<32xbf16> -> vector<16xf32>
          %unpack3A_811 = tpu.unpack_subelements %bitcast3A_809, 1 {pack_format = #tpu.pack_format<interleaved>} : vector<32xbf16> -> vector<16xf32>
          %mul3A_812 = arith.mulf %unpack3A_810, %gather3A_629 : vector<16xf32>
          %add3A_813 = arith.addf %add3A_803, %mul3A_812 : vector<16xf32>
          %mul3A_814 = arith.mulf %unpack3A_811, %gather3A_629 : vector<16xf32>
          %add3A_815 = arith.addf %add3A_805, %mul3A_814 : vector<16xf32>
          %get3A_816 = arith.index_cast %add3A_569 : i32 to index
          %get3A_817 = arith.constant 16 : index
          %get3A_818 = tpu.vector_load %arg15[%get3A_816, %get3A_817] {strides = array<i32>} : memref<56x128xi32, #tpu.memory_space<vmem>>, vector<16xi32>,
          %bitcast3A_819 = vector.bitcast %get3A_818 : vector<16xi32> to vector<32xbf16>
          %unpack3A_820 = tpu.unpack_subelements %bitcast3A_819, 0 {pack_format = #tpu.pack_format<interleaved>} : vector<32xbf16> -> vector<16xf32>
          %unpack3A_821 = tpu.unpack_subelements %bitcast3A_819, 1 {pack_format = #tpu.pack_format<interleaved>} : vector<32xbf16> -> vector<16xf32>
          %mul3A_822 = arith.mulf %unpack3A_820, %gather3A_640 : vector<16xf32>
          %add3A_823 = arith.addf %add3A_813, %mul3A_822 : vector<16xf32>
          %mul3A_824 = arith.mulf %unpack3A_821, %gather3A_640 : vector<16xf32>
          %add3A_825 = arith.addf %add3A_815, %mul3A_824 : vector<16xf32>
          %get3A_826 = arith.index_cast %add3A_681 : i32 to index
          %get3A_827 = arith.constant 16 : index
          %get3A_828 = tpu.vector_load %arg15[%get3A_826, %get3A_827] {strides = array<i32>} : memref<56x128xi32, #tpu.memory_space<vmem>>, vector<16xi32>,
          %bitcast3A_829 = vector.bitcast %get3A_828 : vector<16xi32> to vector<32xbf16>
          %unpack3A_830 = tpu.unpack_subelements %bitcast3A_829, 0 {pack_format = #tpu.pack_format<interleaved>} : vector<32xbf16> -> vector<16xf32>
          %unpack3A_831 = tpu.unpack_subelements %bitcast3A_829, 1 {pack_format = #tpu.pack_format<interleaved>} : vector<32xbf16> -> vector<16xf32>
          %mul3A_832 = arith.mulf %unpack3A_830, %gather3A_651 : vector<16xf32>
          %add3A_833 = arith.addf %add3A_823, %mul3A_832 : vector<16xf32>
          %mul3A_834 = arith.mulf %unpack3A_831, %gather3A_651 : vector<16xf32>
          %add3A_835 = arith.addf %add3A_825, %mul3A_834 : vector<16xf32>
          %get3A_836 = arith.index_cast %add3A_683 : i32 to index
          %get3A_837 = arith.constant 16 : index
          %get3A_838 = tpu.vector_load %arg15[%get3A_836, %get3A_837] {strides = array<i32>} : memref<56x128xi32, #tpu.memory_space<vmem>>, vector<16xi32>,
          %bitcast3A_839 = vector.bitcast %get3A_838 : vector<16xi32> to vector<32xbf16>
          %unpack3A_840 = tpu.unpack_subelements %bitcast3A_839, 0 {pack_format = #tpu.pack_format<interleaved>} : vector<32xbf16> -> vector<16xf32>
          %unpack3A_841 = tpu.unpack_subelements %bitcast3A_839, 1 {pack_format = #tpu.pack_format<interleaved>} : vector<32xbf16> -> vector<16xf32>
          %mul3A_842 = arith.mulf %unpack3A_840, %gather3A_662 : vector<16xf32>
          %add3A_843 = arith.addf %add3A_833, %mul3A_842 : vector<16xf32>
          %mul3A_844 = arith.mulf %unpack3A_841, %gather3A_662 : vector<16xf32>
          %add3A_845 = arith.addf %add3A_835, %mul3A_844 : vector<16xf32>
          %get3A_846 = arith.index_cast %add3A_685 : i32 to index
          %get3A_847 = arith.constant 16 : index
          %get3A_848 = tpu.vector_load %arg15[%get3A_846, %get3A_847] {strides = array<i32>} : memref<56x128xi32, #tpu.memory_space<vmem>>, vector<16xi32>,
          %bitcast3A_849 = vector.bitcast %get3A_848 : vector<16xi32> to vector<32xbf16>
          %unpack3A_850 = tpu.unpack_subelements %bitcast3A_849, 0 {pack_format = #tpu.pack_format<interleaved>} : vector<32xbf16> -> vector<16xf32>
          %unpack3A_851 = tpu.unpack_subelements %bitcast3A_849, 1 {pack_format = #tpu.pack_format<interleaved>} : vector<32xbf16> -> vector<16xf32>
          %mul3A_852 = arith.mulf %unpack3A_850, %gather3A_673 : vector<16xf32>
          %add3A_853 = arith.addf %add3A_843, %mul3A_852 : vector<16xf32>
          %mul3A_854 = arith.mulf %unpack3A_851, %gather3A_673 : vector<16xf32>
          %add3A_855 = arith.addf %add3A_845, %mul3A_854 : vector<16xf32>
          %add3A_856 = arith.addi %mul3A_550, %scan3A_564 : i32
          %swap3A_857 = arith.index_cast %add3A_856 : i32 to index
          %swap3A_858 = arith.constant 32 : index
          %swap3A_859 = tpu.vector_load %arg16[%swap3A_857, %swap3A_858] {strides = array<i32>} : memref<49x256xf32, #tpu.memory_space<vmem>>, vector<16xf32>,
          tpu.vector_store %arg16[%swap3A_857, %swap3A_858], %add3A_853 {strides = array<i32>} : memref<49x256xf32, #tpu.memory_space<vmem>>, vector<16xf32>,
          %add3A_860 = arith.addi %mul3A_550, %scan3A_564 : i32
          %swap3A_861 = arith.index_cast %add3A_860 : i32 to index
          %swap3A_862 = arith.constant 48 : index
          %swap3A_863 = tpu.vector_load %arg16[%swap3A_861, %swap3A_862] {strides = array<i32>} : memref<49x256xf32, #tpu.memory_space<vmem>>, vector<16xf32>,
          tpu.vector_store %arg16[%swap3A_861, %swap3A_862], %add3A_855 {strides = array<i32>} : memref<49x256xf32, #tpu.memory_space<vmem>>, vector<16xf32>,
          %get3A_864 = arith.index_cast %mul3A_567 : i32 to index
          %get3A_865 = arith.constant 32 : index
          %get3A_866 = tpu.vector_load %arg15[%get3A_864, %get3A_865] {strides = array<i32>} : memref<56x128xi32, #tpu.memory_space<vmem>>, vector<16xi32>,
          %bitcast3A_867 = vector.bitcast %get3A_866 : vector<16xi32> to vector<32xbf16>
          %unpack3A_868 = tpu.unpack_subelements %bitcast3A_867, 0 {pack_format = #tpu.pack_format<interleaved>} : vector<32xbf16> -> vector<16xf32>
          %unpack3A_869 = tpu.unpack_subelements %bitcast3A_867, 1 {pack_format = #tpu.pack_format<interleaved>} : vector<32xbf16> -> vector<16xf32>
          %mul3A_870 = arith.mulf %unpack3A_868, %gather3A_596 : vector<16xf32>
          %mul3A_871 = arith.mulf %unpack3A_869, %gather3A_596 : vector<16xf32>
          %get3A_872 = arith.index_cast %add3A_675 : i32 to index
          %get3A_873 = arith.constant 32 : index
          %get3A_874 = tpu.vector_load %arg15[%get3A_872, %get3A_873] {strides = array<i32>} : memref<56x128xi32, #tpu.memory_space<vmem>>, vector<16xi32>,
          %bitcast3A_875 = vector.bitcast %get3A_874 : vector<16xi32> to vector<32xbf16>
          %unpack3A_876 = tpu.unpack_subelements %bitcast3A_875, 0 {pack_format = #tpu.pack_format<interleaved>} : vector<32xbf16> -> vector<16xf32>
          %unpack3A_877 = tpu.unpack_subelements %bitcast3A_875, 1 {pack_format = #tpu.pack_format<interleaved>} : vector<32xbf16> -> vector<16xf32>
          %mul3A_878 = arith.mulf %unpack3A_876, %gather3A_607 : vector<16xf32>
          %add3A_879 = arith.addf %mul3A_870, %mul3A_878 : vector<16xf32>
          %mul3A_880 = arith.mulf %unpack3A_877, %gather3A_607 : vector<16xf32>
          %add3A_881 = arith.addf %mul3A_871, %mul3A_880 : vector<16xf32>
          %get3A_882 = arith.index_cast %add3A_677 : i32 to index
          %get3A_883 = arith.constant 32 : index
          %get3A_884 = tpu.vector_load %arg15[%get3A_882, %get3A_883] {strides = array<i32>} : memref<56x128xi32, #tpu.memory_space<vmem>>, vector<16xi32>,
          %bitcast3A_885 = vector.bitcast %get3A_884 : vector<16xi32> to vector<32xbf16>
          %unpack3A_886 = tpu.unpack_subelements %bitcast3A_885, 0 {pack_format = #tpu.pack_format<interleaved>} : vector<32xbf16> -> vector<16xf32>
          %unpack3A_887 = tpu.unpack_subelements %bitcast3A_885, 1 {pack_format = #tpu.pack_format<interleaved>} : vector<32xbf16> -> vector<16xf32>
          %mul3A_888 = arith.mulf %unpack3A_886, %gather3A_618 : vector<16xf32>
          %add3A_889 = arith.addf %add3A_879, %mul3A_888 : vector<16xf32>
          %mul3A_890 = arith.mulf %unpack3A_887, %gather3A_618 : vector<16xf32>
          %add3A_891 = arith.addf %add3A_881, %mul3A_890 : vector<16xf32>
          %get3A_892 = arith.index_cast %add3A_679 : i32 to index
          %get3A_893 = arith.constant 32 : index
          %get3A_894 = tpu.vector_load %arg15[%get3A_892, %get3A_893] {strides = array<i32>} : memref<56x128xi32, #tpu.memory_space<vmem>>, vector<16xi32>,
          %bitcast3A_895 = vector.bitcast %get3A_894 : vector<16xi32> to vector<32xbf16>
          %unpack3A_896 = tpu.unpack_subelements %bitcast3A_895, 0 {pack_format = #tpu.pack_format<interleaved>} : vector<32xbf16> -> vector<16xf32>
          %unpack3A_897 = tpu.unpack_subelements %bitcast3A_895, 1 {pack_format = #tpu.pack_format<interleaved>} : vector<32xbf16> -> vector<16xf32>
          %mul3A_898 = arith.mulf %unpack3A_896, %gather3A_629 : vector<16xf32>
          %add3A_899 = arith.addf %add3A_889, %mul3A_898 : vector<16xf32>
          %mul3A_900 = arith.mulf %unpack3A_897, %gather3A_629 : vector<16xf32>
          %add3A_901 = arith.addf %add3A_891, %mul3A_900 : vector<16xf32>
          %get3A_902 = arith.index_cast %add3A_569 : i32 to index
          %get3A_903 = arith.constant 32 : index
          %get3A_904 = tpu.vector_load %arg15[%get3A_902, %get3A_903] {strides = array<i32>} : memref<56x128xi32, #tpu.memory_space<vmem>>, vector<16xi32>,
          %bitcast3A_905 = vector.bitcast %get3A_904 : vector<16xi32> to vector<32xbf16>
          %unpack3A_906 = tpu.unpack_subelements %bitcast3A_905, 0 {pack_format = #tpu.pack_format<interleaved>} : vector<32xbf16> -> vector<16xf32>
          %unpack3A_907 = tpu.unpack_subelements %bitcast3A_905, 1 {pack_format = #tpu.pack_format<interleaved>} : vector<32xbf16> -> vector<16xf32>
          %mul3A_908 = arith.mulf %unpack3A_906, %gather3A_640 : vector<16xf32>
          %add3A_909 = arith.addf %add3A_899, %mul3A_908 : vector<16xf32>
          %mul3A_910 = arith.mulf %unpack3A_907, %gather3A_640 : vector<16xf32>
          %add3A_911 = arith.addf %add3A_901, %mul3A_910 : vector<16xf32>
          %get3A_912 = arith.index_cast %add3A_681 : i32 to index
          %get3A_913 = arith.constant 32 : index
          %get3A_914 = tpu.vector_load %arg15[%get3A_912, %get3A_913] {strides = array<i32>} : memref<56x128xi32, #tpu.memory_space<vmem>>, vector<16xi32>,
          %bitcast3A_915 = vector.bitcast %get3A_914 : vector<16xi32> to vector<32xbf16>
          %unpack3A_916 = tpu.unpack_subelements %bitcast3A_915, 0 {pack_format = #tpu.pack_format<interleaved>} : vector<32xbf16> -> vector<16xf32>
          %unpack3A_917 = tpu.unpack_subelements %bitcast3A_915, 1 {pack_format = #tpu.pack_format<interleaved>} : vector<32xbf16> -> vector<16xf32>
          %mul3A_918 = arith.mulf %unpack3A_916, %gather3A_651 : vector<16xf32>
          %add3A_919 = arith.addf %add3A_909, %mul3A_918 : vector<16xf32>
          %mul3A_920 = arith.mulf %unpack3A_917, %gather3A_651 : vector<16xf32>
          %add3A_921 = arith.addf %add3A_911, %mul3A_920 : vector<16xf32>
          %get3A_922 = arith.index_cast %add3A_683 : i32 to index
          %get3A_923 = arith.constant 32 : index
          %get3A_924 = tpu.vector_load %arg15[%get3A_922, %get3A_923] {strides = array<i32>} : memref<56x128xi32, #tpu.memory_space<vmem>>, vector<16xi32>,
          %bitcast3A_925 = vector.bitcast %get3A_924 : vector<16xi32> to vector<32xbf16>
          %unpack3A_926 = tpu.unpack_subelements %bitcast3A_925, 0 {pack_format = #tpu.pack_format<interleaved>} : vector<32xbf16> -> vector<16xf32>
          %unpack3A_927 = tpu.unpack_subelements %bitcast3A_925, 1 {pack_format = #tpu.pack_format<interleaved>} : vector<32xbf16> -> vector<16xf32>
          %mul3A_928 = arith.mulf %unpack3A_926, %gather3A_662 : vector<16xf32>
          %add3A_929 = arith.addf %add3A_919, %mul3A_928 : vector<16xf32>
          %mul3A_930 = arith.mulf %unpack3A_927, %gather3A_662 : vector<16xf32>
          %add3A_931 = arith.addf %add3A_921, %mul3A_930 : vector<16xf32>
          %get3A_932 = arith.index_cast %add3A_685 : i32 to index
          %get3A_933 = arith.constant 32 : index
          %get3A_934 = tpu.vector_load %arg15[%get3A_932, %get3A_933] {strides = array<i32>} : memref<56x128xi32, #tpu.memory_space<vmem>>, vector<16xi32>,
          %bitcast3A_935 = vector.bitcast %get3A_934 : vector<16xi32> to vector<32xbf16>
          %unpack3A_936 = tpu.unpack_subelements %bitcast3A_935, 0 {pack_format = #tpu.pack_format<interleaved>} : vector<32xbf16> -> vector<16xf32>
          %unpack3A_937 = tpu.unpack_subelements %bitcast3A_935, 1 {pack_format = #tpu.pack_format<interleaved>} : vector<32xbf16> -> vector<16xf32>
          %mul3A_938 = arith.mulf %unpack3A_936, %gather3A_673 : vector<16xf32>
          %add3A_939 = arith.addf %add3A_929, %mul3A_938 : vector<16xf32>
          %mul3A_940 = arith.mulf %unpack3A_937, %gather3A_673 : vector<16xf32>
          %add3A_941 = arith.addf %add3A_931, %mul3A_940 : vector<16xf32>
          %add3A_942 = arith.addi %mul3A_550, %scan3A_564 : i32
          %swap3A_943 = arith.index_cast %add3A_942 : i32 to index
          %swap3A_944 = arith.constant 64 : index
          %swap3A_945 = tpu.vector_load %arg16[%swap3A_943, %swap3A_944] {strides = array<i32>} : memref<49x256xf32, #tpu.memory_space<vmem>>, vector<16xf32>,
          tpu.vector_store %arg16[%swap3A_943, %swap3A_944], %add3A_939 {strides = array<i32>} : memref<49x256xf32, #tpu.memory_space<vmem>>, vector<16xf32>,
          %add3A_946 = arith.addi %mul3A_550, %scan3A_564 : i32
          %swap3A_947 = arith.index_cast %add3A_946 : i32 to index
          %swap3A_948 = arith.constant 80 : index
          %swap3A_949 = tpu.vector_load %arg16[%swap3A_947, %swap3A_948] {strides = array<i32>} : memref<49x256xf32, #tpu.memory_space<vmem>>, vector<16xf32>,
          tpu.vector_store %arg16[%swap3A_947, %swap3A_948], %add3A_941 {strides = array<i32>} : memref<49x256xf32, #tpu.memory_space<vmem>>, vector<16xf32>,
          %get3A_950 = arith.index_cast %mul3A_567 : i32 to index
          %get3A_951 = arith.constant 48 : index
          %get3A_952 = tpu.vector_load %arg15[%get3A_950, %get3A_951] {strides = array<i32>} : memref<56x128xi32, #tpu.memory_space<vmem>>, vector<16xi32>,
          %bitcast3A_953 = vector.bitcast %get3A_952 : vector<16xi32> to vector<32xbf16>
          %unpack3A_954 = tpu.unpack_subelements %bitcast3A_953, 0 {pack_format = #tpu.pack_format<interleaved>} : vector<32xbf16> -> vector<16xf32>
          %unpack3A_955 = tpu.unpack_subelements %bitcast3A_953, 1 {pack_format = #tpu.pack_format<interleaved>} : vector<32xbf16> -> vector<16xf32>
          %mul3A_956 = arith.mulf %unpack3A_954, %gather3A_596 : vector<16xf32>
          %mul3A_957 = arith.mulf %unpack3A_955, %gather3A_596 : vector<16xf32>
          %get3A_958 = arith.index_cast %add3A_675 : i32 to index
          %get3A_959 = arith.constant 48 : index
          %get3A_960 = tpu.vector_load %arg15[%get3A_958, %get3A_959] {strides = array<i32>} : memref<56x128xi32, #tpu.memory_space<vmem>>, vector<16xi32>,
          %bitcast3A_961 = vector.bitcast %get3A_960 : vector<16xi32> to vector<32xbf16>
          %unpack3A_962 = tpu.unpack_subelements %bitcast3A_961, 0 {pack_format = #tpu.pack_format<interleaved>} : vector<32xbf16> -> vector<16xf32>
          %unpack3A_963 = tpu.unpack_subelements %bitcast3A_961, 1 {pack_format = #tpu.pack_format<interleaved>} : vector<32xbf16> -> vector<16xf32>
          %mul3A_964 = arith.mulf %unpack3A_962, %gather3A_607 : vector<16xf32>
          %add3A_965 = arith.addf %mul3A_956, %mul3A_964 : vector<16xf32>
          %mul3A_966 = arith.mulf %unpack3A_963, %gather3A_607 : vector<16xf32>
          %add3A_967 = arith.addf %mul3A_957, %mul3A_966 : vector<16xf32>
          %get3A_968 = arith.index_cast %add3A_677 : i32 to index
          %get3A_969 = arith.constant 48 : index
          %get3A_970 = tpu.vector_load %arg15[%get3A_968, %get3A_969] {strides = array<i32>} : memref<56x128xi32, #tpu.memory_space<vmem>>, vector<16xi32>,
          %bitcast3A_971 = vector.bitcast %get3A_970 : vector<16xi32> to vector<32xbf16>
          %unpack3A_972 = tpu.unpack_subelements %bitcast3A_971, 0 {pack_format = #tpu.pack_format<interleaved>} : vector<32xbf16> -> vector<16xf32>
          %unpack3A_973 = tpu.unpack_subelements %bitcast3A_971, 1 {pack_format = #tpu.pack_format<interleaved>} : vector<32xbf16> -> vector<16xf32>
          %mul3A_974 = arith.mulf %unpack3A_972, %gather3A_618 : vector<16xf32>
          %add3A_975 = arith.addf %add3A_965, %mul3A_974 : vector<16xf32>
          %mul3A_976 = arith.mulf %unpack3A_973, %gather3A_618 : vector<16xf32>
          %add3A_977 = arith.addf %add3A_967, %mul3A_976 : vector<16xf32>
          %get3A_978 = arith.index_cast %add3A_679 : i32 to index
          %get3A_979 = arith.constant 48 : index
          %get3A_980 = tpu.vector_load %arg15[%get3A_978, %get3A_979] {strides = array<i32>} : memref<56x128xi32, #tpu.memory_space<vmem>>, vector<16xi32>,
          %bitcast3A_981 = vector.bitcast %get3A_980 : vector<16xi32> to vector<32xbf16>
          %unpack3A_982 = tpu.unpack_subelements %bitcast3A_981, 0 {pack_format = #tpu.pack_format<interleaved>} : vector<32xbf16> -> vector<16xf32>
          %unpack3A_983 = tpu.unpack_subelements %bitcast3A_981, 1 {pack_format = #tpu.pack_format<interleaved>} : vector<32xbf16> -> vector<16xf32>
          %mul3A_984 = arith.mulf %unpack3A_982, %gather3A_629 : vector<16xf32>
          %add3A_985 = arith.addf %add3A_975, %mul3A_984 : vector<16xf32>
          %mul3A_986 = arith.mulf %unpack3A_983, %gather3A_629 : vector<16xf32>
          %add3A_987 = arith.addf %add3A_977, %mul3A_986 : vector<16xf32>
          %get3A_988 = arith.index_cast %add3A_569 : i32 to index
          %get3A_989 = arith.constant 48 : index
          %get3A_990 = tpu.vector_load %arg15[%get3A_988, %get3A_989] {strides = array<i32>} : memref<56x128xi32, #tpu.memory_space<vmem>>, vector<16xi32>,
          %bitcast3A_991 = vector.bitcast %get3A_990 : vector<16xi32> to vector<32xbf16>
          %unpack3A_992 = tpu.unpack_subelements %bitcast3A_991, 0 {pack_format = #tpu.pack_format<interleaved>} : vector<32xbf16> -> vector<16xf32>
          %unpack3A_993 = tpu.unpack_subelements %bitcast3A_991, 1 {pack_format = #tpu.pack_format<interleaved>} : vector<32xbf16> -> vector<16xf32>
          %mul3A_994 = arith.mulf %unpack3A_992, %gather3A_640 : vector<16xf32>
          %add3A_995 = arith.addf %add3A_985, %mul3A_994 : vector<16xf32>
          %mul3A_996 = arith.mulf %unpack3A_993, %gather3A_640 : vector<16xf32>
          %add3A_997 = arith.addf %add3A_987, %mul3A_996 : vector<16xf32>
          %get3A_998 = arith.index_cast %add3A_681 : i32 to index
          %get3A_999 = arith.constant 48 : index
          %get3A_1000 = tpu.vector_load %arg15[%get3A_998, %get3A_999] {strides = array<i32>} : memref<56x128xi32, #tpu.memory_space<vmem>>, vector<16xi32>,
          %bitcast3A_1001 = vector.bitcast %get3A_1000 : vector<16xi32> to vector<32xbf16>
          %unpack3A_1002 = tpu.unpack_subelements %bitcast3A_1001, 0 {pack_format = #tpu.pack_format<interleaved>} : vector<32xbf16> -> vector<16xf32>
          %unpack3A_1003 = tpu.unpack_subelements %bitcast3A_1001, 1 {pack_format = #tpu.pack_format<interleaved>} : vector<32xbf16> -> vector<16xf32>
          %mul3A_1004 = arith.mulf %unpack3A_1002, %gather3A_651 : vector<16xf32>
          %add3A_1005 = arith.addf %add3A_995, %mul3A_1004 : vector<16xf32>
          %mul3A_1006 = arith.mulf %unpack3A_1003, %gather3A_651 : vector<16xf32>
          %add3A_1007 = arith.addf %add3A_997, %mul3A_1006 : vector<16xf32>
          %get3A_1008 = arith.index_cast %add3A_683 : i32 to index
          %get3A_1009 = arith.constant 48 : index
          %get3A_1010 = tpu.vector_load %arg15[%get3A_1008, %get3A_1009] {strides = array<i32>} : memref<56x128xi32, #tpu.memory_space<vmem>>, vector<16xi32>,
          %bitcast3A_1011 = vector.bitcast %get3A_1010 : vector<16xi32> to vector<32xbf16>
          %unpack3A_1012 = tpu.unpack_subelements %bitcast3A_1011, 0 {pack_format = #tpu.pack_format<interleaved>} : vector<32xbf16> -> vector<16xf32>
          %unpack3A_1013 = tpu.unpack_subelements %bitcast3A_1011, 1 {pack_format = #tpu.pack_format<interleaved>} : vector<32xbf16> -> vector<16xf32>
          %mul3A_1014 = arith.mulf %unpack3A_1012, %gather3A_662 : vector<16xf32>
          %add3A_1015 = arith.addf %add3A_1005, %mul3A_1014 : vector<16xf32>
          %mul3A_1016 = arith.mulf %unpack3A_1013, %gather3A_662 : vector<16xf32>
          %add3A_1017 = arith.addf %add3A_1007, %mul3A_1016 : vector<16xf32>
          %get3A_1018 = arith.index_cast %add3A_685 : i32 to index
          %get3A_1019 = arith.constant 48 : index
          %get3A_1020 = tpu.vector_load %arg15[%get3A_1018, %get3A_1019] {strides = array<i32>} : memref<56x128xi32, #tpu.memory_space<vmem>>, vector<16xi32>,
          %bitcast3A_1021 = vector.bitcast %get3A_1020 : vector<16xi32> to vector<32xbf16>
          %unpack3A_1022 = tpu.unpack_subelements %bitcast3A_1021, 0 {pack_format = #tpu.pack_format<interleaved>} : vector<32xbf16> -> vector<16xf32>
          %unpack3A_1023 = tpu.unpack_subelements %bitcast3A_1021, 1 {pack_format = #tpu.pack_format<interleaved>} : vector<32xbf16> -> vector<16xf32>
          %mul3A_1024 = arith.mulf %unpack3A_1022, %gather3A_673 : vector<16xf32>
          %add3A_1025 = arith.addf %add3A_1015, %mul3A_1024 : vector<16xf32>
          %mul3A_1026 = arith.mulf %unpack3A_1023, %gather3A_673 : vector<16xf32>
          %add3A_1027 = arith.addf %add3A_1017, %mul3A_1026 : vector<16xf32>
          %add3A_1028 = arith.addi %mul3A_550, %scan3A_564 : i32
          %swap3A_1029 = arith.index_cast %add3A_1028 : i32 to index
          %swap3A_1030 = arith.constant 96 : index
          %swap3A_1031 = tpu.vector_load %arg16[%swap3A_1029, %swap3A_1030] {strides = array<i32>} : memref<49x256xf32, #tpu.memory_space<vmem>>, vector<16xf32>,
          tpu.vector_store %arg16[%swap3A_1029, %swap3A_1030], %add3A_1025 {strides = array<i32>} : memref<49x256xf32, #tpu.memory_space<vmem>>, vector<16xf32>,
          %add3A_1032 = arith.addi %mul3A_550, %scan3A_564 : i32
          %swap3A_1033 = arith.index_cast %add3A_1032 : i32 to index
          %swap3A_1034 = arith.constant 112 : index
          %swap3A_1035 = tpu.vector_load %arg16[%swap3A_1033, %swap3A_1034] {strides = array<i32>} : memref<49x256xf32, #tpu.memory_space<vmem>>, vector<16xf32>,
          tpu.vector_store %arg16[%swap3A_1033, %swap3A_1034], %add3A_1027 {strides = array<i32>} : memref<49x256xf32, #tpu.memory_space<vmem>>, vector<16xf32>,
          %get3A_1036 = arith.index_cast %mul3A_567 : i32 to index
          %get3A_1037 = arith.constant 64 : index
          %get3A_1038 = tpu.vector_load %arg15[%get3A_1036, %get3A_1037] {strides = array<i32>} : memref<56x128xi32, #tpu.memory_space<vmem>>, vector<16xi32>,
          %bitcast3A_1039 = vector.bitcast %get3A_1038 : vector<16xi32> to vector<32xbf16>
          %unpack3A_1040 = tpu.unpack_subelements %bitcast3A_1039, 0 {pack_format = #tpu.pack_format<interleaved>} : vector<32xbf16> -> vector<16xf32>
          %unpack3A_1041 = tpu.unpack_subelements %bitcast3A_1039, 1 {pack_format = #tpu.pack_format<interleaved>} : vector<32xbf16> -> vector<16xf32>
          %mul3A_1042 = arith.mulf %unpack3A_1040, %gather3A_596 : vector<16xf32>
          %mul3A_1043 = arith.mulf %unpack3A_1041, %gather3A_596 : vector<16xf32>
          %get3A_1044 = arith.index_cast %add3A_675 : i32 to index
          %get3A_1045 = arith.constant 64 : index
          %get3A_1046 = tpu.vector_load %arg15[%get3A_1044, %get3A_1045] {strides = array<i32>} : memref<56x128xi32, #tpu.memory_space<vmem>>, vector<16xi32>,
          %bitcast3A_1047 = vector.bitcast %get3A_1046 : vector<16xi32> to vector<32xbf16>
          %unpack3A_1048 = tpu.unpack_subelements %bitcast3A_1047, 0 {pack_format = #tpu.pack_format<interleaved>} : vector<32xbf16> -> vector<16xf32>
          %unpack3A_1049 = tpu.unpack_subelements %bitcast3A_1047, 1 {pack_format = #tpu.pack_format<interleaved>} : vector<32xbf16> -> vector<16xf32>
          %mul3A_1050 = arith.mulf %unpack3A_1048, %gather3A_607 : vector<16xf32>
          %add3A_1051 = arith.addf %mul3A_1042, %mul3A_1050 : vector<16xf32>
          %mul3A_1052 = arith.mulf %unpack3A_1049, %gather3A_607 : vector<16xf32>
          %add3A_1053 = arith.addf %mul3A_1043, %mul3A_1052 : vector<16xf32>
          %get3A_1054 = arith.index_cast %add3A_677 : i32 to index
          %get3A_1055 = arith.constant 64 : index
          %get3A_1056 = tpu.vector_load %arg15[%get3A_1054, %get3A_1055] {strides = array<i32>} : memref<56x128xi32, #tpu.memory_space<vmem>>, vector<16xi32>,
          %bitcast3A_1057 = vector.bitcast %get3A_1056 : vector<16xi32> to vector<32xbf16>
          %unpack3A_1058 = tpu.unpack_subelements %bitcast3A_1057, 0 {pack_format = #tpu.pack_format<interleaved>} : vector<32xbf16> -> vector<16xf32>
          %unpack3A_1059 = tpu.unpack_subelements %bitcast3A_1057, 1 {pack_format = #tpu.pack_format<interleaved>} : vector<32xbf16> -> vector<16xf32>
          %mul3A_1060 = arith.mulf %unpack3A_1058, %gather3A_618 : vector<16xf32>
          %add3A_1061 = arith.addf %add3A_1051, %mul3A_1060 : vector<16xf32>
          %mul3A_1062 = arith.mulf %unpack3A_1059, %gather3A_618 : vector<16xf32>
          %add3A_1063 = arith.addf %add3A_1053, %mul3A_1062 : vector<16xf32>
          %get3A_1064 = arith.index_cast %add3A_679 : i32 to index
          %get3A_1065 = arith.constant 64 : index
          %get3A_1066 = tpu.vector_load %arg15[%get3A_1064, %get3A_1065] {strides = array<i32>} : memref<56x128xi32, #tpu.memory_space<vmem>>, vector<16xi32>,
          %bitcast3A_1067 = vector.bitcast %get3A_1066 : vector<16xi32> to vector<32xbf16>
          %unpack3A_1068 = tpu.unpack_subelements %bitcast3A_1067, 0 {pack_format = #tpu.pack_format<interleaved>} : vector<32xbf16> -> vector<16xf32>
          %unpack3A_1069 = tpu.unpack_subelements %bitcast3A_1067, 1 {pack_format = #tpu.pack_format<interleaved>} : vector<32xbf16> -> vector<16xf32>
          %mul3A_1070 = arith.mulf %unpack3A_1068, %gather3A_629 : vector<16xf32>
          %add3A_1071 = arith.addf %add3A_1061, %mul3A_1070 : vector<16xf32>
          %mul3A_1072 = arith.mulf %unpack3A_1069, %gather3A_629 : vector<16xf32>
          %add3A_1073 = arith.addf %add3A_1063, %mul3A_1072 : vector<16xf32>
          %get3A_1074 = arith.index_cast %add3A_569 : i32 to index
          %get3A_1075 = arith.constant 64 : index
          %get3A_1076 = tpu.vector_load %arg15[%get3A_1074, %get3A_1075] {strides = array<i32>} : memref<56x128xi32, #tpu.memory_space<vmem>>, vector<16xi32>,
          %bitcast3A_1077 = vector.bitcast %get3A_1076 : vector<16xi32> to vector<32xbf16>
          %unpack3A_1078 = tpu.unpack_subelements %bitcast3A_1077, 0 {pack_format = #tpu.pack_format<interleaved>} : vector<32xbf16> -> vector<16xf32>
          %unpack3A_1079 = tpu.unpack_subelements %bitcast3A_1077, 1 {pack_format = #tpu.pack_format<interleaved>} : vector<32xbf16> -> vector<16xf32>
          %mul3A_1080 = arith.mulf %unpack3A_1078, %gather3A_640 : vector<16xf32>
          %add3A_1081 = arith.addf %add3A_1071, %mul3A_1080 : vector<16xf32>
          %mul3A_1082 = arith.mulf %unpack3A_1079, %gather3A_640 : vector<16xf32>
          %add3A_1083 = arith.addf %add3A_1073, %mul3A_1082 : vector<16xf32>
          %get3A_1084 = arith.index_cast %add3A_681 : i32 to index
          %get3A_1085 = arith.constant 64 : index
          %get3A_1086 = tpu.vector_load %arg15[%get3A_1084, %get3A_1085] {strides = array<i32>} : memref<56x128xi32, #tpu.memory_space<vmem>>, vector<16xi32>,
          %bitcast3A_1087 = vector.bitcast %get3A_1086 : vector<16xi32> to vector<32xbf16>
          %unpack3A_1088 = tpu.unpack_subelements %bitcast3A_1087, 0 {pack_format = #tpu.pack_format<interleaved>} : vector<32xbf16> -> vector<16xf32>
          %unpack3A_1089 = tpu.unpack_subelements %bitcast3A_1087, 1 {pack_format = #tpu.pack_format<interleaved>} : vector<32xbf16> -> vector<16xf32>
          %mul3A_1090 = arith.mulf %unpack3A_1088, %gather3A_651 : vector<16xf32>
          %add3A_1091 = arith.addf %add3A_1081, %mul3A_1090 : vector<16xf32>
          %mul3A_1092 = arith.mulf %unpack3A_1089, %gather3A_651 : vector<16xf32>
          %add3A_1093 = arith.addf %add3A_1083, %mul3A_1092 : vector<16xf32>
          %get3A_1094 = arith.index_cast %add3A_683 : i32 to index
          %get3A_1095 = arith.constant 64 : index
          %get3A_1096 = tpu.vector_load %arg15[%get3A_1094, %get3A_1095] {strides = array<i32>} : memref<56x128xi32, #tpu.memory_space<vmem>>, vector<16xi32>,
          %bitcast3A_1097 = vector.bitcast %get3A_1096 : vector<16xi32> to vector<32xbf16>
          %unpack3A_1098 = tpu.unpack_subelements %bitcast3A_1097, 0 {pack_format = #tpu.pack_format<interleaved>} : vector<32xbf16> -> vector<16xf32>
          %unpack3A_1099 = tpu.unpack_subelements %bitcast3A_1097, 1 {pack_format = #tpu.pack_format<interleaved>} : vector<32xbf16> -> vector<16xf32>
          %mul3A_1100 = arith.mulf %unpack3A_1098, %gather3A_662 : vector<16xf32>
          %add3A_1101 = arith.addf %add3A_1091, %mul3A_1100 : vector<16xf32>
          %mul3A_1102 = arith.mulf %unpack3A_1099, %gather3A_662 : vector<16xf32>
          %add3A_1103 = arith.addf %add3A_1093, %mul3A_1102 : vector<16xf32>
          %get3A_1104 = arith.index_cast %add3A_685 : i32 to index
          %get3A_1105 = arith.constant 64 : index
          %get3A_1106 = tpu.vector_load %arg15[%get3A_1104, %get3A_1105] {strides = array<i32>} : memref<56x128xi32, #tpu.memory_space<vmem>>, vector<16xi32>,
          %bitcast3A_1107 = vector.bitcast %get3A_1106 : vector<16xi32> to vector<32xbf16>
          %unpack3A_1108 = tpu.unpack_subelements %bitcast3A_1107, 0 {pack_format = #tpu.pack_format<interleaved>} : vector<32xbf16> -> vector<16xf32>
          %unpack3A_1109 = tpu.unpack_subelements %bitcast3A_1107, 1 {pack_format = #tpu.pack_format<interleaved>} : vector<32xbf16> -> vector<16xf32>
          %mul3A_1110 = arith.mulf %unpack3A_1108, %gather3A_673 : vector<16xf32>
          %add3A_1111 = arith.addf %add3A_1101, %mul3A_1110 : vector<16xf32>
          %mul3A_1112 = arith.mulf %unpack3A_1109, %gather3A_673 : vector<16xf32>
          %add3A_1113 = arith.addf %add3A_1103, %mul3A_1112 : vector<16xf32>
          %add3A_1114 = arith.addi %mul3A_550, %scan3A_564 : i32
          %swap3A_1115 = arith.index_cast %add3A_1114 : i32 to index
          %swap3A_1116 = arith.constant 128 : index
          %swap3A_1117 = tpu.vector_load %arg16[%swap3A_1115, %swap3A_1116] {strides = array<i32>} : memref<49x256xf32, #tpu.memory_space<vmem>>, vector<16xf32>,
          tpu.vector_store %arg16[%swap3A_1115, %swap3A_1116], %add3A_1111 {strides = array<i32>} : memref<49x256xf32, #tpu.memory_space<vmem>>, vector<16xf32>,
          %add3A_1118 = arith.addi %mul3A_550, %scan3A_564 : i32
          %swap3A_1119 = arith.index_cast %add3A_1118 : i32 to index
          %swap3A_1120 = arith.constant 144 : index
          %swap3A_1121 = tpu.vector_load %arg16[%swap3A_1119, %swap3A_1120] {strides = array<i32>} : memref<49x256xf32, #tpu.memory_space<vmem>>, vector<16xf32>,
          tpu.vector_store %arg16[%swap3A_1119, %swap3A_1120], %add3A_1113 {strides = array<i32>} : memref<49x256xf32, #tpu.memory_space<vmem>>, vector<16xf32>,
          %get3A_1122 = arith.index_cast %mul3A_567 : i32 to index
          %get3A_1123 = arith.constant 80 : index
          %get3A_1124 = tpu.vector_load %arg15[%get3A_1122, %get3A_1123] {strides = array<i32>} : memref<56x128xi32, #tpu.memory_space<vmem>>, vector<16xi32>,
          %bitcast3A_1125 = vector.bitcast %get3A_1124 : vector<16xi32> to vector<32xbf16>
          %unpack3A_1126 = tpu.unpack_subelements %bitcast3A_1125, 0 {pack_format = #tpu.pack_format<interleaved>} : vector<32xbf16> -> vector<16xf32>
          %unpack3A_1127 = tpu.unpack_subelements %bitcast3A_1125, 1 {pack_format = #tpu.pack_format<interleaved>} : vector<32xbf16> -> vector<16xf32>
          %mul3A_1128 = arith.mulf %unpack3A_1126, %gather3A_596 : vector<16xf32>
          %mul3A_1129 = arith.mulf %unpack3A_1127, %gather3A_596 : vector<16xf32>
          %get3A_1130 = arith.index_cast %add3A_675 : i32 to index
          %get3A_1131 = arith.constant 80 : index
          %get3A_1132 = tpu.vector_load %arg15[%get3A_1130, %get3A_1131] {strides = array<i32>} : memref<56x128xi32, #tpu.memory_space<vmem>>, vector<16xi32>,
          %bitcast3A_1133 = vector.bitcast %get3A_1132 : vector<16xi32> to vector<32xbf16>
          %unpack3A_1134 = tpu.unpack_subelements %bitcast3A_1133, 0 {pack_format = #tpu.pack_format<interleaved>} : vector<32xbf16> -> vector<16xf32>
          %unpack3A_1135 = tpu.unpack_subelements %bitcast3A_1133, 1 {pack_format = #tpu.pack_format<interleaved>} : vector<32xbf16> -> vector<16xf32>
          %mul3A_1136 = arith.mulf %unpack3A_1134, %gather3A_607 : vector<16xf32>
          %add3A_1137 = arith.addf %mul3A_1128, %mul3A_1136 : vector<16xf32>
          %mul3A_1138 = arith.mulf %unpack3A_1135, %gather3A_607 : vector<16xf32>
          %add3A_1139 = arith.addf %mul3A_1129, %mul3A_1138 : vector<16xf32>
          %get3A_1140 = arith.index_cast %add3A_677 : i32 to index
          %get3A_1141 = arith.constant 80 : index
          %get3A_1142 = tpu.vector_load %arg15[%get3A_1140, %get3A_1141] {strides = array<i32>} : memref<56x128xi32, #tpu.memory_space<vmem>>, vector<16xi32>,
          %bitcast3A_1143 = vector.bitcast %get3A_1142 : vector<16xi32> to vector<32xbf16>
          %unpack3A_1144 = tpu.unpack_subelements %bitcast3A_1143, 0 {pack_format = #tpu.pack_format<interleaved>} : vector<32xbf16> -> vector<16xf32>
          %unpack3A_1145 = tpu.unpack_subelements %bitcast3A_1143, 1 {pack_format = #tpu.pack_format<interleaved>} : vector<32xbf16> -> vector<16xf32>
          %mul3A_1146 = arith.mulf %unpack3A_1144, %gather3A_618 : vector<16xf32>
          %add3A_1147 = arith.addf %add3A_1137, %mul3A_1146 : vector<16xf32>
          %mul3A_1148 = arith.mulf %unpack3A_1145, %gather3A_618 : vector<16xf32>
          %add3A_1149 = arith.addf %add3A_1139, %mul3A_1148 : vector<16xf32>
          %get3A_1150 = arith.index_cast %add3A_679 : i32 to index
          %get3A_1151 = arith.constant 80 : index
          %get3A_1152 = tpu.vector_load %arg15[%get3A_1150, %get3A_1151] {strides = array<i32>} : memref<56x128xi32, #tpu.memory_space<vmem>>, vector<16xi32>,
          %bitcast3A_1153 = vector.bitcast %get3A_1152 : vector<16xi32> to vector<32xbf16>
          %unpack3A_1154 = tpu.unpack_subelements %bitcast3A_1153, 0 {pack_format = #tpu.pack_format<interleaved>} : vector<32xbf16> -> vector<16xf32>
          %unpack3A_1155 = tpu.unpack_subelements %bitcast3A_1153, 1 {pack_format = #tpu.pack_format<interleaved>} : vector<32xbf16> -> vector<16xf32>
          %mul3A_1156 = arith.mulf %unpack3A_1154, %gather3A_629 : vector<16xf32>
          %add3A_1157 = arith.addf %add3A_1147, %mul3A_1156 : vector<16xf32>
          %mul3A_1158 = arith.mulf %unpack3A_1155, %gather3A_629 : vector<16xf32>
          %add3A_1159 = arith.addf %add3A_1149, %mul3A_1158 : vector<16xf32>
          %get3A_1160 = arith.index_cast %add3A_569 : i32 to index
          %get3A_1161 = arith.constant 80 : index
          %get3A_1162 = tpu.vector_load %arg15[%get3A_1160, %get3A_1161] {strides = array<i32>} : memref<56x128xi32, #tpu.memory_space<vmem>>, vector<16xi32>,
          %bitcast3A_1163 = vector.bitcast %get3A_1162 : vector<16xi32> to vector<32xbf16>
          %unpack3A_1164 = tpu.unpack_subelements %bitcast3A_1163, 0 {pack_format = #tpu.pack_format<interleaved>} : vector<32xbf16> -> vector<16xf32>
          %unpack3A_1165 = tpu.unpack_subelements %bitcast3A_1163, 1 {pack_format = #tpu.pack_format<interleaved>} : vector<32xbf16> -> vector<16xf32>
          %mul3A_1166 = arith.mulf %unpack3A_1164, %gather3A_640 : vector<16xf32>
          %add3A_1167 = arith.addf %add3A_1157, %mul3A_1166 : vector<16xf32>
          %mul3A_1168 = arith.mulf %unpack3A_1165, %gather3A_640 : vector<16xf32>
          %add3A_1169 = arith.addf %add3A_1159, %mul3A_1168 : vector<16xf32>
          %get3A_1170 = arith.index_cast %add3A_681 : i32 to index
          %get3A_1171 = arith.constant 80 : index
          %get3A_1172 = tpu.vector_load %arg15[%get3A_1170, %get3A_1171] {strides = array<i32>} : memref<56x128xi32, #tpu.memory_space<vmem>>, vector<16xi32>,
          %bitcast3A_1173 = vector.bitcast %get3A_1172 : vector<16xi32> to vector<32xbf16>
          %unpack3A_1174 = tpu.unpack_subelements %bitcast3A_1173, 0 {pack_format = #tpu.pack_format<interleaved>} : vector<32xbf16> -> vector<16xf32>
          %unpack3A_1175 = tpu.unpack_subelements %bitcast3A_1173, 1 {pack_format = #tpu.pack_format<interleaved>} : vector<32xbf16> -> vector<16xf32>
          %mul3A_1176 = arith.mulf %unpack3A_1174, %gather3A_651 : vector<16xf32>
          %add3A_1177 = arith.addf %add3A_1167, %mul3A_1176 : vector<16xf32>
          %mul3A_1178 = arith.mulf %unpack3A_1175, %gather3A_651 : vector<16xf32>
          %add3A_1179 = arith.addf %add3A_1169, %mul3A_1178 : vector<16xf32>
          %get3A_1180 = arith.index_cast %add3A_683 : i32 to index
          %get3A_1181 = arith.constant 80 : index
          %get3A_1182 = tpu.vector_load %arg15[%get3A_1180, %get3A_1181] {strides = array<i32>} : memref<56x128xi32, #tpu.memory_space<vmem>>, vector<16xi32>,
          %bitcast3A_1183 = vector.bitcast %get3A_1182 : vector<16xi32> to vector<32xbf16>
          %unpack3A_1184 = tpu.unpack_subelements %bitcast3A_1183, 0 {pack_format = #tpu.pack_format<interleaved>} : vector<32xbf16> -> vector<16xf32>
          %unpack3A_1185 = tpu.unpack_subelements %bitcast3A_1183, 1 {pack_format = #tpu.pack_format<interleaved>} : vector<32xbf16> -> vector<16xf32>
          %mul3A_1186 = arith.mulf %unpack3A_1184, %gather3A_662 : vector<16xf32>
          %add3A_1187 = arith.addf %add3A_1177, %mul3A_1186 : vector<16xf32>
          %mul3A_1188 = arith.mulf %unpack3A_1185, %gather3A_662 : vector<16xf32>
          %add3A_1189 = arith.addf %add3A_1179, %mul3A_1188 : vector<16xf32>
          %get3A_1190 = arith.index_cast %add3A_685 : i32 to index
          %get3A_1191 = arith.constant 80 : index
          %get3A_1192 = tpu.vector_load %arg15[%get3A_1190, %get3A_1191] {strides = array<i32>} : memref<56x128xi32, #tpu.memory_space<vmem>>, vector<16xi32>,
          %bitcast3A_1193 = vector.bitcast %get3A_1192 : vector<16xi32> to vector<32xbf16>
          %unpack3A_1194 = tpu.unpack_subelements %bitcast3A_1193, 0 {pack_format = #tpu.pack_format<interleaved>} : vector<32xbf16> -> vector<16xf32>
          %unpack3A_1195 = tpu.unpack_subelements %bitcast3A_1193, 1 {pack_format = #tpu.pack_format<interleaved>} : vector<32xbf16> -> vector<16xf32>
          %mul3A_1196 = arith.mulf %unpack3A_1194, %gather3A_673 : vector<16xf32>
          %add3A_1197 = arith.addf %add3A_1187, %mul3A_1196 : vector<16xf32>
          %mul3A_1198 = arith.mulf %unpack3A_1195, %gather3A_673 : vector<16xf32>
          %add3A_1199 = arith.addf %add3A_1189, %mul3A_1198 : vector<16xf32>
          %add3A_1200 = arith.addi %mul3A_550, %scan3A_564 : i32
          %swap3A_1201 = arith.index_cast %add3A_1200 : i32 to index
          %swap3A_1202 = arith.constant 160 : index
          %swap3A_1203 = tpu.vector_load %arg16[%swap3A_1201, %swap3A_1202] {strides = array<i32>} : memref<49x256xf32, #tpu.memory_space<vmem>>, vector<16xf32>,
          tpu.vector_store %arg16[%swap3A_1201, %swap3A_1202], %add3A_1197 {strides = array<i32>} : memref<49x256xf32, #tpu.memory_space<vmem>>, vector<16xf32>,
          %add3A_1204 = arith.addi %mul3A_550, %scan3A_564 : i32
          %swap3A_1205 = arith.index_cast %add3A_1204 : i32 to index
          %swap3A_1206 = arith.constant 176 : index
          %swap3A_1207 = tpu.vector_load %arg16[%swap3A_1205, %swap3A_1206] {strides = array<i32>} : memref<49x256xf32, #tpu.memory_space<vmem>>, vector<16xf32>,
          tpu.vector_store %arg16[%swap3A_1205, %swap3A_1206], %add3A_1199 {strides = array<i32>} : memref<49x256xf32, #tpu.memory_space<vmem>>, vector<16xf32>,
          %get3A_1208 = arith.index_cast %mul3A_567 : i32 to index
          %get3A_1209 = arith.constant 96 : index
          %get3A_1210 = tpu.vector_load %arg15[%get3A_1208, %get3A_1209] {strides = array<i32>} : memref<56x128xi32, #tpu.memory_space<vmem>>, vector<16xi32>,
          %bitcast3A_1211 = vector.bitcast %get3A_1210 : vector<16xi32> to vector<32xbf16>
          %unpack3A_1212 = tpu.unpack_subelements %bitcast3A_1211, 0 {pack_format = #tpu.pack_format<interleaved>} : vector<32xbf16> -> vector<16xf32>
          %unpack3A_1213 = tpu.unpack_subelements %bitcast3A_1211, 1 {pack_format = #tpu.pack_format<interleaved>} : vector<32xbf16> -> vector<16xf32>
          %mul3A_1214 = arith.mulf %unpack3A_1212, %gather3A_596 : vector<16xf32>
          %mul3A_1215 = arith.mulf %unpack3A_1213, %gather3A_596 : vector<16xf32>
          %get3A_1216 = arith.index_cast %add3A_675 : i32 to index
          %get3A_1217 = arith.constant 96 : index
          %get3A_1218 = tpu.vector_load %arg15[%get3A_1216, %get3A_1217] {strides = array<i32>} : memref<56x128xi32, #tpu.memory_space<vmem>>, vector<16xi32>,
          %bitcast3A_1219 = vector.bitcast %get3A_1218 : vector<16xi32> to vector<32xbf16>
          %unpack3A_1220 = tpu.unpack_subelements %bitcast3A_1219, 0 {pack_format = #tpu.pack_format<interleaved>} : vector<32xbf16> -> vector<16xf32>
          %unpack3A_1221 = tpu.unpack_subelements %bitcast3A_1219, 1 {pack_format = #tpu.pack_format<interleaved>} : vector<32xbf16> -> vector<16xf32>
          %mul3A_1222 = arith.mulf %unpack3A_1220, %gather3A_607 : vector<16xf32>
          %add3A_1223 = arith.addf %mul3A_1214, %mul3A_1222 : vector<16xf32>
          %mul3A_1224 = arith.mulf %unpack3A_1221, %gather3A_607 : vector<16xf32>
          %add3A_1225 = arith.addf %mul3A_1215, %mul3A_1224 : vector<16xf32>
          %get3A_1226 = arith.index_cast %add3A_677 : i32 to index
          %get3A_1227 = arith.constant 96 : index
          %get3A_1228 = tpu.vector_load %arg15[%get3A_1226, %get3A_1227] {strides = array<i32>} : memref<56x128xi32, #tpu.memory_space<vmem>>, vector<16xi32>,
          %bitcast3A_1229 = vector.bitcast %get3A_1228 : vector<16xi32> to vector<32xbf16>
          %unpack3A_1230 = tpu.unpack_subelements %bitcast3A_1229, 0 {pack_format = #tpu.pack_format<interleaved>} : vector<32xbf16> -> vector<16xf32>
          %unpack3A_1231 = tpu.unpack_subelements %bitcast3A_1229, 1 {pack_format = #tpu.pack_format<interleaved>} : vector<32xbf16> -> vector<16xf32>
          %mul3A_1232 = arith.mulf %unpack3A_1230, %gather3A_618 : vector<16xf32>
          %add3A_1233 = arith.addf %add3A_1223, %mul3A_1232 : vector<16xf32>
          %mul3A_1234 = arith.mulf %unpack3A_1231, %gather3A_618 : vector<16xf32>
          %add3A_1235 = arith.addf %add3A_1225, %mul3A_1234 : vector<16xf32>
          %get3A_1236 = arith.index_cast %add3A_679 : i32 to index
          %get3A_1237 = arith.constant 96 : index
          %get3A_1238 = tpu.vector_load %arg15[%get3A_1236, %get3A_1237] {strides = array<i32>} : memref<56x128xi32, #tpu.memory_space<vmem>>, vector<16xi32>,
          %bitcast3A_1239 = vector.bitcast %get3A_1238 : vector<16xi32> to vector<32xbf16>
          %unpack3A_1240 = tpu.unpack_subelements %bitcast3A_1239, 0 {pack_format = #tpu.pack_format<interleaved>} : vector<32xbf16> -> vector<16xf32>
          %unpack3A_1241 = tpu.unpack_subelements %bitcast3A_1239, 1 {pack_format = #tpu.pack_format<interleaved>} : vector<32xbf16> -> vector<16xf32>
          %mul3A_1242 = arith.mulf %unpack3A_1240, %gather3A_629 : vector<16xf32>
          %add3A_1243 = arith.addf %add3A_1233, %mul3A_1242 : vector<16xf32>
          %mul3A_1244 = arith.mulf %unpack3A_1241, %gather3A_629 : vector<16xf32>
          %add3A_1245 = arith.addf %add3A_1235, %mul3A_1244 : vector<16xf32>
          %get3A_1246 = arith.index_cast %add3A_569 : i32 to index
          %get3A_1247 = arith.constant 96 : index
          %get3A_1248 = tpu.vector_load %arg15[%get3A_1246, %get3A_1247] {strides = array<i32>} : memref<56x128xi32, #tpu.memory_space<vmem>>, vector<16xi32>,
          %bitcast3A_1249 = vector.bitcast %get3A_1248 : vector<16xi32> to vector<32xbf16>
          %unpack3A_1250 = tpu.unpack_subelements %bitcast3A_1249, 0 {pack_format = #tpu.pack_format<interleaved>} : vector<32xbf16> -> vector<16xf32>
          %unpack3A_1251 = tpu.unpack_subelements %bitcast3A_1249, 1 {pack_format = #tpu.pack_format<interleaved>} : vector<32xbf16> -> vector<16xf32>
          %mul3A_1252 = arith.mulf %unpack3A_1250, %gather3A_640 : vector<16xf32>
          %add3A_1253 = arith.addf %add3A_1243, %mul3A_1252 : vector<16xf32>
          %mul3A_1254 = arith.mulf %unpack3A_1251, %gather3A_640 : vector<16xf32>
          %add3A_1255 = arith.addf %add3A_1245, %mul3A_1254 : vector<16xf32>
          %get3A_1256 = arith.index_cast %add3A_681 : i32 to index
          %get3A_1257 = arith.constant 96 : index
          %get3A_1258 = tpu.vector_load %arg15[%get3A_1256, %get3A_1257] {strides = array<i32>} : memref<56x128xi32, #tpu.memory_space<vmem>>, vector<16xi32>,
          %bitcast3A_1259 = vector.bitcast %get3A_1258 : vector<16xi32> to vector<32xbf16>
          %unpack3A_1260 = tpu.unpack_subelements %bitcast3A_1259, 0 {pack_format = #tpu.pack_format<interleaved>} : vector<32xbf16> -> vector<16xf32>
          %unpack3A_1261 = tpu.unpack_subelements %bitcast3A_1259, 1 {pack_format = #tpu.pack_format<interleaved>} : vector<32xbf16> -> vector<16xf32>
          %mul3A_1262 = arith.mulf %unpack3A_1260, %gather3A_651 : vector<16xf32>
          %add3A_1263 = arith.addf %add3A_1253, %mul3A_1262 : vector<16xf32>
          %mul3A_1264 = arith.mulf %unpack3A_1261, %gather3A_651 : vector<16xf32>
          %add3A_1265 = arith.addf %add3A_1255, %mul3A_1264 : vector<16xf32>
          %get3A_1266 = arith.index_cast %add3A_683 : i32 to index
          %get3A_1267 = arith.constant 96 : index
          %get3A_1268 = tpu.vector_load %arg15[%get3A_1266, %get3A_1267] {strides = array<i32>} : memref<56x128xi32, #tpu.memory_space<vmem>>, vector<16xi32>,
          %bitcast3A_1269 = vector.bitcast %get3A_1268 : vector<16xi32> to vector<32xbf16>
          %unpack3A_1270 = tpu.unpack_subelements %bitcast3A_1269, 0 {pack_format = #tpu.pack_format<interleaved>} : vector<32xbf16> -> vector<16xf32>
          %unpack3A_1271 = tpu.unpack_subelements %bitcast3A_1269, 1 {pack_format = #tpu.pack_format<interleaved>} : vector<32xbf16> -> vector<16xf32>
          %mul3A_1272 = arith.mulf %unpack3A_1270, %gather3A_662 : vector<16xf32>
          %add3A_1273 = arith.addf %add3A_1263, %mul3A_1272 : vector<16xf32>
          %mul3A_1274 = arith.mulf %unpack3A_1271, %gather3A_662 : vector<16xf32>
          %add3A_1275 = arith.addf %add3A_1265, %mul3A_1274 : vector<16xf32>
          %get3A_1276 = arith.index_cast %add3A_685 : i32 to index
          %get3A_1277 = arith.constant 96 : index
          %get3A_1278 = tpu.vector_load %arg15[%get3A_1276, %get3A_1277] {strides = array<i32>} : memref<56x128xi32, #tpu.memory_space<vmem>>, vector<16xi32>,
          %bitcast3A_1279 = vector.bitcast %get3A_1278 : vector<16xi32> to vector<32xbf16>
          %unpack3A_1280 = tpu.unpack_subelements %bitcast3A_1279, 0 {pack_format = #tpu.pack_format<interleaved>} : vector<32xbf16> -> vector<16xf32>
          %unpack3A_1281 = tpu.unpack_subelements %bitcast3A_1279, 1 {pack_format = #tpu.pack_format<interleaved>} : vector<32xbf16> -> vector<16xf32>
          %mul3A_1282 = arith.mulf %unpack3A_1280, %gather3A_673 : vector<16xf32>
          %add3A_1283 = arith.addf %add3A_1273, %mul3A_1282 : vector<16xf32>
          %mul3A_1284 = arith.mulf %unpack3A_1281, %gather3A_673 : vector<16xf32>
          %add3A_1285 = arith.addf %add3A_1275, %mul3A_1284 : vector<16xf32>
          %add3A_1286 = arith.addi %mul3A_550, %scan3A_564 : i32
          %swap3A_1287 = arith.index_cast %add3A_1286 : i32 to index
          %swap3A_1288 = arith.constant 192 : index
          %swap3A_1289 = tpu.vector_load %arg16[%swap3A_1287, %swap3A_1288] {strides = array<i32>} : memref<49x256xf32, #tpu.memory_space<vmem>>, vector<16xf32>,
          tpu.vector_store %arg16[%swap3A_1287, %swap3A_1288], %add3A_1283 {strides = array<i32>} : memref<49x256xf32, #tpu.memory_space<vmem>>, vector<16xf32>,
          %add3A_1290 = arith.addi %mul3A_550, %scan3A_564 : i32
          %swap3A_1291 = arith.index_cast %add3A_1290 : i32 to index
          %swap3A_1292 = arith.constant 208 : index
          %swap3A_1293 = tpu.vector_load %arg16[%swap3A_1291, %swap3A_1292] {strides = array<i32>} : memref<49x256xf32, #tpu.memory_space<vmem>>, vector<16xf32>,
          tpu.vector_store %arg16[%swap3A_1291, %swap3A_1292], %add3A_1285 {strides = array<i32>} : memref<49x256xf32, #tpu.memory_space<vmem>>, vector<16xf32>,
          %get3A_1294 = arith.index_cast %mul3A_567 : i32 to index
          %get3A_1295 = arith.constant 112 : index
          %get3A_1296 = tpu.vector_load %arg15[%get3A_1294, %get3A_1295] {strides = array<i32>} : memref<56x128xi32, #tpu.memory_space<vmem>>, vector<16xi32>,
          %bitcast3A_1297 = vector.bitcast %get3A_1296 : vector<16xi32> to vector<32xbf16>
          %unpack3A_1298 = tpu.unpack_subelements %bitcast3A_1297, 0 {pack_format = #tpu.pack_format<interleaved>} : vector<32xbf16> -> vector<16xf32>
          %unpack3A_1299 = tpu.unpack_subelements %bitcast3A_1297, 1 {pack_format = #tpu.pack_format<interleaved>} : vector<32xbf16> -> vector<16xf32>
          %mul3A_1300 = arith.mulf %unpack3A_1298, %gather3A_596 : vector<16xf32>
          %mul3A_1301 = arith.mulf %unpack3A_1299, %gather3A_596 : vector<16xf32>
          %get3A_1302 = arith.index_cast %add3A_675 : i32 to index
          %get3A_1303 = arith.constant 112 : index
          %get3A_1304 = tpu.vector_load %arg15[%get3A_1302, %get3A_1303] {strides = array<i32>} : memref<56x128xi32, #tpu.memory_space<vmem>>, vector<16xi32>,
          %bitcast3A_1305 = vector.bitcast %get3A_1304 : vector<16xi32> to vector<32xbf16>
          %unpack3A_1306 = tpu.unpack_subelements %bitcast3A_1305, 0 {pack_format = #tpu.pack_format<interleaved>} : vector<32xbf16> -> vector<16xf32>
          %unpack3A_1307 = tpu.unpack_subelements %bitcast3A_1305, 1 {pack_format = #tpu.pack_format<interleaved>} : vector<32xbf16> -> vector<16xf32>
          %mul3A_1308 = arith.mulf %unpack3A_1306, %gather3A_607 : vector<16xf32>
          %add3A_1309 = arith.addf %mul3A_1300, %mul3A_1308 : vector<16xf32>
          %mul3A_1310 = arith.mulf %unpack3A_1307, %gather3A_607 : vector<16xf32>
          %add3A_1311 = arith.addf %mul3A_1301, %mul3A_1310 : vector<16xf32>
          %get3A_1312 = arith.index_cast %add3A_677 : i32 to index
          %get3A_1313 = arith.constant 112 : index
          %get3A_1314 = tpu.vector_load %arg15[%get3A_1312, %get3A_1313] {strides = array<i32>} : memref<56x128xi32, #tpu.memory_space<vmem>>, vector<16xi32>,
          %bitcast3A_1315 = vector.bitcast %get3A_1314 : vector<16xi32> to vector<32xbf16>
          %unpack3A_1316 = tpu.unpack_subelements %bitcast3A_1315, 0 {pack_format = #tpu.pack_format<interleaved>} : vector<32xbf16> -> vector<16xf32>
          %unpack3A_1317 = tpu.unpack_subelements %bitcast3A_1315, 1 {pack_format = #tpu.pack_format<interleaved>} : vector<32xbf16> -> vector<16xf32>
          %mul3A_1318 = arith.mulf %unpack3A_1316, %gather3A_618 : vector<16xf32>
          %add3A_1319 = arith.addf %add3A_1309, %mul3A_1318 : vector<16xf32>
          %mul3A_1320 = arith.mulf %unpack3A_1317, %gather3A_618 : vector<16xf32>
          %add3A_1321 = arith.addf %add3A_1311, %mul3A_1320 : vector<16xf32>
          %get3A_1322 = arith.index_cast %add3A_679 : i32 to index
          %get3A_1323 = arith.constant 112 : index
          %get3A_1324 = tpu.vector_load %arg15[%get3A_1322, %get3A_1323] {strides = array<i32>} : memref<56x128xi32, #tpu.memory_space<vmem>>, vector<16xi32>,
          %bitcast3A_1325 = vector.bitcast %get3A_1324 : vector<16xi32> to vector<32xbf16>
          %unpack3A_1326 = tpu.unpack_subelements %bitcast3A_1325, 0 {pack_format = #tpu.pack_format<interleaved>} : vector<32xbf16> -> vector<16xf32>
          %unpack3A_1327 = tpu.unpack_subelements %bitcast3A_1325, 1 {pack_format = #tpu.pack_format<interleaved>} : vector<32xbf16> -> vector<16xf32>
          %mul3A_1328 = arith.mulf %unpack3A_1326, %gather3A_629 : vector<16xf32>
          %add3A_1329 = arith.addf %add3A_1319, %mul3A_1328 : vector<16xf32>
          %mul3A_1330 = arith.mulf %unpack3A_1327, %gather3A_629 : vector<16xf32>
          %add3A_1331 = arith.addf %add3A_1321, %mul3A_1330 : vector<16xf32>
          %get3A_1332 = arith.index_cast %add3A_569 : i32 to index
          %get3A_1333 = arith.constant 112 : index
          %get3A_1334 = tpu.vector_load %arg15[%get3A_1332, %get3A_1333] {strides = array<i32>} : memref<56x128xi32, #tpu.memory_space<vmem>>, vector<16xi32>,
          %bitcast3A_1335 = vector.bitcast %get3A_1334 : vector<16xi32> to vector<32xbf16>
          %unpack3A_1336 = tpu.unpack_subelements %bitcast3A_1335, 0 {pack_format = #tpu.pack_format<interleaved>} : vector<32xbf16> -> vector<16xf32>
          %unpack3A_1337 = tpu.unpack_subelements %bitcast3A_1335, 1 {pack_format = #tpu.pack_format<interleaved>} : vector<32xbf16> -> vector<16xf32>
          %mul3A_1338 = arith.mulf %unpack3A_1336, %gather3A_640 : vector<16xf32>
          %add3A_1339 = arith.addf %add3A_1329, %mul3A_1338 : vector<16xf32>
          %mul3A_1340 = arith.mulf %unpack3A_1337, %gather3A_640 : vector<16xf32>
          %add3A_1341 = arith.addf %add3A_1331, %mul3A_1340 : vector<16xf32>
          %get3A_1342 = arith.index_cast %add3A_681 : i32 to index
          %get3A_1343 = arith.constant 112 : index
          %get3A_1344 = tpu.vector_load %arg15[%get3A_1342, %get3A_1343] {strides = array<i32>} : memref<56x128xi32, #tpu.memory_space<vmem>>, vector<16xi32>,
          %bitcast3A_1345 = vector.bitcast %get3A_1344 : vector<16xi32> to vector<32xbf16>
          %unpack3A_1346 = tpu.unpack_subelements %bitcast3A_1345, 0 {pack_format = #tpu.pack_format<interleaved>} : vector<32xbf16> -> vector<16xf32>
          %unpack3A_1347 = tpu.unpack_subelements %bitcast3A_1345, 1 {pack_format = #tpu.pack_format<interleaved>} : vector<32xbf16> -> vector<16xf32>
          %mul3A_1348 = arith.mulf %unpack3A_1346, %gather3A_651 : vector<16xf32>
          %add3A_1349 = arith.addf %add3A_1339, %mul3A_1348 : vector<16xf32>
          %mul3A_1350 = arith.mulf %unpack3A_1347, %gather3A_651 : vector<16xf32>
          %add3A_1351 = arith.addf %add3A_1341, %mul3A_1350 : vector<16xf32>
          %get3A_1352 = arith.index_cast %add3A_683 : i32 to index
          %get3A_1353 = arith.constant 112 : index
          %get3A_1354 = tpu.vector_load %arg15[%get3A_1352, %get3A_1353] {strides = array<i32>} : memref<56x128xi32, #tpu.memory_space<vmem>>, vector<16xi32>,
          %bitcast3A_1355 = vector.bitcast %get3A_1354 : vector<16xi32> to vector<32xbf16>
          %unpack3A_1356 = tpu.unpack_subelements %bitcast3A_1355, 0 {pack_format = #tpu.pack_format<interleaved>} : vector<32xbf16> -> vector<16xf32>
          %unpack3A_1357 = tpu.unpack_subelements %bitcast3A_1355, 1 {pack_format = #tpu.pack_format<interleaved>} : vector<32xbf16> -> vector<16xf32>
          %mul3A_1358 = arith.mulf %unpack3A_1356, %gather3A_662 : vector<16xf32>
          %add3A_1359 = arith.addf %add3A_1349, %mul3A_1358 : vector<16xf32>
          %mul3A_1360 = arith.mulf %unpack3A_1357, %gather3A_662 : vector<16xf32>
          %add3A_1361 = arith.addf %add3A_1351, %mul3A_1360 : vector<16xf32>
          %get3A_1362 = arith.index_cast %add3A_685 : i32 to index
          %get3A_1363 = arith.constant 112 : index
          %get3A_1364 = tpu.vector_load %arg15[%get3A_1362, %get3A_1363] {strides = array<i32>} : memref<56x128xi32, #tpu.memory_space<vmem>>, vector<16xi32>,
          %bitcast3A_1365 = vector.bitcast %get3A_1364 : vector<16xi32> to vector<32xbf16>
          %unpack3A_1366 = tpu.unpack_subelements %bitcast3A_1365, 0 {pack_format = #tpu.pack_format<interleaved>} : vector<32xbf16> -> vector<16xf32>
          %unpack3A_1367 = tpu.unpack_subelements %bitcast3A_1365, 1 {pack_format = #tpu.pack_format<interleaved>} : vector<32xbf16> -> vector<16xf32>
          %mul3A_1368 = arith.mulf %unpack3A_1366, %gather3A_673 : vector<16xf32>
          %add3A_1369 = arith.addf %add3A_1359, %mul3A_1368 : vector<16xf32>
          %mul3A_1370 = arith.mulf %unpack3A_1367, %gather3A_673 : vector<16xf32>
          %add3A_1371 = arith.addf %add3A_1361, %mul3A_1370 : vector<16xf32>
          %add3A_1372 = arith.addi %mul3A_550, %scan3A_564 : i32
          %swap3A_1373 = arith.index_cast %add3A_1372 : i32 to index
          %swap3A_1374 = arith.constant 224 : index
          %swap3A_1375 = tpu.vector_load %arg16[%swap3A_1373, %swap3A_1374] {strides = array<i32>} : memref<49x256xf32, #tpu.memory_space<vmem>>, vector<16xf32>,
          tpu.vector_store %arg16[%swap3A_1373, %swap3A_1374], %add3A_1369 {strides = array<i32>} : memref<49x256xf32, #tpu.memory_space<vmem>>, vector<16xf32>,
          %add3A_1376 = arith.addi %mul3A_550, %scan3A_564 : i32
          %swap3A_1377 = arith.index_cast %add3A_1376 : i32 to index
          %swap3A_1378 = arith.constant 240 : index
          %swap3A_1379 = tpu.vector_load %arg16[%swap3A_1377, %swap3A_1378] {strides = array<i32>} : memref<49x256xf32, #tpu.memory_space<vmem>>, vector<16xf32>,
          tpu.vector_store %arg16[%swap3A_1377, %swap3A_1378], %add3A_1371 {strides = array<i32>} : memref<49x256xf32, #tpu.memory_space<vmem>>, vector<16xf32>,
        } else {
        }
        %not3A = arith.constant true
        %not3A_689 = arith.xori %eq3A_548, %not3A : i1
        %convert_element_type3A_690 = arith.extui %not3A_689 : i1 to i32
        %cond3A_691 = arith.constant 0 : i32
        %cond3A_692 = arith.cmpi ne, %convert_element_type3A_690, %cond3A_691 : i32
        scf.if %cond3A_692 {
          %get3A_694 = arith.index_cast %mul3A_567 : i32 to index
          %get3A_695 = arith.constant 0 : index
          %get3A_696 = tpu.vector_load %arg15[%get3A_694, %get3A_695] {strides = array<i32>} : memref<56x128xi32, #tpu.memory_space<vmem>>, vector<16xi32>,
          %bitcast3A = vector.bitcast %get3A_696 : vector<16xi32> to vector<32xbf16>
          %unpack3A = tpu.unpack_subelements %bitcast3A, 0 {pack_format = #tpu.pack_format<interleaved>} : vector<32xbf16> -> vector<16xf32>
          %unpack3A_697 = tpu.unpack_subelements %bitcast3A, 1 {pack_format = #tpu.pack_format<interleaved>} : vector<32xbf16> -> vector<16xf32>
          %mul3A_698 = arith.mulf %unpack3A, %gather3A_596 : vector<16xf32>
          %mul3A_699 = arith.mulf %unpack3A_697, %gather3A_596 : vector<16xf32>
          %get3A_700 = arith.index_cast %add3A_675 : i32 to index
          %get3A_701 = arith.constant 0 : index
          %get3A_702 = tpu.vector_load %arg15[%get3A_700, %get3A_701] {strides = array<i32>} : memref<56x128xi32, #tpu.memory_space<vmem>>, vector<16xi32>,
          %bitcast3A_703 = vector.bitcast %get3A_702 : vector<16xi32> to vector<32xbf16>
          %unpack3A_704 = tpu.unpack_subelements %bitcast3A_703, 0 {pack_format = #tpu.pack_format<interleaved>} : vector<32xbf16> -> vector<16xf32>
          %unpack3A_705 = tpu.unpack_subelements %bitcast3A_703, 1 {pack_format = #tpu.pack_format<interleaved>} : vector<32xbf16> -> vector<16xf32>
          %mul3A_706 = arith.mulf %unpack3A_704, %gather3A_607 : vector<16xf32>
          %add3A_707 = arith.addf %mul3A_698, %mul3A_706 : vector<16xf32>
          %mul3A_708 = arith.mulf %unpack3A_705, %gather3A_607 : vector<16xf32>
          %add3A_709 = arith.addf %mul3A_699, %mul3A_708 : vector<16xf32>
          %get3A_710 = arith.index_cast %add3A_677 : i32 to index
          %get3A_711 = arith.constant 0 : index
          %get3A_712 = tpu.vector_load %arg15[%get3A_710, %get3A_711] {strides = array<i32>} : memref<56x128xi32, #tpu.memory_space<vmem>>, vector<16xi32>,
          %bitcast3A_713 = vector.bitcast %get3A_712 : vector<16xi32> to vector<32xbf16>
          %unpack3A_714 = tpu.unpack_subelements %bitcast3A_713, 0 {pack_format = #tpu.pack_format<interleaved>} : vector<32xbf16> -> vector<16xf32>
          %unpack3A_715 = tpu.unpack_subelements %bitcast3A_713, 1 {pack_format = #tpu.pack_format<interleaved>} : vector<32xbf16> -> vector<16xf32>
          %mul3A_716 = arith.mulf %unpack3A_714, %gather3A_618 : vector<16xf32>
          %add3A_717 = arith.addf %add3A_707, %mul3A_716 : vector<16xf32>
          %mul3A_718 = arith.mulf %unpack3A_715, %gather3A_618 : vector<16xf32>
          %add3A_719 = arith.addf %add3A_709, %mul3A_718 : vector<16xf32>
          %get3A_720 = arith.index_cast %add3A_679 : i32 to index
          %get3A_721 = arith.constant 0 : index
          %get3A_722 = tpu.vector_load %arg15[%get3A_720, %get3A_721] {strides = array<i32>} : memref<56x128xi32, #tpu.memory_space<vmem>>, vector<16xi32>,
          %bitcast3A_723 = vector.bitcast %get3A_722 : vector<16xi32> to vector<32xbf16>
          %unpack3A_724 = tpu.unpack_subelements %bitcast3A_723, 0 {pack_format = #tpu.pack_format<interleaved>} : vector<32xbf16> -> vector<16xf32>
          %unpack3A_725 = tpu.unpack_subelements %bitcast3A_723, 1 {pack_format = #tpu.pack_format<interleaved>} : vector<32xbf16> -> vector<16xf32>
          %mul3A_726 = arith.mulf %unpack3A_724, %gather3A_629 : vector<16xf32>
          %add3A_727 = arith.addf %add3A_717, %mul3A_726 : vector<16xf32>
          %mul3A_728 = arith.mulf %unpack3A_725, %gather3A_629 : vector<16xf32>
          %add3A_729 = arith.addf %add3A_719, %mul3A_728 : vector<16xf32>
          %get3A_730 = arith.index_cast %add3A_569 : i32 to index
          %get3A_731 = arith.constant 0 : index
          %get3A_732 = tpu.vector_load %arg15[%get3A_730, %get3A_731] {strides = array<i32>} : memref<56x128xi32, #tpu.memory_space<vmem>>, vector<16xi32>,
          %bitcast3A_733 = vector.bitcast %get3A_732 : vector<16xi32> to vector<32xbf16>
          %unpack3A_734 = tpu.unpack_subelements %bitcast3A_733, 0 {pack_format = #tpu.pack_format<interleaved>} : vector<32xbf16> -> vector<16xf32>
          %unpack3A_735 = tpu.unpack_subelements %bitcast3A_733, 1 {pack_format = #tpu.pack_format<interleaved>} : vector<32xbf16> -> vector<16xf32>
          %mul3A_736 = arith.mulf %unpack3A_734, %gather3A_640 : vector<16xf32>
          %add3A_737 = arith.addf %add3A_727, %mul3A_736 : vector<16xf32>
          %mul3A_738 = arith.mulf %unpack3A_735, %gather3A_640 : vector<16xf32>
          %add3A_739 = arith.addf %add3A_729, %mul3A_738 : vector<16xf32>
          %get3A_740 = arith.index_cast %add3A_681 : i32 to index
          %get3A_741 = arith.constant 0 : index
          %get3A_742 = tpu.vector_load %arg15[%get3A_740, %get3A_741] {strides = array<i32>} : memref<56x128xi32, #tpu.memory_space<vmem>>, vector<16xi32>,
          %bitcast3A_743 = vector.bitcast %get3A_742 : vector<16xi32> to vector<32xbf16>
          %unpack3A_744 = tpu.unpack_subelements %bitcast3A_743, 0 {pack_format = #tpu.pack_format<interleaved>} : vector<32xbf16> -> vector<16xf32>
          %unpack3A_745 = tpu.unpack_subelements %bitcast3A_743, 1 {pack_format = #tpu.pack_format<interleaved>} : vector<32xbf16> -> vector<16xf32>
          %mul3A_746 = arith.mulf %unpack3A_744, %gather3A_651 : vector<16xf32>
          %add3A_747 = arith.addf %add3A_737, %mul3A_746 : vector<16xf32>
          %mul3A_748 = arith.mulf %unpack3A_745, %gather3A_651 : vector<16xf32>
          %add3A_749 = arith.addf %add3A_739, %mul3A_748 : vector<16xf32>
          %get3A_750 = arith.index_cast %add3A_683 : i32 to index
          %get3A_751 = arith.constant 0 : index
          %get3A_752 = tpu.vector_load %arg15[%get3A_750, %get3A_751] {strides = array<i32>} : memref<56x128xi32, #tpu.memory_space<vmem>>, vector<16xi32>,
          %bitcast3A_753 = vector.bitcast %get3A_752 : vector<16xi32> to vector<32xbf16>
          %unpack3A_754 = tpu.unpack_subelements %bitcast3A_753, 0 {pack_format = #tpu.pack_format<interleaved>} : vector<32xbf16> -> vector<16xf32>
          %unpack3A_755 = tpu.unpack_subelements %bitcast3A_753, 1 {pack_format = #tpu.pack_format<interleaved>} : vector<32xbf16> -> vector<16xf32>
          %mul3A_756 = arith.mulf %unpack3A_754, %gather3A_662 : vector<16xf32>
          %add3A_757 = arith.addf %add3A_747, %mul3A_756 : vector<16xf32>
          %mul3A_758 = arith.mulf %unpack3A_755, %gather3A_662 : vector<16xf32>
          %add3A_759 = arith.addf %add3A_749, %mul3A_758 : vector<16xf32>
          %get3A_760 = arith.index_cast %add3A_685 : i32 to index
          %get3A_761 = arith.constant 0 : index
          %get3A_762 = tpu.vector_load %arg15[%get3A_760, %get3A_761] {strides = array<i32>} : memref<56x128xi32, #tpu.memory_space<vmem>>, vector<16xi32>,
          %bitcast3A_763 = vector.bitcast %get3A_762 : vector<16xi32> to vector<32xbf16>
          %unpack3A_764 = tpu.unpack_subelements %bitcast3A_763, 0 {pack_format = #tpu.pack_format<interleaved>} : vector<32xbf16> -> vector<16xf32>
          %unpack3A_765 = tpu.unpack_subelements %bitcast3A_763, 1 {pack_format = #tpu.pack_format<interleaved>} : vector<32xbf16> -> vector<16xf32>
          %mul3A_766 = arith.mulf %unpack3A_764, %gather3A_673 : vector<16xf32>
          %add3A_767 = arith.addf %add3A_757, %mul3A_766 : vector<16xf32>
          %mul3A_768 = arith.mulf %unpack3A_765, %gather3A_673 : vector<16xf32>
          %add3A_769 = arith.addf %add3A_759, %mul3A_768 : vector<16xf32>
          %add3A_770 = arith.addi %mul3A_550, %scan3A_564 : i32
          %get3A_771 = arith.index_cast %add3A_770 : i32 to index
          %get3A_772 = arith.constant 0 : index
          %get3A_773 = tpu.vector_load %arg16[%get3A_771, %get3A_772] {strides = array<i32>} : memref<49x256xf32, #tpu.memory_space<vmem>>, vector<16xf32>,
          %add3A_774 = arith.addf %get3A_773, %add3A_767 : vector<16xf32>
          %add3A_775 = arith.addi %mul3A_550, %scan3A_564 : i32
          %swap3A_776 = arith.index_cast %add3A_775 : i32 to index
          %swap3A_777 = arith.constant 0 : index
          %swap3A_778 = tpu.vector_load %arg16[%swap3A_776, %swap3A_777] {strides = array<i32>} : memref<49x256xf32, #tpu.memory_space<vmem>>, vector<16xf32>,
          tpu.vector_store %arg16[%swap3A_776, %swap3A_777], %add3A_774 {strides = array<i32>} : memref<49x256xf32, #tpu.memory_space<vmem>>, vector<16xf32>,
          %add3A_779 = arith.addi %mul3A_550, %scan3A_564 : i32
          %get3A_780 = arith.index_cast %add3A_779 : i32 to index
          %get3A_781 = arith.constant 16 : index
          %get3A_782 = tpu.vector_load %arg16[%get3A_780, %get3A_781] {strides = array<i32>} : memref<49x256xf32, #tpu.memory_space<vmem>>, vector<16xf32>,
          %add3A_783 = arith.addf %get3A_782, %add3A_769 : vector<16xf32>
          %add3A_784 = arith.addi %mul3A_550, %scan3A_564 : i32
          %swap3A_785 = arith.index_cast %add3A_784 : i32 to index
          %swap3A_786 = arith.constant 16 : index
          %swap3A_787 = tpu.vector_load %arg16[%swap3A_785, %swap3A_786] {strides = array<i32>} : memref<49x256xf32, #tpu.memory_space<vmem>>, vector<16xf32>,
          tpu.vector_store %arg16[%swap3A_785, %swap3A_786], %add3A_783 {strides = array<i32>} : memref<49x256xf32, #tpu.memory_space<vmem>>, vector<16xf32>,
          %get3A_788 = arith.index_cast %mul3A_567 : i32 to index
          %get3A_789 = arith.constant 16 : index
          %get3A_790 = tpu.vector_load %arg15[%get3A_788, %get3A_789] {strides = array<i32>} : memref<56x128xi32, #tpu.memory_space<vmem>>, vector<16xi32>,
          %bitcast3A_791 = vector.bitcast %get3A_790 : vector<16xi32> to vector<32xbf16>
          %unpack3A_792 = tpu.unpack_subelements %bitcast3A_791, 0 {pack_format = #tpu.pack_format<interleaved>} : vector<32xbf16> -> vector<16xf32>
          %unpack3A_793 = tpu.unpack_subelements %bitcast3A_791, 1 {pack_format = #tpu.pack_format<interleaved>} : vector<32xbf16> -> vector<16xf32>
          %mul3A_794 = arith.mulf %unpack3A_792, %gather3A_596 : vector<16xf32>
          %mul3A_795 = arith.mulf %unpack3A_793, %gather3A_596 : vector<16xf32>
          %get3A_796 = arith.index_cast %add3A_675 : i32 to index
          %get3A_797 = arith.constant 16 : index
          %get3A_798 = tpu.vector_load %arg15[%get3A_796, %get3A_797] {strides = array<i32>} : memref<56x128xi32, #tpu.memory_space<vmem>>, vector<16xi32>,
          %bitcast3A_799 = vector.bitcast %get3A_798 : vector<16xi32> to vector<32xbf16>
          %unpack3A_800 = tpu.unpack_subelements %bitcast3A_799, 0 {pack_format = #tpu.pack_format<interleaved>} : vector<32xbf16> -> vector<16xf32>
          %unpack3A_801 = tpu.unpack_subelements %bitcast3A_799, 1 {pack_format = #tpu.pack_format<interleaved>} : vector<32xbf16> -> vector<16xf32>
          %mul3A_802 = arith.mulf %unpack3A_800, %gather3A_607 : vector<16xf32>
          %add3A_803 = arith.addf %mul3A_794, %mul3A_802 : vector<16xf32>
          %mul3A_804 = arith.mulf %unpack3A_801, %gather3A_607 : vector<16xf32>
          %add3A_805 = arith.addf %mul3A_795, %mul3A_804 : vector<16xf32>
          %get3A_806 = arith.index_cast %add3A_677 : i32 to index
          %get3A_807 = arith.constant 16 : index
          %get3A_808 = tpu.vector_load %arg15[%get3A_806, %get3A_807] {strides = array<i32>} : memref<56x128xi32, #tpu.memory_space<vmem>>, vector<16xi32>,
          %bitcast3A_809 = vector.bitcast %get3A_808 : vector<16xi32> to vector<32xbf16>
          %unpack3A_810 = tpu.unpack_subelements %bitcast3A_809, 0 {pack_format = #tpu.pack_format<interleaved>} : vector<32xbf16> -> vector<16xf32>
          %unpack3A_811 = tpu.unpack_subelements %bitcast3A_809, 1 {pack_format = #tpu.pack_format<interleaved>} : vector<32xbf16> -> vector<16xf32>
          %mul3A_812 = arith.mulf %unpack3A_810, %gather3A_618 : vector<16xf32>
          %add3A_813 = arith.addf %add3A_803, %mul3A_812 : vector<16xf32>
          %mul3A_814 = arith.mulf %unpack3A_811, %gather3A_618 : vector<16xf32>
          %add3A_815 = arith.addf %add3A_805, %mul3A_814 : vector<16xf32>
          %get3A_816 = arith.index_cast %add3A_679 : i32 to index
          %get3A_817 = arith.constant 16 : index
          %get3A_818 = tpu.vector_load %arg15[%get3A_816, %get3A_817] {strides = array<i32>} : memref<56x128xi32, #tpu.memory_space<vmem>>, vector<16xi32>,
          %bitcast3A_819 = vector.bitcast %get3A_818 : vector<16xi32> to vector<32xbf16>
          %unpack3A_820 = tpu.unpack_subelements %bitcast3A_819, 0 {pack_format = #tpu.pack_format<interleaved>} : vector<32xbf16> -> vector<16xf32>
          %unpack3A_821 = tpu.unpack_subelements %bitcast3A_819, 1 {pack_format = #tpu.pack_format<interleaved>} : vector<32xbf16> -> vector<16xf32>
          %mul3A_822 = arith.mulf %unpack3A_820, %gather3A_629 : vector<16xf32>
          %add3A_823 = arith.addf %add3A_813, %mul3A_822 : vector<16xf32>
          %mul3A_824 = arith.mulf %unpack3A_821, %gather3A_629 : vector<16xf32>
          %add3A_825 = arith.addf %add3A_815, %mul3A_824 : vector<16xf32>
          %get3A_826 = arith.index_cast %add3A_569 : i32 to index
          %get3A_827 = arith.constant 16 : index
          %get3A_828 = tpu.vector_load %arg15[%get3A_826, %get3A_827] {strides = array<i32>} : memref<56x128xi32, #tpu.memory_space<vmem>>, vector<16xi32>,
          %bitcast3A_829 = vector.bitcast %get3A_828 : vector<16xi32> to vector<32xbf16>
          %unpack3A_830 = tpu.unpack_subelements %bitcast3A_829, 0 {pack_format = #tpu.pack_format<interleaved>} : vector<32xbf16> -> vector<16xf32>
          %unpack3A_831 = tpu.unpack_subelements %bitcast3A_829, 1 {pack_format = #tpu.pack_format<interleaved>} : vector<32xbf16> -> vector<16xf32>
          %mul3A_832 = arith.mulf %unpack3A_830, %gather3A_640 : vector<16xf32>
          %add3A_833 = arith.addf %add3A_823, %mul3A_832 : vector<16xf32>
          %mul3A_834 = arith.mulf %unpack3A_831, %gather3A_640 : vector<16xf32>
          %add3A_835 = arith.addf %add3A_825, %mul3A_834 : vector<16xf32>
          %get3A_836 = arith.index_cast %add3A_681 : i32 to index
          %get3A_837 = arith.constant 16 : index
          %get3A_838 = tpu.vector_load %arg15[%get3A_836, %get3A_837] {strides = array<i32>} : memref<56x128xi32, #tpu.memory_space<vmem>>, vector<16xi32>,
          %bitcast3A_839 = vector.bitcast %get3A_838 : vector<16xi32> to vector<32xbf16>
          %unpack3A_840 = tpu.unpack_subelements %bitcast3A_839, 0 {pack_format = #tpu.pack_format<interleaved>} : vector<32xbf16> -> vector<16xf32>
          %unpack3A_841 = tpu.unpack_subelements %bitcast3A_839, 1 {pack_format = #tpu.pack_format<interleaved>} : vector<32xbf16> -> vector<16xf32>
          %mul3A_842 = arith.mulf %unpack3A_840, %gather3A_651 : vector<16xf32>
          %add3A_843 = arith.addf %add3A_833, %mul3A_842 : vector<16xf32>
          %mul3A_844 = arith.mulf %unpack3A_841, %gather3A_651 : vector<16xf32>
          %add3A_845 = arith.addf %add3A_835, %mul3A_844 : vector<16xf32>
          %get3A_846 = arith.index_cast %add3A_683 : i32 to index
          %get3A_847 = arith.constant 16 : index
          %get3A_848 = tpu.vector_load %arg15[%get3A_846, %get3A_847] {strides = array<i32>} : memref<56x128xi32, #tpu.memory_space<vmem>>, vector<16xi32>,
          %bitcast3A_849 = vector.bitcast %get3A_848 : vector<16xi32> to vector<32xbf16>
          %unpack3A_850 = tpu.unpack_subelements %bitcast3A_849, 0 {pack_format = #tpu.pack_format<interleaved>} : vector<32xbf16> -> vector<16xf32>
          %unpack3A_851 = tpu.unpack_subelements %bitcast3A_849, 1 {pack_format = #tpu.pack_format<interleaved>} : vector<32xbf16> -> vector<16xf32>
          %mul3A_852 = arith.mulf %unpack3A_850, %gather3A_662 : vector<16xf32>
          %add3A_853 = arith.addf %add3A_843, %mul3A_852 : vector<16xf32>
          %mul3A_854 = arith.mulf %unpack3A_851, %gather3A_662 : vector<16xf32>
          %add3A_855 = arith.addf %add3A_845, %mul3A_854 : vector<16xf32>
          %get3A_856 = arith.index_cast %add3A_685 : i32 to index
          %get3A_857 = arith.constant 16 : index
          %get3A_858 = tpu.vector_load %arg15[%get3A_856, %get3A_857] {strides = array<i32>} : memref<56x128xi32, #tpu.memory_space<vmem>>, vector<16xi32>,
          %bitcast3A_859 = vector.bitcast %get3A_858 : vector<16xi32> to vector<32xbf16>
          %unpack3A_860 = tpu.unpack_subelements %bitcast3A_859, 0 {pack_format = #tpu.pack_format<interleaved>} : vector<32xbf16> -> vector<16xf32>
          %unpack3A_861 = tpu.unpack_subelements %bitcast3A_859, 1 {pack_format = #tpu.pack_format<interleaved>} : vector<32xbf16> -> vector<16xf32>
          %mul3A_862 = arith.mulf %unpack3A_860, %gather3A_673 : vector<16xf32>
          %add3A_863 = arith.addf %add3A_853, %mul3A_862 : vector<16xf32>
          %mul3A_864 = arith.mulf %unpack3A_861, %gather3A_673 : vector<16xf32>
          %add3A_865 = arith.addf %add3A_855, %mul3A_864 : vector<16xf32>
          %add3A_866 = arith.addi %mul3A_550, %scan3A_564 : i32
          %get3A_867 = arith.index_cast %add3A_866 : i32 to index
          %get3A_868 = arith.constant 32 : index
          %get3A_869 = tpu.vector_load %arg16[%get3A_867, %get3A_868] {strides = array<i32>} : memref<49x256xf32, #tpu.memory_space<vmem>>, vector<16xf32>,
          %add3A_870 = arith.addf %get3A_869, %add3A_863 : vector<16xf32>
          %add3A_871 = arith.addi %mul3A_550, %scan3A_564 : i32
          %swap3A_872 = arith.index_cast %add3A_871 : i32 to index
          %swap3A_873 = arith.constant 32 : index
          %swap3A_874 = tpu.vector_load %arg16[%swap3A_872, %swap3A_873] {strides = array<i32>} : memref<49x256xf32, #tpu.memory_space<vmem>>, vector<16xf32>,
          tpu.vector_store %arg16[%swap3A_872, %swap3A_873], %add3A_870 {strides = array<i32>} : memref<49x256xf32, #tpu.memory_space<vmem>>, vector<16xf32>,
          %add3A_875 = arith.addi %mul3A_550, %scan3A_564 : i32
          %get3A_876 = arith.index_cast %add3A_875 : i32 to index
          %get3A_877 = arith.constant 48 : index
          %get3A_878 = tpu.vector_load %arg16[%get3A_876, %get3A_877] {strides = array<i32>} : memref<49x256xf32, #tpu.memory_space<vmem>>, vector<16xf32>,
          %add3A_879 = arith.addf %get3A_878, %add3A_865 : vector<16xf32>
          %add3A_880 = arith.addi %mul3A_550, %scan3A_564 : i32
          %swap3A_881 = arith.index_cast %add3A_880 : i32 to index
          %swap3A_882 = arith.constant 48 : index
          %swap3A_883 = tpu.vector_load %arg16[%swap3A_881, %swap3A_882] {strides = array<i32>} : memref<49x256xf32, #tpu.memory_space<vmem>>, vector<16xf32>,
          tpu.vector_store %arg16[%swap3A_881, %swap3A_882], %add3A_879 {strides = array<i32>} : memref<49x256xf32, #tpu.memory_space<vmem>>, vector<16xf32>,
          %get3A_884 = arith.index_cast %mul3A_567 : i32 to index
          %get3A_885 = arith.constant 32 : index
          %get3A_886 = tpu.vector_load %arg15[%get3A_884, %get3A_885] {strides = array<i32>} : memref<56x128xi32, #tpu.memory_space<vmem>>, vector<16xi32>,
          %bitcast3A_887 = vector.bitcast %get3A_886 : vector<16xi32> to vector<32xbf16>
          %unpack3A_888 = tpu.unpack_subelements %bitcast3A_887, 0 {pack_format = #tpu.pack_format<interleaved>} : vector<32xbf16> -> vector<16xf32>
          %unpack3A_889 = tpu.unpack_subelements %bitcast3A_887, 1 {pack_format = #tpu.pack_format<interleaved>} : vector<32xbf16> -> vector<16xf32>
          %mul3A_890 = arith.mulf %unpack3A_888, %gather3A_596 : vector<16xf32>
          %mul3A_891 = arith.mulf %unpack3A_889, %gather3A_596 : vector<16xf32>
          %get3A_892 = arith.index_cast %add3A_675 : i32 to index
          %get3A_893 = arith.constant 32 : index
          %get3A_894 = tpu.vector_load %arg15[%get3A_892, %get3A_893] {strides = array<i32>} : memref<56x128xi32, #tpu.memory_space<vmem>>, vector<16xi32>,
          %bitcast3A_895 = vector.bitcast %get3A_894 : vector<16xi32> to vector<32xbf16>
          %unpack3A_896 = tpu.unpack_subelements %bitcast3A_895, 0 {pack_format = #tpu.pack_format<interleaved>} : vector<32xbf16> -> vector<16xf32>
          %unpack3A_897 = tpu.unpack_subelements %bitcast3A_895, 1 {pack_format = #tpu.pack_format<interleaved>} : vector<32xbf16> -> vector<16xf32>
          %mul3A_898 = arith.mulf %unpack3A_896, %gather3A_607 : vector<16xf32>
          %add3A_899 = arith.addf %mul3A_890, %mul3A_898 : vector<16xf32>
          %mul3A_900 = arith.mulf %unpack3A_897, %gather3A_607 : vector<16xf32>
          %add3A_901 = arith.addf %mul3A_891, %mul3A_900 : vector<16xf32>
          %get3A_902 = arith.index_cast %add3A_677 : i32 to index
          %get3A_903 = arith.constant 32 : index
          %get3A_904 = tpu.vector_load %arg15[%get3A_902, %get3A_903] {strides = array<i32>} : memref<56x128xi32, #tpu.memory_space<vmem>>, vector<16xi32>,
          %bitcast3A_905 = vector.bitcast %get3A_904 : vector<16xi32> to vector<32xbf16>
          %unpack3A_906 = tpu.unpack_subelements %bitcast3A_905, 0 {pack_format = #tpu.pack_format<interleaved>} : vector<32xbf16> -> vector<16xf32>
          %unpack3A_907 = tpu.unpack_subelements %bitcast3A_905, 1 {pack_format = #tpu.pack_format<interleaved>} : vector<32xbf16> -> vector<16xf32>
          %mul3A_908 = arith.mulf %unpack3A_906, %gather3A_618 : vector<16xf32>
          %add3A_909 = arith.addf %add3A_899, %mul3A_908 : vector<16xf32>
          %mul3A_910 = arith.mulf %unpack3A_907, %gather3A_618 : vector<16xf32>
          %add3A_911 = arith.addf %add3A_901, %mul3A_910 : vector<16xf32>
          %get3A_912 = arith.index_cast %add3A_679 : i32 to index
          %get3A_913 = arith.constant 32 : index
          %get3A_914 = tpu.vector_load %arg15[%get3A_912, %get3A_913] {strides = array<i32>} : memref<56x128xi32, #tpu.memory_space<vmem>>, vector<16xi32>,
          %bitcast3A_915 = vector.bitcast %get3A_914 : vector<16xi32> to vector<32xbf16>
          %unpack3A_916 = tpu.unpack_subelements %bitcast3A_915, 0 {pack_format = #tpu.pack_format<interleaved>} : vector<32xbf16> -> vector<16xf32>
          %unpack3A_917 = tpu.unpack_subelements %bitcast3A_915, 1 {pack_format = #tpu.pack_format<interleaved>} : vector<32xbf16> -> vector<16xf32>
          %mul3A_918 = arith.mulf %unpack3A_916, %gather3A_629 : vector<16xf32>
          %add3A_919 = arith.addf %add3A_909, %mul3A_918 : vector<16xf32>
          %mul3A_920 = arith.mulf %unpack3A_917, %gather3A_629 : vector<16xf32>
          %add3A_921 = arith.addf %add3A_911, %mul3A_920 : vector<16xf32>
          %get3A_922 = arith.index_cast %add3A_569 : i32 to index
          %get3A_923 = arith.constant 32 : index
          %get3A_924 = tpu.vector_load %arg15[%get3A_922, %get3A_923] {strides = array<i32>} : memref<56x128xi32, #tpu.memory_space<vmem>>, vector<16xi32>,
          %bitcast3A_925 = vector.bitcast %get3A_924 : vector<16xi32> to vector<32xbf16>
          %unpack3A_926 = tpu.unpack_subelements %bitcast3A_925, 0 {pack_format = #tpu.pack_format<interleaved>} : vector<32xbf16> -> vector<16xf32>
          %unpack3A_927 = tpu.unpack_subelements %bitcast3A_925, 1 {pack_format = #tpu.pack_format<interleaved>} : vector<32xbf16> -> vector<16xf32>
          %mul3A_928 = arith.mulf %unpack3A_926, %gather3A_640 : vector<16xf32>
          %add3A_929 = arith.addf %add3A_919, %mul3A_928 : vector<16xf32>
          %mul3A_930 = arith.mulf %unpack3A_927, %gather3A_640 : vector<16xf32>
          %add3A_931 = arith.addf %add3A_921, %mul3A_930 : vector<16xf32>
          %get3A_932 = arith.index_cast %add3A_681 : i32 to index
          %get3A_933 = arith.constant 32 : index
          %get3A_934 = tpu.vector_load %arg15[%get3A_932, %get3A_933] {strides = array<i32>} : memref<56x128xi32, #tpu.memory_space<vmem>>, vector<16xi32>,
          %bitcast3A_935 = vector.bitcast %get3A_934 : vector<16xi32> to vector<32xbf16>
          %unpack3A_936 = tpu.unpack_subelements %bitcast3A_935, 0 {pack_format = #tpu.pack_format<interleaved>} : vector<32xbf16> -> vector<16xf32>
          %unpack3A_937 = tpu.unpack_subelements %bitcast3A_935, 1 {pack_format = #tpu.pack_format<interleaved>} : vector<32xbf16> -> vector<16xf32>
          %mul3A_938 = arith.mulf %unpack3A_936, %gather3A_651 : vector<16xf32>
          %add3A_939 = arith.addf %add3A_929, %mul3A_938 : vector<16xf32>
          %mul3A_940 = arith.mulf %unpack3A_937, %gather3A_651 : vector<16xf32>
          %add3A_941 = arith.addf %add3A_931, %mul3A_940 : vector<16xf32>
          %get3A_942 = arith.index_cast %add3A_683 : i32 to index
          %get3A_943 = arith.constant 32 : index
          %get3A_944 = tpu.vector_load %arg15[%get3A_942, %get3A_943] {strides = array<i32>} : memref<56x128xi32, #tpu.memory_space<vmem>>, vector<16xi32>,
          %bitcast3A_945 = vector.bitcast %get3A_944 : vector<16xi32> to vector<32xbf16>
          %unpack3A_946 = tpu.unpack_subelements %bitcast3A_945, 0 {pack_format = #tpu.pack_format<interleaved>} : vector<32xbf16> -> vector<16xf32>
          %unpack3A_947 = tpu.unpack_subelements %bitcast3A_945, 1 {pack_format = #tpu.pack_format<interleaved>} : vector<32xbf16> -> vector<16xf32>
          %mul3A_948 = arith.mulf %unpack3A_946, %gather3A_662 : vector<16xf32>
          %add3A_949 = arith.addf %add3A_939, %mul3A_948 : vector<16xf32>
          %mul3A_950 = arith.mulf %unpack3A_947, %gather3A_662 : vector<16xf32>
          %add3A_951 = arith.addf %add3A_941, %mul3A_950 : vector<16xf32>
          %get3A_952 = arith.index_cast %add3A_685 : i32 to index
          %get3A_953 = arith.constant 32 : index
          %get3A_954 = tpu.vector_load %arg15[%get3A_952, %get3A_953] {strides = array<i32>} : memref<56x128xi32, #tpu.memory_space<vmem>>, vector<16xi32>,
          %bitcast3A_955 = vector.bitcast %get3A_954 : vector<16xi32> to vector<32xbf16>
          %unpack3A_956 = tpu.unpack_subelements %bitcast3A_955, 0 {pack_format = #tpu.pack_format<interleaved>} : vector<32xbf16> -> vector<16xf32>
          %unpack3A_957 = tpu.unpack_subelements %bitcast3A_955, 1 {pack_format = #tpu.pack_format<interleaved>} : vector<32xbf16> -> vector<16xf32>
          %mul3A_958 = arith.mulf %unpack3A_956, %gather3A_673 : vector<16xf32>
          %add3A_959 = arith.addf %add3A_949, %mul3A_958 : vector<16xf32>
          %mul3A_960 = arith.mulf %unpack3A_957, %gather3A_673 : vector<16xf32>
          %add3A_961 = arith.addf %add3A_951, %mul3A_960 : vector<16xf32>
          %add3A_962 = arith.addi %mul3A_550, %scan3A_564 : i32
          %get3A_963 = arith.index_cast %add3A_962 : i32 to index
          %get3A_964 = arith.constant 64 : index
          %get3A_965 = tpu.vector_load %arg16[%get3A_963, %get3A_964] {strides = array<i32>} : memref<49x256xf32, #tpu.memory_space<vmem>>, vector<16xf32>,
          %add3A_966 = arith.addf %get3A_965, %add3A_959 : vector<16xf32>
          %add3A_967 = arith.addi %mul3A_550, %scan3A_564 : i32
          %swap3A_968 = arith.index_cast %add3A_967 : i32 to index
          %swap3A_969 = arith.constant 64 : index
          %swap3A_970 = tpu.vector_load %arg16[%swap3A_968, %swap3A_969] {strides = array<i32>} : memref<49x256xf32, #tpu.memory_space<vmem>>, vector<16xf32>,
          tpu.vector_store %arg16[%swap3A_968, %swap3A_969], %add3A_966 {strides = array<i32>} : memref<49x256xf32, #tpu.memory_space<vmem>>, vector<16xf32>,
          %add3A_971 = arith.addi %mul3A_550, %scan3A_564 : i32
          %get3A_972 = arith.index_cast %add3A_971 : i32 to index
          %get3A_973 = arith.constant 80 : index
          %get3A_974 = tpu.vector_load %arg16[%get3A_972, %get3A_973] {strides = array<i32>} : memref<49x256xf32, #tpu.memory_space<vmem>>, vector<16xf32>,
          %add3A_975 = arith.addf %get3A_974, %add3A_961 : vector<16xf32>
          %add3A_976 = arith.addi %mul3A_550, %scan3A_564 : i32
          %swap3A_977 = arith.index_cast %add3A_976 : i32 to index
          %swap3A_978 = arith.constant 80 : index
          %swap3A_979 = tpu.vector_load %arg16[%swap3A_977, %swap3A_978] {strides = array<i32>} : memref<49x256xf32, #tpu.memory_space<vmem>>, vector<16xf32>,
          tpu.vector_store %arg16[%swap3A_977, %swap3A_978], %add3A_975 {strides = array<i32>} : memref<49x256xf32, #tpu.memory_space<vmem>>, vector<16xf32>,
          %get3A_980 = arith.index_cast %mul3A_567 : i32 to index
          %get3A_981 = arith.constant 48 : index
          %get3A_982 = tpu.vector_load %arg15[%get3A_980, %get3A_981] {strides = array<i32>} : memref<56x128xi32, #tpu.memory_space<vmem>>, vector<16xi32>,
          %bitcast3A_983 = vector.bitcast %get3A_982 : vector<16xi32> to vector<32xbf16>
          %unpack3A_984 = tpu.unpack_subelements %bitcast3A_983, 0 {pack_format = #tpu.pack_format<interleaved>} : vector<32xbf16> -> vector<16xf32>
          %unpack3A_985 = tpu.unpack_subelements %bitcast3A_983, 1 {pack_format = #tpu.pack_format<interleaved>} : vector<32xbf16> -> vector<16xf32>
          %mul3A_986 = arith.mulf %unpack3A_984, %gather3A_596 : vector<16xf32>
          %mul3A_987 = arith.mulf %unpack3A_985, %gather3A_596 : vector<16xf32>
          %get3A_988 = arith.index_cast %add3A_675 : i32 to index
          %get3A_989 = arith.constant 48 : index
          %get3A_990 = tpu.vector_load %arg15[%get3A_988, %get3A_989] {strides = array<i32>} : memref<56x128xi32, #tpu.memory_space<vmem>>, vector<16xi32>,
          %bitcast3A_991 = vector.bitcast %get3A_990 : vector<16xi32> to vector<32xbf16>
          %unpack3A_992 = tpu.unpack_subelements %bitcast3A_991, 0 {pack_format = #tpu.pack_format<interleaved>} : vector<32xbf16> -> vector<16xf32>
          %unpack3A_993 = tpu.unpack_subelements %bitcast3A_991, 1 {pack_format = #tpu.pack_format<interleaved>} : vector<32xbf16> -> vector<16xf32>
          %mul3A_994 = arith.mulf %unpack3A_992, %gather3A_607 : vector<16xf32>
          %add3A_995 = arith.addf %mul3A_986, %mul3A_994 : vector<16xf32>
          %mul3A_996 = arith.mulf %unpack3A_993, %gather3A_607 : vector<16xf32>
          %add3A_997 = arith.addf %mul3A_987, %mul3A_996 : vector<16xf32>
          %get3A_998 = arith.index_cast %add3A_677 : i32 to index
          %get3A_999 = arith.constant 48 : index
          %get3A_1000 = tpu.vector_load %arg15[%get3A_998, %get3A_999] {strides = array<i32>} : memref<56x128xi32, #tpu.memory_space<vmem>>, vector<16xi32>,
          %bitcast3A_1001 = vector.bitcast %get3A_1000 : vector<16xi32> to vector<32xbf16>
          %unpack3A_1002 = tpu.unpack_subelements %bitcast3A_1001, 0 {pack_format = #tpu.pack_format<interleaved>} : vector<32xbf16> -> vector<16xf32>
          %unpack3A_1003 = tpu.unpack_subelements %bitcast3A_1001, 1 {pack_format = #tpu.pack_format<interleaved>} : vector<32xbf16> -> vector<16xf32>
          %mul3A_1004 = arith.mulf %unpack3A_1002, %gather3A_618 : vector<16xf32>
          %add3A_1005 = arith.addf %add3A_995, %mul3A_1004 : vector<16xf32>
          %mul3A_1006 = arith.mulf %unpack3A_1003, %gather3A_618 : vector<16xf32>
          %add3A_1007 = arith.addf %add3A_997, %mul3A_1006 : vector<16xf32>
          %get3A_1008 = arith.index_cast %add3A_679 : i32 to index
          %get3A_1009 = arith.constant 48 : index
          %get3A_1010 = tpu.vector_load %arg15[%get3A_1008, %get3A_1009] {strides = array<i32>} : memref<56x128xi32, #tpu.memory_space<vmem>>, vector<16xi32>,
          %bitcast3A_1011 = vector.bitcast %get3A_1010 : vector<16xi32> to vector<32xbf16>
          %unpack3A_1012 = tpu.unpack_subelements %bitcast3A_1011, 0 {pack_format = #tpu.pack_format<interleaved>} : vector<32xbf16> -> vector<16xf32>
          %unpack3A_1013 = tpu.unpack_subelements %bitcast3A_1011, 1 {pack_format = #tpu.pack_format<interleaved>} : vector<32xbf16> -> vector<16xf32>
          %mul3A_1014 = arith.mulf %unpack3A_1012, %gather3A_629 : vector<16xf32>
          %add3A_1015 = arith.addf %add3A_1005, %mul3A_1014 : vector<16xf32>
          %mul3A_1016 = arith.mulf %unpack3A_1013, %gather3A_629 : vector<16xf32>
          %add3A_1017 = arith.addf %add3A_1007, %mul3A_1016 : vector<16xf32>
          %get3A_1018 = arith.index_cast %add3A_569 : i32 to index
          %get3A_1019 = arith.constant 48 : index
          %get3A_1020 = tpu.vector_load %arg15[%get3A_1018, %get3A_1019] {strides = array<i32>} : memref<56x128xi32, #tpu.memory_space<vmem>>, vector<16xi32>,
          %bitcast3A_1021 = vector.bitcast %get3A_1020 : vector<16xi32> to vector<32xbf16>
          %unpack3A_1022 = tpu.unpack_subelements %bitcast3A_1021, 0 {pack_format = #tpu.pack_format<interleaved>} : vector<32xbf16> -> vector<16xf32>
          %unpack3A_1023 = tpu.unpack_subelements %bitcast3A_1021, 1 {pack_format = #tpu.pack_format<interleaved>} : vector<32xbf16> -> vector<16xf32>
          %mul3A_1024 = arith.mulf %unpack3A_1022, %gather3A_640 : vector<16xf32>
          %add3A_1025 = arith.addf %add3A_1015, %mul3A_1024 : vector<16xf32>
          %mul3A_1026 = arith.mulf %unpack3A_1023, %gather3A_640 : vector<16xf32>
          %add3A_1027 = arith.addf %add3A_1017, %mul3A_1026 : vector<16xf32>
          %get3A_1028 = arith.index_cast %add3A_681 : i32 to index
          %get3A_1029 = arith.constant 48 : index
          %get3A_1030 = tpu.vector_load %arg15[%get3A_1028, %get3A_1029] {strides = array<i32>} : memref<56x128xi32, #tpu.memory_space<vmem>>, vector<16xi32>,
          %bitcast3A_1031 = vector.bitcast %get3A_1030 : vector<16xi32> to vector<32xbf16>
          %unpack3A_1032 = tpu.unpack_subelements %bitcast3A_1031, 0 {pack_format = #tpu.pack_format<interleaved>} : vector<32xbf16> -> vector<16xf32>
          %unpack3A_1033 = tpu.unpack_subelements %bitcast3A_1031, 1 {pack_format = #tpu.pack_format<interleaved>} : vector<32xbf16> -> vector<16xf32>
          %mul3A_1034 = arith.mulf %unpack3A_1032, %gather3A_651 : vector<16xf32>
          %add3A_1035 = arith.addf %add3A_1025, %mul3A_1034 : vector<16xf32>
          %mul3A_1036 = arith.mulf %unpack3A_1033, %gather3A_651 : vector<16xf32>
          %add3A_1037 = arith.addf %add3A_1027, %mul3A_1036 : vector<16xf32>
          %get3A_1038 = arith.index_cast %add3A_683 : i32 to index
          %get3A_1039 = arith.constant 48 : index
          %get3A_1040 = tpu.vector_load %arg15[%get3A_1038, %get3A_1039] {strides = array<i32>} : memref<56x128xi32, #tpu.memory_space<vmem>>, vector<16xi32>,
          %bitcast3A_1041 = vector.bitcast %get3A_1040 : vector<16xi32> to vector<32xbf16>
          %unpack3A_1042 = tpu.unpack_subelements %bitcast3A_1041, 0 {pack_format = #tpu.pack_format<interleaved>} : vector<32xbf16> -> vector<16xf32>
          %unpack3A_1043 = tpu.unpack_subelements %bitcast3A_1041, 1 {pack_format = #tpu.pack_format<interleaved>} : vector<32xbf16> -> vector<16xf32>
          %mul3A_1044 = arith.mulf %unpack3A_1042, %gather3A_662 : vector<16xf32>
          %add3A_1045 = arith.addf %add3A_1035, %mul3A_1044 : vector<16xf32>
          %mul3A_1046 = arith.mulf %unpack3A_1043, %gather3A_662 : vector<16xf32>
          %add3A_1047 = arith.addf %add3A_1037, %mul3A_1046 : vector<16xf32>
          %get3A_1048 = arith.index_cast %add3A_685 : i32 to index
          %get3A_1049 = arith.constant 48 : index
          %get3A_1050 = tpu.vector_load %arg15[%get3A_1048, %get3A_1049] {strides = array<i32>} : memref<56x128xi32, #tpu.memory_space<vmem>>, vector<16xi32>,
          %bitcast3A_1051 = vector.bitcast %get3A_1050 : vector<16xi32> to vector<32xbf16>
          %unpack3A_1052 = tpu.unpack_subelements %bitcast3A_1051, 0 {pack_format = #tpu.pack_format<interleaved>} : vector<32xbf16> -> vector<16xf32>
          %unpack3A_1053 = tpu.unpack_subelements %bitcast3A_1051, 1 {pack_format = #tpu.pack_format<interleaved>} : vector<32xbf16> -> vector<16xf32>
          %mul3A_1054 = arith.mulf %unpack3A_1052, %gather3A_673 : vector<16xf32>
          %add3A_1055 = arith.addf %add3A_1045, %mul3A_1054 : vector<16xf32>
          %mul3A_1056 = arith.mulf %unpack3A_1053, %gather3A_673 : vector<16xf32>
          %add3A_1057 = arith.addf %add3A_1047, %mul3A_1056 : vector<16xf32>
          %add3A_1058 = arith.addi %mul3A_550, %scan3A_564 : i32
          %get3A_1059 = arith.index_cast %add3A_1058 : i32 to index
          %get3A_1060 = arith.constant 96 : index
          %get3A_1061 = tpu.vector_load %arg16[%get3A_1059, %get3A_1060] {strides = array<i32>} : memref<49x256xf32, #tpu.memory_space<vmem>>, vector<16xf32>,
          %add3A_1062 = arith.addf %get3A_1061, %add3A_1055 : vector<16xf32>
          %add3A_1063 = arith.addi %mul3A_550, %scan3A_564 : i32
          %swap3A_1064 = arith.index_cast %add3A_1063 : i32 to index
          %swap3A_1065 = arith.constant 96 : index
          %swap3A_1066 = tpu.vector_load %arg16[%swap3A_1064, %swap3A_1065] {strides = array<i32>} : memref<49x256xf32, #tpu.memory_space<vmem>>, vector<16xf32>,
          tpu.vector_store %arg16[%swap3A_1064, %swap3A_1065], %add3A_1062 {strides = array<i32>} : memref<49x256xf32, #tpu.memory_space<vmem>>, vector<16xf32>,
          %add3A_1067 = arith.addi %mul3A_550, %scan3A_564 : i32
          %get3A_1068 = arith.index_cast %add3A_1067 : i32 to index
          %get3A_1069 = arith.constant 112 : index
          %get3A_1070 = tpu.vector_load %arg16[%get3A_1068, %get3A_1069] {strides = array<i32>} : memref<49x256xf32, #tpu.memory_space<vmem>>, vector<16xf32>,
          %add3A_1071 = arith.addf %get3A_1070, %add3A_1057 : vector<16xf32>
          %add3A_1072 = arith.addi %mul3A_550, %scan3A_564 : i32
          %swap3A_1073 = arith.index_cast %add3A_1072 : i32 to index
          %swap3A_1074 = arith.constant 112 : index
          %swap3A_1075 = tpu.vector_load %arg16[%swap3A_1073, %swap3A_1074] {strides = array<i32>} : memref<49x256xf32, #tpu.memory_space<vmem>>, vector<16xf32>,
          tpu.vector_store %arg16[%swap3A_1073, %swap3A_1074], %add3A_1071 {strides = array<i32>} : memref<49x256xf32, #tpu.memory_space<vmem>>, vector<16xf32>,
          %get3A_1076 = arith.index_cast %mul3A_567 : i32 to index
          %get3A_1077 = arith.constant 64 : index
          %get3A_1078 = tpu.vector_load %arg15[%get3A_1076, %get3A_1077] {strides = array<i32>} : memref<56x128xi32, #tpu.memory_space<vmem>>, vector<16xi32>,
          %bitcast3A_1079 = vector.bitcast %get3A_1078 : vector<16xi32> to vector<32xbf16>
          %unpack3A_1080 = tpu.unpack_subelements %bitcast3A_1079, 0 {pack_format = #tpu.pack_format<interleaved>} : vector<32xbf16> -> vector<16xf32>
          %unpack3A_1081 = tpu.unpack_subelements %bitcast3A_1079, 1 {pack_format = #tpu.pack_format<interleaved>} : vector<32xbf16> -> vector<16xf32>
          %mul3A_1082 = arith.mulf %unpack3A_1080, %gather3A_596 : vector<16xf32>
          %mul3A_1083 = arith.mulf %unpack3A_1081, %gather3A_596 : vector<16xf32>
          %get3A_1084 = arith.index_cast %add3A_675 : i32 to index
          %get3A_1085 = arith.constant 64 : index
          %get3A_1086 = tpu.vector_load %arg15[%get3A_1084, %get3A_1085] {strides = array<i32>} : memref<56x128xi32, #tpu.memory_space<vmem>>, vector<16xi32>,
          %bitcast3A_1087 = vector.bitcast %get3A_1086 : vector<16xi32> to vector<32xbf16>
          %unpack3A_1088 = tpu.unpack_subelements %bitcast3A_1087, 0 {pack_format = #tpu.pack_format<interleaved>} : vector<32xbf16> -> vector<16xf32>
          %unpack3A_1089 = tpu.unpack_subelements %bitcast3A_1087, 1 {pack_format = #tpu.pack_format<interleaved>} : vector<32xbf16> -> vector<16xf32>
          %mul3A_1090 = arith.mulf %unpack3A_1088, %gather3A_607 : vector<16xf32>
          %add3A_1091 = arith.addf %mul3A_1082, %mul3A_1090 : vector<16xf32>
          %mul3A_1092 = arith.mulf %unpack3A_1089, %gather3A_607 : vector<16xf32>
          %add3A_1093 = arith.addf %mul3A_1083, %mul3A_1092 : vector<16xf32>
          %get3A_1094 = arith.index_cast %add3A_677 : i32 to index
          %get3A_1095 = arith.constant 64 : index
          %get3A_1096 = tpu.vector_load %arg15[%get3A_1094, %get3A_1095] {strides = array<i32>} : memref<56x128xi32, #tpu.memory_space<vmem>>, vector<16xi32>,
          %bitcast3A_1097 = vector.bitcast %get3A_1096 : vector<16xi32> to vector<32xbf16>
          %unpack3A_1098 = tpu.unpack_subelements %bitcast3A_1097, 0 {pack_format = #tpu.pack_format<interleaved>} : vector<32xbf16> -> vector<16xf32>
          %unpack3A_1099 = tpu.unpack_subelements %bitcast3A_1097, 1 {pack_format = #tpu.pack_format<interleaved>} : vector<32xbf16> -> vector<16xf32>
          %mul3A_1100 = arith.mulf %unpack3A_1098, %gather3A_618 : vector<16xf32>
          %add3A_1101 = arith.addf %add3A_1091, %mul3A_1100 : vector<16xf32>
          %mul3A_1102 = arith.mulf %unpack3A_1099, %gather3A_618 : vector<16xf32>
          %add3A_1103 = arith.addf %add3A_1093, %mul3A_1102 : vector<16xf32>
          %get3A_1104 = arith.index_cast %add3A_679 : i32 to index
          %get3A_1105 = arith.constant 64 : index
          %get3A_1106 = tpu.vector_load %arg15[%get3A_1104, %get3A_1105] {strides = array<i32>} : memref<56x128xi32, #tpu.memory_space<vmem>>, vector<16xi32>,
          %bitcast3A_1107 = vector.bitcast %get3A_1106 : vector<16xi32> to vector<32xbf16>
          %unpack3A_1108 = tpu.unpack_subelements %bitcast3A_1107, 0 {pack_format = #tpu.pack_format<interleaved>} : vector<32xbf16> -> vector<16xf32>
          %unpack3A_1109 = tpu.unpack_subelements %bitcast3A_1107, 1 {pack_format = #tpu.pack_format<interleaved>} : vector<32xbf16> -> vector<16xf32>
          %mul3A_1110 = arith.mulf %unpack3A_1108, %gather3A_629 : vector<16xf32>
          %add3A_1111 = arith.addf %add3A_1101, %mul3A_1110 : vector<16xf32>
          %mul3A_1112 = arith.mulf %unpack3A_1109, %gather3A_629 : vector<16xf32>
          %add3A_1113 = arith.addf %add3A_1103, %mul3A_1112 : vector<16xf32>
          %get3A_1114 = arith.index_cast %add3A_569 : i32 to index
          %get3A_1115 = arith.constant 64 : index
          %get3A_1116 = tpu.vector_load %arg15[%get3A_1114, %get3A_1115] {strides = array<i32>} : memref<56x128xi32, #tpu.memory_space<vmem>>, vector<16xi32>,
          %bitcast3A_1117 = vector.bitcast %get3A_1116 : vector<16xi32> to vector<32xbf16>
          %unpack3A_1118 = tpu.unpack_subelements %bitcast3A_1117, 0 {pack_format = #tpu.pack_format<interleaved>} : vector<32xbf16> -> vector<16xf32>
          %unpack3A_1119 = tpu.unpack_subelements %bitcast3A_1117, 1 {pack_format = #tpu.pack_format<interleaved>} : vector<32xbf16> -> vector<16xf32>
          %mul3A_1120 = arith.mulf %unpack3A_1118, %gather3A_640 : vector<16xf32>
          %add3A_1121 = arith.addf %add3A_1111, %mul3A_1120 : vector<16xf32>
          %mul3A_1122 = arith.mulf %unpack3A_1119, %gather3A_640 : vector<16xf32>
          %add3A_1123 = arith.addf %add3A_1113, %mul3A_1122 : vector<16xf32>
          %get3A_1124 = arith.index_cast %add3A_681 : i32 to index
          %get3A_1125 = arith.constant 64 : index
          %get3A_1126 = tpu.vector_load %arg15[%get3A_1124, %get3A_1125] {strides = array<i32>} : memref<56x128xi32, #tpu.memory_space<vmem>>, vector<16xi32>,
          %bitcast3A_1127 = vector.bitcast %get3A_1126 : vector<16xi32> to vector<32xbf16>
          %unpack3A_1128 = tpu.unpack_subelements %bitcast3A_1127, 0 {pack_format = #tpu.pack_format<interleaved>} : vector<32xbf16> -> vector<16xf32>
          %unpack3A_1129 = tpu.unpack_subelements %bitcast3A_1127, 1 {pack_format = #tpu.pack_format<interleaved>} : vector<32xbf16> -> vector<16xf32>
          %mul3A_1130 = arith.mulf %unpack3A_1128, %gather3A_651 : vector<16xf32>
          %add3A_1131 = arith.addf %add3A_1121, %mul3A_1130 : vector<16xf32>
          %mul3A_1132 = arith.mulf %unpack3A_1129, %gather3A_651 : vector<16xf32>
          %add3A_1133 = arith.addf %add3A_1123, %mul3A_1132 : vector<16xf32>
          %get3A_1134 = arith.index_cast %add3A_683 : i32 to index
          %get3A_1135 = arith.constant 64 : index
          %get3A_1136 = tpu.vector_load %arg15[%get3A_1134, %get3A_1135] {strides = array<i32>} : memref<56x128xi32, #tpu.memory_space<vmem>>, vector<16xi32>,
          %bitcast3A_1137 = vector.bitcast %get3A_1136 : vector<16xi32> to vector<32xbf16>
          %unpack3A_1138 = tpu.unpack_subelements %bitcast3A_1137, 0 {pack_format = #tpu.pack_format<interleaved>} : vector<32xbf16> -> vector<16xf32>
          %unpack3A_1139 = tpu.unpack_subelements %bitcast3A_1137, 1 {pack_format = #tpu.pack_format<interleaved>} : vector<32xbf16> -> vector<16xf32>
          %mul3A_1140 = arith.mulf %unpack3A_1138, %gather3A_662 : vector<16xf32>
          %add3A_1141 = arith.addf %add3A_1131, %mul3A_1140 : vector<16xf32>
          %mul3A_1142 = arith.mulf %unpack3A_1139, %gather3A_662 : vector<16xf32>
          %add3A_1143 = arith.addf %add3A_1133, %mul3A_1142 : vector<16xf32>
          %get3A_1144 = arith.index_cast %add3A_685 : i32 to index
          %get3A_1145 = arith.constant 64 : index
          %get3A_1146 = tpu.vector_load %arg15[%get3A_1144, %get3A_1145] {strides = array<i32>} : memref<56x128xi32, #tpu.memory_space<vmem>>, vector<16xi32>,
          %bitcast3A_1147 = vector.bitcast %get3A_1146 : vector<16xi32> to vector<32xbf16>
          %unpack3A_1148 = tpu.unpack_subelements %bitcast3A_1147, 0 {pack_format = #tpu.pack_format<interleaved>} : vector<32xbf16> -> vector<16xf32>
          %unpack3A_1149 = tpu.unpack_subelements %bitcast3A_1147, 1 {pack_format = #tpu.pack_format<interleaved>} : vector<32xbf16> -> vector<16xf32>
          %mul3A_1150 = arith.mulf %unpack3A_1148, %gather3A_673 : vector<16xf32>
          %add3A_1151 = arith.addf %add3A_1141, %mul3A_1150 : vector<16xf32>
          %mul3A_1152 = arith.mulf %unpack3A_1149, %gather3A_673 : vector<16xf32>
          %add3A_1153 = arith.addf %add3A_1143, %mul3A_1152 : vector<16xf32>
          %add3A_1154 = arith.addi %mul3A_550, %scan3A_564 : i32
          %get3A_1155 = arith.index_cast %add3A_1154 : i32 to index
          %get3A_1156 = arith.constant 128 : index
          %get3A_1157 = tpu.vector_load %arg16[%get3A_1155, %get3A_1156] {strides = array<i32>} : memref<49x256xf32, #tpu.memory_space<vmem>>, vector<16xf32>,
          %add3A_1158 = arith.addf %get3A_1157, %add3A_1151 : vector<16xf32>
          %add3A_1159 = arith.addi %mul3A_550, %scan3A_564 : i32
          %swap3A_1160 = arith.index_cast %add3A_1159 : i32 to index
          %swap3A_1161 = arith.constant 128 : index
          %swap3A_1162 = tpu.vector_load %arg16[%swap3A_1160, %swap3A_1161] {strides = array<i32>} : memref<49x256xf32, #tpu.memory_space<vmem>>, vector<16xf32>,
          tpu.vector_store %arg16[%swap3A_1160, %swap3A_1161], %add3A_1158 {strides = array<i32>} : memref<49x256xf32, #tpu.memory_space<vmem>>, vector<16xf32>,
          %add3A_1163 = arith.addi %mul3A_550, %scan3A_564 : i32
          %get3A_1164 = arith.index_cast %add3A_1163 : i32 to index
          %get3A_1165 = arith.constant 144 : index
          %get3A_1166 = tpu.vector_load %arg16[%get3A_1164, %get3A_1165] {strides = array<i32>} : memref<49x256xf32, #tpu.memory_space<vmem>>, vector<16xf32>,
          %add3A_1167 = arith.addf %get3A_1166, %add3A_1153 : vector<16xf32>
          %add3A_1168 = arith.addi %mul3A_550, %scan3A_564 : i32
          %swap3A_1169 = arith.index_cast %add3A_1168 : i32 to index
          %swap3A_1170 = arith.constant 144 : index
          %swap3A_1171 = tpu.vector_load %arg16[%swap3A_1169, %swap3A_1170] {strides = array<i32>} : memref<49x256xf32, #tpu.memory_space<vmem>>, vector<16xf32>,
          tpu.vector_store %arg16[%swap3A_1169, %swap3A_1170], %add3A_1167 {strides = array<i32>} : memref<49x256xf32, #tpu.memory_space<vmem>>, vector<16xf32>,
          %get3A_1172 = arith.index_cast %mul3A_567 : i32 to index
          %get3A_1173 = arith.constant 80 : index
          %get3A_1174 = tpu.vector_load %arg15[%get3A_1172, %get3A_1173] {strides = array<i32>} : memref<56x128xi32, #tpu.memory_space<vmem>>, vector<16xi32>,
          %bitcast3A_1175 = vector.bitcast %get3A_1174 : vector<16xi32> to vector<32xbf16>
          %unpack3A_1176 = tpu.unpack_subelements %bitcast3A_1175, 0 {pack_format = #tpu.pack_format<interleaved>} : vector<32xbf16> -> vector<16xf32>
          %unpack3A_1177 = tpu.unpack_subelements %bitcast3A_1175, 1 {pack_format = #tpu.pack_format<interleaved>} : vector<32xbf16> -> vector<16xf32>
          %mul3A_1178 = arith.mulf %unpack3A_1176, %gather3A_596 : vector<16xf32>
          %mul3A_1179 = arith.mulf %unpack3A_1177, %gather3A_596 : vector<16xf32>
          %get3A_1180 = arith.index_cast %add3A_675 : i32 to index
          %get3A_1181 = arith.constant 80 : index
          %get3A_1182 = tpu.vector_load %arg15[%get3A_1180, %get3A_1181] {strides = array<i32>} : memref<56x128xi32, #tpu.memory_space<vmem>>, vector<16xi32>,
          %bitcast3A_1183 = vector.bitcast %get3A_1182 : vector<16xi32> to vector<32xbf16>
          %unpack3A_1184 = tpu.unpack_subelements %bitcast3A_1183, 0 {pack_format = #tpu.pack_format<interleaved>} : vector<32xbf16> -> vector<16xf32>
          %unpack3A_1185 = tpu.unpack_subelements %bitcast3A_1183, 1 {pack_format = #tpu.pack_format<interleaved>} : vector<32xbf16> -> vector<16xf32>
          %mul3A_1186 = arith.mulf %unpack3A_1184, %gather3A_607 : vector<16xf32>
          %add3A_1187 = arith.addf %mul3A_1178, %mul3A_1186 : vector<16xf32>
          %mul3A_1188 = arith.mulf %unpack3A_1185, %gather3A_607 : vector<16xf32>
          %add3A_1189 = arith.addf %mul3A_1179, %mul3A_1188 : vector<16xf32>
          %get3A_1190 = arith.index_cast %add3A_677 : i32 to index
          %get3A_1191 = arith.constant 80 : index
          %get3A_1192 = tpu.vector_load %arg15[%get3A_1190, %get3A_1191] {strides = array<i32>} : memref<56x128xi32, #tpu.memory_space<vmem>>, vector<16xi32>,
          %bitcast3A_1193 = vector.bitcast %get3A_1192 : vector<16xi32> to vector<32xbf16>
          %unpack3A_1194 = tpu.unpack_subelements %bitcast3A_1193, 0 {pack_format = #tpu.pack_format<interleaved>} : vector<32xbf16> -> vector<16xf32>
          %unpack3A_1195 = tpu.unpack_subelements %bitcast3A_1193, 1 {pack_format = #tpu.pack_format<interleaved>} : vector<32xbf16> -> vector<16xf32>
          %mul3A_1196 = arith.mulf %unpack3A_1194, %gather3A_618 : vector<16xf32>
          %add3A_1197 = arith.addf %add3A_1187, %mul3A_1196 : vector<16xf32>
          %mul3A_1198 = arith.mulf %unpack3A_1195, %gather3A_618 : vector<16xf32>
          %add3A_1199 = arith.addf %add3A_1189, %mul3A_1198 : vector<16xf32>
          %get3A_1200 = arith.index_cast %add3A_679 : i32 to index
          %get3A_1201 = arith.constant 80 : index
          %get3A_1202 = tpu.vector_load %arg15[%get3A_1200, %get3A_1201] {strides = array<i32>} : memref<56x128xi32, #tpu.memory_space<vmem>>, vector<16xi32>,
          %bitcast3A_1203 = vector.bitcast %get3A_1202 : vector<16xi32> to vector<32xbf16>
          %unpack3A_1204 = tpu.unpack_subelements %bitcast3A_1203, 0 {pack_format = #tpu.pack_format<interleaved>} : vector<32xbf16> -> vector<16xf32>
          %unpack3A_1205 = tpu.unpack_subelements %bitcast3A_1203, 1 {pack_format = #tpu.pack_format<interleaved>} : vector<32xbf16> -> vector<16xf32>
          %mul3A_1206 = arith.mulf %unpack3A_1204, %gather3A_629 : vector<16xf32>
          %add3A_1207 = arith.addf %add3A_1197, %mul3A_1206 : vector<16xf32>
          %mul3A_1208 = arith.mulf %unpack3A_1205, %gather3A_629 : vector<16xf32>
          %add3A_1209 = arith.addf %add3A_1199, %mul3A_1208 : vector<16xf32>
          %get3A_1210 = arith.index_cast %add3A_569 : i32 to index
          %get3A_1211 = arith.constant 80 : index
          %get3A_1212 = tpu.vector_load %arg15[%get3A_1210, %get3A_1211] {strides = array<i32>} : memref<56x128xi32, #tpu.memory_space<vmem>>, vector<16xi32>,
          %bitcast3A_1213 = vector.bitcast %get3A_1212 : vector<16xi32> to vector<32xbf16>
          %unpack3A_1214 = tpu.unpack_subelements %bitcast3A_1213, 0 {pack_format = #tpu.pack_format<interleaved>} : vector<32xbf16> -> vector<16xf32>
          %unpack3A_1215 = tpu.unpack_subelements %bitcast3A_1213, 1 {pack_format = #tpu.pack_format<interleaved>} : vector<32xbf16> -> vector<16xf32>
          %mul3A_1216 = arith.mulf %unpack3A_1214, %gather3A_640 : vector<16xf32>
          %add3A_1217 = arith.addf %add3A_1207, %mul3A_1216 : vector<16xf32>
          %mul3A_1218 = arith.mulf %unpack3A_1215, %gather3A_640 : vector<16xf32>
          %add3A_1219 = arith.addf %add3A_1209, %mul3A_1218 : vector<16xf32>
          %get3A_1220 = arith.index_cast %add3A_681 : i32 to index
          %get3A_1221 = arith.constant 80 : index
          %get3A_1222 = tpu.vector_load %arg15[%get3A_1220, %get3A_1221] {strides = array<i32>} : memref<56x128xi32, #tpu.memory_space<vmem>>, vector<16xi32>,
          %bitcast3A_1223 = vector.bitcast %get3A_1222 : vector<16xi32> to vector<32xbf16>
          %unpack3A_1224 = tpu.unpack_subelements %bitcast3A_1223, 0 {pack_format = #tpu.pack_format<interleaved>} : vector<32xbf16> -> vector<16xf32>
          %unpack3A_1225 = tpu.unpack_subelements %bitcast3A_1223, 1 {pack_format = #tpu.pack_format<interleaved>} : vector<32xbf16> -> vector<16xf32>
          %mul3A_1226 = arith.mulf %unpack3A_1224, %gather3A_651 : vector<16xf32>
          %add3A_1227 = arith.addf %add3A_1217, %mul3A_1226 : vector<16xf32>
          %mul3A_1228 = arith.mulf %unpack3A_1225, %gather3A_651 : vector<16xf32>
          %add3A_1229 = arith.addf %add3A_1219, %mul3A_1228 : vector<16xf32>
          %get3A_1230 = arith.index_cast %add3A_683 : i32 to index
          %get3A_1231 = arith.constant 80 : index
          %get3A_1232 = tpu.vector_load %arg15[%get3A_1230, %get3A_1231] {strides = array<i32>} : memref<56x128xi32, #tpu.memory_space<vmem>>, vector<16xi32>,
          %bitcast3A_1233 = vector.bitcast %get3A_1232 : vector<16xi32> to vector<32xbf16>
          %unpack3A_1234 = tpu.unpack_subelements %bitcast3A_1233, 0 {pack_format = #tpu.pack_format<interleaved>} : vector<32xbf16> -> vector<16xf32>
          %unpack3A_1235 = tpu.unpack_subelements %bitcast3A_1233, 1 {pack_format = #tpu.pack_format<interleaved>} : vector<32xbf16> -> vector<16xf32>
          %mul3A_1236 = arith.mulf %unpack3A_1234, %gather3A_662 : vector<16xf32>
          %add3A_1237 = arith.addf %add3A_1227, %mul3A_1236 : vector<16xf32>
          %mul3A_1238 = arith.mulf %unpack3A_1235, %gather3A_662 : vector<16xf32>
          %add3A_1239 = arith.addf %add3A_1229, %mul3A_1238 : vector<16xf32>
          %get3A_1240 = arith.index_cast %add3A_685 : i32 to index
          %get3A_1241 = arith.constant 80 : index
          %get3A_1242 = tpu.vector_load %arg15[%get3A_1240, %get3A_1241] {strides = array<i32>} : memref<56x128xi32, #tpu.memory_space<vmem>>, vector<16xi32>,
          %bitcast3A_1243 = vector.bitcast %get3A_1242 : vector<16xi32> to vector<32xbf16>
          %unpack3A_1244 = tpu.unpack_subelements %bitcast3A_1243, 0 {pack_format = #tpu.pack_format<interleaved>} : vector<32xbf16> -> vector<16xf32>
          %unpack3A_1245 = tpu.unpack_subelements %bitcast3A_1243, 1 {pack_format = #tpu.pack_format<interleaved>} : vector<32xbf16> -> vector<16xf32>
          %mul3A_1246 = arith.mulf %unpack3A_1244, %gather3A_673 : vector<16xf32>
          %add3A_1247 = arith.addf %add3A_1237, %mul3A_1246 : vector<16xf32>
          %mul3A_1248 = arith.mulf %unpack3A_1245, %gather3A_673 : vector<16xf32>
          %add3A_1249 = arith.addf %add3A_1239, %mul3A_1248 : vector<16xf32>
          %add3A_1250 = arith.addi %mul3A_550, %scan3A_564 : i32
          %get3A_1251 = arith.index_cast %add3A_1250 : i32 to index
          %get3A_1252 = arith.constant 160 : index
          %get3A_1253 = tpu.vector_load %arg16[%get3A_1251, %get3A_1252] {strides = array<i32>} : memref<49x256xf32, #tpu.memory_space<vmem>>, vector<16xf32>,
          %add3A_1254 = arith.addf %get3A_1253, %add3A_1247 : vector<16xf32>
          %add3A_1255 = arith.addi %mul3A_550, %scan3A_564 : i32
          %swap3A_1256 = arith.index_cast %add3A_1255 : i32 to index
          %swap3A_1257 = arith.constant 160 : index
          %swap3A_1258 = tpu.vector_load %arg16[%swap3A_1256, %swap3A_1257] {strides = array<i32>} : memref<49x256xf32, #tpu.memory_space<vmem>>, vector<16xf32>,
          tpu.vector_store %arg16[%swap3A_1256, %swap3A_1257], %add3A_1254 {strides = array<i32>} : memref<49x256xf32, #tpu.memory_space<vmem>>, vector<16xf32>,
          %add3A_1259 = arith.addi %mul3A_550, %scan3A_564 : i32
          %get3A_1260 = arith.index_cast %add3A_1259 : i32 to index
          %get3A_1261 = arith.constant 176 : index
          %get3A_1262 = tpu.vector_load %arg16[%get3A_1260, %get3A_1261] {strides = array<i32>} : memref<49x256xf32, #tpu.memory_space<vmem>>, vector<16xf32>,
          %add3A_1263 = arith.addf %get3A_1262, %add3A_1249 : vector<16xf32>
          %add3A_1264 = arith.addi %mul3A_550, %scan3A_564 : i32
          %swap3A_1265 = arith.index_cast %add3A_1264 : i32 to index
          %swap3A_1266 = arith.constant 176 : index
          %swap3A_1267 = tpu.vector_load %arg16[%swap3A_1265, %swap3A_1266] {strides = array<i32>} : memref<49x256xf32, #tpu.memory_space<vmem>>, vector<16xf32>,
          tpu.vector_store %arg16[%swap3A_1265, %swap3A_1266], %add3A_1263 {strides = array<i32>} : memref<49x256xf32, #tpu.memory_space<vmem>>, vector<16xf32>,
          %get3A_1268 = arith.index_cast %mul3A_567 : i32 to index
          %get3A_1269 = arith.constant 96 : index
          %get3A_1270 = tpu.vector_load %arg15[%get3A_1268, %get3A_1269] {strides = array<i32>} : memref<56x128xi32, #tpu.memory_space<vmem>>, vector<16xi32>,
          %bitcast3A_1271 = vector.bitcast %get3A_1270 : vector<16xi32> to vector<32xbf16>
          %unpack3A_1272 = tpu.unpack_subelements %bitcast3A_1271, 0 {pack_format = #tpu.pack_format<interleaved>} : vector<32xbf16> -> vector<16xf32>
          %unpack3A_1273 = tpu.unpack_subelements %bitcast3A_1271, 1 {pack_format = #tpu.pack_format<interleaved>} : vector<32xbf16> -> vector<16xf32>
          %mul3A_1274 = arith.mulf %unpack3A_1272, %gather3A_596 : vector<16xf32>
          %mul3A_1275 = arith.mulf %unpack3A_1273, %gather3A_596 : vector<16xf32>
          %get3A_1276 = arith.index_cast %add3A_675 : i32 to index
          %get3A_1277 = arith.constant 96 : index
          %get3A_1278 = tpu.vector_load %arg15[%get3A_1276, %get3A_1277] {strides = array<i32>} : memref<56x128xi32, #tpu.memory_space<vmem>>, vector<16xi32>,
          %bitcast3A_1279 = vector.bitcast %get3A_1278 : vector<16xi32> to vector<32xbf16>
          %unpack3A_1280 = tpu.unpack_subelements %bitcast3A_1279, 0 {pack_format = #tpu.pack_format<interleaved>} : vector<32xbf16> -> vector<16xf32>
          %unpack3A_1281 = tpu.unpack_subelements %bitcast3A_1279, 1 {pack_format = #tpu.pack_format<interleaved>} : vector<32xbf16> -> vector<16xf32>
          %mul3A_1282 = arith.mulf %unpack3A_1280, %gather3A_607 : vector<16xf32>
          %add3A_1283 = arith.addf %mul3A_1274, %mul3A_1282 : vector<16xf32>
          %mul3A_1284 = arith.mulf %unpack3A_1281, %gather3A_607 : vector<16xf32>
          %add3A_1285 = arith.addf %mul3A_1275, %mul3A_1284 : vector<16xf32>
          %get3A_1286 = arith.index_cast %add3A_677 : i32 to index
          %get3A_1287 = arith.constant 96 : index
          %get3A_1288 = tpu.vector_load %arg15[%get3A_1286, %get3A_1287] {strides = array<i32>} : memref<56x128xi32, #tpu.memory_space<vmem>>, vector<16xi32>,
          %bitcast3A_1289 = vector.bitcast %get3A_1288 : vector<16xi32> to vector<32xbf16>
          %unpack3A_1290 = tpu.unpack_subelements %bitcast3A_1289, 0 {pack_format = #tpu.pack_format<interleaved>} : vector<32xbf16> -> vector<16xf32>
          %unpack3A_1291 = tpu.unpack_subelements %bitcast3A_1289, 1 {pack_format = #tpu.pack_format<interleaved>} : vector<32xbf16> -> vector<16xf32>
          %mul3A_1292 = arith.mulf %unpack3A_1290, %gather3A_618 : vector<16xf32>
          %add3A_1293 = arith.addf %add3A_1283, %mul3A_1292 : vector<16xf32>
          %mul3A_1294 = arith.mulf %unpack3A_1291, %gather3A_618 : vector<16xf32>
          %add3A_1295 = arith.addf %add3A_1285, %mul3A_1294 : vector<16xf32>
          %get3A_1296 = arith.index_cast %add3A_679 : i32 to index
          %get3A_1297 = arith.constant 96 : index
          %get3A_1298 = tpu.vector_load %arg15[%get3A_1296, %get3A_1297] {strides = array<i32>} : memref<56x128xi32, #tpu.memory_space<vmem>>, vector<16xi32>,
          %bitcast3A_1299 = vector.bitcast %get3A_1298 : vector<16xi32> to vector<32xbf16>
          %unpack3A_1300 = tpu.unpack_subelements %bitcast3A_1299, 0 {pack_format = #tpu.pack_format<interleaved>} : vector<32xbf16> -> vector<16xf32>
          %unpack3A_1301 = tpu.unpack_subelements %bitcast3A_1299, 1 {pack_format = #tpu.pack_format<interleaved>} : vector<32xbf16> -> vector<16xf32>
          %mul3A_1302 = arith.mulf %unpack3A_1300, %gather3A_629 : vector<16xf32>
          %add3A_1303 = arith.addf %add3A_1293, %mul3A_1302 : vector<16xf32>
          %mul3A_1304 = arith.mulf %unpack3A_1301, %gather3A_629 : vector<16xf32>
          %add3A_1305 = arith.addf %add3A_1295, %mul3A_1304 : vector<16xf32>
          %get3A_1306 = arith.index_cast %add3A_569 : i32 to index
          %get3A_1307 = arith.constant 96 : index
          %get3A_1308 = tpu.vector_load %arg15[%get3A_1306, %get3A_1307] {strides = array<i32>} : memref<56x128xi32, #tpu.memory_space<vmem>>, vector<16xi32>,
          %bitcast3A_1309 = vector.bitcast %get3A_1308 : vector<16xi32> to vector<32xbf16>
          %unpack3A_1310 = tpu.unpack_subelements %bitcast3A_1309, 0 {pack_format = #tpu.pack_format<interleaved>} : vector<32xbf16> -> vector<16xf32>
          %unpack3A_1311 = tpu.unpack_subelements %bitcast3A_1309, 1 {pack_format = #tpu.pack_format<interleaved>} : vector<32xbf16> -> vector<16xf32>
          %mul3A_1312 = arith.mulf %unpack3A_1310, %gather3A_640 : vector<16xf32>
          %add3A_1313 = arith.addf %add3A_1303, %mul3A_1312 : vector<16xf32>
          %mul3A_1314 = arith.mulf %unpack3A_1311, %gather3A_640 : vector<16xf32>
          %add3A_1315 = arith.addf %add3A_1305, %mul3A_1314 : vector<16xf32>
          %get3A_1316 = arith.index_cast %add3A_681 : i32 to index
          %get3A_1317 = arith.constant 96 : index
          %get3A_1318 = tpu.vector_load %arg15[%get3A_1316, %get3A_1317] {strides = array<i32>} : memref<56x128xi32, #tpu.memory_space<vmem>>, vector<16xi32>,
          %bitcast3A_1319 = vector.bitcast %get3A_1318 : vector<16xi32> to vector<32xbf16>
          %unpack3A_1320 = tpu.unpack_subelements %bitcast3A_1319, 0 {pack_format = #tpu.pack_format<interleaved>} : vector<32xbf16> -> vector<16xf32>
          %unpack3A_1321 = tpu.unpack_subelements %bitcast3A_1319, 1 {pack_format = #tpu.pack_format<interleaved>} : vector<32xbf16> -> vector<16xf32>
          %mul3A_1322 = arith.mulf %unpack3A_1320, %gather3A_651 : vector<16xf32>
          %add3A_1323 = arith.addf %add3A_1313, %mul3A_1322 : vector<16xf32>
          %mul3A_1324 = arith.mulf %unpack3A_1321, %gather3A_651 : vector<16xf32>
          %add3A_1325 = arith.addf %add3A_1315, %mul3A_1324 : vector<16xf32>
          %get3A_1326 = arith.index_cast %add3A_683 : i32 to index
          %get3A_1327 = arith.constant 96 : index
          %get3A_1328 = tpu.vector_load %arg15[%get3A_1326, %get3A_1327] {strides = array<i32>} : memref<56x128xi32, #tpu.memory_space<vmem>>, vector<16xi32>,
          %bitcast3A_1329 = vector.bitcast %get3A_1328 : vector<16xi32> to vector<32xbf16>
          %unpack3A_1330 = tpu.unpack_subelements %bitcast3A_1329, 0 {pack_format = #tpu.pack_format<interleaved>} : vector<32xbf16> -> vector<16xf32>
          %unpack3A_1331 = tpu.unpack_subelements %bitcast3A_1329, 1 {pack_format = #tpu.pack_format<interleaved>} : vector<32xbf16> -> vector<16xf32>
          %mul3A_1332 = arith.mulf %unpack3A_1330, %gather3A_662 : vector<16xf32>
          %add3A_1333 = arith.addf %add3A_1323, %mul3A_1332 : vector<16xf32>
          %mul3A_1334 = arith.mulf %unpack3A_1331, %gather3A_662 : vector<16xf32>
          %add3A_1335 = arith.addf %add3A_1325, %mul3A_1334 : vector<16xf32>
          %get3A_1336 = arith.index_cast %add3A_685 : i32 to index
          %get3A_1337 = arith.constant 96 : index
          %get3A_1338 = tpu.vector_load %arg15[%get3A_1336, %get3A_1337] {strides = array<i32>} : memref<56x128xi32, #tpu.memory_space<vmem>>, vector<16xi32>,
          %bitcast3A_1339 = vector.bitcast %get3A_1338 : vector<16xi32> to vector<32xbf16>
          %unpack3A_1340 = tpu.unpack_subelements %bitcast3A_1339, 0 {pack_format = #tpu.pack_format<interleaved>} : vector<32xbf16> -> vector<16xf32>
          %unpack3A_1341 = tpu.unpack_subelements %bitcast3A_1339, 1 {pack_format = #tpu.pack_format<interleaved>} : vector<32xbf16> -> vector<16xf32>
          %mul3A_1342 = arith.mulf %unpack3A_1340, %gather3A_673 : vector<16xf32>
          %add3A_1343 = arith.addf %add3A_1333, %mul3A_1342 : vector<16xf32>
          %mul3A_1344 = arith.mulf %unpack3A_1341, %gather3A_673 : vector<16xf32>
          %add3A_1345 = arith.addf %add3A_1335, %mul3A_1344 : vector<16xf32>
          %add3A_1346 = arith.addi %mul3A_550, %scan3A_564 : i32
          %get3A_1347 = arith.index_cast %add3A_1346 : i32 to index
          %get3A_1348 = arith.constant 192 : index
          %get3A_1349 = tpu.vector_load %arg16[%get3A_1347, %get3A_1348] {strides = array<i32>} : memref<49x256xf32, #tpu.memory_space<vmem>>, vector<16xf32>,
          %add3A_1350 = arith.addf %get3A_1349, %add3A_1343 : vector<16xf32>
          %add3A_1351 = arith.addi %mul3A_550, %scan3A_564 : i32
          %swap3A_1352 = arith.index_cast %add3A_1351 : i32 to index
          %swap3A_1353 = arith.constant 192 : index
          %swap3A_1354 = tpu.vector_load %arg16[%swap3A_1352, %swap3A_1353] {strides = array<i32>} : memref<49x256xf32, #tpu.memory_space<vmem>>, vector<16xf32>,
          tpu.vector_store %arg16[%swap3A_1352, %swap3A_1353], %add3A_1350 {strides = array<i32>} : memref<49x256xf32, #tpu.memory_space<vmem>>, vector<16xf32>,
          %add3A_1355 = arith.addi %mul3A_550, %scan3A_564 : i32
          %get3A_1356 = arith.index_cast %add3A_1355 : i32 to index
          %get3A_1357 = arith.constant 208 : index
          %get3A_1358 = tpu.vector_load %arg16[%get3A_1356, %get3A_1357] {strides = array<i32>} : memref<49x256xf32, #tpu.memory_space<vmem>>, vector<16xf32>,
          %add3A_1359 = arith.addf %get3A_1358, %add3A_1345 : vector<16xf32>
          %add3A_1360 = arith.addi %mul3A_550, %scan3A_564 : i32
          %swap3A_1361 = arith.index_cast %add3A_1360 : i32 to index
          %swap3A_1362 = arith.constant 208 : index
          %swap3A_1363 = tpu.vector_load %arg16[%swap3A_1361, %swap3A_1362] {strides = array<i32>} : memref<49x256xf32, #tpu.memory_space<vmem>>, vector<16xf32>,
          tpu.vector_store %arg16[%swap3A_1361, %swap3A_1362], %add3A_1359 {strides = array<i32>} : memref<49x256xf32, #tpu.memory_space<vmem>>, vector<16xf32>,
          %get3A_1364 = arith.index_cast %mul3A_567 : i32 to index
          %get3A_1365 = arith.constant 112 : index
          %get3A_1366 = tpu.vector_load %arg15[%get3A_1364, %get3A_1365] {strides = array<i32>} : memref<56x128xi32, #tpu.memory_space<vmem>>, vector<16xi32>,
          %bitcast3A_1367 = vector.bitcast %get3A_1366 : vector<16xi32> to vector<32xbf16>
          %unpack3A_1368 = tpu.unpack_subelements %bitcast3A_1367, 0 {pack_format = #tpu.pack_format<interleaved>} : vector<32xbf16> -> vector<16xf32>
          %unpack3A_1369 = tpu.unpack_subelements %bitcast3A_1367, 1 {pack_format = #tpu.pack_format<interleaved>} : vector<32xbf16> -> vector<16xf32>
          %mul3A_1370 = arith.mulf %unpack3A_1368, %gather3A_596 : vector<16xf32>
          %mul3A_1371 = arith.mulf %unpack3A_1369, %gather3A_596 : vector<16xf32>
          %get3A_1372 = arith.index_cast %add3A_675 : i32 to index
          %get3A_1373 = arith.constant 112 : index
          %get3A_1374 = tpu.vector_load %arg15[%get3A_1372, %get3A_1373] {strides = array<i32>} : memref<56x128xi32, #tpu.memory_space<vmem>>, vector<16xi32>,
          %bitcast3A_1375 = vector.bitcast %get3A_1374 : vector<16xi32> to vector<32xbf16>
          %unpack3A_1376 = tpu.unpack_subelements %bitcast3A_1375, 0 {pack_format = #tpu.pack_format<interleaved>} : vector<32xbf16> -> vector<16xf32>
          %unpack3A_1377 = tpu.unpack_subelements %bitcast3A_1375, 1 {pack_format = #tpu.pack_format<interleaved>} : vector<32xbf16> -> vector<16xf32>
          %mul3A_1378 = arith.mulf %unpack3A_1376, %gather3A_607 : vector<16xf32>
          %add3A_1379 = arith.addf %mul3A_1370, %mul3A_1378 : vector<16xf32>
          %mul3A_1380 = arith.mulf %unpack3A_1377, %gather3A_607 : vector<16xf32>
          %add3A_1381 = arith.addf %mul3A_1371, %mul3A_1380 : vector<16xf32>
          %get3A_1382 = arith.index_cast %add3A_677 : i32 to index
          %get3A_1383 = arith.constant 112 : index
          %get3A_1384 = tpu.vector_load %arg15[%get3A_1382, %get3A_1383] {strides = array<i32>} : memref<56x128xi32, #tpu.memory_space<vmem>>, vector<16xi32>,
          %bitcast3A_1385 = vector.bitcast %get3A_1384 : vector<16xi32> to vector<32xbf16>
          %unpack3A_1386 = tpu.unpack_subelements %bitcast3A_1385, 0 {pack_format = #tpu.pack_format<interleaved>} : vector<32xbf16> -> vector<16xf32>
          %unpack3A_1387 = tpu.unpack_subelements %bitcast3A_1385, 1 {pack_format = #tpu.pack_format<interleaved>} : vector<32xbf16> -> vector<16xf32>
          %mul3A_1388 = arith.mulf %unpack3A_1386, %gather3A_618 : vector<16xf32>
          %add3A_1389 = arith.addf %add3A_1379, %mul3A_1388 : vector<16xf32>
          %mul3A_1390 = arith.mulf %unpack3A_1387, %gather3A_618 : vector<16xf32>
          %add3A_1391 = arith.addf %add3A_1381, %mul3A_1390 : vector<16xf32>
          %get3A_1392 = arith.index_cast %add3A_679 : i32 to index
          %get3A_1393 = arith.constant 112 : index
          %get3A_1394 = tpu.vector_load %arg15[%get3A_1392, %get3A_1393] {strides = array<i32>} : memref<56x128xi32, #tpu.memory_space<vmem>>, vector<16xi32>,
          %bitcast3A_1395 = vector.bitcast %get3A_1394 : vector<16xi32> to vector<32xbf16>
          %unpack3A_1396 = tpu.unpack_subelements %bitcast3A_1395, 0 {pack_format = #tpu.pack_format<interleaved>} : vector<32xbf16> -> vector<16xf32>
          %unpack3A_1397 = tpu.unpack_subelements %bitcast3A_1395, 1 {pack_format = #tpu.pack_format<interleaved>} : vector<32xbf16> -> vector<16xf32>
          %mul3A_1398 = arith.mulf %unpack3A_1396, %gather3A_629 : vector<16xf32>
          %add3A_1399 = arith.addf %add3A_1389, %mul3A_1398 : vector<16xf32>
          %mul3A_1400 = arith.mulf %unpack3A_1397, %gather3A_629 : vector<16xf32>
          %add3A_1401 = arith.addf %add3A_1391, %mul3A_1400 : vector<16xf32>
          %get3A_1402 = arith.index_cast %add3A_569 : i32 to index
          %get3A_1403 = arith.constant 112 : index
          %get3A_1404 = tpu.vector_load %arg15[%get3A_1402, %get3A_1403] {strides = array<i32>} : memref<56x128xi32, #tpu.memory_space<vmem>>, vector<16xi32>,
          %bitcast3A_1405 = vector.bitcast %get3A_1404 : vector<16xi32> to vector<32xbf16>
          %unpack3A_1406 = tpu.unpack_subelements %bitcast3A_1405, 0 {pack_format = #tpu.pack_format<interleaved>} : vector<32xbf16> -> vector<16xf32>
          %unpack3A_1407 = tpu.unpack_subelements %bitcast3A_1405, 1 {pack_format = #tpu.pack_format<interleaved>} : vector<32xbf16> -> vector<16xf32>
          %mul3A_1408 = arith.mulf %unpack3A_1406, %gather3A_640 : vector<16xf32>
          %add3A_1409 = arith.addf %add3A_1399, %mul3A_1408 : vector<16xf32>
          %mul3A_1410 = arith.mulf %unpack3A_1407, %gather3A_640 : vector<16xf32>
          %add3A_1411 = arith.addf %add3A_1401, %mul3A_1410 : vector<16xf32>
          %get3A_1412 = arith.index_cast %add3A_681 : i32 to index
          %get3A_1413 = arith.constant 112 : index
          %get3A_1414 = tpu.vector_load %arg15[%get3A_1412, %get3A_1413] {strides = array<i32>} : memref<56x128xi32, #tpu.memory_space<vmem>>, vector<16xi32>,
          %bitcast3A_1415 = vector.bitcast %get3A_1414 : vector<16xi32> to vector<32xbf16>
          %unpack3A_1416 = tpu.unpack_subelements %bitcast3A_1415, 0 {pack_format = #tpu.pack_format<interleaved>} : vector<32xbf16> -> vector<16xf32>
          %unpack3A_1417 = tpu.unpack_subelements %bitcast3A_1415, 1 {pack_format = #tpu.pack_format<interleaved>} : vector<32xbf16> -> vector<16xf32>
          %mul3A_1418 = arith.mulf %unpack3A_1416, %gather3A_651 : vector<16xf32>
          %add3A_1419 = arith.addf %add3A_1409, %mul3A_1418 : vector<16xf32>
          %mul3A_1420 = arith.mulf %unpack3A_1417, %gather3A_651 : vector<16xf32>
          %add3A_1421 = arith.addf %add3A_1411, %mul3A_1420 : vector<16xf32>
          %get3A_1422 = arith.index_cast %add3A_683 : i32 to index
          %get3A_1423 = arith.constant 112 : index
          %get3A_1424 = tpu.vector_load %arg15[%get3A_1422, %get3A_1423] {strides = array<i32>} : memref<56x128xi32, #tpu.memory_space<vmem>>, vector<16xi32>,
          %bitcast3A_1425 = vector.bitcast %get3A_1424 : vector<16xi32> to vector<32xbf16>
          %unpack3A_1426 = tpu.unpack_subelements %bitcast3A_1425, 0 {pack_format = #tpu.pack_format<interleaved>} : vector<32xbf16> -> vector<16xf32>
          %unpack3A_1427 = tpu.unpack_subelements %bitcast3A_1425, 1 {pack_format = #tpu.pack_format<interleaved>} : vector<32xbf16> -> vector<16xf32>
          %mul3A_1428 = arith.mulf %unpack3A_1426, %gather3A_662 : vector<16xf32>
          %add3A_1429 = arith.addf %add3A_1419, %mul3A_1428 : vector<16xf32>
          %mul3A_1430 = arith.mulf %unpack3A_1427, %gather3A_662 : vector<16xf32>
          %add3A_1431 = arith.addf %add3A_1421, %mul3A_1430 : vector<16xf32>
          %get3A_1432 = arith.index_cast %add3A_685 : i32 to index
          %get3A_1433 = arith.constant 112 : index
          %get3A_1434 = tpu.vector_load %arg15[%get3A_1432, %get3A_1433] {strides = array<i32>} : memref<56x128xi32, #tpu.memory_space<vmem>>, vector<16xi32>,
          %bitcast3A_1435 = vector.bitcast %get3A_1434 : vector<16xi32> to vector<32xbf16>
          %unpack3A_1436 = tpu.unpack_subelements %bitcast3A_1435, 0 {pack_format = #tpu.pack_format<interleaved>} : vector<32xbf16> -> vector<16xf32>
          %unpack3A_1437 = tpu.unpack_subelements %bitcast3A_1435, 1 {pack_format = #tpu.pack_format<interleaved>} : vector<32xbf16> -> vector<16xf32>
          %mul3A_1438 = arith.mulf %unpack3A_1436, %gather3A_673 : vector<16xf32>
          %add3A_1439 = arith.addf %add3A_1429, %mul3A_1438 : vector<16xf32>
          %mul3A_1440 = arith.mulf %unpack3A_1437, %gather3A_673 : vector<16xf32>
          %add3A_1441 = arith.addf %add3A_1431, %mul3A_1440 : vector<16xf32>
          %add3A_1442 = arith.addi %mul3A_550, %scan3A_564 : i32
          %get3A_1443 = arith.index_cast %add3A_1442 : i32 to index
          %get3A_1444 = arith.constant 224 : index
          %get3A_1445 = tpu.vector_load %arg16[%get3A_1443, %get3A_1444] {strides = array<i32>} : memref<49x256xf32, #tpu.memory_space<vmem>>, vector<16xf32>,
          %add3A_1446 = arith.addf %get3A_1445, %add3A_1439 : vector<16xf32>
          %add3A_1447 = arith.addi %mul3A_550, %scan3A_564 : i32
          %swap3A_1448 = arith.index_cast %add3A_1447 : i32 to index
          %swap3A_1449 = arith.constant 224 : index
          %swap3A_1450 = tpu.vector_load %arg16[%swap3A_1448, %swap3A_1449] {strides = array<i32>} : memref<49x256xf32, #tpu.memory_space<vmem>>, vector<16xf32>,
          tpu.vector_store %arg16[%swap3A_1448, %swap3A_1449], %add3A_1446 {strides = array<i32>} : memref<49x256xf32, #tpu.memory_space<vmem>>, vector<16xf32>,
          %add3A_1451 = arith.addi %mul3A_550, %scan3A_564 : i32
          %get3A_1452 = arith.index_cast %add3A_1451 : i32 to index
          %get3A_1453 = arith.constant 240 : index
          %get3A_1454 = tpu.vector_load %arg16[%get3A_1452, %get3A_1453] {strides = array<i32>} : memref<49x256xf32, #tpu.memory_space<vmem>>, vector<16xf32>,
          %add3A_1455 = arith.addf %get3A_1454, %add3A_1441 : vector<16xf32>
          %add3A_1456 = arith.addi %mul3A_550, %scan3A_564 : i32
          %swap3A_1457 = arith.index_cast %add3A_1456 : i32 to index
          %swap3A_1458 = arith.constant 240 : index
          %swap3A_1459 = tpu.vector_load %arg16[%swap3A_1457, %swap3A_1458] {strides = array<i32>} : memref<49x256xf32, #tpu.memory_space<vmem>>, vector<16xf32>,
          tpu.vector_store %arg16[%swap3A_1457, %swap3A_1458], %add3A_1455 {strides = array<i32>} : memref<49x256xf32, #tpu.memory_space<vmem>>, vector<16xf32>,
        } else {
        }
        %scan3A_693 = arith.constant 0 : i32
        scf.yield %scan3A_693 : i32
      }
      %scan3A_557 = arith.constant 7 : i32
      %eq3A_558 = arith.constant 13 : i32
      %eq3A_559 = arith.cmpi eq, %sub3A_519, %eq3A_558 : i32
      %convert_element_type3A_560 = arith.extui %eq3A_559 : i1 to i32
      %cond3A_561 = arith.constant 0 : i32
      %cond3A_562 = arith.cmpi ne, %convert_element_type3A_560, %cond3A_561 : i32
      scf.if %cond3A_562 {
        %add3A_564 = arith.addi %mul3A_2, %select_n3A_516 : i32
        "tpu.region"() ({
          %run_scoped3A = tpu.sem_alloc : memref<!tpu.dma_semaphore, #tpu.memory_space<semaphore_mem>>
          %dma_start3A_565 = arith.constant 0 : i32
          %dma_start3A_566 = arith.constant 0 : i32
          %dma_start3A_567 = tpu.memref_slice %arg4[%add3A_564, %dma_start3A_565, %dma_start3A_566] : memref<512x49x256xf32, #tpu.memory_space<hbm>> -> memref<1x49x256xf32, #tpu.memory_space<hbm>>
          %dma_start3A_568 = tpu.memref_squeeze %dma_start3A_567 : memref<1x49x256xf32, #tpu.memory_space<hbm>> -> memref<49x256xf32, #tpu.memory_space<hbm>>
          %dma_start3A_569 = arith.constant 0 : i32
          %dma_start3A_570 = arith.constant 0 : i32
          %dma_start3A_571 = tpu.memref_slice %arg4[%add3A_564, %dma_start3A_569, %dma_start3A_570] : memref<512x49x256xf32, #tpu.memory_space<hbm>> -> memref<1x49x256xf32, #tpu.memory_space<hbm>>
          %dma_start3A_572 = tpu.memref_squeeze %dma_start3A_571 : memref<1x49x256xf32, #tpu.memory_space<hbm>> -> memref<49x256xf32, #tpu.memory_space<hbm>>
          tpu.enqueue_dma source(%arg16 : memref<49x256xf32, #tpu.memory_space<vmem>>) target(%dma_start3A_572 : memref<49x256xf32, #tpu.memory_space<hbm>>) target_semaphore(%run_scoped3A : memref<!tpu.dma_semaphore, #tpu.memory_space<semaphore_mem>>)
          %dma_wait3A_573 = arith.constant 0 : i32
          %dma_wait3A_574 = arith.constant 0 : i32
          %dma_wait3A_575 = tpu.memref_slice %arg4[%add3A_564, %dma_wait3A_573, %dma_wait3A_574] : memref<512x49x256xf32, #tpu.memory_space<hbm>> -> memref<1x49x256xf32, #tpu.memory_space<hbm>>
          %dma_wait3A_576 = tpu.memref_squeeze %dma_wait3A_575 : memref<1x49x256xf32, #tpu.memory_space<hbm>> -> memref<49x256xf32, #tpu.memory_space<hbm>>
          %dma_wait3A_577 = arith.constant 0 : i32
          %dma_wait3A_578 = arith.constant 0 : i32
          %dma_wait3A_579 = tpu.memref_slice %arg4[%add3A_564, %dma_wait3A_577, %dma_wait3A_578] : memref<512x49x256xf32, #tpu.memory_space<hbm>> -> memref<1x49x256xf32, #tpu.memory_space<hbm>>
          %dma_wait3A_580 = tpu.memref_squeeze %dma_wait3A_579 : memref<1x49x256xf32, #tpu.memory_space<hbm>> -> memref<49x256xf32, #tpu.memory_space<hbm>>
          tpu.wait_dma2 semaphore(%run_scoped3A : memref<!tpu.dma_semaphore, #tpu.memory_space<semaphore_mem>>) src(%arg16 : memref<49x256xf32, #tpu.memory_space<vmem>>) dst(%dma_wait3A_580 : memref<49x256xf32, #tpu.memory_space<hbm>>)
          tpu.yield
        }) : () -> ()
      } else {
      }
      %scan3A_563 = arith.constant 0 : i32
      scf.yield %scan3A_563 : i32
    }
    %scan3A_256 = arith.constant 112 : i32
    return
  }
}

</mosaic_0001>

<sc_bundles>
// kernel: kernel.3.cloned.1.call-start
scs
__scs_entry_jumppad:
0x0: {  	(pc) =	sbr.rel $0x88, $3  }
0x1: {  	(tag) =	ssettag $0x0;
	lr =	simm.s32 $0x1  }
0x2: {  	[smem:$0x3F9C] =	sst lr;
	_ =	strace $0xD0000000  }
0x3: {  	_ = 	snop  }
0x4: {  	_ = 	snop  }
0x5: {  	_ = 	snop  }
0x6: {  	_ = 	snop  }
0x7: {  	_ = 	snop  }
__scs_overlays_trampoline_lowered:
0x8: {  	[smem:$0x3FAB] =	sst s0  }
0x9: {  	[smem:$0x3FAC] =	sst s1  }
0xa: {  	[smem:$0x3FAD] =	sst s2  }
0xb: {  	[smem:$0x3FAE] =	sst s3  }
0xc: {  	[smem:$0x3FAF] =	sst s4  }
0xd: {  	[smem:$0x3FB0] =	sst s5  }
0xe: {  	[smem:$0x3FB1] =	sst s6  }
0xf: {  	[smem:$0x3FB2] =	sst s7  }
0x10: {  	[smem:$0x3FB3] =	sst s8  }
0x11: {  	[smem:$0x3FB4] =	sst s9;
	s0 =	simm.s32 @!p0 $0x0  }
0x12: {  	s1 =	sld [smem:$0x3F9A];
	s0 =	simm.s32 @p0 $0x1  }
0x13: {  	[smem:$0x3FB5] =	sst s0;
	s0 =	simm.s32 @!p1 $0x0  }
0x14: {  	s2 =	sld [smem:$0x3F99];
	s0 =	simm.s32 @p1 $0x1  }
0x15: {  	[smem:$0x3FB6] =	sst s0;
	s0 =	simm.s32 @!p2 $0x0  }
0x16: {  	s3 =	sld [smem:$0x3FDB];
	s0 =	simm.s32 @p2 $0x1  }
0x17: {  	s4 =	simm.s32 $0x1BF5;
	[smem:$0x3FB8] =	sst s0  }
0x18: {  	s0 =	sld [smem:$0x3F9B];
	_ =	swait.ge [sflag:s4], $0x0  }
0x19: {  	s7 =	sld [smem:$0x3F9C]  }
0x1a: {  	s8 =	sadd.s32 $0xFFFFE003, lr  }
0x1b: {  	s9 =	sadd.s32 $0xFFFFFEF7, lr;
	s5 =	simm.s32 $0xFFFFFFFF;
	p2 =	slt.u32 s8, $0xFFFFF086  }
0x1c: {  	p1 =	slt.u32 s9, $0xF7A;
	s5 =	simm.s32 @!p2 $0x0  }
0x1d: {  	s5 =	simm.s32 @p1 $0x1;
	p0 =	seq.s32 s7, s2  }
0x1e: {  	s7 =	smul.u32 @!p0 $0xF7A, s2;
	p2 =	seq.s32 @!p0 s5, $0x0  }
0x1f: {  	s9 =	smul.u32 $0xF7A, s1;
	s8 =	simm.s32 @!p0 $0x1BF5;
	p2 =	por !p2, p0  }
0x20: {  	[sflag:s8] =	ssyncset.s32 @!p0 $0xFFFFF086;
	s6 =	sadd.s32 @!p0 s3, s7;
	s7 =	simm.s32 @!p0 $0x108  }
0x21: {  	s3 =	sadd.s32 s3, s9;
	s6 =	sadd.s32 @!p0 $0x88, s6;
	s7 =	simm.s32 @p2 $0x1082  }
0x22: {  	[simem:s7], [sflag:s8] =	dma.local @!p0 [hbm:s6], $0xF7A  }
0x23: {  	s9 =	sor.u32 $0xD0000000, s2;
	s6 =	simm.s32 $0x108;
	_ =	swait.ge @!p0 [sflag:s8], $0x0  }
0x24: {  	s3 =	sadd.s32 $0x88, s3;
	s6 =	simm.s32 @!p1 $0x1082;
	[sflag:s4] =	ssyncset.s32 $0xFFFFF086  }
0x25: {  	[simem:s6], [sflag:s4] =	dma.local [hbm:s3], $0xF7A  }
0x26: {  	[smem:$0x3F9C] =	sst s1;
	(tag) =	ssettag s2;
	_ =	strace s9  }
0x27: {  	s1 =	sld [smem:$0x3FAC]  }
0x28: {  	s2 =	sld [smem:$0x3FAD]  }
0x29: {  	s4 =	sld [smem:$0x3FAF]  }
0x2a: {  	p0 =	seq.s32 s5, $0x0;
	s5 =	sld [smem:$0x3FB0]  }
0x2b: {  	s6 =	sld [smem:$0x3FB1]  }
0x2c: {  	s7 =	sld [smem:$0x3FB2]  }
0x2d: {  	s3 =	simm.s32 $0x108;
	s8 =	sld [smem:$0x3FB3]  }
0x2e: {  	s3 =	simm.s32 @!p0 $0x1082;
	s9 =	sld [smem:$0x3FB4]  }
0x2f: {  	lr =	sadd.s32 s0, s3;
	s0 =	sld [smem:$0x3FAB]  }
0x30: {  	s3 =	sld [smem:$0x3FAE]  }
0x31: {  	[smem:$0x3FB7] =	sst s10  }
0x32: {  	s10 =	sld [smem:$0x3FB5];
	_ =	sdelay $0x3  }
0x33: {  	p0 =	seq.s32 s10, $0x1;
	s10 =	sld [smem:$0x3FB7];
	_ =	sdelay $0x3  }
0x34: {  	[smem:$0x3FB7] =	sst s10  }
0x35: {  	s10 =	sld [smem:$0x3FB6];
	_ =	sdelay $0x3  }
0x36: {  	p1 =	seq.s32 s10, $0x1;
	s10 =	sld [smem:$0x3FB7];
	_ =	sdelay $0x3  }
0x37: {  	[smem:$0x3FB7] =	sst s10  }
0x38: {  	s10 =	sld [smem:$0x3FB8]  }
0x39: {  	_ = 	snop;
	(pc) =	sbr.ind lr, $3  }
0x3a: {  	_ = 	snop  }
0x3b: {  	_ = 	snop  }
0x3c: {  	p2 =	seq.s32 s10, $0x1;
	s10 =	sld [smem:$0x3FB7]  }
0x3d: {  	_ =	shalt  }
0x3e: {  	_ =	shalt  }
0x3f: {  	_ =	shalt  }
0x40: {  	_ =	shalt  }
0x41: {  	_ =	shalt  }
0x42: {  	_ =	shalt  }
0x43: {  	_ =	shalt  }
0x44: {  	_ =	shalt  }
0x45: {  	_ =	shalt  }
0x46: {  	_ =	shalt  }
0x47: {  	_ =	shalt  }
0x48: {  	_ =	shalt  }
0x49: {  	_ =	shalt  }
0x4a: {  	_ =	shalt  }
0x4b: {  	_ =	shalt  }
0x4c: {  	_ =	shalt  }
0x4d: {  	_ =	shalt  }
0x4e: {  	_ =	shalt  }
0x4f: {  	_ =	shalt  }
0x50: {  	_ =	shalt  }
0x51: {  	_ =	shalt  }
0x52: {  	_ =	shalt  }
0x53: {  	_ =	shalt  }
0x54: {  	_ =	shalt  }
0x55: {  	_ =	shalt  }
0x56: {  	_ =	shalt  }
0x57: {  	_ =	shalt  }
0x58: {  	_ =	shalt  }
0x59: {  	_ =	shalt  }
0x5a: {  	_ =	shalt  }
0x5b: {  	_ =	shalt  }
0x5c: {  	_ =	shalt  }
0x5d: {  	_ =	shalt  }
0x5e: {  	_ =	shalt  }
0x5f: {  	_ =	shalt  }
0x60: {  	_ =	shalt  }
0x61: {  	_ =	shalt  }
0x62: {  	_ =	shalt  }
0x63: {  	_ =	shalt  }
0x64: {  	_ =	shalt  }
0x65: {  	_ =	shalt  }
0x66: {  	_ =	shalt  }
0x67: {  	_ =	shalt  }
0x68: {  	_ =	shalt  }
0x69: {  	_ =	shalt  }
0x6a: {  	_ =	shalt  }
0x6b: {  	_ =	shalt  }
0x6c: {  	_ =	shalt  }
0x6d: {  	_ =	shalt  }
0x6e: {  	_ =	shalt  }
0x6f: {  	_ =	shalt  }
0x70: {  	_ =	shalt  }
0x71: {  	_ =	shalt  }
0x72: {  	_ =	shalt  }
0x73: {  	_ =	shalt  }
0x74: {  	_ =	shalt  }
0x75: {  	_ =	shalt  }
0x76: {  	_ =	shalt  }
0x77: {  	_ =	shalt  }
0x78: {  	_ =	shalt  }
0x79: {  	_ =	shalt  }
0x7a: {  	_ =	shalt  }
0x7b: {  	_ =	shalt  }
0x7c: {  	_ =	shalt  }
0x7d: {  	_ =	shalt  }
0x7e: {  	_ =	shalt  }
0x7f: {  	_ =	shalt  }
0x80: {  	_ =	shalt  }
0x81: {  	_ =	shalt  }
0x82: {  	_ =	shalt  }
0x83: {  	_ =	shalt  }
0x84: {  	_ =	shalt  }
0x85: {  	_ =	shalt  }
0x86: {  	_ =	shalt  }
0x87: {  	_ =	shalt  }
.Lfunc_end0:
.L_simem_size_0:
called_computation_lowered:
.L_overlay_start_0:
0x88: {  	s2 =	sld [smem:$0x3FD9]  }
0x89: {  	s3 =	sld [smem:$0x3FFE];
	_ =	sdelay $0x1  }
0x8a: {  	s1 =	srdreg.scid  }
0x8b: {  	s0 =	sand.u32 $0x1, s1  }
0x8c: {  	s16 =	sshll.u32 s0, $0xA;
	s2 =	sadd.s32 s3, s2  }
0x8d: {  	s2 =	sadd.s32 s2, s16  }
0x8e: {  	[smem:$0x3FC3] =	sst s2  }
0x8f: {  	_ = 	snop  }
0x90: {  	(tm) =	ssettm $0x1  }
0x91: {  	s17 =	sld [smem:$0x3FFB];
	_ =	sdelay $0x3  }
0x92: {  	_ =	strace s17  }
0x93: {  	s2 =	sld [smem:$0x3FFC];
	_ =	sdelay $0x3  }
0x94: {  	_ =	strace s2  }
0x95: {  	s2 =	sld [smem:$0x3FFD];
	_ =	sdelay $0x3  }
0x96: {  	_ =	strace s2  }
0x97: {  	_ =	strace $0x8FFFFFFF  }
0x98: {  	s18 =	sld [smem:$0x3FDB];
	_ =	sdelay $0x1  }
0x99: {  	s19 =	simm.s32 $_scs_section_size  }
0x9a: {  	s4 =	simm.s32 $_size__tile_overlayer_lowered;
	s5 =	simm.s32 $_tile_overlayer_lowered  }
0x9b: {  	s22 =	simm.s32 $0x1BFF;
	s21 =	sshll.u32 s5, $0x1;
	s2 =	sadd.s32 s19, s18  }
0x9c: {  	s6 =	simm.s32 $0x0;
	s20 =	sshll.u32 s4, $0x1;
	s4 =	sadd.s32 s21, s2  }
0x9d: {  	[timem:s6], [sflag:s22] =	dma.local [hbm:s4], s20  }
0x9e: {  	_ =	swait.ge [sflag:s22], s20  }
0x9f: {  	s3 =	ssub.s32 $0x0, s20;
	[sflag:s22] =	ssyncset.done $0x0  }
0xa0: {  	[sflag:s22] =	ssyncadd.s32 s3;
	_ =	sdelay $0x1  }
0xa1: {  	s23 =	simm.s32 $0x1B8B  }
0xa2: {  	_ =	swait.ge [sflag:s23], $0x1  }
0xa3: {  	[sflag:s23] =	ssyncset.done $0x0  }
0xa4: {  	s25 =	simm.s32 $0x1B8E;
	s24 =	sld [smem:$0x3FFE];
	[sflag:s23] =	ssyncadd.s32 $0xFFFFFFFF  }
0xa5: {  	s26 =	simm.s32 $execute0_lowered;
	[smem:$0x3FD2] =	sst s25  }
0xa6: {  	s4 =	sshll.u32 s26, $0x1;
	_ =	strace $0x80000046;
	[dreg:$0x1] =	wrdreg $0xFFFFFFFF  }
0xa7: {  	s28 =	simm.s32 $_size_execute0_lowered;
	s2 =	sadd.s32 s2, s4;
	[dreg:$0x0] =	wrdreg $0x0  }
0xa8: {  	s4 =	sshll.u32 s28, $0x1;
	[dreg:$0x2] =	wrdreg s2  }
0xa9: {  	[dreg:$0x3] =	wrdreg s4  }
0xaa: {  	[dreg:$0x4] =	wrdreg $0xC0  }
0xab: {  	_ =	task [dreg:s6], $0x5FFFF  }
0xac: {  	[dreg:$0x1] =	wrdreg $0xFFFFFFFF  }
0xad: {  	[dreg:$0x0] =	wrdreg $0x60  }
0xae: {  	[dreg:$0x2] =	wrdreg s24  }
0xaf: {  	[dreg:$0x3] =	wrdreg $0x9  }
0xb0: {  	_ =	task.clear_ibuf [dreg:s6], $0x4FFFF;
	_ =	strace $0x90000046  }
0xb1: {  	s29 =	simm.s32 $0x9;
	_ =	strace $0x80000048  }
0xb2: {  	_ =	swait.ge [sflag:s29], $0x1  }
0xb3: {  	[sflag:s29] =	ssyncadd.s32 $0xFFFFFFFF  }
0xb4: {  	_ =	strace $0x90000048  }
0xb5: {  	_ =	sfence  }
0xb6: {  	s30 =	sld [smem:$0x0];
	_ =	sdelay $0x2  }
0xb7: {  	s31 =	sshll.u32 s1, $0xD;
	s1 =	sshrl.u32 s1, $0x2  }
0xb8: {  	s3 =	sand.u32 $0x4000, s31;
	s1 =	sadd.s32 s1, s30  }
0xb9: {  	s0 =	sor.u32 s3, s0;
	s1 =	sshll.u32 s1, $0x11  }
0xba: {  	s0 =	sor.u32 s1, s0  }
0xbb: {  	s0 =	sadd.s32 $0x8F2B, s0  }
0xbc: {  	[sflag:s0] =	ssyncadd.remote.s32 $0x1  }
0xbd: {  	_ =	sfence.sel $0xFFFF  }
0xbe: {  	[dreg:$0x0] =	wrdreg $0xFFFFFFFF;
	(pc) =	sbr.abs _section_cstart, $3  }
0xbf: {  	[dreg:$0x1] =	wrdreg $0xFFFFFFFF  }
0xc0: {  	_ =	task.clear_ibuf [dreg:s6], $0x2FFFF;
	_ =	strace $0x9FFFFFFF  }
0xc1: {  	(tm) =	ssettm $0x7FFFFFFF  }
tec
execute0_lowered:
.L_overlay_start_1:
0x0: {  	(tag) =	ssettag $0x1  }
0x1: {  	v0 =	vimm.f32 $1.550000000e+01;
	vm0 =	vcmask $0x300  }
0x2: {  	vm14 =	vcmask $0x704;
	v0 =	vsel vm0, $0x3F000000, v0  }
0x3: {  	vm15 =	vcmask $0xB08;
	v0 =	vsel vm14, $0x3FC00000, v0  }
0x4: {  	vm4 =	vcmask $0xF0C;
	v0 =	vsel vm15, $0x40200000, v0  }
0x5: {  	vm5 =	vcmask $0x1310;
	v0 =	vsel vm4, $0x40600000, v0  }
0x6: {  	vm6 =	vcmask $0x1714;
	v0 =	vsel vm5, $0x40900000, v0  }
0x7: {  	s4 =	rddreg [dreg:$0x0];
	vm7 =	vcmask $0x1B18;
	v0 =	vsel vm6, $0x40B00000, v0  }
0x8: {  	s0 =	rddreg [dreg:$0x1];
	vm8 =	vcmask $0x1F1C;
	s2 =	simm.s32 $0x0;
	s3 =	srdreg.scid;
	v0 =	vsel vm7, $0x40D00000, v0  }
0x9: {  	s1 =	stileid.u32;
	vm9 =	vcmask $0x2320;
	s9 =	simm.s32 $0x4400;
	s10 =	simm.s32 $0x38;
	v0 =	vsel vm8, $0x40F00000, v0  }
0xa: {  	vm10 =	vcmask $0x2724;
	vm11 =	vcmask $0x2B28;
	s11 =	simm.s32 $0x4900;
	s12 =	simm.s32 $0x4480;
	s13 =	simm.s32 $0x6500;
	v0 =	vsel vm9, $0x41080000, v0  }
0xb: {  	vm12 =	vcmask $0x2F2C;
	v5 =	vlaneseq.u32;
	s14 =	simm.s32 $0x2;
	s5 =	sand.u32 $0x1, s3;
	s31 =	sshll.u32 s1, $0x1;
	v0 =	vsel vm10, $0x41180000, v0  }
0xc: {  	vm13 =	vcmask $0x3330;
	s15 =	simm.s32 $0x0;
	[smem:$0x7FF] =	sst s2;
	v6 =	vadd.s32 $0xE, v5;
	s6 =	sor.u32 s5, s31;
	v1 =	vsel vm11, $0x41280000, v0  }
0xd: {  	s3 =	sadd.s32 $0x1800, s4;
	v7 =	vadd.s32 $0x1C, v5;
	v8 =	vadd.s32 $0x2A, v5;
	s5 =	ssub.s32 $0x2, s5;
	s7 =	sshll.u32 s6, $0x7;
	v2 =	vsel vm12, $0x41380000, v1  }
0xe: {  	_ =	strace $0x80000047;
	vm14 =	vcmask $0x3734;
	s8 =	sshrl.u32 s5, $0x1;
	vm15 =	vcmask $0x3B38;
	s7 =	sadd.s32 s7, s4;
	v3 =	vsel vm13, $0x41480000, v2  }
0xf: {  	s4 =	sadd.s32 $0xAB800, s4;
	s8 =	ssub.s32 s5, s8;
	s5 =	sshll.u32 s6, $0x4;
	v0 =	vimm.s32 $0x0;
	v1 =	vimm.s32 $0x80;
	v4 =	vsel vm14, $0x41580000, v3  }
0x10: {  	s6 =	sadd.s32 $0x800, s7;
	s7 =	smax.u32 s8, $0x1;
	s8 =	simm.s32 $0x3;
	v2 =	vimm.s32 $0x1;
	v3 =	vimm.s32 $0x8000;
	v4 =	vsel vm15, $0x41680000, v4  }
.LBB2_1:
0x11: {  	[tilespmem:s2], [sflag:$0x3] =	stream.linear.gather [hbm4b:s6+s2], $0x280, $0x38;
	[tilespmem:$0xB900] =	vst v63  }
0x12: {  	_ =	swait.ge [sflag:s8], $0x280  }
0x13: {  	[sflag:s8] =	ssyncset.done $0x0  }
0x14: {  	[sflag:s8] =	ssyncadd.s32 $0xFFFFFD80  }
0x15: {  	v9 =	vld [tilespmem:$0x80]  }
0x16: {  	v11 =	vld [tilespmem:$0x100]  }
0x17: {  	v12 =	vld [tilespmem:$0x180]  }
0x18: {  	v13 =	vld [tilespmem:$0x200];
	_ =	sdelay $0x4  }
0x19: {  	v10 =	vsub.f32 v12, v9;
	v14 =	vsub.f32 v13, v11;
	_ =	sdelay $0x1  }
0x1a: {  	v10 =	vadd.f32 $1.000000000e+00, v10;
	v14 =	vadd.f32 $1.000000000e+00, v14;
	_ =	sdelay $0x1  }
0x1b: {  	v10 =	vmul.f32 v14, v10;
	_ =	sdelay $0x1  }
0x1c: {  	vm0 =	vge.f32 v10, $1.254398730e+04;
	vm1 =	vge.f32 v10, $5.017597660e+04  }
0x1d: {  	v14 =	vsel vm0, $0x1, v0;
	v15 =	vsel vm1, $0x1, v0;
	vm0 =	vge.f32 v10, $2.007039530e+05  }
0x1e: {  	v10 =	vadd.s32 v15, v14;
	v14 =	vsel vm0, $0x1, v0  }
0x1f: {  	v17 =	vadd.s32 v14, v10  }
0x20: {  	v10 =	vshll.u32 v2, v17  }
0x21: {  	v10 =	vcvt.s32.f32 v10;
	_ =	sdelay $0x1  }
0x22: {  	(erf) = vrcp.f32 v10;
	_ =	sdelay $0x8  }
0x23: {  	v18 =	vld [tilespmem:$0x0];
	v10 =	vpop (erf)  }
0x24: {  	v14 =	vmul.f32 $2.500000000e-01, v10;
	_ =	sdelay $0x1  }
0x25: {  	v10 =	vmul.f32 v14, v9;
	v9 =	vmul.f32 v14, v12  }
0x26: {  	v12 =	vmul.f32 v14, v11;
	v11 =	vmul.f32 v14, v13  }
0x27: {  	v18 =	vtrunc.f32 v18;
	v9 =	vsub.f32 v9, v10  }
0x28: {  	v18 =	vcvt.f32.s32 v18;
	v11 =	vsub.f32 v11, v12  }
0x29: {  	vm0 =	veq.s32 v17, $0x0;
	v14 =	vshrl.u32 v1, v17;
	v9 =	vmax.f32 v9, $1.000000000e+00  }
0x2a: {  	v15 =	vmul.f32 $7.142857460e-02, v9;
	v9 =	vmax.f32 v11, $1.000000000e+00;
	v11 =	vmov s2  }
0x2b: {  	v16 =	vmul.f32 $7.142857460e-02, v9;
	v9 =	vsel vm0, $0x0, v3;
	v20 =	vperm.xlane v12, v11  }
0x2c: {  	vm0 =	vgt.u32 v17, $0x1;
	v22 =	vperm.xlane v10, v11;
	v19 =	vperm.xlane v15, v11  }
0x2d: {  	v13 =	vsel vm0, $0x2000, v0;
	vm0 =	vgt.u32 v17, $0x2;
	v17 =	vxor.u32 $0x7, v17  }
0x2e: {  	v21 =	vperm.xlane v16, v11;
	v9 =	vor.u32 v13, v9;
	v13 =	vperm.xlane v14, v11  }
0x2f: {  	v23 =	vsel vm0, $0x800, v0;
	v18 =	vshll.u32 v18, v17;
	v19 =	vmul.f32 v4, v19  }
0x30: {  	v9 =	vor.u32 v23, v9;
	v17 =	vshll.u32 v18, v17;
	v21 =	vmul.f32 v4, v21  }
0x31: {  	s16 =	simm.s32 $0x1;
	v24 =	vcvt.s32.f32 v13;
	v9 =	vadd.s32 v17, v9  }
0x32: {  	v17 =	vmov s16;
	v19 =	vadd.f32 v19, v22;
	v20 =	vadd.f32 v21, v20  }
0x33: {  	v30 =	vperm.xlane v16, v17;
	v21 =	vadd.f32 $-1.000000000e+00, v24  }
0x34: {  	v28 =	vperm.xlane v12, v17;
	v19 =	vmax.f32 v19, $0.0e+00;
	v20 =	vmax.f32 v20, $0.0e+00  }
0x35: {  	v30 =	vmul.f32 v4, v30;
	v24 =	vmin.f32 v21, v19;
	v18 =	vmin.f32 v21, v20  }
0x36: {  	v19 =	vtrunc.f32 v24;
	v20 =	vtrunc.f32 v18  }
0x37: {  	v21 =	vcvt.f32.s32 v19;
	v19 =	vperm.xlane v15, v17  }
0x38: {  	v23 =	vadd.s32 $0xFFFFFFFF, v13;
	v26 =	vperm.xlane v10, v17;
	v22 =	vcvt.f32.s32 v20  }
0x39: {  	v30 =	vadd.f32 v30, v28;
	v27 =	vcvt.s32.f32 v21;
	v29 =	vmul.f32 v4, v19  }
0x3a: {  	v25 =	vadd.s32 $0x1, v21;
	v19 =	vperm.xlane v14, v17;
	v20 =	vmul.u32 v22, v13  }
0x3b: {  	s18 =	simm.s32 $0x1480;
	s19 =	simm.s32 $0x3480;
	s22 =	simm.s32 $0x480;
	vm0 =	vlt.s32 v25, v23;
	v24 =	vsub.f32 v24, v27;
	v32 =	vadd.f32 v29, v26  }
0x3c: {  	s25 =	simm.s32 $0x2;
	s17 =	simm.s32 $0x3580;
	s20 =	simm.s32 $0x580;
	v27 =	vadd.s32 $0x1, v22;
	v29 =	vcvt.s32.f32 v19;
	v26 =	vcvt.s32.f32 v22  }
0x3d: {  	s23 =	simm.s32 $0x1480;
	s21 =	simm.s32 $0x2480;
	s16 =	simm.s32 $0x2480;
	vm1 =	vlt.s32 v27, v23;
	v31 =	vsub.f32 $1.000000000e+00, v24;
	v28 =	vmax.f32 v32, $0.0e+00  }
.LBB2_2:
0x3e: {  	s18 =	sadd.s32 $0x100, s18  }
0x3f: {  	v25 =	vsel vm0, v25, v23;
	v23 =	vsel vm1, v27, v23;
	v27 =	vmul.f32 $2.500000000e-01, v31;
	s16 =	sadd.s32 $0x100, s16;
	s26 =	smov.u32 s25;
	s24 =	sadd.s32 $0x1, s25  }
0x40: {  	p0 =	sne.s32 s25, $0xF;
	v24 =	vmul.f32 $2.500000000e-01, v24;
	v30 =	vmax.f32 v30, $0.0e+00;
	v22 =	vsub.s32 v23, v22  }
0x41: {  	v26 =	vsub.f32 v18, v26;
	v23 =	vadd.f32 $-1.000000000e+00, v29;
	v29 =	vmul.u32 v13, v22;
	v13 =	vmovc v19  }
0x42: {  	v19 =	vsub.s32 v25, v21;
	[tilespmem:s22+$0xFFFFFF80] =	vst v21;
	v21 =	vperm.xlane v9, v11;
	v11 =	vmov v17  }
0x43: {  	v28 =	vmin.f32 v23, v28;
	v18 =	vmin.f32 v23, v30;
	[tilespmem:s22+$0x0] =	vst v19;
	v19 =	vsub.f32 $1.000000000e+00, v26;
	s22 =	smov.u32 s20  }
0x44: {  	v22 =	vtrunc.f32 v28;
	v23 =	vtrunc.f32 v18;
	[tilespmem:s23+$0xFFFFFF80] =	vst v27;
	v20 =	vadd.s32 v21, v20  }
0x45: {  	v17 =	vmov s26;
	v21 =	vcvt.f32.s32 v22;
	v22 =	vcvt.f32.s32 v23;
	[tilespmem:s23+$0x0] =	vst v24;
	s23 =	smov.u32 s18  }
0x46: {  	v30 =	vperm.xlane v12, v17;
	v23 =	vadd.s32 $0xFFFFFFFF, v13;
	v24 =	vperm.xlane v15, v17;
	[tilespmem:s21+$0xFFFFFF80] =	vst v20  }
0x47: {  	v31 =	vperm.xlane v10, v17;
	v27 =	vcvt.s32.f32 v21;
	v20 =	vmul.u32 v22, v13;
	[tilespmem:s21+$0x0] =	vst v29;
	s21 =	smov.u32 s16  }
.Ltmp0:
0x48: {  	v32 =	vperm.xlane v16, v17;
	v25 =	vadd.s32 $0x1, v21;
	v29 =	vmul.f32 v4, v24;
	[tilespmem:s19+$0xFFFFFF80] =	vst v19;
	(pc) =	sbr.rel @p0 .LBB2_2-.Ltmp0, $4  }
0x49: {  	v19 =	vperm.xlane v14, v17;
	v24 =	vsub.f32 v28, v27;
	v27 =	vadd.s32 $0x1, v22;
	[tilespmem:s19+$0x0] =	vst v26;
	s19 =	smov.u32 s17  }
0x4a: {  	v32 =	vmul.f32 v4, v32;
	vm0 =	vlt.s32 v25, v23;
	v28 =	vadd.f32 v29, v31  }
0x4b: {  	v26 =	vcvt.s32.f32 v22;
	v29 =	vcvt.s32.f32 v19;
	v31 =	vsub.f32 $1.000000000e+00, v24  }
0x4c: {  	s25 =	smov.u32 s24;
	s20 =	sadd.s32 $0x100, s20;
	v30 =	vadd.f32 v32, v30;
	vm1 =	vlt.s32 v27, v23;
	s17 =	sadd.s32 $0x100, s17;
	v28 =	vmax.f32 v28, $0.0e+00  }
0x4d: {  	v10 =	vadd.f32 $-1.000000000e+00, v29  }
0x4e: {  	v12 =	vsel vm0, v25, v23;
	v15 =	vsel vm1, v27, v23  }
0x4f: {  	v16 =	vmul.f32 $2.500000000e-01, v31;
	v49 =	vmul.f32 $2.500000000e-01, v24;
	v14 =	vmin.f32 v10, v28  }
0x50: {  	[tilespmem:s22+$0xFFFFFF80] =	vst v21;
	v11 =	vperm.xlane v9, v11;
	v12 =	vsub.s32 v12, v21;
	v46 =	vtrunc.f32 v14  }
0x51: {  	v47 =	vmax.f32 v30, $0.0e+00;
	v15 =	vsub.s32 v15, v22;
	[tilespmem:s22+$0x0] =	vst v12;
	v48 =	vcvt.f32.s32 v46  }
0x52: {  	v50 =	vsub.f32 v18, v26;
	v10 =	vmin.f32 v10, v47;
	v13 =	vmul.u32 v13, v15;
	[tilespmem:s23+$0xFFFFFF80] =	vst v16  }
0x53: {  	v11 =	vadd.s32 v11, v20;
	v52 =	vtrunc.f32 v10;
	[tilespmem:s23+$0x0] =	vst v49;
	v51 =	vcvt.s32.f32 v48  }
0x54: {  	v18 =	vsub.f32 $1.000000000e+00, v50;
	v15 =	vcvt.f32.s32 v52;
	[tilespmem:s21+$0xFFFFFF80] =	vst v11  }
0x55: {  	v53 =	vadd.s32 $0xFFFFFFFF, v19;
	[tilespmem:s21+$0x0] =	vst v13;
	v54 =	vadd.s32 $0x1, v48;
	v11 =	vsub.f32 v14, v51  }
0x56: {  	v9 =	vperm.xlane v9, v17;
	[tilespmem:s19+$0xFFFFFF80] =	vst v18;
	v57 =	vadd.s32 $0x1, v15;
	vm14 =	vlt.s32 v54, v53  }
0x57: {  	[tilespmem:s19+$0x0] =	vst v50;
	v58 =	vcvt.s32.f32 v15;
	v13 =	vsel vm14, v54, v53;
	v56 =	vsub.f32 $1.000000000e+00, v11  }
0x58: {  	[tilespmem:s20+$0xFFFFFF80] =	vst v48;
	vm15 =	vlt.s32 v57, v53;
	v13 =	vsub.s32 v13, v48;
	v11 =	vmul.f32 $2.500000000e-01, v11  }
0x59: {  	s18 =	sadd.s32 $0x100, s18;
	v55 =	vmul.u32 v15, v19;
	v14 =	vsel vm15, v57, v53;
	[tilespmem:s20+$0x0] =	vst v13;
	v18 =	vmul.f32 $2.500000000e-01, v56  }
0x5a: {  	v10 =	vsub.f32 v10, v58;
	v59 =	vsub.s32 v14, v15;
	[tilespmem:s18+$0x0] =	vst v11  }
0x5b: {  	s16 =	sadd.s32 $0x100, s16;
	v9 =	vadd.s32 v9, v55;
	v60 =	vmul.u32 v19, v59;
	[tilespmem:s18+$0xFFFFFF80] =	vst v18  }
0x5c: {  	v11 =	vsub.f32 $1.000000000e+00, v10;
	[tilespmem:s16+$0xFFFFFF80] =	vst v9  }
0x5d: {  	[tilespmem:s16+$0x0] =	vst v60  }
0x5e: {  	[tilespmem:s17+$0xFFFFFF80] =	vst v11  }
0x5f: {  	[tilespmem:s17+$0x0] =	vst v10  }
0x60: {  	v9 =	vld [tilespmem:$0x2400]  }
0x61: {  	v10 =	vld [tilespmem:$0x2480]  }
0x62: {  	v11 =	vld [tilespmem:$0x400]  }
0x63: {  	v12 =	vld [tilespmem:$0x480];
	_ =	sdelay $0x1  }
0x64: {  	v9 =	vperm.xlane v9, v0;
	_ =	sdelay $0x1  }
0x65: {  	v61 =	vld [tilespmem:$0x3400];
	v10 =	vperm.xlane v10, v0;
	v9 =	vadd.s32 v9, v11  }
0x66: {  	v62 =	vld [tilespmem:$0x3480];
	[tilespmem:v5+s9+$0x0] =	vst.idx.msk $0x3fff, v9;
	v11 =	vadd.s32 v12, v9  }
0x67: {  	v9 =	vadd.s32 v10, v9;
	[tilespmem:v6+s9+$0x0] =	vst.idx.msk $0x3fff, v11  }
0x68: {  	[tilespmem:v7+s9+$0x0] =	vst.idx.msk $0x3fff, v9;
	v9 =	vadd.s32 v9, v12  }
0x69: {  	[tilespmem:v8+s9+$0x0] =	vst.idx.msk $0x3fff, v9  }
0x6a: {  	v9 =	vld [tilespmem:$0x1400]  }
0x6b: {  	v10 =	vld [tilespmem:$0x1480];
	_ =	sdelay $0x1  }
0x6c: {  	v11 =	vperm.xlane v61, v0;
	_ =	sdelay $0x1  }
0x6d: {  	v63 =	vperm.xlane v62, v0;
	v13 =	vmul.f32 v9, v11  }
0x6e: {  	v11 =	vmul.f32 v10, v11  }
0x6f: {  	v9 =	vmul.f32 v9, v63;
	[tilespmem:$0x4500] =	vst v13  }
0x70: {  	v10 =	vmul.f32 v10, v63;
	[tilespmem:$0x4580] =	vst v11  }
0x71: {  	[tilespmem:$0x4600] =	vst v9  }
0x72: {  	s16 =	simm.s32 $0x0;
	[tilespmem:$0x4680] =	vst v10  }
0x73: {  	[tilespmem:s11], [sflag:$0x1] =	stream.indirect.gather [hbm4b:s3+s10], $0x80, s9, s10, $0xb8;
	[tilespmem:$0xB900] =	vst v63  }
.LBB2_4:
0x74: {  	s17 =	smul.u32 $0x25, s16;
	_ =	sdelay $0x1  }
0x75: {  	s17 =	sshrl.u32 s17, $0x8  }
0x76: {  	s18 =	ssub.s32 s16, s17  }
0x77: {  	s18 =	sand.u32 $0xFE, s18  }
0x78: {  	s18 =	sshrl.u32 s18, $0x1  }
0x79: {  	s17 =	sadd.s32 s17, s18  }
0x7a: {  	s17 =	sand.u32 $0xFC, s17  }
0x7b: {  	s17 =	sshrl.u32 s17, $0x2  }
0x7c: {  	s31 =	smul.u32 $0xFFFFFFF2, s17  }
0x7d: {  	s19 =	sshll.u32 s16, $0x1  }
0x7e: {  	s20 =	sshll.u32 s17, $0x8;
	s21 =	sadd.s32 s19, s31  }
0x7f: {  	v9 =	vld [tilespmem:s20+$0x2400];
	s18 =	sor.u32 $0x1, s21  }
0x80: {  	v11 =	vld [tilespmem:s20+$0x2480];
	v10 =	vmov s18  }
0x81: {  	v12 =	vld [tilespmem:s20+$0x400];
	v10 =	vshrl.u32 v10, $0x1B  }
0x82: {  	v13 =	vld [tilespmem:s20+$0x480];
	v10 =	vand.u32 $0x10, v10  }
0x83: {  	v10 =	vadd.s32 s18, v10  }
0x84: {  	v9 =	vperm.xlane v9, v10;
	_ =	sdelay $0x1  }
0x85: {  	v14 =	vld [tilespmem:s20+$0x3400];
	v11 =	vperm.xlane v11, v10;
	v9 =	vadd.s32 v9, v12  }
0x86: {  	v15 =	vld [tilespmem:s20+$0x3480];
	[tilespmem:v5+s12+$0x0] =	vst.idx.msk $0x3fff, v9;
	v12 =	vadd.s32 v13, v9  }
0x87: {  	v9 =	vadd.s32 v11, v9;
	[tilespmem:v6+s12+$0x0] =	vst.idx.msk $0x3fff, v12  }
0x88: {  	[tilespmem:v7+s12+$0x0] =	vst.idx.msk $0x3fff, v9;
	v9 =	vadd.s32 v9, v13  }
0x89: {  	[tilespmem:v8+s12+$0x0] =	vst.idx.msk $0x3fff, v9  }
0x8a: {  	v9 =	vld [tilespmem:s20+$0x1400]  }
0x8b: {  	v11 =	vld [tilespmem:s20+$0x1480];
	_ =	sdelay $0x1  }
0x8c: {  	v62 =	vperm.xlane v14, v10;
	_ =	sdelay $0x1  }
0x8d: {  	v10 =	vperm.xlane v15, v10;
	v63 =	vmul.f32 v9, v62  }
0x8e: {  	v12 =	vmul.f32 v11, v62  }
0x8f: {  	v9 =	vmul.f32 v9, v10;
	[tilespmem:$0x4700] =	vst v63  }
0x90: {  	v10 =	vmul.f32 v11, v10;
	[tilespmem:$0x4780] =	vst v12  }
0x91: {  	[tilespmem:$0x4800] =	vst v9  }
0x92: {  	s20 =	simm.s32 $0x1;
	[tilespmem:$0x4880] =	vst v10  }
0x93: {  	[tilespmem:s13], [sflag:$0x2] =	stream.indirect.gather [hbm4b:s3+s10], $0x80, s12, s10, $0xb8;
	[tilespmem:$0xB900] =	vst v63  }
0x94: {  	s22 =	sshra.s32 s21, $0x1;
	_ =	swait.ge [sflag:s20], $0x1C00  }
0x95: {  	s21 =	smul.u32 $0x380, s22;
	[sflag:s20] =	ssyncset.done $0x0  }
0x96: {  	s23 =	simm.s32 $0x5700;
	s22 =	smul.u32 $0x700, s22;
	[sflag:s20] =	ssyncadd.s32 $0xFFFFE400  }
.LBB2_5:
0x97: {  	v9 =	vld [tilespmem:$0x4500]  }
0x98: {  	v10 =	vld [tilespmem:$0x4580]  }
0x99: {  	v17 =	vld [tilespmem:$0x4600]  }
0x9a: {  	v18 =	vld [tilespmem:$0x4680];
	_ =	sdelay $0x1  }
0x9b: {  	s24 =	sadd.s32 $0xFFFFFFFF, s20;
	v19 =	vld [tilespmem:s23+$0xFFFFF200]  }
0x9c: {  	v20 =	vld [tilespmem:s23+$0xFFFFF900];
	v11 =	vmov s24  }
0x9d: {  	v15 =	vperm.xlane v9, v11;
	v16 =	vperm.xlane v10, v11  }
0x9e: {  	v21 =	vmov s20;
	v22 =	vld [tilespmem:s23+$0x0];
	v14 =	vperm.xlane v17, v11;
	v13 =	vperm.xlane v18, v11  }
0x9f: {  	v12 =	vperm.xlane v9, v21;
	v11 =	vperm.xlane v10, v21  }
0xa0: {  	v31 =	vld [tilespmem:s23+$0x700];
	v10 =	vperm.xlane v17, v21;
	v9 =	vperm.xlane v18, v21  }
0xa1: {  	v32 =	vunpack.i.u.bf16.f32 v19;
	v19 =	vunpack.i.l.bf16.f32 v19;
	v33 =	vunpack.i.l.bf16.f32 v20  }
0xa2: {  	v23 =	vld [tilespmem:s23+$0xFFFFF280];
	v20 =	vunpack.i.u.bf16.f32 v20;
	v19 =	vmul.f32 v19, v15;
	v21 =	vmul.f32 v33, v16  }
0xa3: {  	v24 =	vunpack.i.l.bf16.f32 v22;
	v18 =	vmul.f32 v32, v15;
	v20 =	vmul.f32 v20, v16  }
0xa4: {  	v36 =	vld [tilespmem:s23+$0xFFFFF980];
	v34 =	vunpack.i.u.bf16.f32 v22;
	v35 =	vmul.f32 v24, v14;
	v19 =	vadd.f32 v21, v19  }
0xa5: {  	v38 =	vunpack.i.l.bf16.f32 v31;
	v37 =	vmul.f32 v34, v14;
	v18 =	vadd.f32 v20, v18  }
0xa6: {  	v39 =	vld [tilespmem:s23+$0x80];
	v17 =	vunpack.i.u.bf16.f32 v31;
	v21 =	vmul.f32 v38, v13;
	v19 =	vadd.f32 v35, v19  }
0xa7: {  	v40 =	vunpack.i.l.bf16.f32 v23;
	v17 =	vmul.f32 v17, v13;
	v18 =	vadd.f32 v37, v18  }
0xa8: {  	v42 =	vld [tilespmem:s23+$0x780];
	v41 =	vunpack.i.u.bf16.f32 v23;
	v20 =	vmul.f32 v40, v12;
	v19 =	vadd.f32 v21, v19  }
0xa9: {  	v44 =	vunpack.i.l.bf16.f32 v36;
	v43 =	vmul.f32 v41, v12;
	v17 =	vadd.f32 v17, v18  }
0xaa: {  	v45 =	vunpack.i.u.bf16.f32 v36;
	v21 =	vmul.f32 v44, v11;
	v19 =	vadd.f32 v20, v19  }
0xab: {  	v47 =	vunpack.i.l.bf16.f32 v39;
	v46 =	vmul.f32 v45, v11;
	v17 =	vadd.f32 v43, v17  }
0xac: {  	v48 =	vunpack.i.u.bf16.f32 v39;
	v20 =	vmul.f32 v47, v10;
	v19 =	vadd.f32 v21, v19  }
0xad: {  	v50 =	vunpack.i.l.bf16.f32 v42;
	v49 =	vmul.f32 v48, v10;
	v17 =	vadd.f32 v46, v17  }
0xae: {  	v51 =	vunpack.i.u.bf16.f32 v42;
	v21 =	vmul.f32 v50, v9;
	v19 =	vadd.f32 v20, v19  }
0xaf: {  	v52 =	vmul.f32 v51, v9;
	v17 =	vadd.f32 v49, v17  }
0xb0: {  	s31 =	sand.u32 $0xFFFFF800, s22;
	s25 =	sand.u32 $0x380, s21;
	v19 =	vadd.f32 v21, v19  }
0xb1: {  	s24 =	sor.u32 s25, s31;
	v17 =	vadd.f32 v52, v17  }
0xb2: {  	[tilespmem:s24+$0x8100] =	vst v19  }
0xb3: {  	[tilespmem:s24+$0x8110] =	vst v17  }
0xb4: {  	v17 =	vld [tilespmem:s23+$0xFFFFF210]  }
0xb5: {  	v53 =	vld [tilespmem:s23+$0xFFFFF910];
	_ =	sdelay $0x1  }
0xb6: {  	v19 =	vld [tilespmem:s23+$0x10];
	_ =	sdelay $0x1  }
0xb7: {  	v54 =	vld [tilespmem:s23+$0x710]  }
0xb8: {  	v55 =	vunpack.i.u.bf16.f32 v17;
	v17 =	vunpack.i.l.bf16.f32 v17;
	v56 =	vunpack.i.l.bf16.f32 v53  }
0xb9: {  	v57 =	vld [tilespmem:s23+$0xFFFFF290];
	v18 =	vunpack.i.u.bf16.f32 v53;
	v17 =	vmul.f32 v17, v15;
	v22 =	vmul.f32 v56, v16  }
0xba: {  	v58 =	vunpack.i.l.bf16.f32 v19;
	v21 =	vmul.f32 v55, v15;
	v18 =	vmul.f32 v18, v16  }
0xbb: {  	v60 =	vld [tilespmem:s23+$0xFFFFF990];
	v19 =	vunpack.i.u.bf16.f32 v19;
	v59 =	vmul.f32 v58, v14;
	v17 =	vadd.f32 v22, v17  }
0xbc: {  	v61 =	vunpack.i.l.bf16.f32 v54;
	v19 =	vmul.f32 v19, v14;
	v18 =	vadd.f32 v18, v21  }
0xbd: {  	v62 =	vld [tilespmem:s23+$0x90];
	v20 =	vunpack.i.u.bf16.f32 v54;
	v21 =	vmul.f32 v61, v13;
	v17 =	vadd.f32 v59, v17  }
0xbe: {  	v25 =	vunpack.i.l.bf16.f32 v57;
	v63 =	vmul.f32 v20, v13;
	v18 =	vadd.f32 v19, v18  }
0xbf: {  	v27 =	vld [tilespmem:s23+$0x790];
	v26 =	vunpack.i.u.bf16.f32 v57;
	v20 =	vmul.f32 v25, v12;
	v17 =	vadd.f32 v21, v17  }
0xc0: {  	v29 =	vunpack.i.l.bf16.f32 v60;
	v28 =	vmul.f32 v26, v12;
	v18 =	vadd.f32 v63, v18  }
0xc1: {  	v30 =	vunpack.i.u.bf16.f32 v60;
	v21 =	vmul.f32 v29, v11;
	v17 =	vadd.f32 v20, v17  }
0xc2: {  	v32 =	vunpack.i.l.bf16.f32 v62;
	v31 =	vmul.f32 v30, v11;
	v18 =	vadd.f32 v28, v18  }
0xc3: {  	v33 =	vunpack.i.u.bf16.f32 v62;
	v20 =	vmul.f32 v32, v10;
	v17 =	vadd.f32 v21, v17  }
0xc4: {  	v35 =	vunpack.i.l.bf16.f32 v27;
	v34 =	vmul.f32 v33, v10;
	v18 =	vadd.f32 v31, v18  }
0xc5: {  	v36 =	vunpack.i.u.bf16.f32 v27;
	v21 =	vmul.f32 v35, v9;
	v17 =	vadd.f32 v20, v17  }
0xc6: {  	v37 =	vmul.f32 v36, v9;
	v18 =	vadd.f32 v34, v18  }
0xc7: {  	v17 =	vadd.f32 v21, v17  }
0xc8: {  	v18 =	vadd.f32 v37, v18  }
0xc9: {  	[tilespmem:s24+$0x8120] =	vst v17  }
0xca: {  	[tilespmem:s24+$0x8130] =	vst v18  }
0xcb: {  	v17 =	vld [tilespmem:s23+$0xFFFFF220]  }
0xcc: {  	v18 =	vld [tilespmem:s23+$0xFFFFF920];
	_ =	sdelay $0x1  }
0xcd: {  	v38 =	vld [tilespmem:s23+$0x20];
	_ =	sdelay $0x1  }
0xce: {  	v39 =	vld [tilespmem:s23+$0x720]  }
0xcf: {  	v40 =	vunpack.i.u.bf16.f32 v17;
	v17 =	vunpack.i.l.bf16.f32 v17;
	v41 =	vunpack.i.l.bf16.f32 v18  }
0xd0: {  	v42 =	vld [tilespmem:s23+$0xFFFFF2A0];
	v18 =	vunpack.i.u.bf16.f32 v18;
	v17 =	vmul.f32 v17, v15;
	v22 =	vmul.f32 v41, v16  }
0xd1: {  	v43 =	vunpack.i.l.bf16.f32 v38;
	v21 =	vmul.f32 v40, v15;
	v18 =	vmul.f32 v18, v16  }
0xd2: {  	v45 =	vld [tilespmem:s23+$0xFFFFF9A0];
	v19 =	vunpack.i.u.bf16.f32 v38;
	v44 =	vmul.f32 v43, v14;
	v17 =	vadd.f32 v22, v17  }
0xd3: {  	v46 =	vunpack.i.l.bf16.f32 v39;
	v19 =	vmul.f32 v19, v14;
	v18 =	vadd.f32 v18, v21  }
0xd4: {  	v47 =	vld [tilespmem:s23+$0xA0];
	v20 =	vunpack.i.u.bf16.f32 v39;
	v21 =	vmul.f32 v46, v13;
	v17 =	vadd.f32 v44, v17  }
0xd5: {  	v49 =	vunpack.i.l.bf16.f32 v42;
	v48 =	vmul.f32 v20, v13;
	v18 =	vadd.f32 v19, v18  }
0xd6: {  	v51 =	vld [tilespmem:s23+$0x7A0];
	v50 =	vunpack.i.u.bf16.f32 v42;
	v20 =	vmul.f32 v49, v12;
	v17 =	vadd.f32 v21, v17  }
0xd7: {  	v53 =	vunpack.i.l.bf16.f32 v45;
	v52 =	vmul.f32 v50, v12;
	v18 =	vadd.f32 v48, v18  }
0xd8: {  	v54 =	vunpack.i.u.bf16.f32 v45;
	v21 =	vmul.f32 v53, v11;
	v17 =	vadd.f32 v20, v17  }
0xd9: {  	v56 =	vunpack.i.l.bf16.f32 v47;
	v55 =	vmul.f32 v54, v11;
	v18 =	vadd.f32 v52, v18  }
0xda: {  	v57 =	vunpack.i.u.bf16.f32 v47;
	v20 =	vmul.f32 v56, v10;
	v17 =	vadd.f32 v21, v17  }
0xdb: {  	v59 =	vunpack.i.l.bf16.f32 v51;
	v58 =	vmul.f32 v57, v10;
	v18 =	vadd.f32 v55, v18  }
0xdc: {  	v60 =	vunpack.i.u.bf16.f32 v51;
	v21 =	vmul.f32 v59, v9;
	v17 =	vadd.f32 v20, v17  }
0xdd: {  	v61 =	vmul.f32 v60, v9;
	v18 =	vadd.f32 v58, v18  }
0xde: {  	v17 =	vadd.f32 v21, v17  }
0xdf: {  	v18 =	vadd.f32 v61, v18  }
0xe0: {  	[tilespmem:s24+$0x8140] =	vst v17  }
0xe1: {  	[tilespmem:s24+$0x8150] =	vst v18  }
0xe2: {  	v17 =	vld [tilespmem:s23+$0xFFFFF230]  }
0xe3: {  	v18 =	vld [tilespmem:s23+$0xFFFFF930];
	_ =	sdelay $0x1  }
0xe4: {  	v62 =	vld [tilespmem:s23+$0x30];
	_ =	sdelay $0x1  }
0xe5: {  	v63 =	vld [tilespmem:s23+$0x730]  }
0xe6: {  	v26 =	vunpack.i.u.bf16.f32 v17;
	v17 =	vunpack.i.l.bf16.f32 v17;
	v27 =	vunpack.i.l.bf16.f32 v18  }
0xe7: {  	v28 =	vld [tilespmem:s23+$0xFFFFF2B0];
	v18 =	vunpack.i.u.bf16.f32 v18;
	v17 =	vmul.f32 v17, v15;
	v22 =	vmul.f32 v27, v16  }
0xe8: {  	v29 =	vunpack.i.l.bf16.f32 v62;
	v21 =	vmul.f32 v26, v15;
	v18 =	vmul.f32 v18, v16  }
0xe9: {  	v31 =	vld [tilespmem:s23+$0xFFFFF9B0];
	v19 =	vunpack.i.u.bf16.f32 v62;
	v30 =	vmul.f32 v29, v14;
	v17 =	vadd.f32 v22, v17  }
0xea: {  	v32 =	vunpack.i.l.bf16.f32 v63;
	v19 =	vmul.f32 v19, v14;
	v18 =	vadd.f32 v18, v21  }
0xeb: {  	v33 =	vld [tilespmem:s23+$0xB0];
	v20 =	vunpack.i.u.bf16.f32 v63;
	v21 =	vmul.f32 v32, v13;
	v17 =	vadd.f32 v30, v17  }
0xec: {  	v35 =	vunpack.i.l.bf16.f32 v28;
	v34 =	vmul.f32 v20, v13;
	v18 =	vadd.f32 v19, v18  }
0xed: {  	v37 =	vld [tilespmem:s23+$0x7B0];
	v36 =	vunpack.i.u.bf16.f32 v28;
	v20 =	vmul.f32 v35, v12;
	v17 =	vadd.f32 v21, v17  }
0xee: {  	v39 =	vunpack.i.l.bf16.f32 v31;
	v38 =	vmul.f32 v36, v12;
	v18 =	vadd.f32 v34, v18  }
0xef: {  	v40 =	vunpack.i.u.bf16.f32 v31;
	v21 =	vmul.f32 v39, v11;
	v17 =	vadd.f32 v20, v17  }
0xf0: {  	v42 =	vunpack.i.l.bf16.f32 v33;
	v41 =	vmul.f32 v40, v11;
	v18 =	vadd.f32 v38, v18  }
0xf1: {  	v43 =	vunpack.i.u.bf16.f32 v33;
	v20 =	vmul.f32 v42, v10;
	v17 =	vadd.f32 v21, v17  }
0xf2: {  	v45 =	vunpack.i.l.bf16.f32 v37;
	v44 =	vmul.f32 v43, v10;
	v18 =	vadd.f32 v41, v18  }
0xf3: {  	v46 =	vunpack.i.u.bf16.f32 v37;
	v21 =	vmul.f32 v45, v9;
	v17 =	vadd.f32 v20, v17  }
0xf4: {  	v47 =	vmul.f32 v46, v9;
	v18 =	vadd.f32 v44, v18  }
0xf5: {  	v17 =	vadd.f32 v21, v17  }
0xf6: {  	v18 =	vadd.f32 v47, v18  }
0xf7: {  	[tilespmem:s24+$0x8160] =	vst v17  }
0xf8: {  	[tilespmem:s24+$0x8170] =	vst v18  }
0xf9: {  	v17 =	vld [tilespmem:s23+$0xFFFFF240]  }
0xfa: {  	v18 =	vld [tilespmem:s23+$0xFFFFF940];
	_ =	sdelay $0x1  }
0xfb: {  	v48 =	vld [tilespmem:s23+$0x40];
	_ =	sdelay $0x1  }
0xfc: {  	v49 =	vld [tilespmem:s23+$0x740]  }
0xfd: {  	v50 =	vunpack.i.u.bf16.f32 v17;
	v17 =	vunpack.i.l.bf16.f32 v17;
	v51 =	vunpack.i.l.bf16.f32 v18  }
0xfe: {  	v52 =	vld [tilespmem:s23+$0xFFFFF2C0];
	v18 =	vunpack.i.u.bf16.f32 v18;
	v17 =	vmul.f32 v17, v15;
	v22 =	vmul.f32 v51, v16  }
0xff: {  	v53 =	vunpack.i.l.bf16.f32 v48;
	v21 =	vmul.f32 v50, v15;
	v18 =	vmul.f32 v18, v16  }
0x100: {  	v55 =	vld [tilespmem:s23+$0xFFFFF9C0];
	v19 =	vunpack.i.u.bf16.f32 v48;
	v54 =	vmul.f32 v53, v14;
	v17 =	vadd.f32 v22, v17  }
0x101: {  	v56 =	vunpack.i.l.bf16.f32 v49;
	v19 =	vmul.f32 v19, v14;
	v18 =	vadd.f32 v18, v21  }
0x102: {  	v57 =	vld [tilespmem:s23+$0xC0];
	v20 =	vunpack.i.u.bf16.f32 v49;
	v21 =	vmul.f32 v56, v13;
	v17 =	vadd.f32 v54, v17  }
0x103: {  	v59 =	vunpack.i.l.bf16.f32 v52;
	v58 =	vmul.f32 v20, v13;
	v18 =	vadd.f32 v19, v18  }
0x104: {  	v61 =	vld [tilespmem:s23+$0x7C0];
	v60 =	vunpack.i.u.bf16.f32 v52;
	v20 =	vmul.f32 v59, v12;
	v17 =	vadd.f32 v21, v17  }
0x105: {  	v63 =	vunpack.i.l.bf16.f32 v55;
	v62 =	vmul.f32 v60, v12;
	v18 =	vadd.f32 v58, v18  }
0x106: {  	v25 =	vunpack.i.u.bf16.f32 v55;
	v21 =	vmul.f32 v63, v11;
	v17 =	vadd.f32 v20, v17  }
0x107: {  	v27 =	vunpack.i.l.bf16.f32 v57;
	v26 =	vmul.f32 v25, v11;
	v18 =	vadd.f32 v62, v18  }
0x108: {  	v28 =	vunpack.i.u.bf16.f32 v57;
	v20 =	vmul.f32 v27, v10;
	v17 =	vadd.f32 v21, v17  }
0x109: {  	v30 =	vunpack.i.l.bf16.f32 v61;
	v29 =	vmul.f32 v28, v10;
	v18 =	vadd.f32 v26, v18  }
0x10a: {  	v31 =	vunpack.i.u.bf16.f32 v61;
	v21 =	vmul.f32 v30, v9;
	v17 =	vadd.f32 v20, v17  }
0x10b: {  	v32 =	vmul.f32 v31, v9;
	v18 =	vadd.f32 v29, v18  }
0x10c: {  	v17 =	vadd.f32 v21, v17  }
0x10d: {  	v18 =	vadd.f32 v32, v18  }
0x10e: {  	[tilespmem:s24+$0x8500] =	vst v17  }
0x10f: {  	[tilespmem:s24+$0x8510] =	vst v18  }
0x110: {  	v17 =	vld [tilespmem:s23+$0xFFFFF250]  }
0x111: {  	v18 =	vld [tilespmem:s23+$0xFFFFF950];
	_ =	sdelay $0x1  }
0x112: {  	v33 =	vld [tilespmem:s23+$0x50];
	_ =	sdelay $0x1  }
0x113: {  	v34 =	vld [tilespmem:s23+$0x750]  }
0x114: {  	v35 =	vunpack.i.u.bf16.f32 v17;
	v17 =	vunpack.i.l.bf16.f32 v17;
	v36 =	vunpack.i.l.bf16.f32 v18  }
0x115: {  	v37 =	vld [tilespmem:s23+$0xFFFFF2D0];
	v18 =	vunpack.i.u.bf16.f32 v18;
	v17 =	vmul.f32 v17, v15;
	v22 =	vmul.f32 v36, v16  }
0x116: {  	v38 =	vunpack.i.l.bf16.f32 v33;
	v21 =	vmul.f32 v35, v15;
	v18 =	vmul.f32 v18, v16  }
0x117: {  	v40 =	vld [tilespmem:s23+$0xFFFFF9D0];
	v19 =	vunpack.i.u.bf16.f32 v33;
	v39 =	vmul.f32 v38, v14;
	v17 =	vadd.f32 v22, v17  }
0x118: {  	v41 =	vunpack.i.l.bf16.f32 v34;
	v19 =	vmul.f32 v19, v14;
	v18 =	vadd.f32 v18, v21  }
0x119: {  	v42 =	vld [tilespmem:s23+$0xD0];
	v20 =	vunpack.i.u.bf16.f32 v34;
	v21 =	vmul.f32 v41, v13;
	v17 =	vadd.f32 v39, v17  }
0x11a: {  	v44 =	vunpack.i.l.bf16.f32 v37;
	v43 =	vmul.f32 v20, v13;
	v18 =	vadd.f32 v19, v18  }
0x11b: {  	v46 =	vld [tilespmem:s23+$0x7D0];
	v45 =	vunpack.i.u.bf16.f32 v37;
	v20 =	vmul.f32 v44, v12;
	v17 =	vadd.f32 v21, v17  }
0x11c: {  	v48 =	vunpack.i.l.bf16.f32 v40;
	v47 =	vmul.f32 v45, v12;
	v18 =	vadd.f32 v43, v18  }
0x11d: {  	v49 =	vunpack.i.u.bf16.f32 v40;
	v21 =	vmul.f32 v48, v11;
	v17 =	vadd.f32 v20, v17  }
0x11e: {  	v51 =	vunpack.i.l.bf16.f32 v42;
	v50 =	vmul.f32 v49, v11;
	v18 =	vadd.f32 v47, v18  }
0x11f: {  	v52 =	vunpack.i.u.bf16.f32 v42;
	v20 =	vmul.f32 v51, v10;
	v17 =	vadd.f32 v21, v17  }
0x120: {  	v54 =	vunpack.i.l.bf16.f32 v46;
	v53 =	vmul.f32 v52, v10;
	v18 =	vadd.f32 v50, v18  }
0x121: {  	v55 =	vunpack.i.u.bf16.f32 v46;
	v21 =	vmul.f32 v54, v9;
	v17 =	vadd.f32 v20, v17  }
0x122: {  	v56 =	vmul.f32 v55, v9;
	v18 =	vadd.f32 v53, v18  }
0x123: {  	v17 =	vadd.f32 v21, v17  }
0x124: {  	v18 =	vadd.f32 v56, v18  }
0x125: {  	[tilespmem:s24+$0x8520] =	vst v17  }
0x126: {  	[tilespmem:s24+$0x8530] =	vst v18  }
0x127: {  	v17 =	vld [tilespmem:s23+$0xFFFFF260]  }
0x128: {  	v18 =	vld [tilespmem:s23+$0xFFFFF960];
	_ =	sdelay $0x1  }
0x129: {  	v57 =	vld [tilespmem:s23+$0x60];
	_ =	sdelay $0x1  }
0x12a: {  	v58 =	vld [tilespmem:s23+$0x760]  }
0x12b: {  	v59 =	vunpack.i.u.bf16.f32 v17;
	v17 =	vunpack.i.l.bf16.f32 v17;
	v60 =	vunpack.i.l.bf16.f32 v18  }
0x12c: {  	v61 =	vld [tilespmem:s23+$0xFFFFF2E0];
	v18 =	vunpack.i.u.bf16.f32 v18;
	v17 =	vmul.f32 v17, v15;
	v22 =	vmul.f32 v60, v16  }
0x12d: {  	v62 =	vunpack.i.l.bf16.f32 v57;
	v21 =	vmul.f32 v59, v15;
	v18 =	vmul.f32 v18, v16  }
0x12e: {  	v28 =	vld [tilespmem:s23+$0xFFFFF9E0];
	v19 =	vunpack.i.u.bf16.f32 v57;
	v63 =	vmul.f32 v62, v14;
	v17 =	vadd.f32 v22, v17  }
0x12f: {  	v29 =	vunpack.i.l.bf16.f32 v58;
	v19 =	vmul.f32 v19, v14;
	v18 =	vadd.f32 v18, v21  }
0x130: {  	v30 =	vld [tilespmem:s23+$0xE0];
	v20 =	vunpack.i.u.bf16.f32 v58;
	v21 =	vmul.f32 v29, v13;
	v17 =	vadd.f32 v63, v17  }
0x131: {  	v32 =	vunpack.i.l.bf16.f32 v61;
	v31 =	vmul.f32 v20, v13;
	v18 =	vadd.f32 v19, v18  }
0x132: {  	v34 =	vld [tilespmem:s23+$0x7E0];
	v33 =	vunpack.i.u.bf16.f32 v61;
	v20 =	vmul.f32 v32, v12;
	v17 =	vadd.f32 v21, v17  }
0x133: {  	v36 =	vunpack.i.l.bf16.f32 v28;
	v35 =	vmul.f32 v33, v12;
	v18 =	vadd.f32 v31, v18  }
0x134: {  	v37 =	vunpack.i.u.bf16.f32 v28;
	v21 =	vmul.f32 v36, v11;
	v17 =	vadd.f32 v20, v17  }
0x135: {  	v39 =	vunpack.i.l.bf16.f32 v30;
	v38 =	vmul.f32 v37, v11;
	v18 =	vadd.f32 v35, v18  }
0x136: {  	v40 =	vunpack.i.u.bf16.f32 v30;
	v20 =	vmul.f32 v39, v10;
	v17 =	vadd.f32 v21, v17  }
0x137: {  	v42 =	vunpack.i.l.bf16.f32 v34;
	v41 =	vmul.f32 v40, v10;
	v18 =	vadd.f32 v38, v18  }
0x138: {  	v43 =	vunpack.i.u.bf16.f32 v34;
	v21 =	vmul.f32 v42, v9;
	v17 =	vadd.f32 v20, v17  }
0x139: {  	v44 =	vmul.f32 v43, v9;
	v18 =	vadd.f32 v41, v18  }
0x13a: {  	v17 =	vadd.f32 v21, v17  }
0x13b: {  	v18 =	vadd.f32 v44, v18  }
0x13c: {  	[tilespmem:s24+$0x8540] =	vst v17  }
0x13d: {  	[tilespmem:s24+$0x8550] =	vst v18  }
0x13e: {  	v17 =	vld [tilespmem:s23+$0xFFFFF270]  }
0x13f: {  	v18 =	vld [tilespmem:s23+$0xFFFFF970];
	_ =	sdelay $0x1  }
0x140: {  	v45 =	vld [tilespmem:s23+$0x70];
	_ =	sdelay $0x1  }
0x141: {  	v46 =	vld [tilespmem:s23+$0x770]  }
0x142: {  	v47 =	vunpack.i.u.bf16.f32 v17;
	v17 =	vunpack.i.l.bf16.f32 v17;
	v48 =	vunpack.i.l.bf16.f32 v18  }
0x143: {  	v49 =	vld [tilespmem:s23+$0xFFFFF2F0];
	v18 =	vunpack.i.u.bf16.f32 v18;
	v17 =	vmul.f32 v17, v15;
	v22 =	vmul.f32 v48, v16  }
0x144: {  	v50 =	vunpack.i.l.bf16.f32 v45;
	v15 =	vmul.f32 v47, v15;
	v16 =	vmul.f32 v18, v16  }
0x145: {  	v51 =	vld [tilespmem:s23+$0xFFFFF9F0];
	v19 =	vunpack.i.u.bf16.f32 v45;
	v18 =	vmul.f32 v50, v14;
	v17 =	vadd.f32 v22, v17  }
0x146: {  	v52 =	vunpack.i.l.bf16.f32 v46;
	v14 =	vmul.f32 v19, v14;
	v15 =	vadd.f32 v16, v15  }
0x147: {  	v54 =	vld [tilespmem:s23+$0xF0];
	v53 =	vunpack.i.u.bf16.f32 v46;
	v16 =	vmul.f32 v52, v13;
	v17 =	vadd.f32 v18, v17  }
0x148: {  	v55 =	vunpack.i.l.bf16.f32 v49;
	v13 =	vmul.f32 v53, v13;
	v14 =	vadd.f32 v14, v15  }
0x149: {  	v57 =	vld [tilespmem:s23+$0x7F0];
	v56 =	vunpack.i.u.bf16.f32 v49;
	v15 =	vmul.f32 v55, v12;
	v16 =	vadd.f32 v16, v17  }
0x14a: {  	v58 =	vunpack.i.l.bf16.f32 v51;
	v12 =	vmul.f32 v56, v12;
	v13 =	vadd.f32 v13, v14  }
0x14b: {  	v59 =	vunpack.i.u.bf16.f32 v51;
	v14 =	vmul.f32 v58, v11;
	v15 =	vadd.f32 v15, v16  }
0x14c: {  	v60 =	vunpack.i.l.bf16.f32 v54;
	v11 =	vmul.f32 v59, v11;
	v12 =	vadd.f32 v12, v13  }
0x14d: {  	v61 =	vunpack.i.u.bf16.f32 v54;
	v13 =	vmul.f32 v60, v10;
	v14 =	vadd.f32 v14, v15  }
0x14e: {  	v62 =	vunpack.i.l.bf16.f32 v57;
	v10 =	vmul.f32 v61, v10;
	v11 =	vadd.f32 v11, v12  }
0x14f: {  	p0 =	sne.s32 s20, $0xD;
	v63 =	vunpack.i.u.bf16.f32 v57;
	v12 =	vmul.f32 v62, v9;
	v13 =	vadd.f32 v13, v14  }
.Ltmp1:
0x150: {  	v9 =	vmul.f32 v63, v9;
	v10 =	vadd.f32 v10, v11;
	(pc) =	sbr.rel @p0 .LBB2_5-.Ltmp1, $4  }
0x151: {  	v11 =	vadd.f32 v12, v13  }
0x152: {  	v9 =	vadd.f32 v9, v10  }
0x153: {  	s21 =	sadd.s32 $0x80, s21;
	[tilespmem:s24+$0x8560] =	vst v11  }
0x154: {  	s22 =	sadd.s32 $0x100, s22;
	s20 =	sadd.s32 $0x2, s20;
	s23 =	sadd.s32 $0x100, s23;
	[tilespmem:s24+$0x8570] =	vst v9  }
0x155: {  	p0 =	seq.s32 s16, $0x6F  }
0x156: {  	s19 =	sadd.s32 @!p0 $0x2, s19  }
0x157: {  	s20 =	smulhi.u32 @!p0 $0x92492493, s19;
	_ =	sdelay $0x1  }
0x158: {  	s20 =	sshrl.u32 @!p0 s20, $0x3  }
0x159: {  	s21 =	smul.u32 @!p0 $0xFFFFFFF2, s20  }
0x15a: {  	s20 =	sshll.u32 @!p0 s20, $0x8  }
0x15b: {  	v9 =	vld @!p0 [tilespmem:s20+$0x2400];
	s19 =	sadd.s32 @!p0 s19, s21  }
0x15c: {  	v11 =	vld @!p0 [tilespmem:s20+$0x2480];
	v10 =	vmov @!p0 s19  }
0x15d: {  	v12 =	vld @!p0 [tilespmem:s20+$0x400];
	v10 =	vshrl.u32 @!p0 v10, $0x1B  }
0x15e: {  	v14 =	vlaneseq.u32 @!p0;
	v13 =	vld @!p0 [tilespmem:s20+$0x480];
	v10 =	vand.u32 @!p0 $0x10, v10  }
0x15f: {  	v15 =	vadd.s32 @!p0 $0xE, v14;
	v10 =	vadd.s32 @!p0 s19, v10  }
0x160: {  	v16 =	vadd.s32 @!p0 $0x1C, v14;
	v9 =	vperm.xlane @!p0 v9, v10  }
0x161: {  	v18 =	vadd.s32 @!p0 $0x2A, v14  }
0x162: {  	v17 =	vld @!p0 [tilespmem:s20+$0x3400];
	s19 =	simm.s32 @!p0 $0x4400;
	v11 =	vperm.xlane @!p0 v11, v10;
	v9 =	vadd.s32 @!p0 v9, v12  }
0x163: {  	v12 =	vld @!p0 [tilespmem:s20+$0x3480];
	[tilespmem:v14+s19+$0x0] =	vst.idx.msk @!p0 $0x3fff, v9;
	v14 =	vadd.s32 @!p0 v13, v9  }
0x164: {  	v9 =	vadd.s32 @!p0 v11, v9;
	[tilespmem:v15+s19+$0x0] =	vst.idx.msk @!p0 $0x3fff, v14  }
0x165: {  	[tilespmem:v16+s19+$0x0] =	vst.idx.msk @!p0 $0x3fff, v9;
	v9 =	vadd.s32 @!p0 v9, v13  }
0x166: {  	[tilespmem:v18+s19+$0x0] =	vst.idx.msk @!p0 $0x3fff, v9  }
0x167: {  	v9 =	vld @!p0 [tilespmem:s20+$0x1400]  }
0x168: {  	v11 =	vld @!p0 [tilespmem:s20+$0x1480];
	_ =	sdelay $0x1  }
0x169: {  	v13 =	vperm.xlane @!p0 v17, v10;
	_ =	sdelay $0x1  }
0x16a: {  	v10 =	vperm.xlane @!p0 v12, v10;
	v12 =	vmul.f32 @!p0 v9, v13  }
0x16b: {  	v13 =	vmul.f32 @!p0 v11, v13  }
0x16c: {  	v9 =	vmul.f32 @!p0 v9, v10;
	[tilespmem:$0x4500] =	vst @!p0 v12  }
0x16d: {  	v10 =	vmul.f32 @!p0 v11, v10;
	[tilespmem:$0x4580] =	vst @!p0 v13  }
0x16e: {  	[tilespmem:$0x4600] =	vst @!p0 v9  }
0x16f: {  	s30 =	sshrl.u32 s18, $0x1F;
	s21 =	simm.s32 @!p0 $0x4900;
	s20 =	simm.s32 @!p0 $0x38;
	[tilespmem:$0x4680] =	vst @!p0 v10  }
0x170: {  	[tilespmem:s21], [sflag:$0x1] =	stream.indirect.gather @!p0 [hbm4b:s3+s20], $0x80, s19, s20, $0xb8;
	[tilespmem:$0xB900] =	vst v63  }
0x171: {  	s19 =	sadd.s32 s30, s18  }
0x172: {  	s31 =	sshra.s32 s18, $0x1F;
	s19 =	sshra.s32 s19, $0x1  }
0x173: {  	_ =	swait.ge [sflag:s14], $0x1C00;
	s20 =	sadd.s32 s31, s19  }
0x174: {  	s22 =	simm.s32 $0x7300;
	[sflag:s14] =	ssyncset.done $0x0;
	s19 =	smul.u32 $0x380, s20  }
0x175: {  	s21 =	simm.s32 $0x1;
	[sflag:s14] =	ssyncadd.s32 $0xFFFFE400;
	s20 =	smul.u32 $0x700, s20  }
.LBB2_7:
0x176: {  	v9 =	vld [tilespmem:$0x4700]  }
0x177: {  	v10 =	vld [tilespmem:$0x4780]  }
0x178: {  	v17 =	vld [tilespmem:$0x4800]  }
0x179: {  	v18 =	vld [tilespmem:$0x4880];
	_ =	sdelay $0x1  }
0x17a: {  	s23 =	sadd.s32 $0xFFFFFFFF, s21;
	v19 =	vld [tilespmem:s22+$0xFFFFF200]  }
0x17b: {  	v20 =	vld [tilespmem:s22+$0xFFFFF900];
	v11 =	vmov s23  }
0x17c: {  	v15 =	vperm.xlane v9, v11;
	v16 =	vperm.xlane v10, v11  }
0x17d: {  	v21 =	vmov s21;
	v22 =	vld [tilespmem:s22+$0x0];
	v14 =	vperm.xlane v17, v11;
	v13 =	vperm.xlane v18, v11  }
0x17e: {  	v12 =	vperm.xlane v9, v21;
	v11 =	vperm.xlane v10, v21  }
0x17f: {  	v58 =	vld [tilespmem:s22+$0x700];
	v10 =	vperm.xlane v17, v21;
	v9 =	vperm.xlane v18, v21  }
0x180: {  	v59 =	vunpack.i.u.bf16.f32 v19;
	v19 =	vunpack.i.l.bf16.f32 v19;
	v60 =	vunpack.i.l.bf16.f32 v20  }
0x181: {  	v23 =	vld [tilespmem:s22+$0xFFFFF280];
	v20 =	vunpack.i.u.bf16.f32 v20;
	v19 =	vmul.f32 v19, v15;
	v21 =	vmul.f32 v60, v16  }
0x182: {  	v24 =	vunpack.i.l.bf16.f32 v22;
	v18 =	vmul.f32 v59, v15;
	v20 =	vmul.f32 v20, v16  }
0x183: {  	v63 =	vld [tilespmem:s22+$0xFFFFF980];
	v61 =	vunpack.i.u.bf16.f32 v22;
	v62 =	vmul.f32 v24, v14;
	v19 =	vadd.f32 v21, v19  }
0x184: {  	v26 =	vunpack.i.l.bf16.f32 v58;
	v25 =	vmul.f32 v61, v14;
	v18 =	vadd.f32 v20, v18  }
0x185: {  	v27 =	vld [tilespmem:s22+$0x80];
	v17 =	vunpack.i.u.bf16.f32 v58;
	v21 =	vmul.f32 v26, v13;
	v19 =	vadd.f32 v62, v19  }
0x186: {  	v28 =	vunpack.i.l.bf16.f32 v23;
	v17 =	vmul.f32 v17, v13;
	v18 =	vadd.f32 v25, v18  }
0x187: {  	v30 =	vld [tilespmem:s22+$0x780];
	v29 =	vunpack.i.u.bf16.f32 v23;
	v20 =	vmul.f32 v28, v12;
	v19 =	vadd.f32 v21, v19  }
0x188: {  	v32 =	vunpack.i.l.bf16.f32 v63;
	v31 =	vmul.f32 v29, v12;
	v17 =	vadd.f32 v17, v18  }
0x189: {  	v33 =	vunpack.i.u.bf16.f32 v63;
	v21 =	vmul.f32 v32, v11;
	v19 =	vadd.f32 v20, v19  }
0x18a: {  	s31 =	sand.u32 $0xFFFFF800, s20;
	s24 =	sand.u32 $0x380, s19;
	v35 =	vunpack.i.l.bf16.f32 v27;
	v34 =	vmul.f32 v33, v11;
	v17 =	vadd.f32 v31, v17  }
0x18b: {  	s23 =	sor.u32 s24, s31;
	v36 =	vunpack.i.u.bf16.f32 v27;
	v20 =	vmul.f32 v35, v10;
	v19 =	vadd.f32 v21, v19  }
0x18c: {  	v39 =	vld [tilespmem:s23+$0x8100];
	v38 =	vunpack.i.l.bf16.f32 v30;
	v37 =	vmul.f32 v36, v10;
	v17 =	vadd.f32 v34, v17  }
0x18d: {  	v41 =	vld [tilespmem:s23+$0x8110];
	v40 =	vunpack.i.u.bf16.f32 v30;
	v21 =	vmul.f32 v38, v9;
	v19 =	vadd.f32 v20, v19  }
0x18e: {  	v42 =	vmul.f32 v40, v9;
	v17 =	vadd.f32 v37, v17  }
0x18f: {  	v19 =	vadd.f32 v21, v19  }
0x190: {  	v17 =	vadd.f32 v42, v17  }
0x191: {  	v43 =	vadd.f32 v19, v39  }
0x192: {  	v17 =	vadd.f32 v41, v17  }
0x193: {  	[tilespmem:s23+$0x8100] =	vst v43  }
0x194: {  	[tilespmem:s23+$0x8110] =	vst v17  }
0x195: {  	v17 =	vld [tilespmem:s22+$0xFFFFF210]  }
0x196: {  	v18 =	vld [tilespmem:s22+$0xFFFFF910];
	_ =	sdelay $0x1  }
0x197: {  	v44 =	vld [tilespmem:s22+$0x10];
	_ =	sdelay $0x1  }
0x198: {  	v45 =	vld [tilespmem:s22+$0x710]  }
0x199: {  	v46 =	vunpack.i.u.bf16.f32 v17;
	v17 =	vunpack.i.l.bf16.f32 v17;
	v47 =	vunpack.i.l.bf16.f32 v18  }
0x19a: {  	v48 =	vld [tilespmem:s22+$0xFFFFF290];
	v18 =	vunpack.i.u.bf16.f32 v18;
	v17 =	vmul.f32 v17, v15;
	v22 =	vmul.f32 v47, v16  }
0x19b: {  	v49 =	vunpack.i.l.bf16.f32 v44;
	v21 =	vmul.f32 v46, v15;
	v18 =	vmul.f32 v18, v16  }
0x19c: {  	v51 =	vld [tilespmem:s22+$0xFFFFF990];
	v19 =	vunpack.i.u.bf16.f32 v44;
	v50 =	vmul.f32 v49, v14;
	v17 =	vadd.f32 v22, v17  }
0x19d: {  	v52 =	vunpack.i.l.bf16.f32 v45;
	v19 =	vmul.f32 v19, v14;
	v18 =	vadd.f32 v18, v21  }
0x19e: {  	v53 =	vld [tilespmem:s22+$0x90];
	v20 =	vunpack.i.u.bf16.f32 v45;
	v21 =	vmul.f32 v52, v13;
	v17 =	vadd.f32 v50, v17  }
0x19f: {  	v55 =	vunpack.i.l.bf16.f32 v48;
	v54 =	vmul.f32 v20, v13;
	v18 =	vadd.f32 v19, v18  }
0x1a0: {  	v57 =	vld [tilespmem:s22+$0x790];
	v56 =	vunpack.i.u.bf16.f32 v48;
	v20 =	vmul.f32 v55, v12;
	v17 =	vadd.f32 v21, v17  }
0x1a1: {  	v59 =	vunpack.i.l.bf16.f32 v51;
	v58 =	vmul.f32 v56, v12;
	v18 =	vadd.f32 v54, v18  }
0x1a2: {  	v60 =	vunpack.i.u.bf16.f32 v51;
	v21 =	vmul.f32 v59, v11;
	v17 =	vadd.f32 v20, v17  }
0x1a3: {  	v62 =	vunpack.i.l.bf16.f32 v53;
	v61 =	vmul.f32 v60, v11;
	v18 =	vadd.f32 v58, v18  }
0x1a4: {  	v63 =	vunpack.i.u.bf16.f32 v53;
	v20 =	vmul.f32 v62, v10;
	v17 =	vadd.f32 v21, v17  }
0x1a5: {  	v26 =	vld [tilespmem:s23+$0x8120];
	v25 =	vunpack.i.l.bf16.f32 v57;
	v24 =	vmul.f32 v63, v10;
	v18 =	vadd.f32 v61, v18  }
0x1a6: {  	v28 =	vld [tilespmem:s23+$0x8130];
	v27 =	vunpack.i.u.bf16.f32 v57;
	v21 =	vmul.f32 v25, v9;
	v17 =	vadd.f32 v20, v17  }
0x1a7: {  	v29 =	vmul.f32 v27, v9;
	v18 =	vadd.f32 v24, v18  }
0x1a8: {  	v17 =	vadd.f32 v21, v17  }
0x1a9: {  	v18 =	vadd.f32 v29, v18  }
0x1aa: {  	v17 =	vadd.f32 v17, v26  }
0x1ab: {  	v18 =	vadd.f32 v28, v18  }
0x1ac: {  	[tilespmem:s23+$0x8120] =	vst v17  }
0x1ad: {  	[tilespmem:s23+$0x8130] =	vst v18  }
0x1ae: {  	v17 =	vld [tilespmem:s22+$0xFFFFF220]  }
0x1af: {  	v18 =	vld [tilespmem:s22+$0xFFFFF920];
	_ =	sdelay $0x1  }
0x1b0: {  	v30 =	vld [tilespmem:s22+$0x20];
	_ =	sdelay $0x1  }
0x1b1: {  	v31 =	vld [tilespmem:s22+$0x720]  }
0x1b2: {  	v32 =	vunpack.i.u.bf16.f32 v17;
	v17 =	vunpack.i.l.bf16.f32 v17;
	v33 =	vunpack.i.l.bf16.f32 v18  }
0x1b3: {  	v34 =	vld [tilespmem:s22+$0xFFFFF2A0];
	v18 =	vunpack.i.u.bf16.f32 v18;
	v17 =	vmul.f32 v17, v15;
	v22 =	vmul.f32 v33, v16  }
0x1b4: {  	v35 =	vunpack.i.l.bf16.f32 v30;
	v21 =	vmul.f32 v32, v15;
	v18 =	vmul.f32 v18, v16  }
0x1b5: {  	v37 =	vld [tilespmem:s22+$0xFFFFF9A0];
	v19 =	vunpack.i.u.bf16.f32 v30;
	v36 =	vmul.f32 v35, v14;
	v17 =	vadd.f32 v22, v17  }
0x1b6: {  	v38 =	vunpack.i.l.bf16.f32 v31;
	v19 =	vmul.f32 v19, v14;
	v18 =	vadd.f32 v18, v21  }
0x1b7: {  	v39 =	vld [tilespmem:s22+$0xA0];
	v20 =	vunpack.i.u.bf16.f32 v31;
	v21 =	vmul.f32 v38, v13;
	v17 =	vadd.f32 v36, v17  }
0x1b8: {  	v41 =	vunpack.i.l.bf16.f32 v34;
	v40 =	vmul.f32 v20, v13;
	v18 =	vadd.f32 v19, v18  }
0x1b9: {  	v43 =	vld [tilespmem:s22+$0x7A0];
	v42 =	vunpack.i.u.bf16.f32 v34;
	v20 =	vmul.f32 v41, v12;
	v17 =	vadd.f32 v21, v17  }
0x1ba: {  	v45 =	vunpack.i.l.bf16.f32 v37;
	v44 =	vmul.f32 v42, v12;
	v18 =	vadd.f32 v40, v18  }
0x1bb: {  	v46 =	vunpack.i.u.bf16.f32 v37;
	v21 =	vmul.f32 v45, v11;
	v17 =	vadd.f32 v20, v17  }
0x1bc: {  	v48 =	vunpack.i.l.bf16.f32 v39;
	v47 =	vmul.f32 v46, v11;
	v18 =	vadd.f32 v44, v18  }
0x1bd: {  	v49 =	vunpack.i.u.bf16.f32 v39;
	v20 =	vmul.f32 v48, v10;
	v17 =	vadd.f32 v21, v17  }
0x1be: {  	v52 =	vld [tilespmem:s23+$0x8140];
	v51 =	vunpack.i.l.bf16.f32 v43;
	v50 =	vmul.f32 v49, v10;
	v18 =	vadd.f32 v47, v18  }
0x1bf: {  	v54 =	vld [tilespmem:s23+$0x8150];
	v53 =	vunpack.i.u.bf16.f32 v43;
	v21 =	vmul.f32 v51, v9;
	v17 =	vadd.f32 v20, v17  }
0x1c0: {  	v55 =	vmul.f32 v53, v9;
	v18 =	vadd.f32 v50, v18  }
0x1c1: {  	v17 =	vadd.f32 v21, v17  }
0x1c2: {  	v18 =	vadd.f32 v55, v18  }
0x1c3: {  	v17 =	vadd.f32 v17, v52  }
0x1c4: {  	v18 =	vadd.f32 v54, v18  }
0x1c5: {  	[tilespmem:s23+$0x8140] =	vst v17  }
0x1c6: {  	[tilespmem:s23+$0x8150] =	vst v18  }
0x1c7: {  	v17 =	vld [tilespmem:s22+$0xFFFFF230]  }
0x1c8: {  	v18 =	vld [tilespmem:s22+$0xFFFFF930];
	_ =	sdelay $0x1  }
0x1c9: {  	v56 =	vld [tilespmem:s22+$0x30];
	_ =	sdelay $0x1  }
0x1ca: {  	v57 =	vld [tilespmem:s22+$0x730]  }
0x1cb: {  	v58 =	vunpack.i.u.bf16.f32 v17;
	v17 =	vunpack.i.l.bf16.f32 v17;
	v59 =	vunpack.i.l.bf16.f32 v18  }
0x1cc: {  	v60 =	vld [tilespmem:s22+$0xFFFFF2B0];
	v18 =	vunpack.i.u.bf16.f32 v18;
	v17 =	vmul.f32 v17, v15;
	v22 =	vmul.f32 v59, v16  }
0x1cd: {  	v61 =	vunpack.i.l.bf16.f32 v56;
	v21 =	vmul.f32 v58, v15;
	v18 =	vmul.f32 v18, v16  }
0x1ce: {  	v63 =	vld [tilespmem:s22+$0xFFFFF9B0];
	v19 =	vunpack.i.u.bf16.f32 v56;
	v62 =	vmul.f32 v61, v14;
	v17 =	vadd.f32 v22, v17  }
0x1cf: {  	v26 =	vunpack.i.l.bf16.f32 v57;
	v19 =	vmul.f32 v19, v14;
	v18 =	vadd.f32 v18, v21  }
0x1d0: {  	v27 =	vld [tilespmem:s22+$0xB0];
	v20 =	vunpack.i.u.bf16.f32 v57;
	v21 =	vmul.f32 v26, v13;
	v17 =	vadd.f32 v62, v17  }
0x1d1: {  	v29 =	vunpack.i.l.bf16.f32 v60;
	v28 =	vmul.f32 v20, v13;
	v18 =	vadd.f32 v19, v18  }
0x1d2: {  	v31 =	vld [tilespmem:s22+$0x7B0];
	v30 =	vunpack.i.u.bf16.f32 v60;
	v20 =	vmul.f32 v29, v12;
	v17 =	vadd.f32 v21, v17  }
0x1d3: {  	v33 =	vunpack.i.l.bf16.f32 v63;
	v32 =	vmul.f32 v30, v12;
	v18 =	vadd.f32 v28, v18  }
0x1d4: {  	v34 =	vunpack.i.u.bf16.f32 v63;
	v21 =	vmul.f32 v33, v11;
	v17 =	vadd.f32 v20, v17  }
0x1d5: {  	v36 =	vunpack.i.l.bf16.f32 v27;
	v35 =	vmul.f32 v34, v11;
	v18 =	vadd.f32 v32, v18  }
0x1d6: {  	v37 =	vunpack.i.u.bf16.f32 v27;
	v20 =	vmul.f32 v36, v10;
	v17 =	vadd.f32 v21, v17  }
0x1d7: {  	v40 =	vld [tilespmem:s23+$0x8160];
	v39 =	vunpack.i.l.bf16.f32 v31;
	v38 =	vmul.f32 v37, v10;
	v18 =	vadd.f32 v35, v18  }
0x1d8: {  	v42 =	vld [tilespmem:s23+$0x8170];
	v41 =	vunpack.i.u.bf16.f32 v31;
	v21 =	vmul.f32 v39, v9;
	v17 =	vadd.f32 v20, v17  }
0x1d9: {  	v43 =	vmul.f32 v41, v9;
	v18 =	vadd.f32 v38, v18  }
0x1da: {  	v17 =	vadd.f32 v21, v17  }
0x1db: {  	v18 =	vadd.f32 v43, v18  }
0x1dc: {  	v17 =	vadd.f32 v17, v40  }
0x1dd: {  	v18 =	vadd.f32 v42, v18  }
0x1de: {  	[tilespmem:s23+$0x8160] =	vst v17  }
0x1df: {  	[tilespmem:s23+$0x8170] =	vst v18  }
0x1e0: {  	v17 =	vld [tilespmem:s22+$0xFFFFF240]  }
0x1e1: {  	v18 =	vld [tilespmem:s22+$0xFFFFF940];
	_ =	sdelay $0x1  }
0x1e2: {  	v44 =	vld [tilespmem:s22+$0x40];
	_ =	sdelay $0x1  }
0x1e3: {  	v45 =	vld [tilespmem:s22+$0x740]  }
0x1e4: {  	v46 =	vunpack.i.u.bf16.f32 v17;
	v17 =	vunpack.i.l.bf16.f32 v17;
	v47 =	vunpack.i.l.bf16.f32 v18  }
0x1e5: {  	v48 =	vld [tilespmem:s22+$0xFFFFF2C0];
	v18 =	vunpack.i.u.bf16.f32 v18;
	v17 =	vmul.f32 v17, v15;
	v22 =	vmul.f32 v47, v16  }
0x1e6: {  	v49 =	vunpack.i.l.bf16.f32 v44;
	v21 =	vmul.f32 v46, v15;
	v18 =	vmul.f32 v18, v16  }
0x1e7: {  	v51 =	vld [tilespmem:s22+$0xFFFFF9C0];
	v19 =	vunpack.i.u.bf16.f32 v44;
	v50 =	vmul.f32 v49, v14;
	v17 =	vadd.f32 v22, v17  }
0x1e8: {  	v52 =	vunpack.i.l.bf16.f32 v45;
	v19 =	vmul.f32 v19, v14;
	v18 =	vadd.f32 v18, v21  }
0x1e9: {  	v53 =	vld [tilespmem:s22+$0xC0];
	v20 =	vunpack.i.u.bf16.f32 v45;
	v21 =	vmul.f32 v52, v13;
	v17 =	vadd.f32 v50, v17  }
0x1ea: {  	v55 =	vunpack.i.l.bf16.f32 v48;
	v54 =	vmul.f32 v20, v13;
	v18 =	vadd.f32 v19, v18  }
0x1eb: {  	v57 =	vld [tilespmem:s22+$0x7C0];
	v56 =	vunpack.i.u.bf16.f32 v48;
	v20 =	vmul.f32 v55, v12;
	v17 =	vadd.f32 v21, v17  }
0x1ec: {  	v59 =	vunpack.i.l.bf16.f32 v51;
	v58 =	vmul.f32 v56, v12;
	v18 =	vadd.f32 v54, v18  }
0x1ed: {  	v60 =	vunpack.i.u.bf16.f32 v51;
	v21 =	vmul.f32 v59, v11;
	v17 =	vadd.f32 v20, v17  }
0x1ee: {  	v62 =	vunpack.i.l.bf16.f32 v53;
	v61 =	vmul.f32 v60, v11;
	v18 =	vadd.f32 v58, v18  }
0x1ef: {  	v63 =	vunpack.i.u.bf16.f32 v53;
	v20 =	vmul.f32 v62, v10;
	v17 =	vadd.f32 v21, v17  }
0x1f0: {  	v26 =	vld [tilespmem:s23+$0x8500];
	v25 =	vunpack.i.l.bf16.f32 v57;
	v24 =	vmul.f32 v63, v10;
	v18 =	vadd.f32 v61, v18  }
0x1f1: {  	v28 =	vld [tilespmem:s23+$0x8510];
	v27 =	vunpack.i.u.bf16.f32 v57;
	v21 =	vmul.f32 v25, v9;
	v17 =	vadd.f32 v20, v17  }
0x1f2: {  	v29 =	vmul.f32 v27, v9;
	v18 =	vadd.f32 v24, v18  }
0x1f3: {  	v17 =	vadd.f32 v21, v17  }
0x1f4: {  	v18 =	vadd.f32 v29, v18  }
0x1f5: {  	v17 =	vadd.f32 v17, v26  }
0x1f6: {  	v18 =	vadd.f32 v28, v18  }
0x1f7: {  	[tilespmem:s23+$0x8500] =	vst v17  }
0x1f8: {  	[tilespmem:s23+$0x8510] =	vst v18  }
0x1f9: {  	v17 =	vld [tilespmem:s22+$0xFFFFF250]  }
0x1fa: {  	v18 =	vld [tilespmem:s22+$0xFFFFF950];
	_ =	sdelay $0x1  }
0x1fb: {  	v30 =	vld [tilespmem:s22+$0x50];
	_ =	sdelay $0x1  }
0x1fc: {  	v31 =	vld [tilespmem:s22+$0x750]  }
0x1fd: {  	v32 =	vunpack.i.u.bf16.f32 v17;
	v17 =	vunpack.i.l.bf16.f32 v17;
	v33 =	vunpack.i.l.bf16.f32 v18  }
0x1fe: {  	v34 =	vld [tilespmem:s22+$0xFFFFF2D0];
	v18 =	vunpack.i.u.bf16.f32 v18;
	v17 =	vmul.f32 v17, v15;
	v22 =	vmul.f32 v33, v16  }
0x1ff: {  	v35 =	vunpack.i.l.bf16.f32 v30;
	v21 =	vmul.f32 v32, v15;
	v18 =	vmul.f32 v18, v16  }
0x200: {  	v37 =	vld [tilespmem:s22+$0xFFFFF9D0];
	v19 =	vunpack.i.u.bf16.f32 v30;
	v36 =	vmul.f32 v35, v14;
	v17 =	vadd.f32 v22, v17  }
0x201: {  	v38 =	vunpack.i.l.bf16.f32 v31;
	v19 =	vmul.f32 v19, v14;
	v18 =	vadd.f32 v18, v21  }
0x202: {  	v39 =	vld [tilespmem:s22+$0xD0];
	v20 =	vunpack.i.u.bf16.f32 v31;
	v21 =	vmul.f32 v38, v13;
	v17 =	vadd.f32 v36, v17  }
0x203: {  	v41 =	vunpack.i.l.bf16.f32 v34;
	v40 =	vmul.f32 v20, v13;
	v18 =	vadd.f32 v19, v18  }
0x204: {  	v43 =	vld [tilespmem:s22+$0x7D0];
	v42 =	vunpack.i.u.bf16.f32 v34;
	v20 =	vmul.f32 v41, v12;
	v17 =	vadd.f32 v21, v17  }
0x205: {  	v45 =	vunpack.i.l.bf16.f32 v37;
	v44 =	vmul.f32 v42, v12;
	v18 =	vadd.f32 v40, v18  }
0x206: {  	v46 =	vunpack.i.u.bf16.f32 v37;
	v21 =	vmul.f32 v45, v11;
	v17 =	vadd.f32 v20, v17  }
0x207: {  	v48 =	vunpack.i.l.bf16.f32 v39;
	v47 =	vmul.f32 v46, v11;
	v18 =	vadd.f32 v44, v18  }
0x208: {  	v49 =	vunpack.i.u.bf16.f32 v39;
	v20 =	vmul.f32 v48, v10;
	v17 =	vadd.f32 v21, v17  }
0x209: {  	v52 =	vld [tilespmem:s23+$0x8520];
	v51 =	vunpack.i.l.bf16.f32 v43;
	v50 =	vmul.f32 v49, v10;
	v18 =	vadd.f32 v47, v18  }
0x20a: {  	v54 =	vld [tilespmem:s23+$0x8530];
	v53 =	vunpack.i.u.bf16.f32 v43;
	v21 =	vmul.f32 v51, v9;
	v17 =	vadd.f32 v20, v17  }
0x20b: {  	v55 =	vmul.f32 v53, v9;
	v18 =	vadd.f32 v50, v18  }
0x20c: {  	v17 =	vadd.f32 v21, v17  }
0x20d: {  	v18 =	vadd.f32 v55, v18  }
0x20e: {  	v17 =	vadd.f32 v17, v52  }
0x20f: {  	v18 =	vadd.f32 v54, v18  }
0x210: {  	[tilespmem:s23+$0x8520] =	vst v17  }
0x211: {  	[tilespmem:s23+$0x8530] =	vst v18  }
0x212: {  	v17 =	vld [tilespmem:s22+$0xFFFFF260]  }
0x213: {  	v18 =	vld [tilespmem:s22+$0xFFFFF960];
	_ =	sdelay $0x1  }
0x214: {  	v56 =	vld [tilespmem:s22+$0x60];
	_ =	sdelay $0x1  }
0x215: {  	v57 =	vld [tilespmem:s22+$0x760]  }
0x216: {  	v58 =	vunpack.i.u.bf16.f32 v17;
	v17 =	vunpack.i.l.bf16.f32 v17;
	v59 =	vunpack.i.l.bf16.f32 v18  }
0x217: {  	v60 =	vld [tilespmem:s22+$0xFFFFF2E0];
	v18 =	vunpack.i.u.bf16.f32 v18;
	v17 =	vmul.f32 v17, v15;
	v22 =	vmul.f32 v59, v16  }
0x218: {  	v61 =	vunpack.i.l.bf16.f32 v56;
	v21 =	vmul.f32 v58, v15;
	v18 =	vmul.f32 v18, v16  }
0x219: {  	v63 =	vld [tilespmem:s22+$0xFFFFF9E0];
	v19 =	vunpack.i.u.bf16.f32 v56;
	v62 =	vmul.f32 v61, v14;
	v17 =	vadd.f32 v22, v17  }
0x21a: {  	v25 =	vunpack.i.l.bf16.f32 v57;
	v19 =	vmul.f32 v19, v14;
	v18 =	vadd.f32 v18, v21  }
0x21b: {  	v26 =	vld [tilespmem:s22+$0xE0];
	v20 =	vunpack.i.u.bf16.f32 v57;
	v21 =	vmul.f32 v25, v13;
	v17 =	vadd.f32 v62, v17  }
0x21c: {  	v28 =	vunpack.i.l.bf16.f32 v60;
	v27 =	vmul.f32 v20, v13;
	v18 =	vadd.f32 v19, v18  }
0x21d: {  	v30 =	vld [tilespmem:s22+$0x7E0];
	v29 =	vunpack.i.u.bf16.f32 v60;
	v20 =	vmul.f32 v28, v12;
	v17 =	vadd.f32 v21, v17  }
0x21e: {  	v32 =	vunpack.i.l.bf16.f32 v63;
	v31 =	vmul.f32 v29, v12;
	v18 =	vadd.f32 v27, v18  }
0x21f: {  	v33 =	vunpack.i.u.bf16.f32 v63;
	v21 =	vmul.f32 v32, v11;
	v17 =	vadd.f32 v20, v17  }
0x220: {  	v35 =	vunpack.i.l.bf16.f32 v26;
	v34 =	vmul.f32 v33, v11;
	v18 =	vadd.f32 v31, v18  }
0x221: {  	v36 =	vunpack.i.u.bf16.f32 v26;
	v20 =	vmul.f32 v35, v10;
	v17 =	vadd.f32 v21, v17  }
0x222: {  	v39 =	vld [tilespmem:s23+$0x8540];
	v38 =	vunpack.i.l.bf16.f32 v30;
	v37 =	vmul.f32 v36, v10;
	v18 =	vadd.f32 v34, v18  }
0x223: {  	v41 =	vld [tilespmem:s23+$0x8550];
	v40 =	vunpack.i.u.bf16.f32 v30;
	v21 =	vmul.f32 v38, v9;
	v17 =	vadd.f32 v20, v17  }
0x224: {  	v42 =	vmul.f32 v40, v9;
	v18 =	vadd.f32 v37, v18  }
0x225: {  	v17 =	vadd.f32 v21, v17  }
0x226: {  	v18 =	vadd.f32 v42, v18  }
0x227: {  	v17 =	vadd.f32 v17, v39  }
0x228: {  	v18 =	vadd.f32 v41, v18  }
0x229: {  	[tilespmem:s23+$0x8540] =	vst v17  }
0x22a: {  	[tilespmem:s23+$0x8550] =	vst v18  }
0x22b: {  	v17 =	vld [tilespmem:s22+$0xFFFFF270]  }
0x22c: {  	v18 =	vld [tilespmem:s22+$0xFFFFF970];
	_ =	sdelay $0x1  }
0x22d: {  	v43 =	vld [tilespmem:s22+$0x70];
	_ =	sdelay $0x1  }
0x22e: {  	v44 =	vld [tilespmem:s22+$0x770]  }
0x22f: {  	v45 =	vunpack.i.u.bf16.f32 v17;
	v17 =	vunpack.i.l.bf16.f32 v17;
	v46 =	vunpack.i.l.bf16.f32 v18  }
0x230: {  	v47 =	vld [tilespmem:s22+$0xFFFFF2F0];
	v18 =	vunpack.i.u.bf16.f32 v18;
	v17 =	vmul.f32 v17, v15;
	v22 =	vmul.f32 v46, v16  }
0x231: {  	v48 =	vunpack.i.l.bf16.f32 v43;
	v15 =	vmul.f32 v45, v15;
	v16 =	vmul.f32 v18, v16  }
0x232: {  	v49 =	vld [tilespmem:s22+$0xFFFFF9F0];
	v19 =	vunpack.i.u.bf16.f32 v43;
	v18 =	vmul.f32 v48, v14;
	v17 =	vadd.f32 v22, v17  }
0x233: {  	v50 =	vunpack.i.l.bf16.f32 v44;
	v14 =	vmul.f32 v19, v14;
	v15 =	vadd.f32 v16, v15  }
0x234: {  	v52 =	vld [tilespmem:s22+$0xF0];
	v51 =	vunpack.i.u.bf16.f32 v44;
	v16 =	vmul.f32 v50, v13;
	v17 =	vadd.f32 v18, v17  }
0x235: {  	v53 =	vunpack.i.l.bf16.f32 v47;
	v13 =	vmul.f32 v51, v13;
	v14 =	vadd.f32 v14, v15  }
0x236: {  	v55 =	vld [tilespmem:s22+$0x7F0];
	v54 =	vunpack.i.u.bf16.f32 v47;
	v15 =	vmul.f32 v53, v12;
	v16 =	vadd.f32 v16, v17  }
0x237: {  	v56 =	vunpack.i.l.bf16.f32 v49;
	v12 =	vmul.f32 v54, v12;
	v13 =	vadd.f32 v13, v14  }
0x238: {  	v57 =	vunpack.i.u.bf16.f32 v49;
	v14 =	vmul.f32 v56, v11;
	v15 =	vadd.f32 v15, v16  }
0x239: {  	v58 =	vunpack.i.l.bf16.f32 v52;
	v11 =	vmul.f32 v57, v11;
	v12 =	vadd.f32 v12, v13  }
0x23a: {  	v59 =	vunpack.i.u.bf16.f32 v52;
	v13 =	vmul.f32 v58, v10;
	v14 =	vadd.f32 v14, v15  }
0x23b: {  	v61 =	vld [tilespmem:s23+$0x8560];
	v60 =	vunpack.i.l.bf16.f32 v55;
	v10 =	vmul.f32 v59, v10;
	v11 =	vadd.f32 v11, v12  }
0x23c: {  	v63 =	vld [tilespmem:s23+$0x8570];
	v62 =	vunpack.i.u.bf16.f32 v55;
	v12 =	vmul.f32 v60, v9;
	v13 =	vadd.f32 v13, v14  }
0x23d: {  	v9 =	vmul.f32 v62, v9;
	v10 =	vadd.f32 v10, v11  }
0x23e: {  	p0 =	sne.s32 s21, $0xD;
	v11 =	vadd.f32 v12, v13  }
.Ltmp2:
0x23f: {  	v9 =	vadd.f32 v9, v10;
	(pc) =	sbr.rel @p0 .LBB2_7-.Ltmp2, $4  }
0x240: {  	v10 =	vadd.f32 v11, v61  }
0x241: {  	v9 =	vadd.f32 v63, v9  }
0x242: {  	s19 =	sadd.s32 $0x80, s19;
	[tilespmem:s23+$0x8560] =	vst v10  }
0x243: {  	s20 =	sadd.s32 $0x100, s20;
	s21 =	sadd.s32 $0x2, s21;
	s22 =	sadd.s32 $0x100, s22;
	[tilespmem:s23+$0x8570] =	vst v9  }
0x244: {  	p0 =	sne.s32 s18, $0xD  }
0x245: {  	s17 =	sadd.s32 @!p0 s17, s5  }
0x246: {  	s17 =	smul.u32 @!p0 $0x700, s17  }
0x247: {  	s16 =	sadd.s32 $0x1, s16;
	s18 =	simm.s32 @!p0 $0x0  }
0x248: {  	s19 =	simm.s32 @!p0 $0x8100;
	p1 =	sne.s32 s16, $0x70;
	s17 =	sadd.s32 @!p0 s4, s17  }
0x249: {  	[hbm4b:s17+s18] =	stream.linear.scatter @!p0 [tilespmem:s19], [sflag:$0x3], $0x3800, $0x38;
	[tilespmem:$0xB900] =	vst v63  }
.Ltmp3:
0x24a: {  	_ = 	snop;
	(pc) =	sbr.rel @p1 .LBB2_4-.Ltmp3, $4  }
0x24b: {  	s17 =	simm.s32 @!p0 $0x3  }
0x24c: {  	_ =	swait.ge @!p0 [sflag:s17], $0x3800  }
0x24d: {  	[sflag:s17] =	ssyncset.done @!p0 $0x0  }
0x24e: {  	[sflag:s17] =	ssyncadd.s32 @!p0 $0xFFFFC800  }
0x24f: {  	s15 =	sadd.s32 $0x1, s15  }
0x250: {  	p0 =	sne.s32 s15, s7  }
.Ltmp4:
0x251: {  	_ = 	snop;
	(pc) =	sbr.rel @p0 .LBB2_1-.Ltmp4, $1  }
0x252: {  	_ =	sdelay $0x3  }
0x253: {  	_ =	sfence.sel $0x180000  }
0x254: {  	[bflag:$0x0] =	sbarrier.arrive $0xFFFF  }
0x255: {  	p0 =	sne.s32 s1, $0x0;
	_ =	strace $0x90000047  }
0x256: {  	s0 =	sadd.s32 @!p0 $0x100000, s0;
	[bflag:$0x2] =	sbarrier.arrive $0xFFFF  }
0x257: {  	[sflag:s0] =	ssyncadd.tile.s32 @!p0 $0x1;
	_ =	shalt  }
.Lfunc_end2:
_tile_overlayer_lowered:
.L_overlay_start_2:
0x258: {  	(tag) =	ssettag $0x2  }
0x259: {  	s0 =	rddreg [dreg:$0x0];
	s2 =	stileid.u32  }
0x25a: {  	s1 =	rddreg [dreg:$0x1];
	p0 =	sne.s32 s2, $0x0  }
0x25b: {  	s3 =	rddreg [dreg:$0x2];
	[bflag:$0x3] =	sbarrier.arrive $0xFFFF;
	s2 =	simm.s32 @!p0 $0x1C03  }
0x25c: {  	[timem:s3], [sflag:s2] =	dma.local @!p0 [hbm:s0], s1  }
0x25d: {  	s0 =	simm.s32 @!p0 $0x3  }
0x25e: {  	_ =	swait.ge @!p0 [sflag:s0], s1  }
0x25f: {  	s1 =	ssub.s32 @!p0 $0x0, s1;
	[sflag:s0] =	ssyncset.done @!p0 $0x0  }
0x260: {  	[sflag:s0] =	ssyncadd.s32 @!p0 s1  }
0x261: {  	[bflag:$0x3] =	sbarrier.arrive $0xFFFF  }
0x262: {  	_ =	shalt  }

</sc_bundles>
